<compile_context>
chip_gen: v7x
topology: tpu7x:2x2x1
jax: 0.10.2.dev20260603
libtpu: 0.0.44.dev20260713+nightly
codegen_flags: <defaults>
</compile_context>

<pallas_src>
import functools

import jax
import jax.numpy as jnp
from jax import lax
from jax.experimental import pallas as pl
from jax.experimental.pallas import tpu as pltpu
from jax.experimental.pallas import tpu_sc as plsc

N_BINS = 1024
N = 4_000_000
NM = 3_999_744
TAIL = N - NM
K = 6
PIECE = NM // K
NC = 2
NS = 16
NW = NC * NS
PER_W = PIECE // NW
CHUNK = PER_W // 2
NCHUNK = 2
FULL_SPAN = (CHUNK // 16) * 16
UNROLL = 8
TAIL_VREGS = TAIL // 16


def _lookup(bins_v, xx):
    u = xx * jnp.float32(256.0)
    iu = u.astype(jnp.int32)
    uf = iu.astype(jnp.float32)
    idx = iu + jnp.where(uf > u, jnp.int32(511), jnp.int32(512))
    idx = jnp.clip(idx, jnp.int32(0), jnp.int32(N_BINS - 1))
    return plsc.load_gather(bins_v, [idx])


def _piece_compute(piece_base, x_hbm, bins_hbm, out_hbm, bins_v,
                   x_v0, x_v1, y_v0, y_v1, si0, si1, so0, so1):
    c = lax.axis_index("c")
    s = lax.axis_index("s")
    wid = s * NC + c
    base = piece_base + wid * PER_W
    out_base = wid * PER_W
    pltpu.sync_copy(bins_hbm, bins_v)

    x_bufs = [x_v0, x_v1]
    y_bufs = [y_v0, y_v1]
    sin = [si0, si1]
    sout = [so0, so1]
    in_d = [None, None]
    out_d = [None, None]

    def issue_in(g):
        b = g % 2
        in_d[b] = pltpu.async_copy(
            x_hbm.at[pl.ds(base + g * CHUNK, CHUNK)], x_bufs[b], sin[b])

    issue_in(0)
    for g in range(NCHUNK):
        b = g % 2
        if g + 1 < NCHUNK:
            issue_in(g + 1)
        in_d[b].wait()
        if out_d[b] is not None:
            out_d[b].wait()
        x_v = x_bufs[b]
        y_v = y_bufs[b]

        @plsc.parallel_loop(0, FULL_SPAN, 16, unroll=UNROLL)
        def vloop(i):
            sl = pl.ds(i, 16)
            y_v[sl] = _lookup(bins_v, x_v[sl])

        out_d[b] = pltpu.async_copy(
            y_bufs[b], out_hbm.at[pl.ds(out_base + g * CHUNK, CHUNK)],
            sout[b])

    for d in out_d:
        if d is not None:
            d.wait()


def _make_last_body(piece_base):
    def _last_body(x_hbm, xt_hbm, bins_hbm, out_hbm, outt_hbm, bins_v,
                   x_v0, x_v1, y_v0, y_v1, si0, si1, so0, so1):
        _piece_compute(piece_base, x_hbm, bins_hbm, out_hbm, bins_v,
                       x_v0, x_v1, y_v0, y_v1, si0, si1, so0, so1)
        c = lax.axis_index("c")
        s = lax.axis_index("s")
        wid = s * NC + c

        @pl.when(wid == NW - 1)
        def _():
            pltpu.sync_copy(xt_hbm, x_v0.at[pl.ds(0, TAIL)])
            for i in range(TAIL_VREGS):
                sl = pl.ds(i * 16, 16)
                y_v0[sl] = _lookup(bins_v, x_v0[sl])
            pltpu.sync_copy(y_v0.at[pl.ds(0, TAIL)], outt_hbm)

    return _last_body


_scratch = [
    pltpu.VMEM((N_BINS,), jnp.float32),
    pltpu.VMEM((CHUNK,), jnp.float32),
    pltpu.VMEM((CHUNK,), jnp.float32),
    pltpu.VMEM((CHUNK,), jnp.float32),
    pltpu.VMEM((CHUNK,), jnp.float32),
    pltpu.SemaphoreType.DMA,
    pltpu.SemaphoreType.DMA,
    pltpu.SemaphoreType.DMA,
    pltpu.SemaphoreType.DMA,
]
_mesh = plsc.VectorSubcoreMesh(
    core_axis_name="c", subcore_axis_name="s", num_cores=NC, num_subcores=NS
)
_params = pltpu.CompilerParams(
    use_tc_tiling_on_sc=False, needs_layout_passes=False
)

_piece_calls = [
    functools.partial(
        pl.kernel,
        out_type=jax.ShapeDtypeStruct((PIECE,), jnp.float32),
        mesh=_mesh,
        scratch_types=_scratch,
        compiler_params=_params,
        name=f"pcn_piece{j}",
    )(functools.partial(_piece_compute, j * PIECE))
    for j in range(K - 1)
]

_last_call = functools.partial(
    pl.kernel,
    out_type=(jax.ShapeDtypeStruct((PIECE,), jnp.float32),
              jax.ShapeDtypeStruct((TAIL,), jnp.float32)),
    mesh=_mesh,
    scratch_types=_scratch,
    compiler_params=_params,
    name="pcn_last",
)(_make_last_body((K - 1) * PIECE))


@jax.jit
def kernel(x, bin_values):
    xm = x.reshape(N)[:NM]
    x_tail = x[NM:, 0]
    outs = []
    for j in range(K - 1):
        outs.append(_piece_calls[j](xm, bin_values)[:, None])
    o_last, o_tail = _last_call(xm, x_tail, bin_values)
    outs.append(o_last[:, None])
    outs.append(o_tail[:, None])
    return jnp.concatenate(outs, axis=0)

# --- scband reference (transcript-rebuilt; emitter-appended) ---
"""Pipeline reference for scband-piecewise-constant-network-23957327577270 (READ-ONLY COPY).

The authoritative reference and input builder live on the scoring server;
editing this copy changes nothing except your own understanding.
"""

import jax, jax.numpy as jnp
import numpy as np

N_BINS = 1024
X_MIN = -2.0
X_MAX = 2.0
N = 4000000


def setup_inputs(seed: int = 0) -> dict:
    key = jax.random.key(seed)
    k1, k2 = jax.random.split(key)
    x = jax.random.normal(k1, (N, 1), dtype=jnp.float32)
    bin_values = jax.random.normal(k2, (N_BINS,), dtype=jnp.float32)
    return {"x": x, "bin_values": bin_values}


def reference(x, bin_values):
    # bin_edges buffer, as in the torch module's __init__
    bin_edges = jnp.linspace(X_MIN, X_MAX, N_BINS + 1)
    xs = jnp.squeeze(x)
    # np.digitize(x, edges) - 1, then clip to valid bin range
    bin_indices = jnp.digitize(xs, bin_edges) - 1
    bin_indices = jnp.clip(bin_indices, 0, N_BINS - 1)
    # gather learned bin values and restore trailing dim: [N, 1]
    return jnp.take(bin_values, bin_indices, axis=0)[:, None]

if __name__ == "__main__":
    import jax
    _d = setup_inputs()
    print(jax.jit(kernel)(*tuple(_d.values())))

</pallas_src>

<mosaic_0001>
#map = affine_map<(d0, d1) -> (0)>
module attributes {stable_mosaic.version = 14 : i64} {
  func.func @pcn_piece3(%arg0: i32, %arg1: i32, %arg2: memref<3999744xf32, #tpu.memory_space<hbm>>, %arg3: memref<1024xf32, #tpu.memory_space<hbm>>, %arg4: memref<666624xf32, #tpu.memory_space<hbm>>, %arg5: memref<1024xf32, #tpu.memory_space<vmem>>, %arg6: memref<10416xf32, #tpu.memory_space<vmem>>, %arg7: memref<10416xf32, #tpu.memory_space<vmem>>, %arg8: memref<10416xf32, #tpu.memory_space<vmem>>, %arg9: memref<10416xf32, #tpu.memory_space<vmem>>, %arg10: memref<!tpu.dma_semaphore, #tpu.memory_space<semaphore_mem>>, %arg11: memref<!tpu.dma_semaphore, #tpu.memory_space<semaphore_mem>>, %arg12: memref<!tpu.dma_semaphore, #tpu.memory_space<semaphore_mem>>, %arg13: memref<!tpu.dma_semaphore, #tpu.memory_space<semaphore_mem>>) attributes {dimension_semantics = [#tpu.dimension_semantics<core_parallel>, #tpu.dimension_semantics<subcore_parallel>], iteration_bounds = array<i64: 2, 16>, scalar_prefetch = 0 : i64, scratch_operands = 9 : i64, tpu.core_type = #tpu.core_type<sc_vector_subcore>, window_params = [{transform_indices = #map}, {transform_indices = #map}, {transform_indices = #map}]} {
    %mul3A = arith.constant 2 : i32
    %mul3A_0 = arith.muli %arg1, %mul3A : i32
    %add3A = arith.addi %mul3A_0, %arg0 : i32
    %mul3A_1 = arith.constant 20832 : i32
    %mul3A_2 = arith.muli %add3A, %mul3A_1 : i32
    %add3A_3 = arith.constant 1999872 : i32
    %add3A_4 = arith.addi %add3A_3, %mul3A_2 : i32
    %mul3A_5 = arith.constant 20832 : i32
    %mul3A_6 = arith.muli %add3A, %mul3A_5 : i32
    "tpu.region"() ({
      %run_scoped3A = tpu.sem_alloc : memref<!tpu.dma_semaphore, #tpu.memory_space<semaphore_mem>>
      tpu.enqueue_dma source(%arg3 : memref<1024xf32, #tpu.memory_space<hbm>>) target(%arg5 : memref<1024xf32, #tpu.memory_space<vmem>>) target_semaphore(%run_scoped3A : memref<!tpu.dma_semaphore, #tpu.memory_space<semaphore_mem>>)
      tpu.wait_dma2 semaphore(%run_scoped3A : memref<!tpu.dma_semaphore, #tpu.memory_space<semaphore_mem>>) src(%arg3 : memref<1024xf32, #tpu.memory_space<hbm>>) dst(%arg5 : memref<1024xf32, #tpu.memory_space<vmem>>)
      tpu.yield
    }) : () -> ()
    %add3A_7 = arith.constant 0 : i32
    %add3A_8 = arith.addi %add3A_4, %add3A_7 : i32
    %dma_start3A = tpu.memref_slice %arg2[%add3A_8] : memref<3999744xf32, #tpu.memory_space<hbm>> -> memref<10416xf32, #tpu.memory_space<hbm>>
    %dma_start3A_9 = tpu.memref_slice %arg2[%add3A_8] : memref<3999744xf32, #tpu.memory_space<hbm>> -> memref<10416xf32, #tpu.memory_space<hbm>>
    tpu.enqueue_dma source(%dma_start3A_9 : memref<10416xf32, #tpu.memory_space<hbm>>) target(%arg6 : memref<10416xf32, #tpu.memory_space<vmem>>) target_semaphore(%arg10 : memref<!tpu.dma_semaphore, #tpu.memory_space<semaphore_mem>>)
    %add3A_10 = arith.constant 10416 : i32
    %add3A_11 = arith.addi %add3A_4, %add3A_10 : i32
    %dma_start3A_12 = tpu.memref_slice %arg2[%add3A_11] : memref<3999744xf32, #tpu.memory_space<hbm>> -> memref<10416xf32, #tpu.memory_space<hbm>>
    %dma_start3A_13 = tpu.memref_slice %arg2[%add3A_11] : memref<3999744xf32, #tpu.memory_space<hbm>> -> memref<10416xf32, #tpu.memory_space<hbm>>
    tpu.enqueue_dma source(%dma_start3A_13 : memref<10416xf32, #tpu.memory_space<hbm>>) target(%arg7 : memref<10416xf32, #tpu.memory_space<vmem>>) target_semaphore(%arg11 : memref<!tpu.dma_semaphore, #tpu.memory_space<semaphore_mem>>)
    %dma_wait3A = tpu.memref_slice %arg2[%add3A_8] : memref<3999744xf32, #tpu.memory_space<hbm>> -> memref<10416xf32, #tpu.memory_space<hbm>>
    %dma_wait3A_14 = tpu.memref_slice %arg2[%add3A_8] : memref<3999744xf32, #tpu.memory_space<hbm>> -> memref<10416xf32, #tpu.memory_space<hbm>>
    tpu.wait_dma2 semaphore(%arg10 : memref<!tpu.dma_semaphore, #tpu.memory_space<semaphore_mem>>) src(%dma_wait3A_14 : memref<10416xf32, #tpu.memory_space<hbm>>) dst(%arg6 : memref<10416xf32, #tpu.memory_space<vmem>>)
    %parallel_loop3A = arith.constant 0 : i32
    %parallel_loop3A_15 = arith.constant 10416 : i32
    %parallel_loop3A_16 = arith.constant 16 : i32
    scf.for %parallel_loop3A_34 = %parallel_loop3A to %parallel_loop3A_15 step %parallel_loop3A_16  : i32 {
      %parallel_loop3A_35 = arith.index_cast %parallel_loop3A_34 : i32 to index
      %parallel_loop3A_36 = tpu.vector_load %arg6[%parallel_loop3A_35] {strides = array<i32>} : memref<10416xf32, #tpu.memory_space<vmem>>, vector<16xf32>,
      %parallel_loop3A_37 = arith.constant 2.560000e+02 : f32
      %parallel_loop3A_38 = vector.broadcast %parallel_loop3A_37 : f32 to vector<16xf32>
      %parallel_loop3A_39 = arith.mulf %parallel_loop3A_36, %parallel_loop3A_38 : vector<16xf32>
      %parallel_loop3A_40 = arith.fptosi %parallel_loop3A_39 : vector<16xf32> to vector<16xi32>
      %parallel_loop3A_41 = arith.sitofp %parallel_loop3A_40 : vector<16xi32> to vector<16xf32>
      %parallel_loop3A_42 = arith.cmpf ogt, %parallel_loop3A_41, %parallel_loop3A_39 : vector<16xf32>
      %parallel_loop3A_43 = arith.constant 511 : i32
      %parallel_loop3A_44 = arith.constant 512 : i32
      %parallel_loop3A_45 = vector.broadcast %parallel_loop3A_43 : i32 to vector<16xi32>
      %parallel_loop3A_46 = vector.broadcast %parallel_loop3A_44 : i32 to vector<16xi32>
      %parallel_loop3A_47 = arith.select %parallel_loop3A_42, %parallel_loop3A_45, %parallel_loop3A_46 : vector<16xi1>, vector<16xi32>
      %parallel_loop3A_48 = arith.addi %parallel_loop3A_40, %parallel_loop3A_47 : vector<16xi32>
      %parallel_loop3A_49 = arith.constant 0 : i32
      %parallel_loop3A_50 = arith.constant 1023 : i32
      %parallel_loop3A_51 = vector.broadcast %parallel_loop3A_49 : i32 to vector<16xi32>
      %parallel_loop3A_52 = arith.maxsi %parallel_loop3A_51, %parallel_loop3A_48 : vector<16xi32>
      %parallel_loop3A_53 = vector.broadcast %parallel_loop3A_50 : i32 to vector<16xi32>
      %parallel_loop3A_54 = arith.minsi %parallel_loop3A_53, %parallel_loop3A_52 : vector<16xi32>
      %parallel_loop3A_55 = tpu.vector_load_idx %arg5[%parallel_loop3A_54] : memref<1024xf32, #tpu.memory_space<vmem>>[vector<16xi32>], vector<16xf32>,
      %parallel_loop3A_56 = arith.index_cast %parallel_loop3A_34 : i32 to index
      %parallel_loop3A_57 = tpu.vector_load %arg8[%parallel_loop3A_56] {strides = array<i32>} : memref<10416xf32, #tpu.memory_space<vmem>>, vector<16xf32>,
      tpu.vector_store %arg8[%parallel_loop3A_56], %parallel_loop3A_55 {strides = array<i32>} : memref<10416xf32, #tpu.memory_space<vmem>>, vector<16xf32>,
    } {sc.loop_unroll_factor = 8 : i64, sc.parallel_access}
    %add3A_17 = arith.constant 0 : i32
    %add3A_18 = arith.addi %mul3A_6, %add3A_17 : i32
    %dma_start3A_19 = tpu.memref_slice %arg4[%add3A_18] : memref<666624xf32, #tpu.memory_space<hbm>> -> memref<10416xf32, #tpu.memory_space<hbm>>
    %dma_start3A_20 = tpu.memref_slice %arg4[%add3A_18] : memref<666624xf32, #tpu.memory_space<hbm>> -> memref<10416xf32, #tpu.memory_space<hbm>>
    tpu.enqueue_dma source(%arg8 : memref<10416xf32, #tpu.memory_space<vmem>>) target(%dma_start3A_20 : memref<10416xf32, #tpu.memory_space<hbm>>) target_semaphore(%arg12 : memref<!tpu.dma_semaphore, #tpu.memory_space<semaphore_mem>>)
    %dma_wait3A_21 = tpu.memref_slice %arg2[%add3A_11] : memref<3999744xf32, #tpu.memory_space<hbm>> -> memref<10416xf32, #tpu.memory_space<hbm>>
    %dma_wait3A_22 = tpu.memref_slice %arg2[%add3A_11] : memref<3999744xf32, #tpu.memory_space<hbm>> -> memref<10416xf32, #tpu.memory_space<hbm>>
    tpu.wait_dma2 semaphore(%arg11 : memref<!tpu.dma_semaphore, #tpu.memory_space<semaphore_mem>>) src(%dma_wait3A_22 : memref<10416xf32, #tpu.memory_space<hbm>>) dst(%arg7 : memref<10416xf32, #tpu.memory_space<vmem>>)
    %parallel_loop3A_23 = arith.constant 0 : i32
    %parallel_loop3A_24 = arith.constant 10416 : i32
    %parallel_loop3A_25 = arith.constant 16 : i32
    scf.for %parallel_loop3A_34 = %parallel_loop3A_23 to %parallel_loop3A_24 step %parallel_loop3A_25  : i32 {
      %parallel_loop3A_35 = arith.index_cast %parallel_loop3A_34 : i32 to index
      %parallel_loop3A_36 = tpu.vector_load %arg7[%parallel_loop3A_35] {strides = array<i32>} : memref<10416xf32, #tpu.memory_space<vmem>>, vector<16xf32>,
      %parallel_loop3A_37 = arith.constant 2.560000e+02 : f32
      %parallel_loop3A_38 = vector.broadcast %parallel_loop3A_37 : f32 to vector<16xf32>
      %parallel_loop3A_39 = arith.mulf %parallel_loop3A_36, %parallel_loop3A_38 : vector<16xf32>
      %parallel_loop3A_40 = arith.fptosi %parallel_loop3A_39 : vector<16xf32> to vector<16xi32>
      %parallel_loop3A_41 = arith.sitofp %parallel_loop3A_40 : vector<16xi32> to vector<16xf32>
      %parallel_loop3A_42 = arith.cmpf ogt, %parallel_loop3A_41, %parallel_loop3A_39 : vector<16xf32>
      %parallel_loop3A_43 = arith.constant 511 : i32
      %parallel_loop3A_44 = arith.constant 512 : i32
      %parallel_loop3A_45 = vector.broadcast %parallel_loop3A_43 : i32 to vector<16xi32>
      %parallel_loop3A_46 = vector.broadcast %parallel_loop3A_44 : i32 to vector<16xi32>
      %parallel_loop3A_47 = arith.select %parallel_loop3A_42, %parallel_loop3A_45, %parallel_loop3A_46 : vector<16xi1>, vector<16xi32>
      %parallel_loop3A_48 = arith.addi %parallel_loop3A_40, %parallel_loop3A_47 : vector<16xi32>
      %parallel_loop3A_49 = arith.constant 0 : i32
      %parallel_loop3A_50 = arith.constant 1023 : i32
      %parallel_loop3A_51 = vector.broadcast %parallel_loop3A_49 : i32 to vector<16xi32>
      %parallel_loop3A_52 = arith.maxsi %parallel_loop3A_51, %parallel_loop3A_48 : vector<16xi32>
      %parallel_loop3A_53 = vector.broadcast %parallel_loop3A_50 : i32 to vector<16xi32>
      %parallel_loop3A_54 = arith.minsi %parallel_loop3A_53, %parallel_loop3A_52 : vector<16xi32>
      %parallel_loop3A_55 = tpu.vector_load_idx %arg5[%parallel_loop3A_54] : memref<1024xf32, #tpu.memory_space<vmem>>[vector<16xi32>], vector<16xf32>,
      %parallel_loop3A_56 = arith.index_cast %parallel_loop3A_34 : i32 to index
      %parallel_loop3A_57 = tpu.vector_load %arg9[%parallel_loop3A_56] {strides = array<i32>} : memref<10416xf32, #tpu.memory_space<vmem>>, vector<16xf32>,
      tpu.vector_store %arg9[%parallel_loop3A_56], %parallel_loop3A_55 {strides = array<i32>} : memref<10416xf32, #tpu.memory_space<vmem>>, vector<16xf32>,
    } {sc.loop_unroll_factor = 8 : i64, sc.parallel_access}
    %add3A_26 = arith.constant 10416 : i32
    %add3A_27 = arith.addi %mul3A_6, %add3A_26 : i32
    %dma_start3A_28 = tpu.memref_slice %arg4[%add3A_27] : memref<666624xf32, #tpu.memory_space<hbm>> -> memref<10416xf32, #tpu.memory_space<hbm>>
    %dma_start3A_29 = tpu.memref_slice %arg4[%add3A_27] : memref<666624xf32, #tpu.memory_space<hbm>> -> memref<10416xf32, #tpu.memory_space<hbm>>
    tpu.enqueue_dma source(%arg9 : memref<10416xf32, #tpu.memory_space<vmem>>) target(%dma_start3A_29 : memref<10416xf32, #tpu.memory_space<hbm>>) target_semaphore(%arg13 : memref<!tpu.dma_semaphore, #tpu.memory_space<semaphore_mem>>)
    %dma_wait3A_30 = tpu.memref_slice %arg4[%add3A_18] : memref<666624xf32, #tpu.memory_space<hbm>> -> memref<10416xf32, #tpu.memory_space<hbm>>
    %dma_wait3A_31 = tpu.memref_slice %arg4[%add3A_18] : memref<666624xf32, #tpu.memory_space<hbm>> -> memref<10416xf32, #tpu.memory_space<hbm>>
    tpu.wait_dma2 semaphore(%arg12 : memref<!tpu.dma_semaphore, #tpu.memory_space<semaphore_mem>>) src(%arg8 : memref<10416xf32, #tpu.memory_space<vmem>>) dst(%dma_wait3A_31 : memref<10416xf32, #tpu.memory_space<hbm>>)
    %dma_wait3A_32 = tpu.memref_slice %arg4[%add3A_27] : memref<666624xf32, #tpu.memory_space<hbm>> -> memref<10416xf32, #tpu.memory_space<hbm>>
    %dma_wait3A_33 = tpu.memref_slice %arg4[%add3A_27] : memref<666624xf32, #tpu.memory_space<hbm>> -> memref<10416xf32, #tpu.memory_space<hbm>>
    tpu.wait_dma2 semaphore(%arg13 : memref<!tpu.dma_semaphore, #tpu.memory_space<semaphore_mem>>) src(%arg9 : memref<10416xf32, #tpu.memory_space<vmem>>) dst(%dma_wait3A_33 : memref<10416xf32, #tpu.memory_space<hbm>>)
    return
  }
}

#map = affine_map<(d0, d1) -> (0)>
module attributes {stable_mosaic.version = 14 : i64} {
  func.func @pcn_piece2(%arg0: i32, %arg1: i32, %arg2: memref<3999744xf32, #tpu.memory_space<hbm>>, %arg3: memref<1024xf32, #tpu.memory_space<hbm>>, %arg4: memref<666624xf32, #tpu.memory_space<hbm>>, %arg5: memref<1024xf32, #tpu.memory_space<vmem>>, %arg6: memref<10416xf32, #tpu.memory_space<vmem>>, %arg7: memref<10416xf32, #tpu.memory_space<vmem>>, %arg8: memref<10416xf32, #tpu.memory_space<vmem>>, %arg9: memref<10416xf32, #tpu.memory_space<vmem>>, %arg10: memref<!tpu.dma_semaphore, #tpu.memory_space<semaphore_mem>>, %arg11: memref<!tpu.dma_semaphore, #tpu.memory_space<semaphore_mem>>, %arg12: memref<!tpu.dma_semaphore, #tpu.memory_space<semaphore_mem>>, %arg13: memref<!tpu.dma_semaphore, #tpu.memory_space<semaphore_mem>>) attributes {dimension_semantics = [#tpu.dimension_semantics<core_parallel>, #tpu.dimension_semantics<subcore_parallel>], iteration_bounds = array<i64: 2, 16>, scalar_prefetch = 0 : i64, scratch_operands = 9 : i64, tpu.core_type = #tpu.core_type<sc_vector_subcore>, window_params = [{transform_indices = #map}, {transform_indices = #map}, {transform_indices = #map}]} {
    %mul3A = arith.constant 2 : i32
    %mul3A_0 = arith.muli %arg1, %mul3A : i32
    %add3A = arith.addi %mul3A_0, %arg0 : i32
    %mul3A_1 = arith.constant 20832 : i32
    %mul3A_2 = arith.muli %add3A, %mul3A_1 : i32
    %add3A_3 = arith.constant 1333248 : i32
    %add3A_4 = arith.addi %add3A_3, %mul3A_2 : i32
    %mul3A_5 = arith.constant 20832 : i32
    %mul3A_6 = arith.muli %add3A, %mul3A_5 : i32
    "tpu.region"() ({
      %run_scoped3A = tpu.sem_alloc : memref<!tpu.dma_semaphore, #tpu.memory_space<semaphore_mem>>
      tpu.enqueue_dma source(%arg3 : memref<1024xf32, #tpu.memory_space<hbm>>) target(%arg5 : memref<1024xf32, #tpu.memory_space<vmem>>) target_semaphore(%run_scoped3A : memref<!tpu.dma_semaphore, #tpu.memory_space<semaphore_mem>>)
      tpu.wait_dma2 semaphore(%run_scoped3A : memref<!tpu.dma_semaphore, #tpu.memory_space<semaphore_mem>>) src(%arg3 : memref<1024xf32, #tpu.memory_space<hbm>>) dst(%arg5 : memref<1024xf32, #tpu.memory_space<vmem>>)
      tpu.yield
    }) : () -> ()
    %add3A_7 = arith.constant 0 : i32
    %add3A_8 = arith.addi %add3A_4, %add3A_7 : i32
    %dma_start3A = tpu.memref_slice %arg2[%add3A_8] : memref<3999744xf32, #tpu.memory_space<hbm>> -> memref<10416xf32, #tpu.memory_space<hbm>>
    %dma_start3A_9 = tpu.memref_slice %arg2[%add3A_8] : memref<3999744xf32, #tpu.memory_space<hbm>> -> memref<10416xf32, #tpu.memory_space<hbm>>
    tpu.enqueue_dma source(%dma_start3A_9 : memref<10416xf32, #tpu.memory_space<hbm>>) target(%arg6 : memref<10416xf32, #tpu.memory_space<vmem>>) target_semaphore(%arg10 : memref<!tpu.dma_semaphore, #tpu.memory_space<semaphore_mem>>)
    %add3A_10 = arith.constant 10416 : i32
    %add3A_11 = arith.addi %add3A_4, %add3A_10 : i32
    %dma_start3A_12 = tpu.memref_slice %arg2[%add3A_11] : memref<3999744xf32, #tpu.memory_space<hbm>> -> memref<10416xf32, #tpu.memory_space<hbm>>
    %dma_start3A_13 = tpu.memref_slice %arg2[%add3A_11] : memref<3999744xf32, #tpu.memory_space<hbm>> -> memref<10416xf32, #tpu.memory_space<hbm>>
    tpu.enqueue_dma source(%dma_start3A_13 : memref<10416xf32, #tpu.memory_space<hbm>>) target(%arg7 : memref<10416xf32, #tpu.memory_space<vmem>>) target_semaphore(%arg11 : memref<!tpu.dma_semaphore, #tpu.memory_space<semaphore_mem>>)
    %dma_wait3A = tpu.memref_slice %arg2[%add3A_8] : memref<3999744xf32, #tpu.memory_space<hbm>> -> memref<10416xf32, #tpu.memory_space<hbm>>
    %dma_wait3A_14 = tpu.memref_slice %arg2[%add3A_8] : memref<3999744xf32, #tpu.memory_space<hbm>> -> memref<10416xf32, #tpu.memory_space<hbm>>
    tpu.wait_dma2 semaphore(%arg10 : memref<!tpu.dma_semaphore, #tpu.memory_space<semaphore_mem>>) src(%dma_wait3A_14 : memref<10416xf32, #tpu.memory_space<hbm>>) dst(%arg6 : memref<10416xf32, #tpu.memory_space<vmem>>)
    %parallel_loop3A = arith.constant 0 : i32
    %parallel_loop3A_15 = arith.constant 10416 : i32
    %parallel_loop3A_16 = arith.constant 16 : i32
    scf.for %parallel_loop3A_34 = %parallel_loop3A to %parallel_loop3A_15 step %parallel_loop3A_16  : i32 {
      %parallel_loop3A_35 = arith.index_cast %parallel_loop3A_34 : i32 to index
      %parallel_loop3A_36 = tpu.vector_load %arg6[%parallel_loop3A_35] {strides = array<i32>} : memref<10416xf32, #tpu.memory_space<vmem>>, vector<16xf32>,
      %parallel_loop3A_37 = arith.constant 2.560000e+02 : f32
      %parallel_loop3A_38 = vector.broadcast %parallel_loop3A_37 : f32 to vector<16xf32>
      %parallel_loop3A_39 = arith.mulf %parallel_loop3A_36, %parallel_loop3A_38 : vector<16xf32>
      %parallel_loop3A_40 = arith.fptosi %parallel_loop3A_39 : vector<16xf32> to vector<16xi32>
      %parallel_loop3A_41 = arith.sitofp %parallel_loop3A_40 : vector<16xi32> to vector<16xf32>
      %parallel_loop3A_42 = arith.cmpf ogt, %parallel_loop3A_41, %parallel_loop3A_39 : vector<16xf32>
      %parallel_loop3A_43 = arith.constant 511 : i32
      %parallel_loop3A_44 = arith.constant 512 : i32
      %parallel_loop3A_45 = vector.broadcast %parallel_loop3A_43 : i32 to vector<16xi32>
      %parallel_loop3A_46 = vector.broadcast %parallel_loop3A_44 : i32 to vector<16xi32>
      %parallel_loop3A_47 = arith.select %parallel_loop3A_42, %parallel_loop3A_45, %parallel_loop3A_46 : vector<16xi1>, vector<16xi32>
      %parallel_loop3A_48 = arith.addi %parallel_loop3A_40, %parallel_loop3A_47 : vector<16xi32>
      %parallel_loop3A_49 = arith.constant 0 : i32
      %parallel_loop3A_50 = arith.constant 1023 : i32
      %parallel_loop3A_51 = vector.broadcast %parallel_loop3A_49 : i32 to vector<16xi32>
      %parallel_loop3A_52 = arith.maxsi %parallel_loop3A_51, %parallel_loop3A_48 : vector<16xi32>
      %parallel_loop3A_53 = vector.broadcast %parallel_loop3A_50 : i32 to vector<16xi32>
      %parallel_loop3A_54 = arith.minsi %parallel_loop3A_53, %parallel_loop3A_52 : vector<16xi32>
      %parallel_loop3A_55 = tpu.vector_load_idx %arg5[%parallel_loop3A_54] : memref<1024xf32, #tpu.memory_space<vmem>>[vector<16xi32>], vector<16xf32>,
      %parallel_loop3A_56 = arith.index_cast %parallel_loop3A_34 : i32 to index
      %parallel_loop3A_57 = tpu.vector_load %arg8[%parallel_loop3A_56] {strides = array<i32>} : memref<10416xf32, #tpu.memory_space<vmem>>, vector<16xf32>,
      tpu.vector_store %arg8[%parallel_loop3A_56], %parallel_loop3A_55 {strides = array<i32>} : memref<10416xf32, #tpu.memory_space<vmem>>, vector<16xf32>,
    } {sc.loop_unroll_factor = 8 : i64, sc.parallel_access}
    %add3A_17 = arith.constant 0 : i32
    %add3A_18 = arith.addi %mul3A_6, %add3A_17 : i32
    %dma_start3A_19 = tpu.memref_slice %arg4[%add3A_18] : memref<666624xf32, #tpu.memory_space<hbm>> -> memref<10416xf32, #tpu.memory_space<hbm>>
    %dma_start3A_20 = tpu.memref_slice %arg4[%add3A_18] : memref<666624xf32, #tpu.memory_space<hbm>> -> memref<10416xf32, #tpu.memory_space<hbm>>
    tpu.enqueue_dma source(%arg8 : memref<10416xf32, #tpu.memory_space<vmem>>) target(%dma_start3A_20 : memref<10416xf32, #tpu.memory_space<hbm>>) target_semaphore(%arg12 : memref<!tpu.dma_semaphore, #tpu.memory_space<semaphore_mem>>)
    %dma_wait3A_21 = tpu.memref_slice %arg2[%add3A_11] : memref<3999744xf32, #tpu.memory_space<hbm>> -> memref<10416xf32, #tpu.memory_space<hbm>>
    %dma_wait3A_22 = tpu.memref_slice %arg2[%add3A_11] : memref<3999744xf32, #tpu.memory_space<hbm>> -> memref<10416xf32, #tpu.memory_space<hbm>>
    tpu.wait_dma2 semaphore(%arg11 : memref<!tpu.dma_semaphore, #tpu.memory_space<semaphore_mem>>) src(%dma_wait3A_22 : memref<10416xf32, #tpu.memory_space<hbm>>) dst(%arg7 : memref<10416xf32, #tpu.memory_space<vmem>>)
    %parallel_loop3A_23 = arith.constant 0 : i32
    %parallel_loop3A_24 = arith.constant 10416 : i32
    %parallel_loop3A_25 = arith.constant 16 : i32
    scf.for %parallel_loop3A_34 = %parallel_loop3A_23 to %parallel_loop3A_24 step %parallel_loop3A_25  : i32 {
      %parallel_loop3A_35 = arith.index_cast %parallel_loop3A_34 : i32 to index
      %parallel_loop3A_36 = tpu.vector_load %arg7[%parallel_loop3A_35] {strides = array<i32>} : memref<10416xf32, #tpu.memory_space<vmem>>, vector<16xf32>,
      %parallel_loop3A_37 = arith.constant 2.560000e+02 : f32
      %parallel_loop3A_38 = vector.broadcast %parallel_loop3A_37 : f32 to vector<16xf32>
      %parallel_loop3A_39 = arith.mulf %parallel_loop3A_36, %parallel_loop3A_38 : vector<16xf32>
      %parallel_loop3A_40 = arith.fptosi %parallel_loop3A_39 : vector<16xf32> to vector<16xi32>
      %parallel_loop3A_41 = arith.sitofp %parallel_loop3A_40 : vector<16xi32> to vector<16xf32>
      %parallel_loop3A_42 = arith.cmpf ogt, %parallel_loop3A_41, %parallel_loop3A_39 : vector<16xf32>
      %parallel_loop3A_43 = arith.constant 511 : i32
      %parallel_loop3A_44 = arith.constant 512 : i32
      %parallel_loop3A_45 = vector.broadcast %parallel_loop3A_43 : i32 to vector<16xi32>
      %parallel_loop3A_46 = vector.broadcast %parallel_loop3A_44 : i32 to vector<16xi32>
      %parallel_loop3A_47 = arith.select %parallel_loop3A_42, %parallel_loop3A_45, %parallel_loop3A_46 : vector<16xi1>, vector<16xi32>
      %parallel_loop3A_48 = arith.addi %parallel_loop3A_40, %parallel_loop3A_47 : vector<16xi32>
      %parallel_loop3A_49 = arith.constant 0 : i32
      %parallel_loop3A_50 = arith.constant 1023 : i32
      %parallel_loop3A_51 = vector.broadcast %parallel_loop3A_49 : i32 to vector<16xi32>
      %parallel_loop3A_52 = arith.maxsi %parallel_loop3A_51, %parallel_loop3A_48 : vector<16xi32>
      %parallel_loop3A_53 = vector.broadcast %parallel_loop3A_50 : i32 to vector<16xi32>
      %parallel_loop3A_54 = arith.minsi %parallel_loop3A_53, %parallel_loop3A_52 : vector<16xi32>
      %parallel_loop3A_55 = tpu.vector_load_idx %arg5[%parallel_loop3A_54] : memref<1024xf32, #tpu.memory_space<vmem>>[vector<16xi32>], vector<16xf32>,
      %parallel_loop3A_56 = arith.index_cast %parallel_loop3A_34 : i32 to index
      %parallel_loop3A_57 = tpu.vector_load %arg9[%parallel_loop3A_56] {strides = array<i32>} : memref<10416xf32, #tpu.memory_space<vmem>>, vector<16xf32>,
      tpu.vector_store %arg9[%parallel_loop3A_56], %parallel_loop3A_55 {strides = array<i32>} : memref<10416xf32, #tpu.memory_space<vmem>>, vector<16xf32>,
    } {sc.loop_unroll_factor = 8 : i64, sc.parallel_access}
    %add3A_26 = arith.constant 10416 : i32
    %add3A_27 = arith.addi %mul3A_6, %add3A_26 : i32
    %dma_start3A_28 = tpu.memref_slice %arg4[%add3A_27] : memref<666624xf32, #tpu.memory_space<hbm>> -> memref<10416xf32, #tpu.memory_space<hbm>>
    %dma_start3A_29 = tpu.memref_slice %arg4[%add3A_27] : memref<666624xf32, #tpu.memory_space<hbm>> -> memref<10416xf32, #tpu.memory_space<hbm>>
    tpu.enqueue_dma source(%arg9 : memref<10416xf32, #tpu.memory_space<vmem>>) target(%dma_start3A_29 : memref<10416xf32, #tpu.memory_space<hbm>>) target_semaphore(%arg13 : memref<!tpu.dma_semaphore, #tpu.memory_space<semaphore_mem>>)
    %dma_wait3A_30 = tpu.memref_slice %arg4[%add3A_18] : memref<666624xf32, #tpu.memory_space<hbm>> -> memref<10416xf32, #tpu.memory_space<hbm>>
    %dma_wait3A_31 = tpu.memref_slice %arg4[%add3A_18] : memref<666624xf32, #tpu.memory_space<hbm>> -> memref<10416xf32, #tpu.memory_space<hbm>>
    tpu.wait_dma2 semaphore(%arg12 : memref<!tpu.dma_semaphore, #tpu.memory_space<semaphore_mem>>) src(%arg8 : memref<10416xf32, #tpu.memory_space<vmem>>) dst(%dma_wait3A_31 : memref<10416xf32, #tpu.memory_space<hbm>>)
    %dma_wait3A_32 = tpu.memref_slice %arg4[%add3A_27] : memref<666624xf32, #tpu.memory_space<hbm>> -> memref<10416xf32, #tpu.memory_space<hbm>>
    %dma_wait3A_33 = tpu.memref_slice %arg4[%add3A_27] : memref<666624xf32, #tpu.memory_space<hbm>> -> memref<10416xf32, #tpu.memory_space<hbm>>
    tpu.wait_dma2 semaphore(%arg13 : memref<!tpu.dma_semaphore, #tpu.memory_space<semaphore_mem>>) src(%arg9 : memref<10416xf32, #tpu.memory_space<vmem>>) dst(%dma_wait3A_33 : memref<10416xf32, #tpu.memory_space<hbm>>)
    return
  }
}

#map = affine_map<(d0, d1) -> (0)>
module attributes {stable_mosaic.version = 14 : i64} {
  func.func @pcn_piece0(%arg0: i32, %arg1: i32, %arg2: memref<3999744xf32, #tpu.memory_space<hbm>>, %arg3: memref<1024xf32, #tpu.memory_space<hbm>>, %arg4: memref<666624xf32, #tpu.memory_space<hbm>>, %arg5: memref<1024xf32, #tpu.memory_space<vmem>>, %arg6: memref<10416xf32, #tpu.memory_space<vmem>>, %arg7: memref<10416xf32, #tpu.memory_space<vmem>>, %arg8: memref<10416xf32, #tpu.memory_space<vmem>>, %arg9: memref<10416xf32, #tpu.memory_space<vmem>>, %arg10: memref<!tpu.dma_semaphore, #tpu.memory_space<semaphore_mem>>, %arg11: memref<!tpu.dma_semaphore, #tpu.memory_space<semaphore_mem>>, %arg12: memref<!tpu.dma_semaphore, #tpu.memory_space<semaphore_mem>>, %arg13: memref<!tpu.dma_semaphore, #tpu.memory_space<semaphore_mem>>) attributes {dimension_semantics = [#tpu.dimension_semantics<core_parallel>, #tpu.dimension_semantics<subcore_parallel>], iteration_bounds = array<i64: 2, 16>, scalar_prefetch = 0 : i64, scratch_operands = 9 : i64, tpu.core_type = #tpu.core_type<sc_vector_subcore>, window_params = [{transform_indices = #map}, {transform_indices = #map}, {transform_indices = #map}]} {
    %mul3A = arith.constant 2 : i32
    %mul3A_0 = arith.muli %arg1, %mul3A : i32
    %add3A = arith.addi %mul3A_0, %arg0 : i32
    %mul3A_1 = arith.constant 20832 : i32
    %mul3A_2 = arith.muli %add3A, %mul3A_1 : i32
    %add3A_3 = arith.constant 0 : i32
    %add3A_4 = arith.addi %add3A_3, %mul3A_2 : i32
    %mul3A_5 = arith.constant 20832 : i32
    %mul3A_6 = arith.muli %add3A, %mul3A_5 : i32
    "tpu.region"() ({
      %run_scoped3A = tpu.sem_alloc : memref<!tpu.dma_semaphore, #tpu.memory_space<semaphore_mem>>
      tpu.enqueue_dma source(%arg3 : memref<1024xf32, #tpu.memory_space<hbm>>) target(%arg5 : memref<1024xf32, #tpu.memory_space<vmem>>) target_semaphore(%run_scoped3A : memref<!tpu.dma_semaphore, #tpu.memory_space<semaphore_mem>>)
      tpu.wait_dma2 semaphore(%run_scoped3A : memref<!tpu.dma_semaphore, #tpu.memory_space<semaphore_mem>>) src(%arg3 : memref<1024xf32, #tpu.memory_space<hbm>>) dst(%arg5 : memref<1024xf32, #tpu.memory_space<vmem>>)
      tpu.yield
    }) : () -> ()
    %add3A_7 = arith.constant 0 : i32
    %add3A_8 = arith.addi %add3A_4, %add3A_7 : i32
    %dma_start3A = tpu.memref_slice %arg2[%add3A_8] : memref<3999744xf32, #tpu.memory_space<hbm>> -> memref<10416xf32, #tpu.memory_space<hbm>>
    %dma_start3A_9 = tpu.memref_slice %arg2[%add3A_8] : memref<3999744xf32, #tpu.memory_space<hbm>> -> memref<10416xf32, #tpu.memory_space<hbm>>
    tpu.enqueue_dma source(%dma_start3A_9 : memref<10416xf32, #tpu.memory_space<hbm>>) target(%arg6 : memref<10416xf32, #tpu.memory_space<vmem>>) target_semaphore(%arg10 : memref<!tpu.dma_semaphore, #tpu.memory_space<semaphore_mem>>)
    %add3A_10 = arith.constant 10416 : i32
    %add3A_11 = arith.addi %add3A_4, %add3A_10 : i32
    %dma_start3A_12 = tpu.memref_slice %arg2[%add3A_11] : memref<3999744xf32, #tpu.memory_space<hbm>> -> memref<10416xf32, #tpu.memory_space<hbm>>
    %dma_start3A_13 = tpu.memref_slice %arg2[%add3A_11] : memref<3999744xf32, #tpu.memory_space<hbm>> -> memref<10416xf32, #tpu.memory_space<hbm>>
    tpu.enqueue_dma source(%dma_start3A_13 : memref<10416xf32, #tpu.memory_space<hbm>>) target(%arg7 : memref<10416xf32, #tpu.memory_space<vmem>>) target_semaphore(%arg11 : memref<!tpu.dma_semaphore, #tpu.memory_space<semaphore_mem>>)
    %dma_wait3A = tpu.memref_slice %arg2[%add3A_8] : memref<3999744xf32, #tpu.memory_space<hbm>> -> memref<10416xf32, #tpu.memory_space<hbm>>
    %dma_wait3A_14 = tpu.memref_slice %arg2[%add3A_8] : memref<3999744xf32, #tpu.memory_space<hbm>> -> memref<10416xf32, #tpu.memory_space<hbm>>
    tpu.wait_dma2 semaphore(%arg10 : memref<!tpu.dma_semaphore, #tpu.memory_space<semaphore_mem>>) src(%dma_wait3A_14 : memref<10416xf32, #tpu.memory_space<hbm>>) dst(%arg6 : memref<10416xf32, #tpu.memory_space<vmem>>)
    %parallel_loop3A = arith.constant 0 : i32
    %parallel_loop3A_15 = arith.constant 10416 : i32
    %parallel_loop3A_16 = arith.constant 16 : i32
    scf.for %parallel_loop3A_34 = %parallel_loop3A to %parallel_loop3A_15 step %parallel_loop3A_16  : i32 {
      %parallel_loop3A_35 = arith.index_cast %parallel_loop3A_34 : i32 to index
      %parallel_loop3A_36 = tpu.vector_load %arg6[%parallel_loop3A_35] {strides = array<i32>} : memref<10416xf32, #tpu.memory_space<vmem>>, vector<16xf32>,
      %parallel_loop3A_37 = arith.constant 2.560000e+02 : f32
      %parallel_loop3A_38 = vector.broadcast %parallel_loop3A_37 : f32 to vector<16xf32>
      %parallel_loop3A_39 = arith.mulf %parallel_loop3A_36, %parallel_loop3A_38 : vector<16xf32>
      %parallel_loop3A_40 = arith.fptosi %parallel_loop3A_39 : vector<16xf32> to vector<16xi32>
      %parallel_loop3A_41 = arith.sitofp %parallel_loop3A_40 : vector<16xi32> to vector<16xf32>
      %parallel_loop3A_42 = arith.cmpf ogt, %parallel_loop3A_41, %parallel_loop3A_39 : vector<16xf32>
      %parallel_loop3A_43 = arith.constant 511 : i32
      %parallel_loop3A_44 = arith.constant 512 : i32
      %parallel_loop3A_45 = vector.broadcast %parallel_loop3A_43 : i32 to vector<16xi32>
      %parallel_loop3A_46 = vector.broadcast %parallel_loop3A_44 : i32 to vector<16xi32>
      %parallel_loop3A_47 = arith.select %parallel_loop3A_42, %parallel_loop3A_45, %parallel_loop3A_46 : vector<16xi1>, vector<16xi32>
      %parallel_loop3A_48 = arith.addi %parallel_loop3A_40, %parallel_loop3A_47 : vector<16xi32>
      %parallel_loop3A_49 = arith.constant 0 : i32
      %parallel_loop3A_50 = arith.constant 1023 : i32
      %parallel_loop3A_51 = vector.broadcast %parallel_loop3A_49 : i32 to vector<16xi32>
      %parallel_loop3A_52 = arith.maxsi %parallel_loop3A_51, %parallel_loop3A_48 : vector<16xi32>
      %parallel_loop3A_53 = vector.broadcast %parallel_loop3A_50 : i32 to vector<16xi32>
      %parallel_loop3A_54 = arith.minsi %parallel_loop3A_53, %parallel_loop3A_52 : vector<16xi32>
      %parallel_loop3A_55 = tpu.vector_load_idx %arg5[%parallel_loop3A_54] : memref<1024xf32, #tpu.memory_space<vmem>>[vector<16xi32>], vector<16xf32>,
      %parallel_loop3A_56 = arith.index_cast %parallel_loop3A_34 : i32 to index
      %parallel_loop3A_57 = tpu.vector_load %arg8[%parallel_loop3A_56] {strides = array<i32>} : memref<10416xf32, #tpu.memory_space<vmem>>, vector<16xf32>,
      tpu.vector_store %arg8[%parallel_loop3A_56], %parallel_loop3A_55 {strides = array<i32>} : memref<10416xf32, #tpu.memory_space<vmem>>, vector<16xf32>,
    } {sc.loop_unroll_factor = 8 : i64, sc.parallel_access}
    %add3A_17 = arith.constant 0 : i32
    %add3A_18 = arith.addi %mul3A_6, %add3A_17 : i32
    %dma_start3A_19 = tpu.memref_slice %arg4[%add3A_18] : memref<666624xf32, #tpu.memory_space<hbm>> -> memref<10416xf32, #tpu.memory_space<hbm>>
    %dma_start3A_20 = tpu.memref_slice %arg4[%add3A_18] : memref<666624xf32, #tpu.memory_space<hbm>> -> memref<10416xf32, #tpu.memory_space<hbm>>
    tpu.enqueue_dma source(%arg8 : memref<10416xf32, #tpu.memory_space<vmem>>) target(%dma_start3A_20 : memref<10416xf32, #tpu.memory_space<hbm>>) target_semaphore(%arg12 : memref<!tpu.dma_semaphore, #tpu.memory_space<semaphore_mem>>)
    %dma_wait3A_21 = tpu.memref_slice %arg2[%add3A_11] : memref<3999744xf32, #tpu.memory_space<hbm>> -> memref<10416xf32, #tpu.memory_space<hbm>>
    %dma_wait3A_22 = tpu.memref_slice %arg2[%add3A_11] : memref<3999744xf32, #tpu.memory_space<hbm>> -> memref<10416xf32, #tpu.memory_space<hbm>>
    tpu.wait_dma2 semaphore(%arg11 : memref<!tpu.dma_semaphore, #tpu.memory_space<semaphore_mem>>) src(%dma_wait3A_22 : memref<10416xf32, #tpu.memory_space<hbm>>) dst(%arg7 : memref<10416xf32, #tpu.memory_space<vmem>>)
    %parallel_loop3A_23 = arith.constant 0 : i32
    %parallel_loop3A_24 = arith.constant 10416 : i32
    %parallel_loop3A_25 = arith.constant 16 : i32
    scf.for %parallel_loop3A_34 = %parallel_loop3A_23 to %parallel_loop3A_24 step %parallel_loop3A_25  : i32 {
      %parallel_loop3A_35 = arith.index_cast %parallel_loop3A_34 : i32 to index
      %parallel_loop3A_36 = tpu.vector_load %arg7[%parallel_loop3A_35] {strides = array<i32>} : memref<10416xf32, #tpu.memory_space<vmem>>, vector<16xf32>,
      %parallel_loop3A_37 = arith.constant 2.560000e+02 : f32
      %parallel_loop3A_38 = vector.broadcast %parallel_loop3A_37 : f32 to vector<16xf32>
      %parallel_loop3A_39 = arith.mulf %parallel_loop3A_36, %parallel_loop3A_38 : vector<16xf32>
      %parallel_loop3A_40 = arith.fptosi %parallel_loop3A_39 : vector<16xf32> to vector<16xi32>
      %parallel_loop3A_41 = arith.sitofp %parallel_loop3A_40 : vector<16xi32> to vector<16xf32>
      %parallel_loop3A_42 = arith.cmpf ogt, %parallel_loop3A_41, %parallel_loop3A_39 : vector<16xf32>
      %parallel_loop3A_43 = arith.constant 511 : i32
      %parallel_loop3A_44 = arith.constant 512 : i32
      %parallel_loop3A_45 = vector.broadcast %parallel_loop3A_43 : i32 to vector<16xi32>
      %parallel_loop3A_46 = vector.broadcast %parallel_loop3A_44 : i32 to vector<16xi32>
      %parallel_loop3A_47 = arith.select %parallel_loop3A_42, %parallel_loop3A_45, %parallel_loop3A_46 : vector<16xi1>, vector<16xi32>
      %parallel_loop3A_48 = arith.addi %parallel_loop3A_40, %parallel_loop3A_47 : vector<16xi32>
      %parallel_loop3A_49 = arith.constant 0 : i32
      %parallel_loop3A_50 = arith.constant 1023 : i32
      %parallel_loop3A_51 = vector.broadcast %parallel_loop3A_49 : i32 to vector<16xi32>
      %parallel_loop3A_52 = arith.maxsi %parallel_loop3A_51, %parallel_loop3A_48 : vector<16xi32>
      %parallel_loop3A_53 = vector.broadcast %parallel_loop3A_50 : i32 to vector<16xi32>
      %parallel_loop3A_54 = arith.minsi %parallel_loop3A_53, %parallel_loop3A_52 : vector<16xi32>
      %parallel_loop3A_55 = tpu.vector_load_idx %arg5[%parallel_loop3A_54] : memref<1024xf32, #tpu.memory_space<vmem>>[vector<16xi32>], vector<16xf32>,
      %parallel_loop3A_56 = arith.index_cast %parallel_loop3A_34 : i32 to index
      %parallel_loop3A_57 = tpu.vector_load %arg9[%parallel_loop3A_56] {strides = array<i32>} : memref<10416xf32, #tpu.memory_space<vmem>>, vector<16xf32>,
      tpu.vector_store %arg9[%parallel_loop3A_56], %parallel_loop3A_55 {strides = array<i32>} : memref<10416xf32, #tpu.memory_space<vmem>>, vector<16xf32>,
    } {sc.loop_unroll_factor = 8 : i64, sc.parallel_access}
    %add3A_26 = arith.constant 10416 : i32
    %add3A_27 = arith.addi %mul3A_6, %add3A_26 : i32
    %dma_start3A_28 = tpu.memref_slice %arg4[%add3A_27] : memref<666624xf32, #tpu.memory_space<hbm>> -> memref<10416xf32, #tpu.memory_space<hbm>>
    %dma_start3A_29 = tpu.memref_slice %arg4[%add3A_27] : memref<666624xf32, #tpu.memory_space<hbm>> -> memref<10416xf32, #tpu.memory_space<hbm>>
    tpu.enqueue_dma source(%arg9 : memref<10416xf32, #tpu.memory_space<vmem>>) target(%dma_start3A_29 : memref<10416xf32, #tpu.memory_space<hbm>>) target_semaphore(%arg13 : memref<!tpu.dma_semaphore, #tpu.memory_space<semaphore_mem>>)
    %dma_wait3A_30 = tpu.memref_slice %arg4[%add3A_18] : memref<666624xf32, #tpu.memory_space<hbm>> -> memref<10416xf32, #tpu.memory_space<hbm>>
    %dma_wait3A_31 = tpu.memref_slice %arg4[%add3A_18] : memref<666624xf32, #tpu.memory_space<hbm>> -> memref<10416xf32, #tpu.memory_space<hbm>>
    tpu.wait_dma2 semaphore(%arg12 : memref<!tpu.dma_semaphore, #tpu.memory_space<semaphore_mem>>) src(%arg8 : memref<10416xf32, #tpu.memory_space<vmem>>) dst(%dma_wait3A_31 : memref<10416xf32, #tpu.memory_space<hbm>>)
    %dma_wait3A_32 = tpu.memref_slice %arg4[%add3A_27] : memref<666624xf32, #tpu.memory_space<hbm>> -> memref<10416xf32, #tpu.memory_space<hbm>>
    %dma_wait3A_33 = tpu.memref_slice %arg4[%add3A_27] : memref<666624xf32, #tpu.memory_space<hbm>> -> memref<10416xf32, #tpu.memory_space<hbm>>
    tpu.wait_dma2 semaphore(%arg13 : memref<!tpu.dma_semaphore, #tpu.memory_space<semaphore_mem>>) src(%arg9 : memref<10416xf32, #tpu.memory_space<vmem>>) dst(%dma_wait3A_33 : memref<10416xf32, #tpu.memory_space<hbm>>)
    return
  }
}

#map = affine_map<(d0, d1) -> (0)>
module attributes {stable_mosaic.version = 14 : i64} {
  func.func @pcn_piece1(%arg0: i32, %arg1: i32, %arg2: memref<3999744xf32, #tpu.memory_space<hbm>>, %arg3: memref<1024xf32, #tpu.memory_space<hbm>>, %arg4: memref<666624xf32, #tpu.memory_space<hbm>>, %arg5: memref<1024xf32, #tpu.memory_space<vmem>>, %arg6: memref<10416xf32, #tpu.memory_space<vmem>>, %arg7: memref<10416xf32, #tpu.memory_space<vmem>>, %arg8: memref<10416xf32, #tpu.memory_space<vmem>>, %arg9: memref<10416xf32, #tpu.memory_space<vmem>>, %arg10: memref<!tpu.dma_semaphore, #tpu.memory_space<semaphore_mem>>, %arg11: memref<!tpu.dma_semaphore, #tpu.memory_space<semaphore_mem>>, %arg12: memref<!tpu.dma_semaphore, #tpu.memory_space<semaphore_mem>>, %arg13: memref<!tpu.dma_semaphore, #tpu.memory_space<semaphore_mem>>) attributes {dimension_semantics = [#tpu.dimension_semantics<core_parallel>, #tpu.dimension_semantics<subcore_parallel>], iteration_bounds = array<i64: 2, 16>, scalar_prefetch = 0 : i64, scratch_operands = 9 : i64, tpu.core_type = #tpu.core_type<sc_vector_subcore>, window_params = [{transform_indices = #map}, {transform_indices = #map}, {transform_indices = #map}]} {
    %mul3A = arith.constant 2 : i32
    %mul3A_0 = arith.muli %arg1, %mul3A : i32
    %add3A = arith.addi %mul3A_0, %arg0 : i32
    %mul3A_1 = arith.constant 20832 : i32
    %mul3A_2 = arith.muli %add3A, %mul3A_1 : i32
    %add3A_3 = arith.constant 666624 : i32
    %add3A_4 = arith.addi %add3A_3, %mul3A_2 : i32
    %mul3A_5 = arith.constant 20832 : i32
    %mul3A_6 = arith.muli %add3A, %mul3A_5 : i32
    "tpu.region"() ({
      %run_scoped3A = tpu.sem_alloc : memref<!tpu.dma_semaphore, #tpu.memory_space<semaphore_mem>>
      tpu.enqueue_dma source(%arg3 : memref<1024xf32, #tpu.memory_space<hbm>>) target(%arg5 : memref<1024xf32, #tpu.memory_space<vmem>>) target_semaphore(%run_scoped3A : memref<!tpu.dma_semaphore, #tpu.memory_space<semaphore_mem>>)
      tpu.wait_dma2 semaphore(%run_scoped3A : memref<!tpu.dma_semaphore, #tpu.memory_space<semaphore_mem>>) src(%arg3 : memref<1024xf32, #tpu.memory_space<hbm>>) dst(%arg5 : memref<1024xf32, #tpu.memory_space<vmem>>)
      tpu.yield
    }) : () -> ()
    %add3A_7 = arith.constant 0 : i32
    %add3A_8 = arith.addi %add3A_4, %add3A_7 : i32
    %dma_start3A = tpu.memref_slice %arg2[%add3A_8] : memref<3999744xf32, #tpu.memory_space<hbm>> -> memref<10416xf32, #tpu.memory_space<hbm>>
    %dma_start3A_9 = tpu.memref_slice %arg2[%add3A_8] : memref<3999744xf32, #tpu.memory_space<hbm>> -> memref<10416xf32, #tpu.memory_space<hbm>>
    tpu.enqueue_dma source(%dma_start3A_9 : memref<10416xf32, #tpu.memory_space<hbm>>) target(%arg6 : memref<10416xf32, #tpu.memory_space<vmem>>) target_semaphore(%arg10 : memref<!tpu.dma_semaphore, #tpu.memory_space<semaphore_mem>>)
    %add3A_10 = arith.constant 10416 : i32
    %add3A_11 = arith.addi %add3A_4, %add3A_10 : i32
    %dma_start3A_12 = tpu.memref_slice %arg2[%add3A_11] : memref<3999744xf32, #tpu.memory_space<hbm>> -> memref<10416xf32, #tpu.memory_space<hbm>>
    %dma_start3A_13 = tpu.memref_slice %arg2[%add3A_11] : memref<3999744xf32, #tpu.memory_space<hbm>> -> memref<10416xf32, #tpu.memory_space<hbm>>
    tpu.enqueue_dma source(%dma_start3A_13 : memref<10416xf32, #tpu.memory_space<hbm>>) target(%arg7 : memref<10416xf32, #tpu.memory_space<vmem>>) target_semaphore(%arg11 : memref<!tpu.dma_semaphore, #tpu.memory_space<semaphore_mem>>)
    %dma_wait3A = tpu.memref_slice %arg2[%add3A_8] : memref<3999744xf32, #tpu.memory_space<hbm>> -> memref<10416xf32, #tpu.memory_space<hbm>>
    %dma_wait3A_14 = tpu.memref_slice %arg2[%add3A_8] : memref<3999744xf32, #tpu.memory_space<hbm>> -> memref<10416xf32, #tpu.memory_space<hbm>>
    tpu.wait_dma2 semaphore(%arg10 : memref<!tpu.dma_semaphore, #tpu.memory_space<semaphore_mem>>) src(%dma_wait3A_14 : memref<10416xf32, #tpu.memory_space<hbm>>) dst(%arg6 : memref<10416xf32, #tpu.memory_space<vmem>>)
    %parallel_loop3A = arith.constant 0 : i32
    %parallel_loop3A_15 = arith.constant 10416 : i32
    %parallel_loop3A_16 = arith.constant 16 : i32
    scf.for %parallel_loop3A_34 = %parallel_loop3A to %parallel_loop3A_15 step %parallel_loop3A_16  : i32 {
      %parallel_loop3A_35 = arith.index_cast %parallel_loop3A_34 : i32 to index
      %parallel_loop3A_36 = tpu.vector_load %arg6[%parallel_loop3A_35] {strides = array<i32>} : memref<10416xf32, #tpu.memory_space<vmem>>, vector<16xf32>,
      %parallel_loop3A_37 = arith.constant 2.560000e+02 : f32
      %parallel_loop3A_38 = vector.broadcast %parallel_loop3A_37 : f32 to vector<16xf32>
      %parallel_loop3A_39 = arith.mulf %parallel_loop3A_36, %parallel_loop3A_38 : vector<16xf32>
      %parallel_loop3A_40 = arith.fptosi %parallel_loop3A_39 : vector<16xf32> to vector<16xi32>
      %parallel_loop3A_41 = arith.sitofp %parallel_loop3A_40 : vector<16xi32> to vector<16xf32>
      %parallel_loop3A_42 = arith.cmpf ogt, %parallel_loop3A_41, %parallel_loop3A_39 : vector<16xf32>
      %parallel_loop3A_43 = arith.constant 511 : i32
      %parallel_loop3A_44 = arith.constant 512 : i32
      %parallel_loop3A_45 = vector.broadcast %parallel_loop3A_43 : i32 to vector<16xi32>
      %parallel_loop3A_46 = vector.broadcast %parallel_loop3A_44 : i32 to vector<16xi32>
      %parallel_loop3A_47 = arith.select %parallel_loop3A_42, %parallel_loop3A_45, %parallel_loop3A_46 : vector<16xi1>, vector<16xi32>
      %parallel_loop3A_48 = arith.addi %parallel_loop3A_40, %parallel_loop3A_47 : vector<16xi32>
      %parallel_loop3A_49 = arith.constant 0 : i32
      %parallel_loop3A_50 = arith.constant 1023 : i32
      %parallel_loop3A_51 = vector.broadcast %parallel_loop3A_49 : i32 to vector<16xi32>
      %parallel_loop3A_52 = arith.maxsi %parallel_loop3A_51, %parallel_loop3A_48 : vector<16xi32>
      %parallel_loop3A_53 = vector.broadcast %parallel_loop3A_50 : i32 to vector<16xi32>
      %parallel_loop3A_54 = arith.minsi %parallel_loop3A_53, %parallel_loop3A_52 : vector<16xi32>
      %parallel_loop3A_55 = tpu.vector_load_idx %arg5[%parallel_loop3A_54] : memref<1024xf32, #tpu.memory_space<vmem>>[vector<16xi32>], vector<16xf32>,
      %parallel_loop3A_56 = arith.index_cast %parallel_loop3A_34 : i32 to index
      %parallel_loop3A_57 = tpu.vector_load %arg8[%parallel_loop3A_56] {strides = array<i32>} : memref<10416xf32, #tpu.memory_space<vmem>>, vector<16xf32>,
      tpu.vector_store %arg8[%parallel_loop3A_56], %parallel_loop3A_55 {strides = array<i32>} : memref<10416xf32, #tpu.memory_space<vmem>>, vector<16xf32>,
    } {sc.loop_unroll_factor = 8 : i64, sc.parallel_access}
    %add3A_17 = arith.constant 0 : i32
    %add3A_18 = arith.addi %mul3A_6, %add3A_17 : i32
    %dma_start3A_19 = tpu.memref_slice %arg4[%add3A_18] : memref<666624xf32, #tpu.memory_space<hbm>> -> memref<10416xf32, #tpu.memory_space<hbm>>
    %dma_start3A_20 = tpu.memref_slice %arg4[%add3A_18] : memref<666624xf32, #tpu.memory_space<hbm>> -> memref<10416xf32, #tpu.memory_space<hbm>>
    tpu.enqueue_dma source(%arg8 : memref<10416xf32, #tpu.memory_space<vmem>>) target(%dma_start3A_20 : memref<10416xf32, #tpu.memory_space<hbm>>) target_semaphore(%arg12 : memref<!tpu.dma_semaphore, #tpu.memory_space<semaphore_mem>>)
    %dma_wait3A_21 = tpu.memref_slice %arg2[%add3A_11] : memref<3999744xf32, #tpu.memory_space<hbm>> -> memref<10416xf32, #tpu.memory_space<hbm>>
    %dma_wait3A_22 = tpu.memref_slice %arg2[%add3A_11] : memref<3999744xf32, #tpu.memory_space<hbm>> -> memref<10416xf32, #tpu.memory_space<hbm>>
    tpu.wait_dma2 semaphore(%arg11 : memref<!tpu.dma_semaphore, #tpu.memory_space<semaphore_mem>>) src(%dma_wait3A_22 : memref<10416xf32, #tpu.memory_space<hbm>>) dst(%arg7 : memref<10416xf32, #tpu.memory_space<vmem>>)
    %parallel_loop3A_23 = arith.constant 0 : i32
    %parallel_loop3A_24 = arith.constant 10416 : i32
    %parallel_loop3A_25 = arith.constant 16 : i32
    scf.for %parallel_loop3A_34 = %parallel_loop3A_23 to %parallel_loop3A_24 step %parallel_loop3A_25  : i32 {
      %parallel_loop3A_35 = arith.index_cast %parallel_loop3A_34 : i32 to index
      %parallel_loop3A_36 = tpu.vector_load %arg7[%parallel_loop3A_35] {strides = array<i32>} : memref<10416xf32, #tpu.memory_space<vmem>>, vector<16xf32>,
      %parallel_loop3A_37 = arith.constant 2.560000e+02 : f32
      %parallel_loop3A_38 = vector.broadcast %parallel_loop3A_37 : f32 to vector<16xf32>
      %parallel_loop3A_39 = arith.mulf %parallel_loop3A_36, %parallel_loop3A_38 : vector<16xf32>
      %parallel_loop3A_40 = arith.fptosi %parallel_loop3A_39 : vector<16xf32> to vector<16xi32>
      %parallel_loop3A_41 = arith.sitofp %parallel_loop3A_40 : vector<16xi32> to vector<16xf32>
      %parallel_loop3A_42 = arith.cmpf ogt, %parallel_loop3A_41, %parallel_loop3A_39 : vector<16xf32>
      %parallel_loop3A_43 = arith.constant 511 : i32
      %parallel_loop3A_44 = arith.constant 512 : i32
      %parallel_loop3A_45 = vector.broadcast %parallel_loop3A_43 : i32 to vector<16xi32>
      %parallel_loop3A_46 = vector.broadcast %parallel_loop3A_44 : i32 to vector<16xi32>
      %parallel_loop3A_47 = arith.select %parallel_loop3A_42, %parallel_loop3A_45, %parallel_loop3A_46 : vector<16xi1>, vector<16xi32>
      %parallel_loop3A_48 = arith.addi %parallel_loop3A_40, %parallel_loop3A_47 : vector<16xi32>
      %parallel_loop3A_49 = arith.constant 0 : i32
      %parallel_loop3A_50 = arith.constant 1023 : i32
      %parallel_loop3A_51 = vector.broadcast %parallel_loop3A_49 : i32 to vector<16xi32>
      %parallel_loop3A_52 = arith.maxsi %parallel_loop3A_51, %parallel_loop3A_48 : vector<16xi32>
      %parallel_loop3A_53 = vector.broadcast %parallel_loop3A_50 : i32 to vector<16xi32>
      %parallel_loop3A_54 = arith.minsi %parallel_loop3A_53, %parallel_loop3A_52 : vector<16xi32>
      %parallel_loop3A_55 = tpu.vector_load_idx %arg5[%parallel_loop3A_54] : memref<1024xf32, #tpu.memory_space<vmem>>[vector<16xi32>], vector<16xf32>,
      %parallel_loop3A_56 = arith.index_cast %parallel_loop3A_34 : i32 to index
      %parallel_loop3A_57 = tpu.vector_load %arg9[%parallel_loop3A_56] {strides = array<i32>} : memref<10416xf32, #tpu.memory_space<vmem>>, vector<16xf32>,
      tpu.vector_store %arg9[%parallel_loop3A_56], %parallel_loop3A_55 {strides = array<i32>} : memref<10416xf32, #tpu.memory_space<vmem>>, vector<16xf32>,
    } {sc.loop_unroll_factor = 8 : i64, sc.parallel_access}
    %add3A_26 = arith.constant 10416 : i32
    %add3A_27 = arith.addi %mul3A_6, %add3A_26 : i32
    %dma_start3A_28 = tpu.memref_slice %arg4[%add3A_27] : memref<666624xf32, #tpu.memory_space<hbm>> -> memref<10416xf32, #tpu.memory_space<hbm>>
    %dma_start3A_29 = tpu.memref_slice %arg4[%add3A_27] : memref<666624xf32, #tpu.memory_space<hbm>> -> memref<10416xf32, #tpu.memory_space<hbm>>
    tpu.enqueue_dma source(%arg9 : memref<10416xf32, #tpu.memory_space<vmem>>) target(%dma_start3A_29 : memref<10416xf32, #tpu.memory_space<hbm>>) target_semaphore(%arg13 : memref<!tpu.dma_semaphore, #tpu.memory_space<semaphore_mem>>)
    %dma_wait3A_30 = tpu.memref_slice %arg4[%add3A_18] : memref<666624xf32, #tpu.memory_space<hbm>> -> memref<10416xf32, #tpu.memory_space<hbm>>
    %dma_wait3A_31 = tpu.memref_slice %arg4[%add3A_18] : memref<666624xf32, #tpu.memory_space<hbm>> -> memref<10416xf32, #tpu.memory_space<hbm>>
    tpu.wait_dma2 semaphore(%arg12 : memref<!tpu.dma_semaphore, #tpu.memory_space<semaphore_mem>>) src(%arg8 : memref<10416xf32, #tpu.memory_space<vmem>>) dst(%dma_wait3A_31 : memref<10416xf32, #tpu.memory_space<hbm>>)
    %dma_wait3A_32 = tpu.memref_slice %arg4[%add3A_27] : memref<666624xf32, #tpu.memory_space<hbm>> -> memref<10416xf32, #tpu.memory_space<hbm>>
    %dma_wait3A_33 = tpu.memref_slice %arg4[%add3A_27] : memref<666624xf32, #tpu.memory_space<hbm>> -> memref<10416xf32, #tpu.memory_space<hbm>>
    tpu.wait_dma2 semaphore(%arg13 : memref<!tpu.dma_semaphore, #tpu.memory_space<semaphore_mem>>) src(%arg9 : memref<10416xf32, #tpu.memory_space<vmem>>) dst(%dma_wait3A_33 : memref<10416xf32, #tpu.memory_space<hbm>>)
    return
  }
}

#map = affine_map<(d0, d1) -> (0)>
module attributes {stable_mosaic.version = 14 : i64} {
  func.func @pcn_last(%arg0: i32, %arg1: i32, %arg2: memref<3999744xf32, #tpu.memory_space<hbm>>, %arg3: memref<256xf32, #tpu.memory_space<hbm>>, %arg4: memref<1024xf32, #tpu.memory_space<hbm>>, %arg5: memref<666624xf32, #tpu.memory_space<hbm>>, %arg6: memref<256xf32, #tpu.memory_space<hbm>>, %arg7: memref<1024xf32, #tpu.memory_space<vmem>>, %arg8: memref<10416xf32, #tpu.memory_space<vmem>>, %arg9: memref<10416xf32, #tpu.memory_space<vmem>>, %arg10: memref<10416xf32, #tpu.memory_space<vmem>>, %arg11: memref<10416xf32, #tpu.memory_space<vmem>>, %arg12: memref<!tpu.dma_semaphore, #tpu.memory_space<semaphore_mem>>, %arg13: memref<!tpu.dma_semaphore, #tpu.memory_space<semaphore_mem>>, %arg14: memref<!tpu.dma_semaphore, #tpu.memory_space<semaphore_mem>>, %arg15: memref<!tpu.dma_semaphore, #tpu.memory_space<semaphore_mem>>) attributes {dimension_semantics = [#tpu.dimension_semantics<core_parallel>, #tpu.dimension_semantics<subcore_parallel>], iteration_bounds = array<i64: 2, 16>, scalar_prefetch = 0 : i64, scratch_operands = 9 : i64, tpu.core_type = #tpu.core_type<sc_vector_subcore>, window_params = [{transform_indices = #map}, {transform_indices = #map}, {transform_indices = #map}, {transform_indices = #map}, {transform_indices = #map}]} {
    %mul3A = arith.constant 2 : i32
    %mul3A_0 = arith.muli %arg1, %mul3A : i32
    %add3A = arith.addi %mul3A_0, %arg0 : i32
    %mul3A_1 = arith.constant 20832 : i32
    %mul3A_2 = arith.muli %add3A, %mul3A_1 : i32
    %add3A_3 = arith.constant 3333120 : i32
    %add3A_4 = arith.addi %add3A_3, %mul3A_2 : i32
    %mul3A_5 = arith.constant 20832 : i32
    %mul3A_6 = arith.muli %add3A, %mul3A_5 : i32
    "tpu.region"() ({
      %run_scoped3A = tpu.sem_alloc : memref<!tpu.dma_semaphore, #tpu.memory_space<semaphore_mem>>
      tpu.enqueue_dma source(%arg4 : memref<1024xf32, #tpu.memory_space<hbm>>) target(%arg7 : memref<1024xf32, #tpu.memory_space<vmem>>) target_semaphore(%run_scoped3A : memref<!tpu.dma_semaphore, #tpu.memory_space<semaphore_mem>>)
      tpu.wait_dma2 semaphore(%run_scoped3A : memref<!tpu.dma_semaphore, #tpu.memory_space<semaphore_mem>>) src(%arg4 : memref<1024xf32, #tpu.memory_space<hbm>>) dst(%arg7 : memref<1024xf32, #tpu.memory_space<vmem>>)
      tpu.yield
    }) : () -> ()
    %add3A_7 = arith.constant 0 : i32
    %add3A_8 = arith.addi %add3A_4, %add3A_7 : i32
    %dma_start3A = tpu.memref_slice %arg2[%add3A_8] : memref<3999744xf32, #tpu.memory_space<hbm>> -> memref<10416xf32, #tpu.memory_space<hbm>>
    %dma_start3A_9 = tpu.memref_slice %arg2[%add3A_8] : memref<3999744xf32, #tpu.memory_space<hbm>> -> memref<10416xf32, #tpu.memory_space<hbm>>
    tpu.enqueue_dma source(%dma_start3A_9 : memref<10416xf32, #tpu.memory_space<hbm>>) target(%arg8 : memref<10416xf32, #tpu.memory_space<vmem>>) target_semaphore(%arg12 : memref<!tpu.dma_semaphore, #tpu.memory_space<semaphore_mem>>)
    %add3A_10 = arith.constant 10416 : i32
    %add3A_11 = arith.addi %add3A_4, %add3A_10 : i32
    %dma_start3A_12 = tpu.memref_slice %arg2[%add3A_11] : memref<3999744xf32, #tpu.memory_space<hbm>> -> memref<10416xf32, #tpu.memory_space<hbm>>
    %dma_start3A_13 = tpu.memref_slice %arg2[%add3A_11] : memref<3999744xf32, #tpu.memory_space<hbm>> -> memref<10416xf32, #tpu.memory_space<hbm>>
    tpu.enqueue_dma source(%dma_start3A_13 : memref<10416xf32, #tpu.memory_space<hbm>>) target(%arg9 : memref<10416xf32, #tpu.memory_space<vmem>>) target_semaphore(%arg13 : memref<!tpu.dma_semaphore, #tpu.memory_space<semaphore_mem>>)
    %dma_wait3A = tpu.memref_slice %arg2[%add3A_8] : memref<3999744xf32, #tpu.memory_space<hbm>> -> memref<10416xf32, #tpu.memory_space<hbm>>
    %dma_wait3A_14 = tpu.memref_slice %arg2[%add3A_8] : memref<3999744xf32, #tpu.memory_space<hbm>> -> memref<10416xf32, #tpu.memory_space<hbm>>
    tpu.wait_dma2 semaphore(%arg12 : memref<!tpu.dma_semaphore, #tpu.memory_space<semaphore_mem>>) src(%dma_wait3A_14 : memref<10416xf32, #tpu.memory_space<hbm>>) dst(%arg8 : memref<10416xf32, #tpu.memory_space<vmem>>)
    %parallel_loop3A = arith.constant 0 : i32
    %parallel_loop3A_15 = arith.constant 10416 : i32
    %parallel_loop3A_16 = arith.constant 16 : i32
    scf.for %parallel_loop3A_39 = %parallel_loop3A to %parallel_loop3A_15 step %parallel_loop3A_16  : i32 {
      %parallel_loop3A_40 = arith.index_cast %parallel_loop3A_39 : i32 to index
      %parallel_loop3A_41 = tpu.vector_load %arg8[%parallel_loop3A_40] {strides = array<i32>} : memref<10416xf32, #tpu.memory_space<vmem>>, vector<16xf32>,
      %parallel_loop3A_42 = arith.constant 2.560000e+02 : f32
      %parallel_loop3A_43 = vector.broadcast %parallel_loop3A_42 : f32 to vector<16xf32>
      %parallel_loop3A_44 = arith.mulf %parallel_loop3A_41, %parallel_loop3A_43 : vector<16xf32>
      %parallel_loop3A_45 = arith.fptosi %parallel_loop3A_44 : vector<16xf32> to vector<16xi32>
      %parallel_loop3A_46 = arith.sitofp %parallel_loop3A_45 : vector<16xi32> to vector<16xf32>
      %parallel_loop3A_47 = arith.cmpf ogt, %parallel_loop3A_46, %parallel_loop3A_44 : vector<16xf32>
      %parallel_loop3A_48 = arith.constant 511 : i32
      %parallel_loop3A_49 = arith.constant 512 : i32
      %parallel_loop3A_50 = vector.broadcast %parallel_loop3A_48 : i32 to vector<16xi32>
      %parallel_loop3A_51 = vector.broadcast %parallel_loop3A_49 : i32 to vector<16xi32>
      %parallel_loop3A_52 = arith.select %parallel_loop3A_47, %parallel_loop3A_50, %parallel_loop3A_51 : vector<16xi1>, vector<16xi32>
      %parallel_loop3A_53 = arith.addi %parallel_loop3A_45, %parallel_loop3A_52 : vector<16xi32>
      %parallel_loop3A_54 = arith.constant 0 : i32
      %parallel_loop3A_55 = arith.constant 1023 : i32
      %parallel_loop3A_56 = vector.broadcast %parallel_loop3A_54 : i32 to vector<16xi32>
      %parallel_loop3A_57 = arith.maxsi %parallel_loop3A_56, %parallel_loop3A_53 : vector<16xi32>
      %parallel_loop3A_58 = vector.broadcast %parallel_loop3A_55 : i32 to vector<16xi32>
      %parallel_loop3A_59 = arith.minsi %parallel_loop3A_58, %parallel_loop3A_57 : vector<16xi32>
      %parallel_loop3A_60 = tpu.vector_load_idx %arg7[%parallel_loop3A_59] : memref<1024xf32, #tpu.memory_space<vmem>>[vector<16xi32>], vector<16xf32>,
      %parallel_loop3A_61 = arith.index_cast %parallel_loop3A_39 : i32 to index
      %parallel_loop3A_62 = tpu.vector_load %arg10[%parallel_loop3A_61] {strides = array<i32>} : memref<10416xf32, #tpu.memory_space<vmem>>, vector<16xf32>,
      tpu.vector_store %arg10[%parallel_loop3A_61], %parallel_loop3A_60 {strides = array<i32>} : memref<10416xf32, #tpu.memory_space<vmem>>, vector<16xf32>,
    } {sc.loop_unroll_factor = 8 : i64, sc.parallel_access}
    %add3A_17 = arith.constant 0 : i32
    %add3A_18 = arith.addi %mul3A_6, %add3A_17 : i32
    %dma_start3A_19 = tpu.memref_slice %arg5[%add3A_18] : memref<666624xf32, #tpu.memory_space<hbm>> -> memref<10416xf32, #tpu.memory_space<hbm>>
    %dma_start3A_20 = tpu.memref_slice %arg5[%add3A_18] : memref<666624xf32, #tpu.memory_space<hbm>> -> memref<10416xf32, #tpu.memory_space<hbm>>
    tpu.enqueue_dma source(%arg10 : memref<10416xf32, #tpu.memory_space<vmem>>) target(%dma_start3A_20 : memref<10416xf32, #tpu.memory_space<hbm>>) target_semaphore(%arg14 : memref<!tpu.dma_semaphore, #tpu.memory_space<semaphore_mem>>)
    %dma_wait3A_21 = tpu.memref_slice %arg2[%add3A_11] : memref<3999744xf32, #tpu.memory_space<hbm>> -> memref<10416xf32, #tpu.memory_space<hbm>>
    %dma_wait3A_22 = tpu.memref_slice %arg2[%add3A_11] : memref<3999744xf32, #tpu.memory_space<hbm>> -> memref<10416xf32, #tpu.memory_space<hbm>>
    tpu.wait_dma2 semaphore(%arg13 : memref<!tpu.dma_semaphore, #tpu.memory_space<semaphore_mem>>) src(%dma_wait3A_22 : memref<10416xf32, #tpu.memory_space<hbm>>) dst(%arg9 : memref<10416xf32, #tpu.memory_space<vmem>>)
    %parallel_loop3A_23 = arith.constant 0 : i32
    %parallel_loop3A_24 = arith.constant 10416 : i32
    %parallel_loop3A_25 = arith.constant 16 : i32
    scf.for %parallel_loop3A_39 = %parallel_loop3A_23 to %parallel_loop3A_24 step %parallel_loop3A_25  : i32 {
      %parallel_loop3A_40 = arith.index_cast %parallel_loop3A_39 : i32 to index
      %parallel_loop3A_41 = tpu.vector_load %arg9[%parallel_loop3A_40] {strides = array<i32>} : memref<10416xf32, #tpu.memory_space<vmem>>, vector<16xf32>,
      %parallel_loop3A_42 = arith.constant 2.560000e+02 : f32
      %parallel_loop3A_43 = vector.broadcast %parallel_loop3A_42 : f32 to vector<16xf32>
      %parallel_loop3A_44 = arith.mulf %parallel_loop3A_41, %parallel_loop3A_43 : vector<16xf32>
      %parallel_loop3A_45 = arith.fptosi %parallel_loop3A_44 : vector<16xf32> to vector<16xi32>
      %parallel_loop3A_46 = arith.sitofp %parallel_loop3A_45 : vector<16xi32> to vector<16xf32>
      %parallel_loop3A_47 = arith.cmpf ogt, %parallel_loop3A_46, %parallel_loop3A_44 : vector<16xf32>
      %parallel_loop3A_48 = arith.constant 511 : i32
      %parallel_loop3A_49 = arith.constant 512 : i32
      %parallel_loop3A_50 = vector.broadcast %parallel_loop3A_48 : i32 to vector<16xi32>
      %parallel_loop3A_51 = vector.broadcast %parallel_loop3A_49 : i32 to vector<16xi32>
      %parallel_loop3A_52 = arith.select %parallel_loop3A_47, %parallel_loop3A_50, %parallel_loop3A_51 : vector<16xi1>, vector<16xi32>
      %parallel_loop3A_53 = arith.addi %parallel_loop3A_45, %parallel_loop3A_52 : vector<16xi32>
      %parallel_loop3A_54 = arith.constant 0 : i32
      %parallel_loop3A_55 = arith.constant 1023 : i32
      %parallel_loop3A_56 = vector.broadcast %parallel_loop3A_54 : i32 to vector<16xi32>
      %parallel_loop3A_57 = arith.maxsi %parallel_loop3A_56, %parallel_loop3A_53 : vector<16xi32>
      %parallel_loop3A_58 = vector.broadcast %parallel_loop3A_55 : i32 to vector<16xi32>
      %parallel_loop3A_59 = arith.minsi %parallel_loop3A_58, %parallel_loop3A_57 : vector<16xi32>
      %parallel_loop3A_60 = tpu.vector_load_idx %arg7[%parallel_loop3A_59] : memref<1024xf32, #tpu.memory_space<vmem>>[vector<16xi32>], vector<16xf32>,
      %parallel_loop3A_61 = arith.index_cast %parallel_loop3A_39 : i32 to index
      %parallel_loop3A_62 = tpu.vector_load %arg11[%parallel_loop3A_61] {strides = array<i32>} : memref<10416xf32, #tpu.memory_space<vmem>>, vector<16xf32>,
      tpu.vector_store %arg11[%parallel_loop3A_61], %parallel_loop3A_60 {strides = array<i32>} : memref<10416xf32, #tpu.memory_space<vmem>>, vector<16xf32>,
    } {sc.loop_unroll_factor = 8 : i64, sc.parallel_access}
    %add3A_26 = arith.constant 10416 : i32
    %add3A_27 = arith.addi %mul3A_6, %add3A_26 : i32
    %dma_start3A_28 = tpu.memref_slice %arg5[%add3A_27] : memref<666624xf32, #tpu.memory_space<hbm>> -> memref<10416xf32, #tpu.memory_space<hbm>>
    %dma_start3A_29 = tpu.memref_slice %arg5[%add3A_27] : memref<666624xf32, #tpu.memory_space<hbm>> -> memref<10416xf32, #tpu.memory_space<hbm>>
    tpu.enqueue_dma source(%arg11 : memref<10416xf32, #tpu.memory_space<vmem>>) target(%dma_start3A_29 : memref<10416xf32, #tpu.memory_space<hbm>>) target_semaphore(%arg15 : memref<!tpu.dma_semaphore, #tpu.memory_space<semaphore_mem>>)
    %dma_wait3A_30 = tpu.memref_slice %arg5[%add3A_18] : memref<666624xf32, #tpu.memory_space<hbm>> -> memref<10416xf32, #tpu.memory_space<hbm>>
    %dma_wait3A_31 = tpu.memref_slice %arg5[%add3A_18] : memref<666624xf32, #tpu.memory_space<hbm>> -> memref<10416xf32, #tpu.memory_space<hbm>>
    tpu.wait_dma2 semaphore(%arg14 : memref<!tpu.dma_semaphore, #tpu.memory_space<semaphore_mem>>) src(%arg10 : memref<10416xf32, #tpu.memory_space<vmem>>) dst(%dma_wait3A_31 : memref<10416xf32, #tpu.memory_space<hbm>>)
    %dma_wait3A_32 = tpu.memref_slice %arg5[%add3A_27] : memref<666624xf32, #tpu.memory_space<hbm>> -> memref<10416xf32, #tpu.memory_space<hbm>>
    %dma_wait3A_33 = tpu.memref_slice %arg5[%add3A_27] : memref<666624xf32, #tpu.memory_space<hbm>> -> memref<10416xf32, #tpu.memory_space<hbm>>
    tpu.wait_dma2 semaphore(%arg15 : memref<!tpu.dma_semaphore, #tpu.memory_space<semaphore_mem>>) src(%arg11 : memref<10416xf32, #tpu.memory_space<vmem>>) dst(%dma_wait3A_33 : memref<10416xf32, #tpu.memory_space<hbm>>)
    %mul3A_34 = arith.constant 2 : i32
    %mul3A_35 = arith.muli %arg1, %mul3A_34 : i32
    %add3A_36 = arith.addi %mul3A_35, %arg0 : i32
    %eq3A = arith.constant 31 : i32
    %eq3A_37 = arith.cmpi eq, %add3A_36, %eq3A : i32
    %convert_element_type3A = arith.extui %eq3A_37 : i1 to i32
    %cond3A = arith.constant 0 : i32
    %cond3A_38 = arith.cmpi ne, %convert_element_type3A, %cond3A : i32
    scf.if %cond3A_38 {
      "tpu.region"() ({
        %run_scoped3A = tpu.sem_alloc : memref<!tpu.dma_semaphore, #tpu.memory_space<semaphore_mem>>
        %dma_start3A_398 = arith.constant 0 : i32
        %dma_start3A_399 = tpu.memref_slice %arg8[%dma_start3A_398] : memref<10416xf32, #tpu.memory_space<vmem>> -> memref<256xf32, #tpu.memory_space<vmem>>
        %dma_start3A_400 = arith.constant 0 : i32
        %dma_start3A_401 = tpu.memref_slice %arg8[%dma_start3A_400] : memref<10416xf32, #tpu.memory_space<vmem>> -> memref<256xf32, #tpu.memory_space<vmem>>
        tpu.enqueue_dma source(%arg3 : memref<256xf32, #tpu.memory_space<hbm>>) target(%dma_start3A_401 : memref<256xf32, #tpu.memory_space<vmem>>) target_semaphore(%run_scoped3A : memref<!tpu.dma_semaphore, #tpu.memory_space<semaphore_mem>>)
        %dma_wait3A_402 = arith.constant 0 : i32
        %dma_wait3A_403 = tpu.memref_slice %arg8[%dma_wait3A_402] : memref<10416xf32, #tpu.memory_space<vmem>> -> memref<256xf32, #tpu.memory_space<vmem>>
        %dma_wait3A_404 = arith.constant 0 : i32
        %dma_wait3A_405 = tpu.memref_slice %arg8[%dma_wait3A_404] : memref<10416xf32, #tpu.memory_space<vmem>> -> memref<256xf32, #tpu.memory_space<vmem>>
        tpu.wait_dma2 semaphore(%run_scoped3A : memref<!tpu.dma_semaphore, #tpu.memory_space<semaphore_mem>>) src(%arg3 : memref<256xf32, #tpu.memory_space<hbm>>) dst(%dma_wait3A_405 : memref<256xf32, #tpu.memory_space<vmem>>)
        tpu.yield
      }) : () -> ()
      %get3A = arith.constant 0 : index
      %get3A_39 = tpu.vector_load %arg8[%get3A] {strides = array<i32>} : memref<10416xf32, #tpu.memory_space<vmem>>, vector<16xf32>,
      %mul3A_40 = arith.constant 2.560000e+02 : f32
      %mul3A_41 = vector.broadcast %mul3A_40 : f32 to vector<16xf32>
      %mul3A_42 = arith.mulf %get3A_39, %mul3A_41 : vector<16xf32>
      %convert_element_type3A_43 = arith.fptosi %mul3A_42 : vector<16xf32> to vector<16xi32>
      %convert_element_type3A_44 = arith.sitofp %convert_element_type3A_43 : vector<16xi32> to vector<16xf32>
      %gt3A = arith.cmpf ogt, %convert_element_type3A_44, %mul3A_42 : vector<16xf32>
      %jit3A = arith.constant 511 : i32
      %jit3A_45 = arith.constant 512 : i32
      %broadcast_in_dim3A = vector.broadcast %jit3A : i32 to vector<16xi32>
      %broadcast_in_dim3A_46 = vector.broadcast %jit3A_45 : i32 to vector<16xi32>
      %select_n3A = arith.select %gt3A, %broadcast_in_dim3A, %broadcast_in_dim3A_46 : vector<16xi1>, vector<16xi32>
      %add3A_47 = arith.addi %convert_element_type3A_43, %select_n3A : vector<16xi32>
      %jit3A_48 = arith.constant 0 : i32
      %jit3A_49 = arith.constant 1023 : i32
      %max3A = vector.broadcast %jit3A_48 : i32 to vector<16xi32>
      %max3A_50 = arith.maxsi %max3A, %add3A_47 : vector<16xi32>
      %min3A = vector.broadcast %jit3A_49 : i32 to vector<16xi32>
      %min3A_51 = arith.minsi %min3A, %max3A_50 : vector<16xi32>
      %gather3A = tpu.vector_load_idx %arg7[%min3A_51] : memref<1024xf32, #tpu.memory_space<vmem>>[vector<16xi32>], vector<16xf32>,
      %swap3A = arith.constant 0 : index
      %swap3A_52 = tpu.vector_load %arg10[%swap3A] {strides = array<i32>} : memref<10416xf32, #tpu.memory_space<vmem>>, vector<16xf32>,
      tpu.vector_store %arg10[%swap3A], %gather3A {strides = array<i32>} : memref<10416xf32, #tpu.memory_space<vmem>>, vector<16xf32>,
      %get3A_53 = arith.constant 16 : index
      %get3A_54 = tpu.vector_load %arg8[%get3A_53] {strides = array<i32>} : memref<10416xf32, #tpu.memory_space<vmem>>, vector<16xf32>,
      %mul3A_55 = arith.constant 2.560000e+02 : f32
      %mul3A_56 = vector.broadcast %mul3A_55 : f32 to vector<16xf32>
      %mul3A_57 = arith.mulf %get3A_54, %mul3A_56 : vector<16xf32>
      %convert_element_type3A_58 = arith.fptosi %mul3A_57 : vector<16xf32> to vector<16xi32>
      %convert_element_type3A_59 = arith.sitofp %convert_element_type3A_58 : vector<16xi32> to vector<16xf32>
      %gt3A_60 = arith.cmpf ogt, %convert_element_type3A_59, %mul3A_57 : vector<16xf32>
      %jit3A_61 = arith.constant 511 : i32
      %jit3A_62 = arith.constant 512 : i32
      %broadcast_in_dim3A_63 = vector.broadcast %jit3A_61 : i32 to vector<16xi32>
      %broadcast_in_dim3A_64 = vector.broadcast %jit3A_62 : i32 to vector<16xi32>
      %select_n3A_65 = arith.select %gt3A_60, %broadcast_in_dim3A_63, %broadcast_in_dim3A_64 : vector<16xi1>, vector<16xi32>
      %add3A_66 = arith.addi %convert_element_type3A_58, %select_n3A_65 : vector<16xi32>
      %jit3A_67 = arith.constant 0 : i32
      %jit3A_68 = arith.constant 1023 : i32
      %max3A_69 = vector.broadcast %jit3A_67 : i32 to vector<16xi32>
      %max3A_70 = arith.maxsi %max3A_69, %add3A_66 : vector<16xi32>
      %min3A_71 = vector.broadcast %jit3A_68 : i32 to vector<16xi32>
      %min3A_72 = arith.minsi %min3A_71, %max3A_70 : vector<16xi32>
      %gather3A_73 = tpu.vector_load_idx %arg7[%min3A_72] : memref<1024xf32, #tpu.memory_space<vmem>>[vector<16xi32>], vector<16xf32>,
      %swap3A_74 = arith.constant 16 : index
      %swap3A_75 = tpu.vector_load %arg10[%swap3A_74] {strides = array<i32>} : memref<10416xf32, #tpu.memory_space<vmem>>, vector<16xf32>,
      tpu.vector_store %arg10[%swap3A_74], %gather3A_73 {strides = array<i32>} : memref<10416xf32, #tpu.memory_space<vmem>>, vector<16xf32>,
      %get3A_76 = arith.constant 32 : index
      %get3A_77 = tpu.vector_load %arg8[%get3A_76] {strides = array<i32>} : memref<10416xf32, #tpu.memory_space<vmem>>, vector<16xf32>,
      %mul3A_78 = arith.constant 2.560000e+02 : f32
      %mul3A_79 = vector.broadcast %mul3A_78 : f32 to vector<16xf32>
      %mul3A_80 = arith.mulf %get3A_77, %mul3A_79 : vector<16xf32>
      %convert_element_type3A_81 = arith.fptosi %mul3A_80 : vector<16xf32> to vector<16xi32>
      %convert_element_type3A_82 = arith.sitofp %convert_element_type3A_81 : vector<16xi32> to vector<16xf32>
      %gt3A_83 = arith.cmpf ogt, %convert_element_type3A_82, %mul3A_80 : vector<16xf32>
      %jit3A_84 = arith.constant 511 : i32
      %jit3A_85 = arith.constant 512 : i32
      %broadcast_in_dim3A_86 = vector.broadcast %jit3A_84 : i32 to vector<16xi32>
      %broadcast_in_dim3A_87 = vector.broadcast %jit3A_85 : i32 to vector<16xi32>
      %select_n3A_88 = arith.select %gt3A_83, %broadcast_in_dim3A_86, %broadcast_in_dim3A_87 : vector<16xi1>, vector<16xi32>
      %add3A_89 = arith.addi %convert_element_type3A_81, %select_n3A_88 : vector<16xi32>
      %jit3A_90 = arith.constant 0 : i32
      %jit3A_91 = arith.constant 1023 : i32
      %max3A_92 = vector.broadcast %jit3A_90 : i32 to vector<16xi32>
      %max3A_93 = arith.maxsi %max3A_92, %add3A_89 : vector<16xi32>
      %min3A_94 = vector.broadcast %jit3A_91 : i32 to vector<16xi32>
      %min3A_95 = arith.minsi %min3A_94, %max3A_93 : vector<16xi32>
      %gather3A_96 = tpu.vector_load_idx %arg7[%min3A_95] : memref<1024xf32, #tpu.memory_space<vmem>>[vector<16xi32>], vector<16xf32>,
      %swap3A_97 = arith.constant 32 : index
      %swap3A_98 = tpu.vector_load %arg10[%swap3A_97] {strides = array<i32>} : memref<10416xf32, #tpu.memory_space<vmem>>, vector<16xf32>,
      tpu.vector_store %arg10[%swap3A_97], %gather3A_96 {strides = array<i32>} : memref<10416xf32, #tpu.memory_space<vmem>>, vector<16xf32>,
      %get3A_99 = arith.constant 48 : index
      %get3A_100 = tpu.vector_load %arg8[%get3A_99] {strides = array<i32>} : memref<10416xf32, #tpu.memory_space<vmem>>, vector<16xf32>,
      %mul3A_101 = arith.constant 2.560000e+02 : f32
      %mul3A_102 = vector.broadcast %mul3A_101 : f32 to vector<16xf32>
      %mul3A_103 = arith.mulf %get3A_100, %mul3A_102 : vector<16xf32>
      %convert_element_type3A_104 = arith.fptosi %mul3A_103 : vector<16xf32> to vector<16xi32>
      %convert_element_type3A_105 = arith.sitofp %convert_element_type3A_104 : vector<16xi32> to vector<16xf32>
      %gt3A_106 = arith.cmpf ogt, %convert_element_type3A_105, %mul3A_103 : vector<16xf32>
      %jit3A_107 = arith.constant 511 : i32
      %jit3A_108 = arith.constant 512 : i32
      %broadcast_in_dim3A_109 = vector.broadcast %jit3A_107 : i32 to vector<16xi32>
      %broadcast_in_dim3A_110 = vector.broadcast %jit3A_108 : i32 to vector<16xi32>
      %select_n3A_111 = arith.select %gt3A_106, %broadcast_in_dim3A_109, %broadcast_in_dim3A_110 : vector<16xi1>, vector<16xi32>
      %add3A_112 = arith.addi %convert_element_type3A_104, %select_n3A_111 : vector<16xi32>
      %jit3A_113 = arith.constant 0 : i32
      %jit3A_114 = arith.constant 1023 : i32
      %max3A_115 = vector.broadcast %jit3A_113 : i32 to vector<16xi32>
      %max3A_116 = arith.maxsi %max3A_115, %add3A_112 : vector<16xi32>
      %min3A_117 = vector.broadcast %jit3A_114 : i32 to vector<16xi32>
      %min3A_118 = arith.minsi %min3A_117, %max3A_116 : vector<16xi32>
      %gather3A_119 = tpu.vector_load_idx %arg7[%min3A_118] : memref<1024xf32, #tpu.memory_space<vmem>>[vector<16xi32>], vector<16xf32>,
      %swap3A_120 = arith.constant 48 : index
      %swap3A_121 = tpu.vector_load %arg10[%swap3A_120] {strides = array<i32>} : memref<10416xf32, #tpu.memory_space<vmem>>, vector<16xf32>,
      tpu.vector_store %arg10[%swap3A_120], %gather3A_119 {strides = array<i32>} : memref<10416xf32, #tpu.memory_space<vmem>>, vector<16xf32>,
      %get3A_122 = arith.constant 64 : index
      %get3A_123 = tpu.vector_load %arg8[%get3A_122] {strides = array<i32>} : memref<10416xf32, #tpu.memory_space<vmem>>, vector<16xf32>,
      %mul3A_124 = arith.constant 2.560000e+02 : f32
      %mul3A_125 = vector.broadcast %mul3A_124 : f32 to vector<16xf32>
      %mul3A_126 = arith.mulf %get3A_123, %mul3A_125 : vector<16xf32>
      %convert_element_type3A_127 = arith.fptosi %mul3A_126 : vector<16xf32> to vector<16xi32>
      %convert_element_type3A_128 = arith.sitofp %convert_element_type3A_127 : vector<16xi32> to vector<16xf32>
      %gt3A_129 = arith.cmpf ogt, %convert_element_type3A_128, %mul3A_126 : vector<16xf32>
      %jit3A_130 = arith.constant 511 : i32
      %jit3A_131 = arith.constant 512 : i32
      %broadcast_in_dim3A_132 = vector.broadcast %jit3A_130 : i32 to vector<16xi32>
      %broadcast_in_dim3A_133 = vector.broadcast %jit3A_131 : i32 to vector<16xi32>
      %select_n3A_134 = arith.select %gt3A_129, %broadcast_in_dim3A_132, %broadcast_in_dim3A_133 : vector<16xi1>, vector<16xi32>
      %add3A_135 = arith.addi %convert_element_type3A_127, %select_n3A_134 : vector<16xi32>
      %jit3A_136 = arith.constant 0 : i32
      %jit3A_137 = arith.constant 1023 : i32
      %max3A_138 = vector.broadcast %jit3A_136 : i32 to vector<16xi32>
      %max3A_139 = arith.maxsi %max3A_138, %add3A_135 : vector<16xi32>
      %min3A_140 = vector.broadcast %jit3A_137 : i32 to vector<16xi32>
      %min3A_141 = arith.minsi %min3A_140, %max3A_139 : vector<16xi32>
      %gather3A_142 = tpu.vector_load_idx %arg7[%min3A_141] : memref<1024xf32, #tpu.memory_space<vmem>>[vector<16xi32>], vector<16xf32>,
      %swap3A_143 = arith.constant 64 : index
      %swap3A_144 = tpu.vector_load %arg10[%swap3A_143] {strides = array<i32>} : memref<10416xf32, #tpu.memory_space<vmem>>, vector<16xf32>,
      tpu.vector_store %arg10[%swap3A_143], %gather3A_142 {strides = array<i32>} : memref<10416xf32, #tpu.memory_space<vmem>>, vector<16xf32>,
      %get3A_145 = arith.constant 80 : index
      %get3A_146 = tpu.vector_load %arg8[%get3A_145] {strides = array<i32>} : memref<10416xf32, #tpu.memory_space<vmem>>, vector<16xf32>,
      %mul3A_147 = arith.constant 2.560000e+02 : f32
      %mul3A_148 = vector.broadcast %mul3A_147 : f32 to vector<16xf32>
      %mul3A_149 = arith.mulf %get3A_146, %mul3A_148 : vector<16xf32>
      %convert_element_type3A_150 = arith.fptosi %mul3A_149 : vector<16xf32> to vector<16xi32>
      %convert_element_type3A_151 = arith.sitofp %convert_element_type3A_150 : vector<16xi32> to vector<16xf32>
      %gt3A_152 = arith.cmpf ogt, %convert_element_type3A_151, %mul3A_149 : vector<16xf32>
      %jit3A_153 = arith.constant 511 : i32
      %jit3A_154 = arith.constant 512 : i32
      %broadcast_in_dim3A_155 = vector.broadcast %jit3A_153 : i32 to vector<16xi32>
      %broadcast_in_dim3A_156 = vector.broadcast %jit3A_154 : i32 to vector<16xi32>
      %select_n3A_157 = arith.select %gt3A_152, %broadcast_in_dim3A_155, %broadcast_in_dim3A_156 : vector<16xi1>, vector<16xi32>
      %add3A_158 = arith.addi %convert_element_type3A_150, %select_n3A_157 : vector<16xi32>
      %jit3A_159 = arith.constant 0 : i32
      %jit3A_160 = arith.constant 1023 : i32
      %max3A_161 = vector.broadcast %jit3A_159 : i32 to vector<16xi32>
      %max3A_162 = arith.maxsi %max3A_161, %add3A_158 : vector<16xi32>
      %min3A_163 = vector.broadcast %jit3A_160 : i32 to vector<16xi32>
      %min3A_164 = arith.minsi %min3A_163, %max3A_162 : vector<16xi32>
      %gather3A_165 = tpu.vector_load_idx %arg7[%min3A_164] : memref<1024xf32, #tpu.memory_space<vmem>>[vector<16xi32>], vector<16xf32>,
      %swap3A_166 = arith.constant 80 : index
      %swap3A_167 = tpu.vector_load %arg10[%swap3A_166] {strides = array<i32>} : memref<10416xf32, #tpu.memory_space<vmem>>, vector<16xf32>,
      tpu.vector_store %arg10[%swap3A_166], %gather3A_165 {strides = array<i32>} : memref<10416xf32, #tpu.memory_space<vmem>>, vector<16xf32>,
      %get3A_168 = arith.constant 96 : index
      %get3A_169 = tpu.vector_load %arg8[%get3A_168] {strides = array<i32>} : memref<10416xf32, #tpu.memory_space<vmem>>, vector<16xf32>,
      %mul3A_170 = arith.constant 2.560000e+02 : f32
      %mul3A_171 = vector.broadcast %mul3A_170 : f32 to vector<16xf32>
      %mul3A_172 = arith.mulf %get3A_169, %mul3A_171 : vector<16xf32>
      %convert_element_type3A_173 = arith.fptosi %mul3A_172 : vector<16xf32> to vector<16xi32>
      %convert_element_type3A_174 = arith.sitofp %convert_element_type3A_173 : vector<16xi32> to vector<16xf32>
      %gt3A_175 = arith.cmpf ogt, %convert_element_type3A_174, %mul3A_172 : vector<16xf32>
      %jit3A_176 = arith.constant 511 : i32
      %jit3A_177 = arith.constant 512 : i32
      %broadcast_in_dim3A_178 = vector.broadcast %jit3A_176 : i32 to vector<16xi32>
      %broadcast_in_dim3A_179 = vector.broadcast %jit3A_177 : i32 to vector<16xi32>
      %select_n3A_180 = arith.select %gt3A_175, %broadcast_in_dim3A_178, %broadcast_in_dim3A_179 : vector<16xi1>, vector<16xi32>
      %add3A_181 = arith.addi %convert_element_type3A_173, %select_n3A_180 : vector<16xi32>
      %jit3A_182 = arith.constant 0 : i32
      %jit3A_183 = arith.constant 1023 : i32
      %max3A_184 = vector.broadcast %jit3A_182 : i32 to vector<16xi32>
      %max3A_185 = arith.maxsi %max3A_184, %add3A_181 : vector<16xi32>
      %min3A_186 = vector.broadcast %jit3A_183 : i32 to vector<16xi32>
      %min3A_187 = arith.minsi %min3A_186, %max3A_185 : vector<16xi32>
      %gather3A_188 = tpu.vector_load_idx %arg7[%min3A_187] : memref<1024xf32, #tpu.memory_space<vmem>>[vector<16xi32>], vector<16xf32>,
      %swap3A_189 = arith.constant 96 : index
      %swap3A_190 = tpu.vector_load %arg10[%swap3A_189] {strides = array<i32>} : memref<10416xf32, #tpu.memory_space<vmem>>, vector<16xf32>,
      tpu.vector_store %arg10[%swap3A_189], %gather3A_188 {strides = array<i32>} : memref<10416xf32, #tpu.memory_space<vmem>>, vector<16xf32>,
      %get3A_191 = arith.constant 112 : index
      %get3A_192 = tpu.vector_load %arg8[%get3A_191] {strides = array<i32>} : memref<10416xf32, #tpu.memory_space<vmem>>, vector<16xf32>,
      %mul3A_193 = arith.constant 2.560000e+02 : f32
      %mul3A_194 = vector.broadcast %mul3A_193 : f32 to vector<16xf32>
      %mul3A_195 = arith.mulf %get3A_192, %mul3A_194 : vector<16xf32>
      %convert_element_type3A_196 = arith.fptosi %mul3A_195 : vector<16xf32> to vector<16xi32>
      %convert_element_type3A_197 = arith.sitofp %convert_element_type3A_196 : vector<16xi32> to vector<16xf32>
      %gt3A_198 = arith.cmpf ogt, %convert_element_type3A_197, %mul3A_195 : vector<16xf32>
      %jit3A_199 = arith.constant 511 : i32
      %jit3A_200 = arith.constant 512 : i32
      %broadcast_in_dim3A_201 = vector.broadcast %jit3A_199 : i32 to vector<16xi32>
      %broadcast_in_dim3A_202 = vector.broadcast %jit3A_200 : i32 to vector<16xi32>
      %select_n3A_203 = arith.select %gt3A_198, %broadcast_in_dim3A_201, %broadcast_in_dim3A_202 : vector<16xi1>, vector<16xi32>
      %add3A_204 = arith.addi %convert_element_type3A_196, %select_n3A_203 : vector<16xi32>
      %jit3A_205 = arith.constant 0 : i32
      %jit3A_206 = arith.constant 1023 : i32
      %max3A_207 = vector.broadcast %jit3A_205 : i32 to vector<16xi32>
      %max3A_208 = arith.maxsi %max3A_207, %add3A_204 : vector<16xi32>
      %min3A_209 = vector.broadcast %jit3A_206 : i32 to vector<16xi32>
      %min3A_210 = arith.minsi %min3A_209, %max3A_208 : vector<16xi32>
      %gather3A_211 = tpu.vector_load_idx %arg7[%min3A_210] : memref<1024xf32, #tpu.memory_space<vmem>>[vector<16xi32>], vector<16xf32>,
      %swap3A_212 = arith.constant 112 : index
      %swap3A_213 = tpu.vector_load %arg10[%swap3A_212] {strides = array<i32>} : memref<10416xf32, #tpu.memory_space<vmem>>, vector<16xf32>,
      tpu.vector_store %arg10[%swap3A_212], %gather3A_211 {strides = array<i32>} : memref<10416xf32, #tpu.memory_space<vmem>>, vector<16xf32>,
      %get3A_214 = arith.constant 128 : index
      %get3A_215 = tpu.vector_load %arg8[%get3A_214] {strides = array<i32>} : memref<10416xf32, #tpu.memory_space<vmem>>, vector<16xf32>,
      %mul3A_216 = arith.constant 2.560000e+02 : f32
      %mul3A_217 = vector.broadcast %mul3A_216 : f32 to vector<16xf32>
      %mul3A_218 = arith.mulf %get3A_215, %mul3A_217 : vector<16xf32>
      %convert_element_type3A_219 = arith.fptosi %mul3A_218 : vector<16xf32> to vector<16xi32>
      %convert_element_type3A_220 = arith.sitofp %convert_element_type3A_219 : vector<16xi32> to vector<16xf32>
      %gt3A_221 = arith.cmpf ogt, %convert_element_type3A_220, %mul3A_218 : vector<16xf32>
      %jit3A_222 = arith.constant 511 : i32
      %jit3A_223 = arith.constant 512 : i32
      %broadcast_in_dim3A_224 = vector.broadcast %jit3A_222 : i32 to vector<16xi32>
      %broadcast_in_dim3A_225 = vector.broadcast %jit3A_223 : i32 to vector<16xi32>
      %select_n3A_226 = arith.select %gt3A_221, %broadcast_in_dim3A_224, %broadcast_in_dim3A_225 : vector<16xi1>, vector<16xi32>
      %add3A_227 = arith.addi %convert_element_type3A_219, %select_n3A_226 : vector<16xi32>
      %jit3A_228 = arith.constant 0 : i32
      %jit3A_229 = arith.constant 1023 : i32
      %max3A_230 = vector.broadcast %jit3A_228 : i32 to vector<16xi32>
      %max3A_231 = arith.maxsi %max3A_230, %add3A_227 : vector<16xi32>
      %min3A_232 = vector.broadcast %jit3A_229 : i32 to vector<16xi32>
      %min3A_233 = arith.minsi %min3A_232, %max3A_231 : vector<16xi32>
      %gather3A_234 = tpu.vector_load_idx %arg7[%min3A_233] : memref<1024xf32, #tpu.memory_space<vmem>>[vector<16xi32>], vector<16xf32>,
      %swap3A_235 = arith.constant 128 : index
      %swap3A_236 = tpu.vector_load %arg10[%swap3A_235] {strides = array<i32>} : memref<10416xf32, #tpu.memory_space<vmem>>, vector<16xf32>,
      tpu.vector_store %arg10[%swap3A_235], %gather3A_234 {strides = array<i32>} : memref<10416xf32, #tpu.memory_space<vmem>>, vector<16xf32>,
      %get3A_237 = arith.constant 144 : index
      %get3A_238 = tpu.vector_load %arg8[%get3A_237] {strides = array<i32>} : memref<10416xf32, #tpu.memory_space<vmem>>, vector<16xf32>,
      %mul3A_239 = arith.constant 2.560000e+02 : f32
      %mul3A_240 = vector.broadcast %mul3A_239 : f32 to vector<16xf32>
      %mul3A_241 = arith.mulf %get3A_238, %mul3A_240 : vector<16xf32>
      %convert_element_type3A_242 = arith.fptosi %mul3A_241 : vector<16xf32> to vector<16xi32>
      %convert_element_type3A_243 = arith.sitofp %convert_element_type3A_242 : vector<16xi32> to vector<16xf32>
      %gt3A_244 = arith.cmpf ogt, %convert_element_type3A_243, %mul3A_241 : vector<16xf32>
      %jit3A_245 = arith.constant 511 : i32
      %jit3A_246 = arith.constant 512 : i32
      %broadcast_in_dim3A_247 = vector.broadcast %jit3A_245 : i32 to vector<16xi32>
      %broadcast_in_dim3A_248 = vector.broadcast %jit3A_246 : i32 to vector<16xi32>
      %select_n3A_249 = arith.select %gt3A_244, %broadcast_in_dim3A_247, %broadcast_in_dim3A_248 : vector<16xi1>, vector<16xi32>
      %add3A_250 = arith.addi %convert_element_type3A_242, %select_n3A_249 : vector<16xi32>
      %jit3A_251 = arith.constant 0 : i32
      %jit3A_252 = arith.constant 1023 : i32
      %max3A_253 = vector.broadcast %jit3A_251 : i32 to vector<16xi32>
      %max3A_254 = arith.maxsi %max3A_253, %add3A_250 : vector<16xi32>
      %min3A_255 = vector.broadcast %jit3A_252 : i32 to vector<16xi32>
      %min3A_256 = arith.minsi %min3A_255, %max3A_254 : vector<16xi32>
      %gather3A_257 = tpu.vector_load_idx %arg7[%min3A_256] : memref<1024xf32, #tpu.memory_space<vmem>>[vector<16xi32>], vector<16xf32>,
      %swap3A_258 = arith.constant 144 : index
      %swap3A_259 = tpu.vector_load %arg10[%swap3A_258] {strides = array<i32>} : memref<10416xf32, #tpu.memory_space<vmem>>, vector<16xf32>,
      tpu.vector_store %arg10[%swap3A_258], %gather3A_257 {strides = array<i32>} : memref<10416xf32, #tpu.memory_space<vmem>>, vector<16xf32>,
      %get3A_260 = arith.constant 160 : index
      %get3A_261 = tpu.vector_load %arg8[%get3A_260] {strides = array<i32>} : memref<10416xf32, #tpu.memory_space<vmem>>, vector<16xf32>,
      %mul3A_262 = arith.constant 2.560000e+02 : f32
      %mul3A_263 = vector.broadcast %mul3A_262 : f32 to vector<16xf32>
      %mul3A_264 = arith.mulf %get3A_261, %mul3A_263 : vector<16xf32>
      %convert_element_type3A_265 = arith.fptosi %mul3A_264 : vector<16xf32> to vector<16xi32>
      %convert_element_type3A_266 = arith.sitofp %convert_element_type3A_265 : vector<16xi32> to vector<16xf32>
      %gt3A_267 = arith.cmpf ogt, %convert_element_type3A_266, %mul3A_264 : vector<16xf32>
      %jit3A_268 = arith.constant 511 : i32
      %jit3A_269 = arith.constant 512 : i32
      %broadcast_in_dim3A_270 = vector.broadcast %jit3A_268 : i32 to vector<16xi32>
      %broadcast_in_dim3A_271 = vector.broadcast %jit3A_269 : i32 to vector<16xi32>
      %select_n3A_272 = arith.select %gt3A_267, %broadcast_in_dim3A_270, %broadcast_in_dim3A_271 : vector<16xi1>, vector<16xi32>
      %add3A_273 = arith.addi %convert_element_type3A_265, %select_n3A_272 : vector<16xi32>
      %jit3A_274 = arith.constant 0 : i32
      %jit3A_275 = arith.constant 1023 : i32
      %max3A_276 = vector.broadcast %jit3A_274 : i32 to vector<16xi32>
      %max3A_277 = arith.maxsi %max3A_276, %add3A_273 : vector<16xi32>
      %min3A_278 = vector.broadcast %jit3A_275 : i32 to vector<16xi32>
      %min3A_279 = arith.minsi %min3A_278, %max3A_277 : vector<16xi32>
      %gather3A_280 = tpu.vector_load_idx %arg7[%min3A_279] : memref<1024xf32, #tpu.memory_space<vmem>>[vector<16xi32>], vector<16xf32>,
      %swap3A_281 = arith.constant 160 : index
      %swap3A_282 = tpu.vector_load %arg10[%swap3A_281] {strides = array<i32>} : memref<10416xf32, #tpu.memory_space<vmem>>, vector<16xf32>,
      tpu.vector_store %arg10[%swap3A_281], %gather3A_280 {strides = array<i32>} : memref<10416xf32, #tpu.memory_space<vmem>>, vector<16xf32>,
      %get3A_283 = arith.constant 176 : index
      %get3A_284 = tpu.vector_load %arg8[%get3A_283] {strides = array<i32>} : memref<10416xf32, #tpu.memory_space<vmem>>, vector<16xf32>,
      %mul3A_285 = arith.constant 2.560000e+02 : f32
      %mul3A_286 = vector.broadcast %mul3A_285 : f32 to vector<16xf32>
      %mul3A_287 = arith.mulf %get3A_284, %mul3A_286 : vector<16xf32>
      %convert_element_type3A_288 = arith.fptosi %mul3A_287 : vector<16xf32> to vector<16xi32>
      %convert_element_type3A_289 = arith.sitofp %convert_element_type3A_288 : vector<16xi32> to vector<16xf32>
      %gt3A_290 = arith.cmpf ogt, %convert_element_type3A_289, %mul3A_287 : vector<16xf32>
      %jit3A_291 = arith.constant 511 : i32
      %jit3A_292 = arith.constant 512 : i32
      %broadcast_in_dim3A_293 = vector.broadcast %jit3A_291 : i32 to vector<16xi32>
      %broadcast_in_dim3A_294 = vector.broadcast %jit3A_292 : i32 to vector<16xi32>
      %select_n3A_295 = arith.select %gt3A_290, %broadcast_in_dim3A_293, %broadcast_in_dim3A_294 : vector<16xi1>, vector<16xi32>
      %add3A_296 = arith.addi %convert_element_type3A_288, %select_n3A_295 : vector<16xi32>
      %jit3A_297 = arith.constant 0 : i32
      %jit3A_298 = arith.constant 1023 : i32
      %max3A_299 = vector.broadcast %jit3A_297 : i32 to vector<16xi32>
      %max3A_300 = arith.maxsi %max3A_299, %add3A_296 : vector<16xi32>
      %min3A_301 = vector.broadcast %jit3A_298 : i32 to vector<16xi32>
      %min3A_302 = arith.minsi %min3A_301, %max3A_300 : vector<16xi32>
      %gather3A_303 = tpu.vector_load_idx %arg7[%min3A_302] : memref<1024xf32, #tpu.memory_space<vmem>>[vector<16xi32>], vector<16xf32>,
      %swap3A_304 = arith.constant 176 : index
      %swap3A_305 = tpu.vector_load %arg10[%swap3A_304] {strides = array<i32>} : memref<10416xf32, #tpu.memory_space<vmem>>, vector<16xf32>,
      tpu.vector_store %arg10[%swap3A_304], %gather3A_303 {strides = array<i32>} : memref<10416xf32, #tpu.memory_space<vmem>>, vector<16xf32>,
      %get3A_306 = arith.constant 192 : index
      %get3A_307 = tpu.vector_load %arg8[%get3A_306] {strides = array<i32>} : memref<10416xf32, #tpu.memory_space<vmem>>, vector<16xf32>,
      %mul3A_308 = arith.constant 2.560000e+02 : f32
      %mul3A_309 = vector.broadcast %mul3A_308 : f32 to vector<16xf32>
      %mul3A_310 = arith.mulf %get3A_307, %mul3A_309 : vector<16xf32>
      %convert_element_type3A_311 = arith.fptosi %mul3A_310 : vector<16xf32> to vector<16xi32>
      %convert_element_type3A_312 = arith.sitofp %convert_element_type3A_311 : vector<16xi32> to vector<16xf32>
      %gt3A_313 = arith.cmpf ogt, %convert_element_type3A_312, %mul3A_310 : vector<16xf32>
      %jit3A_314 = arith.constant 511 : i32
      %jit3A_315 = arith.constant 512 : i32
      %broadcast_in_dim3A_316 = vector.broadcast %jit3A_314 : i32 to vector<16xi32>
      %broadcast_in_dim3A_317 = vector.broadcast %jit3A_315 : i32 to vector<16xi32>
      %select_n3A_318 = arith.select %gt3A_313, %broadcast_in_dim3A_316, %broadcast_in_dim3A_317 : vector<16xi1>, vector<16xi32>
      %add3A_319 = arith.addi %convert_element_type3A_311, %select_n3A_318 : vector<16xi32>
      %jit3A_320 = arith.constant 0 : i32
      %jit3A_321 = arith.constant 1023 : i32
      %max3A_322 = vector.broadcast %jit3A_320 : i32 to vector<16xi32>
      %max3A_323 = arith.maxsi %max3A_322, %add3A_319 : vector<16xi32>
      %min3A_324 = vector.broadcast %jit3A_321 : i32 to vector<16xi32>
      %min3A_325 = arith.minsi %min3A_324, %max3A_323 : vector<16xi32>
      %gather3A_326 = tpu.vector_load_idx %arg7[%min3A_325] : memref<1024xf32, #tpu.memory_space<vmem>>[vector<16xi32>], vector<16xf32>,
      %swap3A_327 = arith.constant 192 : index
      %swap3A_328 = tpu.vector_load %arg10[%swap3A_327] {strides = array<i32>} : memref<10416xf32, #tpu.memory_space<vmem>>, vector<16xf32>,
      tpu.vector_store %arg10[%swap3A_327], %gather3A_326 {strides = array<i32>} : memref<10416xf32, #tpu.memory_space<vmem>>, vector<16xf32>,
      %get3A_329 = arith.constant 208 : index
      %get3A_330 = tpu.vector_load %arg8[%get3A_329] {strides = array<i32>} : memref<10416xf32, #tpu.memory_space<vmem>>, vector<16xf32>,
      %mul3A_331 = arith.constant 2.560000e+02 : f32
      %mul3A_332 = vector.broadcast %mul3A_331 : f32 to vector<16xf32>
      %mul3A_333 = arith.mulf %get3A_330, %mul3A_332 : vector<16xf32>
      %convert_element_type3A_334 = arith.fptosi %mul3A_333 : vector<16xf32> to vector<16xi32>
      %convert_element_type3A_335 = arith.sitofp %convert_element_type3A_334 : vector<16xi32> to vector<16xf32>
      %gt3A_336 = arith.cmpf ogt, %convert_element_type3A_335, %mul3A_333 : vector<16xf32>
      %jit3A_337 = arith.constant 511 : i32
      %jit3A_338 = arith.constant 512 : i32
      %broadcast_in_dim3A_339 = vector.broadcast %jit3A_337 : i32 to vector<16xi32>
      %broadcast_in_dim3A_340 = vector.broadcast %jit3A_338 : i32 to vector<16xi32>
      %select_n3A_341 = arith.select %gt3A_336, %broadcast_in_dim3A_339, %broadcast_in_dim3A_340 : vector<16xi1>, vector<16xi32>
      %add3A_342 = arith.addi %convert_element_type3A_334, %select_n3A_341 : vector<16xi32>
      %jit3A_343 = arith.constant 0 : i32
      %jit3A_344 = arith.constant 1023 : i32
      %max3A_345 = vector.broadcast %jit3A_343 : i32 to vector<16xi32>
      %max3A_346 = arith.maxsi %max3A_345, %add3A_342 : vector<16xi32>
      %min3A_347 = vector.broadcast %jit3A_344 : i32 to vector<16xi32>
      %min3A_348 = arith.minsi %min3A_347, %max3A_346 : vector<16xi32>
      %gather3A_349 = tpu.vector_load_idx %arg7[%min3A_348] : memref<1024xf32, #tpu.memory_space<vmem>>[vector<16xi32>], vector<16xf32>,
      %swap3A_350 = arith.constant 208 : index
      %swap3A_351 = tpu.vector_load %arg10[%swap3A_350] {strides = array<i32>} : memref<10416xf32, #tpu.memory_space<vmem>>, vector<16xf32>,
      tpu.vector_store %arg10[%swap3A_350], %gather3A_349 {strides = array<i32>} : memref<10416xf32, #tpu.memory_space<vmem>>, vector<16xf32>,
      %get3A_352 = arith.constant 224 : index
      %get3A_353 = tpu.vector_load %arg8[%get3A_352] {strides = array<i32>} : memref<10416xf32, #tpu.memory_space<vmem>>, vector<16xf32>,
      %mul3A_354 = arith.constant 2.560000e+02 : f32
      %mul3A_355 = vector.broadcast %mul3A_354 : f32 to vector<16xf32>
      %mul3A_356 = arith.mulf %get3A_353, %mul3A_355 : vector<16xf32>
      %convert_element_type3A_357 = arith.fptosi %mul3A_356 : vector<16xf32> to vector<16xi32>
      %convert_element_type3A_358 = arith.sitofp %convert_element_type3A_357 : vector<16xi32> to vector<16xf32>
      %gt3A_359 = arith.cmpf ogt, %convert_element_type3A_358, %mul3A_356 : vector<16xf32>
      %jit3A_360 = arith.constant 511 : i32
      %jit3A_361 = arith.constant 512 : i32
      %broadcast_in_dim3A_362 = vector.broadcast %jit3A_360 : i32 to vector<16xi32>
      %broadcast_in_dim3A_363 = vector.broadcast %jit3A_361 : i32 to vector<16xi32>
      %select_n3A_364 = arith.select %gt3A_359, %broadcast_in_dim3A_362, %broadcast_in_dim3A_363 : vector<16xi1>, vector<16xi32>
      %add3A_365 = arith.addi %convert_element_type3A_357, %select_n3A_364 : vector<16xi32>
      %jit3A_366 = arith.constant 0 : i32
      %jit3A_367 = arith.constant 1023 : i32
      %max3A_368 = vector.broadcast %jit3A_366 : i32 to vector<16xi32>
      %max3A_369 = arith.maxsi %max3A_368, %add3A_365 : vector<16xi32>
      %min3A_370 = vector.broadcast %jit3A_367 : i32 to vector<16xi32>
      %min3A_371 = arith.minsi %min3A_370, %max3A_369 : vector<16xi32>
      %gather3A_372 = tpu.vector_load_idx %arg7[%min3A_371] : memref<1024xf32, #tpu.memory_space<vmem>>[vector<16xi32>], vector<16xf32>,
      %swap3A_373 = arith.constant 224 : index
      %swap3A_374 = tpu.vector_load %arg10[%swap3A_373] {strides = array<i32>} : memref<10416xf32, #tpu.memory_space<vmem>>, vector<16xf32>,
      tpu.vector_store %arg10[%swap3A_373], %gather3A_372 {strides = array<i32>} : memref<10416xf32, #tpu.memory_space<vmem>>, vector<16xf32>,
      %get3A_375 = arith.constant 240 : index
      %get3A_376 = tpu.vector_load %arg8[%get3A_375] {strides = array<i32>} : memref<10416xf32, #tpu.memory_space<vmem>>, vector<16xf32>,
      %mul3A_377 = arith.constant 2.560000e+02 : f32
      %mul3A_378 = vector.broadcast %mul3A_377 : f32 to vector<16xf32>
      %mul3A_379 = arith.mulf %get3A_376, %mul3A_378 : vector<16xf32>
      %convert_element_type3A_380 = arith.fptosi %mul3A_379 : vector<16xf32> to vector<16xi32>
      %convert_element_type3A_381 = arith.sitofp %convert_element_type3A_380 : vector<16xi32> to vector<16xf32>
      %gt3A_382 = arith.cmpf ogt, %convert_element_type3A_381, %mul3A_379 : vector<16xf32>
      %jit3A_383 = arith.constant 511 : i32
      %jit3A_384 = arith.constant 512 : i32
      %broadcast_in_dim3A_385 = vector.broadcast %jit3A_383 : i32 to vector<16xi32>
      %broadcast_in_dim3A_386 = vector.broadcast %jit3A_384 : i32 to vector<16xi32>
      %select_n3A_387 = arith.select %gt3A_382, %broadcast_in_dim3A_385, %broadcast_in_dim3A_386 : vector<16xi1>, vector<16xi32>
      %add3A_388 = arith.addi %convert_element_type3A_380, %select_n3A_387 : vector<16xi32>
      %jit3A_389 = arith.constant 0 : i32
      %jit3A_390 = arith.constant 1023 : i32
      %max3A_391 = vector.broadcast %jit3A_389 : i32 to vector<16xi32>
      %max3A_392 = arith.maxsi %max3A_391, %add3A_388 : vector<16xi32>
      %min3A_393 = vector.broadcast %jit3A_390 : i32 to vector<16xi32>
      %min3A_394 = arith.minsi %min3A_393, %max3A_392 : vector<16xi32>
      %gather3A_395 = tpu.vector_load_idx %arg7[%min3A_394] : memref<1024xf32, #tpu.memory_space<vmem>>[vector<16xi32>], vector<16xf32>,
      %swap3A_396 = arith.constant 240 : index
      %swap3A_397 = tpu.vector_load %arg10[%swap3A_396] {strides = array<i32>} : memref<10416xf32, #tpu.memory_space<vmem>>, vector<16xf32>,
      tpu.vector_store %arg10[%swap3A_396], %gather3A_395 {strides = array<i32>} : memref<10416xf32, #tpu.memory_space<vmem>>, vector<16xf32>,
      "tpu.region"() ({
        %run_scoped3A = tpu.sem_alloc : memref<!tpu.dma_semaphore, #tpu.memory_space<semaphore_mem>>
        %dma_start3A_398 = arith.constant 0 : i32
        %dma_start3A_399 = tpu.memref_slice %arg10[%dma_start3A_398] : memref<10416xf32, #tpu.memory_space<vmem>> -> memref<256xf32, #tpu.memory_space<vmem>>
        %dma_start3A_400 = arith.constant 0 : i32
        %dma_start3A_401 = tpu.memref_slice %arg10[%dma_start3A_400] : memref<10416xf32, #tpu.memory_space<vmem>> -> memref<256xf32, #tpu.memory_space<vmem>>
        tpu.enqueue_dma source(%dma_start3A_401 : memref<256xf32, #tpu.memory_space<vmem>>) target(%arg6 : memref<256xf32, #tpu.memory_space<hbm>>) target_semaphore(%run_scoped3A : memref<!tpu.dma_semaphore, #tpu.memory_space<semaphore_mem>>)
        %dma_wait3A_402 = arith.constant 0 : i32
        %dma_wait3A_403 = tpu.memref_slice %arg10[%dma_wait3A_402] : memref<10416xf32, #tpu.memory_space<vmem>> -> memref<256xf32, #tpu.memory_space<vmem>>
        %dma_wait3A_404 = arith.constant 0 : i32
        %dma_wait3A_405 = tpu.memref_slice %arg10[%dma_wait3A_404] : memref<10416xf32, #tpu.memory_space<vmem>> -> memref<256xf32, #tpu.memory_space<vmem>>
        tpu.wait_dma2 semaphore(%run_scoped3A : memref<!tpu.dma_semaphore, #tpu.memory_space<semaphore_mem>>) src(%dma_wait3A_405 : memref<256xf32, #tpu.memory_space<vmem>>) dst(%arg6 : memref<256xf32, #tpu.memory_space<hbm>>)
        tpu.yield
      }) : () -> ()
    } else {
    }
    return
  }
}

#map = affine_map<(d0, d1) -> (0)>
module attributes {stable_mosaic.version = 14 : i64} {
  func.func @pcn_piece4(%arg0: i32, %arg1: i32, %arg2: memref<3999744xf32, #tpu.memory_space<hbm>>, %arg3: memref<1024xf32, #tpu.memory_space<hbm>>, %arg4: memref<666624xf32, #tpu.memory_space<hbm>>, %arg5: memref<1024xf32, #tpu.memory_space<vmem>>, %arg6: memref<10416xf32, #tpu.memory_space<vmem>>, %arg7: memref<10416xf32, #tpu.memory_space<vmem>>, %arg8: memref<10416xf32, #tpu.memory_space<vmem>>, %arg9: memref<10416xf32, #tpu.memory_space<vmem>>, %arg10: memref<!tpu.dma_semaphore, #tpu.memory_space<semaphore_mem>>, %arg11: memref<!tpu.dma_semaphore, #tpu.memory_space<semaphore_mem>>, %arg12: memref<!tpu.dma_semaphore, #tpu.memory_space<semaphore_mem>>, %arg13: memref<!tpu.dma_semaphore, #tpu.memory_space<semaphore_mem>>) attributes {dimension_semantics = [#tpu.dimension_semantics<core_parallel>, #tpu.dimension_semantics<subcore_parallel>], iteration_bounds = array<i64: 2, 16>, scalar_prefetch = 0 : i64, scratch_operands = 9 : i64, tpu.core_type = #tpu.core_type<sc_vector_subcore>, window_params = [{transform_indices = #map}, {transform_indices = #map}, {transform_indices = #map}]} {
    %mul3A = arith.constant 2 : i32
    %mul3A_0 = arith.muli %arg1, %mul3A : i32
    %add3A = arith.addi %mul3A_0, %arg0 : i32
    %mul3A_1 = arith.constant 20832 : i32
    %mul3A_2 = arith.muli %add3A, %mul3A_1 : i32
    %add3A_3 = arith.constant 2666496 : i32
    %add3A_4 = arith.addi %add3A_3, %mul3A_2 : i32
    %mul3A_5 = arith.constant 20832 : i32
    %mul3A_6 = arith.muli %add3A, %mul3A_5 : i32
    "tpu.region"() ({
      %run_scoped3A = tpu.sem_alloc : memref<!tpu.dma_semaphore, #tpu.memory_space<semaphore_mem>>
      tpu.enqueue_dma source(%arg3 : memref<1024xf32, #tpu.memory_space<hbm>>) target(%arg5 : memref<1024xf32, #tpu.memory_space<vmem>>) target_semaphore(%run_scoped3A : memref<!tpu.dma_semaphore, #tpu.memory_space<semaphore_mem>>)
      tpu.wait_dma2 semaphore(%run_scoped3A : memref<!tpu.dma_semaphore, #tpu.memory_space<semaphore_mem>>) src(%arg3 : memref<1024xf32, #tpu.memory_space<hbm>>) dst(%arg5 : memref<1024xf32, #tpu.memory_space<vmem>>)
      tpu.yield
    }) : () -> ()
    %add3A_7 = arith.constant 0 : i32
    %add3A_8 = arith.addi %add3A_4, %add3A_7 : i32
    %dma_start3A = tpu.memref_slice %arg2[%add3A_8] : memref<3999744xf32, #tpu.memory_space<hbm>> -> memref<10416xf32, #tpu.memory_space<hbm>>
    %dma_start3A_9 = tpu.memref_slice %arg2[%add3A_8] : memref<3999744xf32, #tpu.memory_space<hbm>> -> memref<10416xf32, #tpu.memory_space<hbm>>
    tpu.enqueue_dma source(%dma_start3A_9 : memref<10416xf32, #tpu.memory_space<hbm>>) target(%arg6 : memref<10416xf32, #tpu.memory_space<vmem>>) target_semaphore(%arg10 : memref<!tpu.dma_semaphore, #tpu.memory_space<semaphore_mem>>)
    %add3A_10 = arith.constant 10416 : i32
    %add3A_11 = arith.addi %add3A_4, %add3A_10 : i32
    %dma_start3A_12 = tpu.memref_slice %arg2[%add3A_11] : memref<3999744xf32, #tpu.memory_space<hbm>> -> memref<10416xf32, #tpu.memory_space<hbm>>
    %dma_start3A_13 = tpu.memref_slice %arg2[%add3A_11] : memref<3999744xf32, #tpu.memory_space<hbm>> -> memref<10416xf32, #tpu.memory_space<hbm>>
    tpu.enqueue_dma source(%dma_start3A_13 : memref<10416xf32, #tpu.memory_space<hbm>>) target(%arg7 : memref<10416xf32, #tpu.memory_space<vmem>>) target_semaphore(%arg11 : memref<!tpu.dma_semaphore, #tpu.memory_space<semaphore_mem>>)
    %dma_wait3A = tpu.memref_slice %arg2[%add3A_8] : memref<3999744xf32, #tpu.memory_space<hbm>> -> memref<10416xf32, #tpu.memory_space<hbm>>
    %dma_wait3A_14 = tpu.memref_slice %arg2[%add3A_8] : memref<3999744xf32, #tpu.memory_space<hbm>> -> memref<10416xf32, #tpu.memory_space<hbm>>
    tpu.wait_dma2 semaphore(%arg10 : memref<!tpu.dma_semaphore, #tpu.memory_space<semaphore_mem>>) src(%dma_wait3A_14 : memref<10416xf32, #tpu.memory_space<hbm>>) dst(%arg6 : memref<10416xf32, #tpu.memory_space<vmem>>)
    %parallel_loop3A = arith.constant 0 : i32
    %parallel_loop3A_15 = arith.constant 10416 : i32
    %parallel_loop3A_16 = arith.constant 16 : i32
    scf.for %parallel_loop3A_34 = %parallel_loop3A to %parallel_loop3A_15 step %parallel_loop3A_16  : i32 {
      %parallel_loop3A_35 = arith.index_cast %parallel_loop3A_34 : i32 to index
      %parallel_loop3A_36 = tpu.vector_load %arg6[%parallel_loop3A_35] {strides = array<i32>} : memref<10416xf32, #tpu.memory_space<vmem>>, vector<16xf32>,
      %parallel_loop3A_37 = arith.constant 2.560000e+02 : f32
      %parallel_loop3A_38 = vector.broadcast %parallel_loop3A_37 : f32 to vector<16xf32>
      %parallel_loop3A_39 = arith.mulf %parallel_loop3A_36, %parallel_loop3A_38 : vector<16xf32>
      %parallel_loop3A_40 = arith.fptosi %parallel_loop3A_39 : vector<16xf32> to vector<16xi32>
      %parallel_loop3A_41 = arith.sitofp %parallel_loop3A_40 : vector<16xi32> to vector<16xf32>
      %parallel_loop3A_42 = arith.cmpf ogt, %parallel_loop3A_41, %parallel_loop3A_39 : vector<16xf32>
      %parallel_loop3A_43 = arith.constant 511 : i32
      %parallel_loop3A_44 = arith.constant 512 : i32
      %parallel_loop3A_45 = vector.broadcast %parallel_loop3A_43 : i32 to vector<16xi32>
      %parallel_loop3A_46 = vector.broadcast %parallel_loop3A_44 : i32 to vector<16xi32>
      %parallel_loop3A_47 = arith.select %parallel_loop3A_42, %parallel_loop3A_45, %parallel_loop3A_46 : vector<16xi1>, vector<16xi32>
      %parallel_loop3A_48 = arith.addi %parallel_loop3A_40, %parallel_loop3A_47 : vector<16xi32>
      %parallel_loop3A_49 = arith.constant 0 : i32
      %parallel_loop3A_50 = arith.constant 1023 : i32
      %parallel_loop3A_51 = vector.broadcast %parallel_loop3A_49 : i32 to vector<16xi32>
      %parallel_loop3A_52 = arith.maxsi %parallel_loop3A_51, %parallel_loop3A_48 : vector<16xi32>
      %parallel_loop3A_53 = vector.broadcast %parallel_loop3A_50 : i32 to vector<16xi32>
      %parallel_loop3A_54 = arith.minsi %parallel_loop3A_53, %parallel_loop3A_52 : vector<16xi32>
      %parallel_loop3A_55 = tpu.vector_load_idx %arg5[%parallel_loop3A_54] : memref<1024xf32, #tpu.memory_space<vmem>>[vector<16xi32>], vector<16xf32>,
      %parallel_loop3A_56 = arith.index_cast %parallel_loop3A_34 : i32 to index
      %parallel_loop3A_57 = tpu.vector_load %arg8[%parallel_loop3A_56] {strides = array<i32>} : memref<10416xf32, #tpu.memory_space<vmem>>, vector<16xf32>,
      tpu.vector_store %arg8[%parallel_loop3A_56], %parallel_loop3A_55 {strides = array<i32>} : memref<10416xf32, #tpu.memory_space<vmem>>, vector<16xf32>,
    } {sc.loop_unroll_factor = 8 : i64, sc.parallel_access}
    %add3A_17 = arith.constant 0 : i32
    %add3A_18 = arith.addi %mul3A_6, %add3A_17 : i32
    %dma_start3A_19 = tpu.memref_slice %arg4[%add3A_18] : memref<666624xf32, #tpu.memory_space<hbm>> -> memref<10416xf32, #tpu.memory_space<hbm>>
    %dma_start3A_20 = tpu.memref_slice %arg4[%add3A_18] : memref<666624xf32, #tpu.memory_space<hbm>> -> memref<10416xf32, #tpu.memory_space<hbm>>
    tpu.enqueue_dma source(%arg8 : memref<10416xf32, #tpu.memory_space<vmem>>) target(%dma_start3A_20 : memref<10416xf32, #tpu.memory_space<hbm>>) target_semaphore(%arg12 : memref<!tpu.dma_semaphore, #tpu.memory_space<semaphore_mem>>)
    %dma_wait3A_21 = tpu.memref_slice %arg2[%add3A_11] : memref<3999744xf32, #tpu.memory_space<hbm>> -> memref<10416xf32, #tpu.memory_space<hbm>>
    %dma_wait3A_22 = tpu.memref_slice %arg2[%add3A_11] : memref<3999744xf32, #tpu.memory_space<hbm>> -> memref<10416xf32, #tpu.memory_space<hbm>>
    tpu.wait_dma2 semaphore(%arg11 : memref<!tpu.dma_semaphore, #tpu.memory_space<semaphore_mem>>) src(%dma_wait3A_22 : memref<10416xf32, #tpu.memory_space<hbm>>) dst(%arg7 : memref<10416xf32, #tpu.memory_space<vmem>>)
    %parallel_loop3A_23 = arith.constant 0 : i32
    %parallel_loop3A_24 = arith.constant 10416 : i32
    %parallel_loop3A_25 = arith.constant 16 : i32
    scf.for %parallel_loop3A_34 = %parallel_loop3A_23 to %parallel_loop3A_24 step %parallel_loop3A_25  : i32 {
      %parallel_loop3A_35 = arith.index_cast %parallel_loop3A_34 : i32 to index
      %parallel_loop3A_36 = tpu.vector_load %arg7[%parallel_loop3A_35] {strides = array<i32>} : memref<10416xf32, #tpu.memory_space<vmem>>, vector<16xf32>,
      %parallel_loop3A_37 = arith.constant 2.560000e+02 : f32
      %parallel_loop3A_38 = vector.broadcast %parallel_loop3A_37 : f32 to vector<16xf32>
      %parallel_loop3A_39 = arith.mulf %parallel_loop3A_36, %parallel_loop3A_38 : vector<16xf32>
      %parallel_loop3A_40 = arith.fptosi %parallel_loop3A_39 : vector<16xf32> to vector<16xi32>
      %parallel_loop3A_41 = arith.sitofp %parallel_loop3A_40 : vector<16xi32> to vector<16xf32>
      %parallel_loop3A_42 = arith.cmpf ogt, %parallel_loop3A_41, %parallel_loop3A_39 : vector<16xf32>
      %parallel_loop3A_43 = arith.constant 511 : i32
      %parallel_loop3A_44 = arith.constant 512 : i32
      %parallel_loop3A_45 = vector.broadcast %parallel_loop3A_43 : i32 to vector<16xi32>
      %parallel_loop3A_46 = vector.broadcast %parallel_loop3A_44 : i32 to vector<16xi32>
      %parallel_loop3A_47 = arith.select %parallel_loop3A_42, %parallel_loop3A_45, %parallel_loop3A_46 : vector<16xi1>, vector<16xi32>
      %parallel_loop3A_48 = arith.addi %parallel_loop3A_40, %parallel_loop3A_47 : vector<16xi32>
      %parallel_loop3A_49 = arith.constant 0 : i32
      %parallel_loop3A_50 = arith.constant 1023 : i32
      %parallel_loop3A_51 = vector.broadcast %parallel_loop3A_49 : i32 to vector<16xi32>
      %parallel_loop3A_52 = arith.maxsi %parallel_loop3A_51, %parallel_loop3A_48 : vector<16xi32>
      %parallel_loop3A_53 = vector.broadcast %parallel_loop3A_50 : i32 to vector<16xi32>
      %parallel_loop3A_54 = arith.minsi %parallel_loop3A_53, %parallel_loop3A_52 : vector<16xi32>
      %parallel_loop3A_55 = tpu.vector_load_idx %arg5[%parallel_loop3A_54] : memref<1024xf32, #tpu.memory_space<vmem>>[vector<16xi32>], vector<16xf32>,
      %parallel_loop3A_56 = arith.index_cast %parallel_loop3A_34 : i32 to index
      %parallel_loop3A_57 = tpu.vector_load %arg9[%parallel_loop3A_56] {strides = array<i32>} : memref<10416xf32, #tpu.memory_space<vmem>>, vector<16xf32>,
      tpu.vector_store %arg9[%parallel_loop3A_56], %parallel_loop3A_55 {strides = array<i32>} : memref<10416xf32, #tpu.memory_space<vmem>>, vector<16xf32>,
    } {sc.loop_unroll_factor = 8 : i64, sc.parallel_access}
    %add3A_26 = arith.constant 10416 : i32
    %add3A_27 = arith.addi %mul3A_6, %add3A_26 : i32
    %dma_start3A_28 = tpu.memref_slice %arg4[%add3A_27] : memref<666624xf32, #tpu.memory_space<hbm>> -> memref<10416xf32, #tpu.memory_space<hbm>>
    %dma_start3A_29 = tpu.memref_slice %arg4[%add3A_27] : memref<666624xf32, #tpu.memory_space<hbm>> -> memref<10416xf32, #tpu.memory_space<hbm>>
    tpu.enqueue_dma source(%arg9 : memref<10416xf32, #tpu.memory_space<vmem>>) target(%dma_start3A_29 : memref<10416xf32, #tpu.memory_space<hbm>>) target_semaphore(%arg13 : memref<!tpu.dma_semaphore, #tpu.memory_space<semaphore_mem>>)
    %dma_wait3A_30 = tpu.memref_slice %arg4[%add3A_18] : memref<666624xf32, #tpu.memory_space<hbm>> -> memref<10416xf32, #tpu.memory_space<hbm>>
    %dma_wait3A_31 = tpu.memref_slice %arg4[%add3A_18] : memref<666624xf32, #tpu.memory_space<hbm>> -> memref<10416xf32, #tpu.memory_space<hbm>>
    tpu.wait_dma2 semaphore(%arg12 : memref<!tpu.dma_semaphore, #tpu.memory_space<semaphore_mem>>) src(%arg8 : memref<10416xf32, #tpu.memory_space<vmem>>) dst(%dma_wait3A_31 : memref<10416xf32, #tpu.memory_space<hbm>>)
    %dma_wait3A_32 = tpu.memref_slice %arg4[%add3A_27] : memref<666624xf32, #tpu.memory_space<hbm>> -> memref<10416xf32, #tpu.memory_space<hbm>>
    %dma_wait3A_33 = tpu.memref_slice %arg4[%add3A_27] : memref<666624xf32, #tpu.memory_space<hbm>> -> memref<10416xf32, #tpu.memory_space<hbm>>
    tpu.wait_dma2 semaphore(%arg13 : memref<!tpu.dma_semaphore, #tpu.memory_space<semaphore_mem>>) src(%arg9 : memref<10416xf32, #tpu.memory_space<vmem>>) dst(%dma_wait3A_33 : memref<10416xf32, #tpu.memory_space<hbm>>)
    return
  }
}

</mosaic_0001>

<sc_bundles>
// kernel: pcn_last.3.cloned.1.call-start
scs
__scs_entry_jumppad:
0x0: {  	(pc) =	sbr.rel $0x88, $3  }
0x1: {  	(tag) =	ssettag $0x0;
	lr =	simm.s32 $0x1  }
0x2: {  	[smem:$0x3F9F] =	sst lr;
	_ =	strace $0xD0000000  }
0x3: {  	_ = 	snop  }
0x4: {  	_ = 	snop  }
0x5: {  	_ = 	snop  }
0x6: {  	_ = 	snop  }
0x7: {  	_ = 	snop  }
__scs_overlays_trampoline_lowered:
0x8: {  	[smem:$0x3FAE] =	sst s0  }
0x9: {  	[smem:$0x3FAF] =	sst s1  }
0xa: {  	[smem:$0x3FB0] =	sst s2  }
0xb: {  	[smem:$0x3FB1] =	sst s3  }
0xc: {  	[smem:$0x3FB2] =	sst s4  }
0xd: {  	[smem:$0x3FB3] =	sst s5  }
0xe: {  	[smem:$0x3FB4] =	sst s6  }
0xf: {  	[smem:$0x3FB5] =	sst s7  }
0x10: {  	[smem:$0x3FB6] =	sst s8  }
0x11: {  	[smem:$0x3FB7] =	sst s9;
	s0 =	simm.s32 @!p0 $0x0  }
0x12: {  	s1 =	sld [smem:$0x3F9D];
	s0 =	simm.s32 @p0 $0x1  }
0x13: {  	[smem:$0x3FB8] =	sst s0;
	s0 =	simm.s32 @!p1 $0x0  }
0x14: {  	s2 =	sld [smem:$0x3F9C];
	s0 =	simm.s32 @p1 $0x1  }
0x15: {  	[smem:$0x3FB9] =	sst s0;
	s0 =	simm.s32 @!p2 $0x0  }
0x16: {  	s3 =	sld [smem:$0x3FDB];
	s0 =	simm.s32 @p2 $0x1  }
0x17: {  	s4 =	simm.s32 $0x1BF5;
	[smem:$0x3FBB] =	sst s0  }
0x18: {  	s0 =	sld [smem:$0x3F9E];
	_ =	swait.ge [sflag:s4], $0x0  }
0x19: {  	s7 =	sld [smem:$0x3F9F]  }
0x1a: {  	s8 =	sadd.s32 $0xFFFFE003, lr  }
0x1b: {  	s9 =	sadd.s32 $0xFFFFFEF7, lr;
	s5 =	simm.s32 $0xFFFFFFFF;
	p2 =	slt.u32 s8, $0xFFFFF086  }
0x1c: {  	p1 =	slt.u32 s9, $0xF7A;
	s5 =	simm.s32 @!p2 $0x0  }
0x1d: {  	s5 =	simm.s32 @p1 $0x1;
	p0 =	seq.s32 s7, s2  }
0x1e: {  	s7 =	smul.u32 @!p0 $0xF7A, s2;
	p2 =	seq.s32 @!p0 s5, $0x0  }
0x1f: {  	s9 =	smul.u32 $0xF7A, s1;
	s8 =	simm.s32 @!p0 $0x1BF5;
	p2 =	por !p2, p0  }
0x20: {  	[sflag:s8] =	ssyncset.s32 @!p0 $0xFFFFF086;
	s6 =	sadd.s32 @!p0 s3, s7;
	s7 =	simm.s32 @!p0 $0x108  }
0x21: {  	s3 =	sadd.s32 s3, s9;
	s6 =	sadd.s32 @!p0 $0x88, s6;
	s7 =	simm.s32 @p2 $0x1082  }
0x22: {  	[simem:s7], [sflag:s8] =	dma.local @!p0 [hbm:s6], $0xF7A  }
0x23: {  	s9 =	sor.u32 $0xD0000000, s2;
	s6 =	simm.s32 $0x108;
	_ =	swait.ge @!p0 [sflag:s8], $0x0  }
0x24: {  	s3 =	sadd.s32 $0x88, s3;
	s6 =	simm.s32 @!p1 $0x1082;
	[sflag:s4] =	ssyncset.s32 $0xFFFFF086  }
0x25: {  	[simem:s6], [sflag:s4] =	dma.local [hbm:s3], $0xF7A  }
0x26: {  	[smem:$0x3F9F] =	sst s1;
	(tag) =	ssettag s2;
	_ =	strace s9  }
0x27: {  	s1 =	sld [smem:$0x3FAF]  }
0x28: {  	s2 =	sld [smem:$0x3FB0]  }
0x29: {  	s4 =	sld [smem:$0x3FB2]  }
0x2a: {  	p0 =	seq.s32 s5, $0x0;
	s5 =	sld [smem:$0x3FB3]  }
0x2b: {  	s6 =	sld [smem:$0x3FB4]  }
0x2c: {  	s7 =	sld [smem:$0x3FB5]  }
0x2d: {  	s3 =	simm.s32 $0x108;
	s8 =	sld [smem:$0x3FB6]  }
0x2e: {  	s3 =	simm.s32 @!p0 $0x1082;
	s9 =	sld [smem:$0x3FB7]  }
0x2f: {  	lr =	sadd.s32 s0, s3;
	s0 =	sld [smem:$0x3FAE]  }
0x30: {  	s3 =	sld [smem:$0x3FB1]  }
0x31: {  	[smem:$0x3FBA] =	sst s10  }
0x32: {  	s10 =	sld [smem:$0x3FB8];
	_ =	sdelay $0x3  }
0x33: {  	p0 =	seq.s32 s10, $0x1;
	s10 =	sld [smem:$0x3FBA];
	_ =	sdelay $0x3  }
0x34: {  	[smem:$0x3FBA] =	sst s10  }
0x35: {  	s10 =	sld [smem:$0x3FB9];
	_ =	sdelay $0x3  }
0x36: {  	p1 =	seq.s32 s10, $0x1;
	s10 =	sld [smem:$0x3FBA];
	_ =	sdelay $0x3  }
0x37: {  	[smem:$0x3FBA] =	sst s10  }
0x38: {  	s10 =	sld [smem:$0x3FBB]  }
0x39: {  	_ = 	snop;
	(pc) =	sbr.ind lr, $3  }
0x3a: {  	_ = 	snop  }
0x3b: {  	_ = 	snop  }
0x3c: {  	p2 =	seq.s32 s10, $0x1;
	s10 =	sld [smem:$0x3FBA]  }
0x3d: {  	_ =	shalt  }
0x3e: {  	_ =	shalt  }
0x3f: {  	_ =	shalt  }
0x40: {  	_ =	shalt  }
0x41: {  	_ =	shalt  }
0x42: {  	_ =	shalt  }
0x43: {  	_ =	shalt  }
0x44: {  	_ =	shalt  }
0x45: {  	_ =	shalt  }
0x46: {  	_ =	shalt  }
0x47: {  	_ =	shalt  }
0x48: {  	_ =	shalt  }
0x49: {  	_ =	shalt  }
0x4a: {  	_ =	shalt  }
0x4b: {  	_ =	shalt  }
0x4c: {  	_ =	shalt  }
0x4d: {  	_ =	shalt  }
0x4e: {  	_ =	shalt  }
0x4f: {  	_ =	shalt  }
0x50: {  	_ =	shalt  }
0x51: {  	_ =	shalt  }
0x52: {  	_ =	shalt  }
0x53: {  	_ =	shalt  }
0x54: {  	_ =	shalt  }
0x55: {  	_ =	shalt  }
0x56: {  	_ =	shalt  }
0x57: {  	_ =	shalt  }
0x58: {  	_ =	shalt  }
0x59: {  	_ =	shalt  }
0x5a: {  	_ =	shalt  }
0x5b: {  	_ =	shalt  }
0x5c: {  	_ =	shalt  }
0x5d: {  	_ =	shalt  }
0x5e: {  	_ =	shalt  }
0x5f: {  	_ =	shalt  }
0x60: {  	_ =	shalt  }
0x61: {  	_ =	shalt  }
0x62: {  	_ =	shalt  }
0x63: {  	_ =	shalt  }
0x64: {  	_ =	shalt  }
0x65: {  	_ =	shalt  }
0x66: {  	_ =	shalt  }
0x67: {  	_ =	shalt  }
0x68: {  	_ =	shalt  }
0x69: {  	_ =	shalt  }
0x6a: {  	_ =	shalt  }
0x6b: {  	_ =	shalt  }
0x6c: {  	_ =	shalt  }
0x6d: {  	_ =	shalt  }
0x6e: {  	_ =	shalt  }
0x6f: {  	_ =	shalt  }
0x70: {  	_ =	shalt  }
0x71: {  	_ =	shalt  }
0x72: {  	_ =	shalt  }
0x73: {  	_ =	shalt  }
0x74: {  	_ =	shalt  }
0x75: {  	_ =	shalt  }
0x76: {  	_ =	shalt  }
0x77: {  	_ =	shalt  }
0x78: {  	_ =	shalt  }
0x79: {  	_ =	shalt  }
0x7a: {  	_ =	shalt  }
0x7b: {  	_ =	shalt  }
0x7c: {  	_ =	shalt  }
0x7d: {  	_ =	shalt  }
0x7e: {  	_ =	shalt  }
0x7f: {  	_ =	shalt  }
0x80: {  	_ =	shalt  }
0x81: {  	_ =	shalt  }
0x82: {  	_ =	shalt  }
0x83: {  	_ =	shalt  }
0x84: {  	_ =	shalt  }
0x85: {  	_ =	shalt  }
0x86: {  	_ =	shalt  }
0x87: {  	_ =	shalt  }
.Lfunc_end0:
.L_simem_size_0:
called_computation.5_lowered:
.L_overlay_start_0:
0x88: {  	s2 =	sld [smem:$0x3FD9]  }
0x89: {  	s3 =	sld [smem:$0x3FFE];
	_ =	sdelay $0x1  }
0x8a: {  	s1 =	srdreg.scid  }
0x8b: {  	s0 =	sand.u32 $0x1, s1  }
0x8c: {  	s17 =	sshll.u32 s0, $0xA;
	s2 =	sadd.s32 s3, s2  }
0x8d: {  	s2 =	sadd.s32 s2, s17  }
0x8e: {  	[smem:$0x3FC6] =	sst s2  }
0x8f: {  	_ = 	snop  }
0x90: {  	s18 =	sld [smem:$0x3FC8]  }
0x91: {  	s4 =	sld [smem:$0x3FD0];
	(tm) =	ssettm $0x1  }
0x92: {  	s19 =	sld [smem:$0x3FFB];
	_ =	sdelay $0x3  }
0x93: {  	_ =	strace s19  }
0x94: {  	s2 =	sld [smem:$0x3FFC];
	_ =	sdelay $0x3  }
0x95: {  	_ =	strace s2  }
0x96: {  	s2 =	sld [smem:$0x3FFD];
	_ =	sdelay $0x3  }
0x97: {  	_ =	strace s2  }
0x98: {  	_ =	strace $0x8FFFFFFF  }
0x99: {  	s20 =	sld [smem:$0x3FDB];
	_ =	sdelay $0x1  }
0x9a: {  	s5 =	simm.s32 $_scs_section_size  }
0x9b: {  	s6 =	simm.s32 $_size__tile_overlayer_lowered;
	s7 =	simm.s32 $_tile_overlayer_lowered  }
0x9c: {  	s8 =	simm.s32 $0x1BFF;
	s21 =	sshll.u32 s7, $0x1;
	s5 =	sadd.s32 s5, s20  }
0x9d: {  	s22 =	simm.s32 $0x0;
	s6 =	sshll.u32 s6, $0x1;
	s7 =	sadd.s32 s21, s5  }
0x9e: {  	[timem:s22], [sflag:s8] =	dma.local [hbm:s7], s6  }
0x9f: {  	_ =	swait.ge [sflag:s8], s6  }
0xa0: {  	s6 =	ssub.s32 $0x0, s6;
	[sflag:s8] =	ssyncset.done $0x0  }
0xa1: {  	[sflag:s8] =	ssyncadd.s32 s6;
	_ =	sdelay $0x1  }
0xa2: {  	s23 =	simm.s32 $0x1B8B  }
0xa3: {  	_ =	swait.ge [sflag:s23], $0x1  }
0xa4: {  	[sflag:s23] =	ssyncset.done $0x0  }
0xa5: {  	[sflag:s23] =	ssyncadd.s32 $0xFFFFFFFF  }
0xa6: {  	s6 =	sld [smem:$0x0]  }
0xa7: {  	s7 =	sand.u32 $0xFFFFFFFE, s1  }
0xa8: {  	p0 =	sne.s32 s1, s7  }
0xa9: {  	s7 =	sshll.u32 @p0 s7, $0xE  }
0xaa: {  	s7 =	sadd.s32 @p0 $0x11B8D, s7;
	s8 =	sshll.u32 @p0 s6, $0x11  }
0xab: {  	s7 =	sor.u32 @p0 s8, s7  }
0xac: {  	[sflag:s7] =	ssyncadd.remote.s32 @p0 $0x1;
	_ =	sdelay $0x1  }
0xad: {  	s7 =	simm.s32 @p0 $0x1B8D  }
0xae: {  	_ =	swait.eq @p0 [sflag:s7], $0x1  }
0xaf: {  	[sflag:s7] =	ssyncadd.s32 @p0 $0xFFFFFFFF  }
0xb0: {  	s8 =	sshll.u32 @!p0 s1, $0xE  }
0xb1: {  	s8 =	sor.u32 @!p0 $0x4000, s8;
	s7 =	simm.s32 @!p0 $0x1B8D  }
0xb2: {  	s6 =	sshll.u32 @!p0 s6, $0x11;
	s8 =	sadd.s32 @!p0 $0x11B8D, s8;
	_ =	swait.eq @!p0 [sflag:s7], $0x1  }
0xb3: {  	s6 =	sor.u32 @!p0 s6, s8;
	[sflag:s7] =	ssyncadd.s32 @!p0 $0xFFFFFFFF  }
0xb4: {  	s25 =	simm.s32 $0x1B8E;
	s24 =	sld [smem:$0x3FFE];
	[sflag:s6] =	ssyncadd.remote.s32 @!p0 $0x1  }
0xb5: {  	s26 =	simm.s32 $execute0_lowered;
	[smem:$0x3FD2] =	sst s25  }
0xb6: {  	s7 =	sshll.u32 s26, $0x1;
	_ =	strace $0x80000055;
	[dreg:$0x1] =	wrdreg $0xFFFFFFFF  }
0xb7: {  	s28 =	simm.s32 $_size_execute0_lowered;
	s5 =	sadd.s32 s5, s7;
	[dreg:$0x0] =	wrdreg $0x0  }
0xb8: {  	s7 =	sshll.u32 s28, $0x1;
	[dreg:$0x2] =	wrdreg s5  }
0xb9: {  	[dreg:$0x3] =	wrdreg s7  }
0xba: {  	[dreg:$0x4] =	wrdreg $0xC0  }
0xbb: {  	_ =	task [dreg:s22], $0x5FFFF  }
0xbc: {  	[dreg:$0x1] =	wrdreg $0xFFFFFFFF  }
0xbd: {  	[dreg:$0x0] =	wrdreg $0x60  }
0xbe: {  	[dreg:$0x2] =	wrdreg s4  }
0xbf: {  	[dreg:$0x3] =	wrdreg s24  }
0xc0: {  	[dreg:$0x4] =	wrdreg s18  }
0xc1: {  	[dreg:$0x5] =	wrdreg $0xE  }
0xc2: {  	_ =	task.clear_ibuf [dreg:s22], $0x6FFFF;
	_ =	strace $0x90000055  }
0xc3: {  	s29 =	simm.s32 $0xE;
	_ =	strace $0x80000057  }
0xc4: {  	_ =	swait.ge [sflag:s29], $0x1  }
0xc5: {  	[sflag:s29] =	ssyncadd.s32 $0xFFFFFFFF  }
0xc6: {  	_ =	strace $0x90000057  }
0xc7: {  	_ =	sfence  }
0xc8: {  	s30 =	sld [smem:$0x0];
	_ =	sdelay $0x2  }
0xc9: {  	s31 =	sshll.u32 s1, $0xD;
	s1 =	sshrl.u32 s1, $0x2  }
0xca: {  	s4 =	sand.u32 $0x4000, s31;
	s1 =	sadd.s32 s1, s30  }
0xcb: {  	s0 =	sor.u32 s4, s0;
	s1 =	sshll.u32 s1, $0x11  }
0xcc: {  	s0 =	sor.u32 s1, s0  }
0xcd: {  	s0 =	sadd.s32 $0x8F2B, s0  }
0xce: {  	[sflag:s0] =	ssyncadd.remote.s32 $0x1  }
0xcf: {  	_ =	sfence.sel $0xFFFF  }
0xd0: {  	[dreg:$0x0] =	wrdreg $0xFFFFFFFF;
	(pc) =	sbr.abs _section_cstart, $3  }
0xd1: {  	[dreg:$0x1] =	wrdreg $0xFFFFFFFF  }
0xd2: {  	_ =	task.clear_ibuf [dreg:s22], $0x2FFFF;
	_ =	strace $0x9FFFFFFF  }
0xd3: {  	(tm) =	ssettm $0x7FFFFFFF  }
tec
execute0_lowered:
.L_overlay_start_1:
0x0: {  	(tag) =	ssettag $0x1  }
0x1: {  	s5 =	rddreg [dreg:$0x0]  }
0x2: {  	s6 =	rddreg [dreg:$0x1];
	s1 =	srdreg.scid  }
0x3: {  	s0 =	stileid.u32;
	s2 =	rddreg [dreg:$0x2]  }
0x4: {  	s3 =	simm.s32 $0x0;
	s11 =	simm.s32 $0x5;
	s12 =	simm.s32 $0x400  }
0x5: {  	s13 =	simm.s32 $0x2CB0;
	s14 =	simm.s32 $0x1;
	s15 =	simm.s32 $0x5560  }
0x6: {  	s16 =	simm.s32 $0x2;
	s18 =	simm.s32 $0x3;
	s19 =	simm.s32 $0x4  }
0x7: {  	s7 =	sand.u32 $0x1, s1;
	s4 =	sshll.u32 s0, $0x1;
	s1 =	rddreg [dreg:$0x3]  }
0x8: {  	s20 =	simm.s32 $0x0;
	[smem:$0x7FF] =	sst s3;
	s17 =	sor.u32 s7, s4  }
0x9: {  	_ =	strace $0x80000056;
	s7 =	ssub.s32 $0x2, s7;
	s8 =	smul.u32 $0x5160, s17  }
.Ltmp0:
0xa: {  	s4 =	sadd.s32 $0x67C00, s6;
	s10 =	sshrl.u32 s7, $0x1;
	(pc) =	sbr.rel .LBB2_1-.Ltmp0, $4  }
0xb: {  	p0 =	sne.s32 s17, $0x1F;
	s17 =	simm.s32 $0x7E10;
	s8 =	sshrl.u32 s8, $0x3  }
0xc: {  	s10 =	ssub.s32 s7, s10;
	s9 =	sadd.s32 s8, s6;
	s8 =	sadd.s32 s5, s8  }
0xd: {  	s10 =	smax.u32 s10, $0x1;
	s5 =	sadd.s32 $0x7C400, s6;
	s6 =	sadd.s32 $0x65B80, s8  }
0xe: {  	v0 =	vimm.s32 $0x200;
	s7 =	sadd.s32 $0x66096, s8;
	s8 =	sadd.s32 $0x67E00, s9;
	s9 =	sadd.s32 $0x68316, s9  }
.LBB2_11:
0xf: {  	s20 =	sadd.s32 $0x1, s20  }
0x10: {  	p1 =	sne.s32 s20, s10  }
.Ltmp1:
0x11: {  	_ = 	snop;
	(pc) =	sbr.rel @!p1 .LBB2_12-.Ltmp1, $1  }
0x12: {  	_ =	sdelay $0x3  }
.LBB2_1:
0x13: {  	[tilespmem:s3], [sflag:$0x5] =	stream.linear.gather [hbm4b:s2+s3], $0x400, $0x38;
	[tilespmem:$0xA6C0] =	vst v63  }
0x14: {  	_ =	swait.ge [sflag:s11], $0x400  }
0x15: {  	[sflag:s11] =	ssyncset.done $0x0  }
0x16: {  	[sflag:s11] =	ssyncadd.s32 $0xFFFFFC00  }
0x17: {  	[tilespmem:s12], [sflag:$0x1] =	stream.linear.gather [hbm4b:s6+s3], $0x28B0, $0x38;
	[tilespmem:$0xA6C0] =	vst v63  }
0x18: {  	_ = 	snop  }
0x19: {  	[tilespmem:s13], [sflag:$0x2] =	stream.linear.gather [hbm4b:s7+s3], $0x28B0, $0x38;
	[tilespmem:$0xA6C0] =	vst v63  }
0x1a: {  	_ =	swait.ge [sflag:s14], $0x28B0  }
0x1b: {  	[sflag:s14] =	ssyncset.done $0x0  }
0x1c: {  	s21 =	simm.s32 $0x440;
	[sflag:s14] =	ssyncadd.s32 $0xFFFFD750  }
0x1d: {  	v1 =	vld [tilespmem:s21+$0x30]  }
0x1e: {  	v2 =	vld [tilespmem:s21+$0xFFFFFFD0]  }
0x1f: {  	v3 =	vld [tilespmem:s21+$0xFFFFFFE0]  }
0x20: {  	v4 =	vld [tilespmem:s21+$0xFFFFFFF0]  }
0x21: {  	v5 =	vld [tilespmem:s21+$0x0]  }
0x22: {  	v6 =	vld [tilespmem:s21+$0x10]  }
0x23: {  	v7 =	vld [tilespmem:s21+$0x20]  }
0x24: {  	v8 =	vld [tilespmem:s21+$0xFFFFFFC0];
	v1 =	vmul.f32 $2.560000000e+02, v1  }
0x25: {  	v2 =	vmul.f32 $2.560000000e+02, v2;
	v3 =	vmul.f32 $2.560000000e+02, v3  }
0x26: {  	v4 =	vmul.f32 $2.560000000e+02, v4;
	v5 =	vmul.f32 $2.560000000e+02, v5  }
0x27: {  	v6 =	vmul.f32 $2.560000000e+02, v6;
	v9 =	vtrunc.f32 v1  }
0x28: {  	v7 =	vmul.f32 $2.560000000e+02, v7;
	v10 =	vcvt.f32.s32 v9;
	vm0 =	vlt.f32 v1, v9  }
0x29: {  	v8 =	vmul.f32 $2.560000000e+02, v8;
	v11 =	vtrunc.f32 v3;
	v9 =	vsel vm0, $0x1FF, v0  }
0x2a: {  	v12 =	vtrunc.f32 v5;
	v13 =	vtrunc.f32 v6;
	v9 =	vadd.s32 v10, v9  }
0x2b: {  	v14 =	vtrunc.f32 v7;
	v15 =	vtrunc.f32 v8;
	vm0 =	vgt.s32 v9, $0x0  }
0x2c: {  	v1 =	vtrunc.f32 v2;
	vm1 =	vlt.f32 v8, v15;
	v9 =	vnsel vm0, $0x0, v9  }
0x2d: {  	vm2 =	vlt.f32 v3, v11;
	vm4 =	vlt.f32 v5, v12;
	v9 =	vmin.u32 v9, $0x3FF  }
0x2e: {  	vm5 =	vlt.f32 v6, v13;
	v59 =	vcvt.f32.s32 v14;
	vm6 =	vlt.f32 v7, v14  }
0x2f: {  	v16 =	vcvt.f32.s32 v1;
	v6 =	vsel vm2, $0x1FF, v0;
	v61 =	vsel vm4, $0x1FF, v0  }
0x30: {  	v10 =	vtrunc.f32 v4;
	vm0 =	vlt.f32 v2, v1;
	v1 =	vcvt.f32.s32 v15  }
0x31: {  	v62 =	vsel vm5, $0x1FF, v0;
	vm3 =	vlt.f32 v4, v10;
	v4 =	vsel vm1, $0x1FF, v0  }
0x32: {  	v63 =	vsel vm6, $0x1FF, v0;
	v3 =	vcvt.f32.s32 v10;
	v7 =	vadd.s32 v1, v4;
	v1 =	vld.idx.msk [tilespmem:v9+s3+$0x0], $0xffff  }
0x33: {  	v10 =	vcvt.f32.s32 v12;
	v2 =	vcvt.f32.s32 v11;
	v5 =	vsel vm0, $0x1FF, v0  }
0x34: {  	v11 =	vcvt.f32.s32 v13;
	v60 =	vsel vm3, $0x1FF, v0;
	v5 =	vadd.s32 v16, v5  }
0x35: {  	s24 =	simm.s32 $0x55A0;
	v8 =	vadd.s32 v2, v6;
	v4 =	vadd.s32 v3, v60;
	v3 =	vadd.s32 v10, v61  }
0x36: {  	s25 =	simm.s32 $0x0;
	s26 =	simm.s32 $0x4C0;
	s21 =	simm.s32 $0x2C80;
	v6 =	vadd.s32 v11, v62;
	v2 =	vadd.s32 v59, v63;
	vm0 =	vgt.s32 v7, $0x0  }
.LBB2_2:
0x37: {  	v9 =	vld [tilespmem:s26+$0x30];
	s25 =	sadd.s32 $0x80, s25;
	vm1 =	vgt.s32 v5, $0x0;
	vm2 =	vgt.s32 v8, $0x0;
	vm3 =	vgt.s32 v4, $0x0;
	[tilespmem:s24+$0x30] =	vst v1;
	s22 =	simm.s32 $0x2870;
	s23 =	simm.s32 $0x7DE0  }
0x38: {  	vm4 =	vgt.s32 v3, $0x0;
	vm5 =	vgt.s32 v6, $0x0;
	vm6 =	vgt.s32 v2, $0x0;
	v1 =	vld [tilespmem:s26+$0xFFFFFFD0];
	p1 =	slt.u32 s25, $0x2800  }
0x39: {  	v7 =	vnsel vm0, $0x0, v7;
	v5 =	vnsel vm1, $0x0, v5;
	v8 =	vnsel vm2, $0x0, v8;
	v10 =	vld [tilespmem:s26+$0xFFFFFFE0]  }
0x3a: {  	v4 =	vnsel vm3, $0x0, v4;
	v3 =	vnsel vm4, $0x0, v3;
	v6 =	vnsel vm5, $0x0, v6;
	v11 =	vld [tilespmem:s26+$0xFFFFFFF0]  }
0x3b: {  	v7 =	vmin.u32 v7, $0x3FF;
	v2 =	vnsel vm6, $0x0, v2;
	v5 =	vmin.u32 v5, $0x3FF;
	v12 =	vld [tilespmem:s26+$0x0]  }
0x3c: {  	v8 =	vmin.u32 v8, $0x3FF;
	v4 =	vmin.u32 v4, $0x3FF;
	v13 =	vld [tilespmem:s26+$0x10];
	v9 =	vmul.f32 $2.560000000e+02, v9  }
0x3d: {  	v3 =	vmin.u32 v3, $0x3FF;
	v6 =	vmin.u32 v6, $0x3FF;
	v1 =	vmul.f32 $2.560000000e+02, v1;
	v14 =	vld [tilespmem:s26+$0x20]  }
0x3e: {  	v2 =	vmin.u32 v2, $0x3FF;
	v15 =	vld [tilespmem:s26+$0xFFFFFFC0];
	v10 =	vmul.f32 $2.560000000e+02, v10;
	v16 =	vtrunc.f32 v9  }
0x3f: {  	v11 =	vmul.f32 $2.560000000e+02, v11;
	v17 =	vcvt.f32.s32 v16;
	vm0 =	vlt.f32 v9, v16  }
0x40: {  	v9 =	vtrunc.f32 v1;
	v12 =	vmul.f32 $2.560000000e+02, v12;
	v16 =	vsel vm0, $0x1FF, v0;
	v7 =	vld.idx.msk [tilespmem:v7+s3+$0x0], $0xffff  }
0x41: {  	v18 =	vtrunc.f32 v10;
	v13 =	vmul.f32 $2.560000000e+02, v13;
	v16 =	vadd.s32 v17, v16;
	v5 =	vld.idx.msk [tilespmem:v5+s3+$0x0], $0xffff  }
0x42: {  	v17 =	vtrunc.f32 v11;
	v14 =	vmul.f32 $2.560000000e+02, v14;
	vm0 =	vgt.s32 v16, $0x0;
	v8 =	vld.idx.msk [tilespmem:v8+s3+$0x0], $0xffff  }
0x43: {  	v19 =	vtrunc.f32 v12;
	v15 =	vmul.f32 $2.560000000e+02, v15;
	v16 =	vnsel vm0, $0x0, v16;
	v4 =	vld.idx.msk [tilespmem:v4+s3+$0x0], $0xffff  }
0x44: {  	v20 =	vtrunc.f32 v13;
	v21 =	vtrunc.f32 v14;
	v16 =	vmin.u32 v16, $0x3FF;
	v3 =	vld.idx.msk [tilespmem:v3+s3+$0x0], $0xffff  }
0x45: {  	v23 =	vcvt.f32.s32 v9;
	vm0 =	vlt.f32 v1, v9;
	v22 =	vtrunc.f32 v15;
	v6 =	vld.idx.msk [tilespmem:v6+s3+$0x0], $0xffff  }
0x46: {  	v9 =	vcvt.f32.s32 v22;
	vm1 =	vlt.f32 v15, v22;
	v15 =	vcvt.f32.s32 v18;
	[tilespmem:s24+$0xFFFFFFC0] =	vst v7;
	v2 =	vld.idx.msk [tilespmem:v2+s3+$0x0], $0xffff  }
0x47: {  	vm2 =	vlt.f32 v10, v18;
	v10 =	vcvt.f32.s32 v17;
	vm3 =	vlt.f32 v11, v17;
	[tilespmem:s24+$0xFFFFFFD0] =	vst v5  }
0x48: {  	v11 =	vcvt.f32.s32 v19;
	vm4 =	vlt.f32 v12, v19;
	v12 =	vcvt.f32.s32 v20;
	[tilespmem:s24+$0xFFFFFFE0] =	vst v8  }
0x49: {  	vm5 =	vlt.f32 v13, v20;
	v13 =	vcvt.f32.s32 v21;
	vm6 =	vlt.f32 v14, v21;
	v1 =	vld.idx.msk [tilespmem:v16+s3+$0x0], $0xffff;
	[tilespmem:s24+$0xFFFFFFF0] =	vst v4  }
.Ltmp2:
0x4a: {  	v5 =	vsel vm0, $0x1FF, v0;
	v8 =	vsel vm2, $0x1FF, v0;
	v4 =	vsel vm1, $0x1FF, v0;
	[tilespmem:s24+$0x0] =	vst v3;
	(pc) =	sbr.rel @p1 .LBB2_2-.Ltmp2, $4  }
0x4b: {  	v14 =	vsel vm4, $0x1FF, v0;
	v16 =	vsel vm5, $0x1FF, v0;
	v3 =	vsel vm3, $0x1FF, v0;
	[tilespmem:s24+$0x10] =	vst v6  }
0x4c: {  	v5 =	vadd.s32 v23, v5;
	v7 =	vadd.s32 v9, v4;
	v9 =	vsel vm6, $0x1FF, v0;
	[tilespmem:s24+$0x20] =	vst v2  }
0x4d: {  	v8 =	vadd.s32 v15, v8;
	v4 =	vadd.s32 v10, v3;
	v3 =	vadd.s32 v11, v14  }
0x4e: {  	s26 =	sadd.s32 $0x80, s26;
	vm0 =	vgt.s32 v7, $0x0;
	v6 =	vadd.s32 v12, v16;
	v2 =	vadd.s32 v13, v9;
	s24 =	sadd.s32 $0x80, s24  }
0x4f: {  	vm1 =	vgt.s32 v5, $0x0;
	v7 =	vnsel vm0, $0x0, v7  }
0x50: {  	vm11 =	vgt.s32 v8, $0x0;
	v5 =	vnsel vm1, $0x0, v5;
	v7 =	vmin.u32 v7, $0x3FF  }
0x51: {  	vm12 =	vgt.s32 v4, $0x0;
	v8 =	vnsel vm11, $0x0, v8;
	v5 =	vmin.u32 v5, $0x3FF  }
0x52: {  	vm13 =	vgt.s32 v3, $0x0;
	v4 =	vnsel vm12, $0x0, v4;
	v8 =	vmin.u32 v8, $0x3FF  }
0x53: {  	vm14 =	vgt.s32 v6, $0x0;
	v3 =	vnsel vm13, $0x0, v3;
	v4 =	vmin.u32 v4, $0x3FF  }
0x54: {  	vm15 =	vgt.s32 v2, $0x0;
	v6 =	vnsel vm14, $0x0, v6;
	v3 =	vmin.u32 v3, $0x3FF  }
0x55: {  	v2 =	vnsel vm15, $0x0, v2;
	v6 =	vmin.u32 v6, $0x3FF;
	v7 =	vld.idx.msk [tilespmem:v7+s3+$0x0], $0xffff  }
0x56: {  	v2 =	vmin.u32 v2, $0x3FF;
	v5 =	vld.idx.msk [tilespmem:v5+s3+$0x0], $0xffff  }
0x57: {  	v8 =	vld.idx.msk [tilespmem:v8+s3+$0x0], $0xffff  }
0x58: {  	v4 =	vld.idx.msk [tilespmem:v4+s3+$0x0], $0xffff  }
0x59: {  	[tilespmem:s24+$0x30] =	vst v1;
	v1 =	vld.idx.msk [tilespmem:v3+s3+$0x0], $0xffff  }
0x5a: {  	v3 =	vld.idx.msk [tilespmem:v6+s3+$0x0], $0xffff;
	[tilespmem:s24+$0xFFFFFFC0] =	vst v7  }
0x5b: {  	v2 =	vld.idx.msk [tilespmem:v2+s3+$0x0], $0xffff;
	[tilespmem:s24+$0xFFFFFFD0] =	vst v5  }
0x5c: {  	[tilespmem:s24+$0xFFFFFFE0] =	vst v8  }
0x5d: {  	[tilespmem:s24+$0xFFFFFFF0] =	vst v4  }
0x5e: {  	[tilespmem:s24+$0x0] =	vst v1  }
0x5f: {  	[tilespmem:s24+$0x10] =	vst v3  }
0x60: {  	[tilespmem:s24+$0x20] =	vst v2  }
.LBB2_4:
0x61: {  	v1 =	vld [tilespmem:s21+$0x0];
	_ =	sdelay $0x4  }
0x62: {  	v1 =	vmul.f32 $2.560000000e+02, v1;
	_ =	sdelay $0x1  }
0x63: {  	v2 =	vtrunc.f32 v1  }
0x64: {  	v3 =	vcvt.f32.s32 v2;
	vm0 =	vlt.f32 v1, v2  }
0x65: {  	v1 =	vsel vm0, $0x1FF, v0  }
0x66: {  	v1 =	vadd.s32 v3, v1  }
0x67: {  	vm15 =	vgt.s32 v1, $0x0  }
0x68: {  	v1 =	vnsel vm15, $0x0, v1  }
0x69: {  	v1 =	vmin.u32 v1, $0x3FF;
	_ =	sdelay $0x3  }
0x6a: {  	s22 =	sadd.s32 $0x10, s22  }
0x6b: {  	p1 =	slt.u32 s22, $0x28A0;
	v1 =	vld.idx.msk [tilespmem:v1+s3+$0x0], $0xffff  }
.Ltmp3:
0x6c: {  	_ = 	snop;
	(pc) =	sbr.rel @p1 .LBB2_4-.Ltmp3, $2  }
0x6d: {  	_ =	sdelay $0x2  }
0x6e: {  	s21 =	sadd.s32 $0x10, s21;
	[tilespmem:s23+$0x0] =	vst v1;
	s23 =	sadd.s32 $0x10, s23  }
0x6f: {  	[hbm4b:s8+s3] =	stream.linear.scatter [tilespmem:s15], [sflag:$0x3], $0x28B0, $0x38;
	[tilespmem:$0xA6C0] =	vst v63  }
0x70: {  	_ =	swait.ge [sflag:s16], $0x28B0  }
0x71: {  	[sflag:s16] =	ssyncset.done $0x0  }
0x72: {  	s21 =	simm.s32 $0x2CF0;
	[sflag:s16] =	ssyncadd.s32 $0xFFFFD750  }
0x73: {  	v1 =	vld [tilespmem:s21+$0x30]  }
0x74: {  	v2 =	vld [tilespmem:s21+$0xFFFFFFD0]  }
0x75: {  	v3 =	vld [tilespmem:s21+$0xFFFFFFE0]  }
0x76: {  	v4 =	vld [tilespmem:s21+$0xFFFFFFF0]  }
0x77: {  	v5 =	vld [tilespmem:s21+$0x0]  }
0x78: {  	v6 =	vld [tilespmem:s21+$0x10]  }
0x79: {  	v7 =	vld [tilespmem:s21+$0x20]  }
0x7a: {  	v8 =	vld [tilespmem:s21+$0xFFFFFFC0];
	v1 =	vmul.f32 $2.560000000e+02, v1  }
0x7b: {  	v2 =	vmul.f32 $2.560000000e+02, v2;
	v3 =	vmul.f32 $2.560000000e+02, v3  }
0x7c: {  	v4 =	vmul.f32 $2.560000000e+02, v4;
	v5 =	vmul.f32 $2.560000000e+02, v5  }
0x7d: {  	v6 =	vmul.f32 $2.560000000e+02, v6;
	v9 =	vtrunc.f32 v1  }
0x7e: {  	v7 =	vmul.f32 $2.560000000e+02, v7;
	v10 =	vcvt.f32.s32 v9;
	vm0 =	vlt.f32 v1, v9  }
0x7f: {  	v8 =	vmul.f32 $2.560000000e+02, v8;
	v11 =	vtrunc.f32 v3;
	v9 =	vsel vm0, $0x1FF, v0  }
0x80: {  	v12 =	vtrunc.f32 v5;
	v13 =	vtrunc.f32 v6;
	v9 =	vadd.s32 v10, v9  }
0x81: {  	v14 =	vtrunc.f32 v7;
	v15 =	vtrunc.f32 v8;
	vm0 =	vgt.s32 v9, $0x0  }
0x82: {  	v1 =	vtrunc.f32 v2;
	vm1 =	vlt.f32 v8, v15;
	v9 =	vnsel vm0, $0x0, v9  }
0x83: {  	vm2 =	vlt.f32 v3, v11;
	vm4 =	vlt.f32 v5, v12;
	v9 =	vmin.u32 v9, $0x3FF  }
0x84: {  	vm5 =	vlt.f32 v6, v13;
	v59 =	vcvt.f32.s32 v14;
	vm6 =	vlt.f32 v7, v14  }
0x85: {  	v16 =	vcvt.f32.s32 v1;
	v6 =	vsel vm2, $0x1FF, v0;
	v61 =	vsel vm4, $0x1FF, v0  }
0x86: {  	v10 =	vtrunc.f32 v4;
	vm0 =	vlt.f32 v2, v1;
	v1 =	vcvt.f32.s32 v15  }
0x87: {  	v62 =	vsel vm5, $0x1FF, v0;
	vm3 =	vlt.f32 v4, v10;
	v4 =	vsel vm1, $0x1FF, v0  }
0x88: {  	v63 =	vsel vm6, $0x1FF, v0;
	v3 =	vcvt.f32.s32 v10;
	v7 =	vadd.s32 v1, v4;
	v1 =	vld.idx.msk [tilespmem:v9+s3+$0x0], $0xffff  }
0x89: {  	v10 =	vcvt.f32.s32 v12;
	v2 =	vcvt.f32.s32 v11;
	v5 =	vsel vm0, $0x1FF, v0  }
0x8a: {  	v11 =	vcvt.f32.s32 v13;
	v60 =	vsel vm3, $0x1FF, v0;
	v5 =	vadd.s32 v16, v5  }
0x8b: {  	s23 =	simm.s32 $0x7E50;
	v8 =	vadd.s32 v2, v6;
	v4 =	vadd.s32 v3, v60;
	v3 =	vadd.s32 v10, v61  }
0x8c: {  	s24 =	simm.s32 $0x0;
	s25 =	simm.s32 $0x2D70;
	s21 =	simm.s32 $0x5530;
	v6 =	vadd.s32 v11, v62;
	v2 =	vadd.s32 v59, v63;
	vm0 =	vgt.s32 v7, $0x0  }
.LBB2_6:
0x8d: {  	v9 =	vld [tilespmem:s25+$0x30];
	s24 =	sadd.s32 $0x80, s24;
	vm1 =	vgt.s32 v5, $0x0;
	vm2 =	vgt.s32 v8, $0x0;
	vm3 =	vgt.s32 v4, $0x0;
	[tilespmem:s23+$0x30] =	vst v1;
	s22 =	simm.s32 $0xA690  }
0x8e: {  	vm4 =	vgt.s32 v3, $0x0;
	vm5 =	vgt.s32 v6, $0x0;
	vm6 =	vgt.s32 v2, $0x0;
	v1 =	vld [tilespmem:s25+$0xFFFFFFD0];
	p1 =	slt.u32 s24, $0x2800  }
0x8f: {  	v7 =	vnsel vm0, $0x0, v7;
	v5 =	vnsel vm1, $0x0, v5;
	v8 =	vnsel vm2, $0x0, v8;
	v10 =	vld [tilespmem:s25+$0xFFFFFFE0]  }
0x90: {  	v4 =	vnsel vm3, $0x0, v4;
	v3 =	vnsel vm4, $0x0, v3;
	v6 =	vnsel vm5, $0x0, v6;
	v11 =	vld [tilespmem:s25+$0xFFFFFFF0]  }
0x91: {  	v7 =	vmin.u32 v7, $0x3FF;
	v2 =	vnsel vm6, $0x0, v2;
	v5 =	vmin.u32 v5, $0x3FF;
	v12 =	vld [tilespmem:s25+$0x0]  }
0x92: {  	v8 =	vmin.u32 v8, $0x3FF;
	v4 =	vmin.u32 v4, $0x3FF;
	v13 =	vld [tilespmem:s25+$0x10];
	v9 =	vmul.f32 $2.560000000e+02, v9  }
0x93: {  	v3 =	vmin.u32 v3, $0x3FF;
	v6 =	vmin.u32 v6, $0x3FF;
	v1 =	vmul.f32 $2.560000000e+02, v1;
	v14 =	vld [tilespmem:s25+$0x20]  }
0x94: {  	v2 =	vmin.u32 v2, $0x3FF;
	v15 =	vld [tilespmem:s25+$0xFFFFFFC0];
	v10 =	vmul.f32 $2.560000000e+02, v10;
	v16 =	vtrunc.f32 v9  }
0x95: {  	v11 =	vmul.f32 $2.560000000e+02, v11;
	v17 =	vcvt.f32.s32 v16;
	vm0 =	vlt.f32 v9, v16  }
0x96: {  	v9 =	vtrunc.f32 v1;
	v12 =	vmul.f32 $2.560000000e+02, v12;
	v16 =	vsel vm0, $0x1FF, v0;
	v7 =	vld.idx.msk [tilespmem:v7+s3+$0x0], $0xffff  }
0x97: {  	v18 =	vtrunc.f32 v10;
	v13 =	vmul.f32 $2.560000000e+02, v13;
	v16 =	vadd.s32 v17, v16;
	v5 =	vld.idx.msk [tilespmem:v5+s3+$0x0], $0xffff  }
0x98: {  	v17 =	vtrunc.f32 v11;
	v14 =	vmul.f32 $2.560000000e+02, v14;
	vm0 =	vgt.s32 v16, $0x0;
	v8 =	vld.idx.msk [tilespmem:v8+s3+$0x0], $0xffff  }
0x99: {  	v19 =	vtrunc.f32 v12;
	v15 =	vmul.f32 $2.560000000e+02, v15;
	v16 =	vnsel vm0, $0x0, v16;
	v4 =	vld.idx.msk [tilespmem:v4+s3+$0x0], $0xffff  }
0x9a: {  	v20 =	vtrunc.f32 v13;
	v21 =	vtrunc.f32 v14;
	v16 =	vmin.u32 v16, $0x3FF;
	v3 =	vld.idx.msk [tilespmem:v3+s3+$0x0], $0xffff  }
0x9b: {  	v23 =	vcvt.f32.s32 v9;
	vm0 =	vlt.f32 v1, v9;
	v22 =	vtrunc.f32 v15;
	v6 =	vld.idx.msk [tilespmem:v6+s3+$0x0], $0xffff  }
0x9c: {  	v9 =	vcvt.f32.s32 v22;
	vm1 =	vlt.f32 v15, v22;
	v15 =	vcvt.f32.s32 v18;
	[tilespmem:s23+$0xFFFFFFC0] =	vst v7;
	v2 =	vld.idx.msk [tilespmem:v2+s3+$0x0], $0xffff  }
0x9d: {  	vm2 =	vlt.f32 v10, v18;
	v10 =	vcvt.f32.s32 v17;
	vm3 =	vlt.f32 v11, v17;
	[tilespmem:s23+$0xFFFFFFD0] =	vst v5  }
0x9e: {  	v11 =	vcvt.f32.s32 v19;
	vm4 =	vlt.f32 v12, v19;
	v12 =	vcvt.f32.s32 v20;
	[tilespmem:s23+$0xFFFFFFE0] =	vst v8  }
0x9f: {  	vm5 =	vlt.f32 v13, v20;
	v13 =	vcvt.f32.s32 v21;
	vm6 =	vlt.f32 v14, v21;
	v1 =	vld.idx.msk [tilespmem:v16+s3+$0x0], $0xffff;
	[tilespmem:s23+$0xFFFFFFF0] =	vst v4  }
.Ltmp4:
0xa0: {  	v5 =	vsel vm0, $0x1FF, v0;
	v8 =	vsel vm2, $0x1FF, v0;
	v4 =	vsel vm1, $0x1FF, v0;
	[tilespmem:s23+$0x0] =	vst v3;
	(pc) =	sbr.rel @p1 .LBB2_6-.Ltmp4, $4  }
0xa1: {  	v14 =	vsel vm4, $0x1FF, v0;
	v16 =	vsel vm5, $0x1FF, v0;
	v3 =	vsel vm3, $0x1FF, v0;
	[tilespmem:s23+$0x10] =	vst v6  }
0xa2: {  	v5 =	vadd.s32 v23, v5;
	v7 =	vadd.s32 v9, v4;
	v9 =	vsel vm6, $0x1FF, v0;
	[tilespmem:s23+$0x20] =	vst v2  }
0xa3: {  	v8 =	vadd.s32 v15, v8;
	v4 =	vadd.s32 v10, v3;
	v3 =	vadd.s32 v11, v14  }
0xa4: {  	s25 =	sadd.s32 $0x80, s25;
	vm0 =	vgt.s32 v7, $0x0;
	v6 =	vadd.s32 v12, v16;
	v2 =	vadd.s32 v13, v9;
	s23 =	sadd.s32 $0x80, s23  }
0xa5: {  	vm1 =	vgt.s32 v5, $0x0;
	v7 =	vnsel vm0, $0x0, v7  }
0xa6: {  	vm11 =	vgt.s32 v8, $0x0;
	v5 =	vnsel vm1, $0x0, v5;
	v7 =	vmin.u32 v7, $0x3FF  }
0xa7: {  	vm12 =	vgt.s32 v4, $0x0;
	v8 =	vnsel vm11, $0x0, v8;
	v5 =	vmin.u32 v5, $0x3FF  }
0xa8: {  	vm13 =	vgt.s32 v3, $0x0;
	v4 =	vnsel vm12, $0x0, v4;
	v8 =	vmin.u32 v8, $0x3FF  }
0xa9: {  	vm14 =	vgt.s32 v6, $0x0;
	v3 =	vnsel vm13, $0x0, v3;
	v4 =	vmin.u32 v4, $0x3FF  }
0xaa: {  	vm15 =	vgt.s32 v2, $0x0;
	v6 =	vnsel vm14, $0x0, v6;
	v3 =	vmin.u32 v3, $0x3FF  }
0xab: {  	v2 =	vnsel vm15, $0x0, v2;
	v6 =	vmin.u32 v6, $0x3FF;
	v7 =	vld.idx.msk [tilespmem:v7+s3+$0x0], $0xffff  }
0xac: {  	v2 =	vmin.u32 v2, $0x3FF;
	v5 =	vld.idx.msk [tilespmem:v5+s3+$0x0], $0xffff  }
0xad: {  	v8 =	vld.idx.msk [tilespmem:v8+s3+$0x0], $0xffff  }
0xae: {  	v4 =	vld.idx.msk [tilespmem:v4+s3+$0x0], $0xffff  }
0xaf: {  	[tilespmem:s23+$0x30] =	vst v1;
	v1 =	vld.idx.msk [tilespmem:v3+s3+$0x0], $0xffff  }
0xb0: {  	v3 =	vld.idx.msk [tilespmem:v6+s3+$0x0], $0xffff;
	[tilespmem:s23+$0xFFFFFFC0] =	vst v7  }
0xb1: {  	v2 =	vld.idx.msk [tilespmem:v2+s3+$0x0], $0xffff;
	[tilespmem:s23+$0xFFFFFFD0] =	vst v5  }
0xb2: {  	[tilespmem:s23+$0xFFFFFFE0] =	vst v8  }
0xb3: {  	[tilespmem:s23+$0xFFFFFFF0] =	vst v4  }
0xb4: {  	[tilespmem:s23+$0x0] =	vst v1  }
0xb5: {  	[tilespmem:s23+$0x10] =	vst v3  }
0xb6: {  	s24 =	simm.s32 $0x2870;
	[tilespmem:s23+$0x20] =	vst v2  }
.LBB2_8:
0xb7: {  	v1 =	vld [tilespmem:s21+$0x0];
	_ =	sdelay $0x4  }
0xb8: {  	v1 =	vmul.f32 $2.560000000e+02, v1;
	_ =	sdelay $0x1  }
0xb9: {  	v2 =	vtrunc.f32 v1  }
0xba: {  	v3 =	vcvt.f32.s32 v2;
	vm0 =	vlt.f32 v1, v2  }
0xbb: {  	v1 =	vsel vm0, $0x1FF, v0  }
0xbc: {  	v1 =	vadd.s32 v3, v1  }
0xbd: {  	vm15 =	vgt.s32 v1, $0x0  }
0xbe: {  	v1 =	vnsel vm15, $0x0, v1  }
0xbf: {  	v1 =	vmin.u32 v1, $0x3FF;
	_ =	sdelay $0x3  }
0xc0: {  	s24 =	sadd.s32 $0x10, s24  }
0xc1: {  	p1 =	slt.u32 s24, $0x28A0;
	v1 =	vld.idx.msk [tilespmem:v1+s3+$0x0], $0xffff  }
.Ltmp5:
0xc2: {  	_ = 	snop;
	(pc) =	sbr.rel @p1 .LBB2_8-.Ltmp5, $2  }
0xc3: {  	_ =	sdelay $0x2  }
0xc4: {  	s21 =	sadd.s32 $0x10, s21;
	[tilespmem:s22+$0x0] =	vst v1;
	s22 =	sadd.s32 $0x10, s22  }
0xc5: {  	[hbm4b:s9+s3] =	stream.linear.scatter [tilespmem:s17], [sflag:$0x4], $0x28B0, $0x38;
	[tilespmem:$0xA6C0] =	vst v63  }
0xc6: {  	_ =	swait.ge [sflag:s18], $0x28B0  }
.Ltmp6:
0xc7: {  	[sflag:s18] =	ssyncset.done $0x0;
	(pc) =	sbr.rel @p0 .LBB2_11-.Ltmp6, $4  }
0xc8: {  	[sflag:s18] =	ssyncadd.s32 $0xFFFFD750  }
0xc9: {  	_ =	swait.ge [sflag:s19], $0x28B0  }
0xca: {  	[sflag:s19] =	ssyncset.done $0x0  }
0xcb: {  	[sflag:s19] =	ssyncadd.s32 $0xFFFFD750  }
0xcc: {  	[tilespmem:s12], [sflag:$0x5] =	stream.linear.gather [hbm4b:s4+s3], $0x100, $0x38;
	[tilespmem:$0xA6C0] =	vst v63  }
0xcd: {  	_ =	swait.ge [sflag:s11], $0x100  }
0xce: {  	[sflag:s11] =	ssyncset.done $0x0  }
0xcf: {  	[sflag:s11] =	ssyncadd.s32 $0xFFFFFF00  }
0xd0: {  	v1 =	vld [tilespmem:$0x400];
	_ =	sdelay $0x4  }
0xd1: {  	v1 =	vmul.f32 $2.560000000e+02, v1  }
0xd2: {  	v3 =	vld [tilespmem:$0x410]  }
0xd3: {  	v2 =	vtrunc.f32 v1  }
0xd4: {  	v4 =	vcvt.f32.s32 v2;
	vm0 =	vlt.f32 v1, v2  }
0xd5: {  	v1 =	vsel vm0, $0x1FF, v0  }
0xd6: {  	v1 =	vadd.s32 v4, v1  }
0xd7: {  	v2 =	vmul.f32 $2.560000000e+02, v3;
	vm9 =	vgt.s32 v1, $0x0  }
0xd8: {  	v3 =	vld [tilespmem:$0x420];
	v1 =	vnsel vm9, $0x0, v1  }
0xd9: {  	v31 =	vtrunc.f32 v2;
	v1 =	vmin.u32 v1, $0x3FF  }
0xda: {  	v5 =	vcvt.f32.s32 v31;
	vm10 =	vlt.f32 v2, v31  }
0xdb: {  	v2 =	vsel vm10, $0x1FF, v0  }
0xdc: {  	v2 =	vadd.s32 v5, v2  }
0xdd: {  	v3 =	vmul.f32 $2.560000000e+02, v3;
	vm11 =	vgt.s32 v2, $0x0  }
0xde: {  	v2 =	vnsel vm11, $0x0, v2;
	v1 =	vld.idx.msk [tilespmem:v1+s3+$0x0], $0xffff  }
0xdf: {  	v32 =	vld [tilespmem:$0x430];
	v33 =	vtrunc.f32 v3;
	v2 =	vmin.u32 v2, $0x3FF  }
0xe0: {  	vm12 =	vlt.f32 v3, v33;
	v3 =	vcvt.f32.s32 v33  }
0xe1: {  	v34 =	vsel vm12, $0x1FF, v0  }
0xe2: {  	v3 =	vadd.s32 v3, v34  }
0xe3: {  	vm13 =	vgt.s32 v3, $0x0;
	[tilespmem:$0x5560] =	vst v1  }
0xe4: {  	v3 =	vnsel vm13, $0x0, v3;
	v1 =	vmul.f32 $2.560000000e+02, v32;
	v2 =	vld.idx.msk [tilespmem:v2+s3+$0x0], $0xffff  }
0xe5: {  	v35 =	vld [tilespmem:$0x440];
	v3 =	vmin.u32 v3, $0x3FF  }
0xe6: {  	v4 =	vtrunc.f32 v1  }
0xe7: {  	vm14 =	vlt.f32 v1, v4;
	v1 =	vcvt.f32.s32 v4  }
0xe8: {  	v36 =	vsel vm14, $0x1FF, v0  }
0xe9: {  	v1 =	vadd.s32 v1, v36;
	[tilespmem:$0x5570] =	vst v2  }
0xea: {  	vm15 =	vgt.s32 v1, $0x0;
	v2 =	vld.idx.msk [tilespmem:v3+s3+$0x0], $0xffff;
	v3 =	vmul.f32 $2.560000000e+02, v35  }
0xeb: {  	v37 =	vld [tilespmem:$0x450];
	v1 =	vnsel vm15, $0x0, v1  }
0xec: {  	v1 =	vmin.u32 v1, $0x3FF;
	v5 =	vtrunc.f32 v3  }
0xed: {  	vm4 =	vlt.f32 v3, v5;
	v3 =	vcvt.f32.s32 v5  }
0xee: {  	v38 =	vsel vm4, $0x1FF, v0  }
0xef: {  	[tilespmem:$0x5580] =	vst v2;
	v2 =	vadd.s32 v3, v38  }
0xf0: {  	v3 =	vmul.f32 $2.560000000e+02, v37;
	vm5 =	vgt.s32 v2, $0x0  }
0xf1: {  	v1 =	vld.idx.msk [tilespmem:v1+s3+$0x0], $0xffff;
	v2 =	vnsel vm5, $0x0, v2  }
0xf2: {  	v39 =	vld [tilespmem:$0x460];
	v40 =	vtrunc.f32 v3;
	v2 =	vmin.u32 v2, $0x3FF  }
0xf3: {  	vm6 =	vlt.f32 v3, v40;
	v3 =	vcvt.f32.s32 v40  }
0xf4: {  	v41 =	vsel vm6, $0x1FF, v0  }
0xf5: {  	v3 =	vadd.s32 v3, v41  }
0xf6: {  	[tilespmem:$0x5590] =	vst v1;
	vm7 =	vgt.s32 v3, $0x0  }
0xf7: {  	v1 =	vmul.f32 $2.560000000e+02, v39;
	v3 =	vnsel vm7, $0x0, v3;
	v2 =	vld.idx.msk [tilespmem:v2+s3+$0x0], $0xffff  }
0xf8: {  	v42 =	vld [tilespmem:$0x470];
	v3 =	vmin.u32 v3, $0x3FF  }
0xf9: {  	v4 =	vtrunc.f32 v1  }
0xfa: {  	vm8 =	vlt.f32 v1, v4;
	v1 =	vcvt.f32.s32 v4  }
0xfb: {  	v43 =	vsel vm8, $0x1FF, v0  }
0xfc: {  	v1 =	vadd.s32 v1, v43;
	[tilespmem:$0x55A0] =	vst v2  }
0xfd: {  	vm9 =	vgt.s32 v1, $0x0;
	v2 =	vld.idx.msk [tilespmem:v3+s3+$0x0], $0xffff;
	v3 =	vmul.f32 $2.560000000e+02, v42  }
0xfe: {  	v44 =	vld [tilespmem:$0x480];
	v1 =	vnsel vm9, $0x0, v1  }
0xff: {  	v1 =	vmin.u32 v1, $0x3FF;
	v5 =	vtrunc.f32 v3  }
0x100: {  	vm10 =	vlt.f32 v3, v5;
	v3 =	vcvt.f32.s32 v5  }
0x101: {  	v45 =	vsel vm10, $0x1FF, v0  }
0x102: {  	[tilespmem:$0x55B0] =	vst v2;
	v2 =	vadd.s32 v3, v45  }
0x103: {  	v3 =	vmul.f32 $2.560000000e+02, v44;
	vm11 =	vgt.s32 v2, $0x0  }
0x104: {  	v1 =	vld.idx.msk [tilespmem:v1+s3+$0x0], $0xffff;
	v2 =	vnsel vm11, $0x0, v2  }
0x105: {  	v46 =	vld [tilespmem:$0x490];
	v47 =	vtrunc.f32 v3;
	v2 =	vmin.u32 v2, $0x3FF  }
0x106: {  	vm12 =	vlt.f32 v3, v47;
	v3 =	vcvt.f32.s32 v47  }
0x107: {  	v48 =	vsel vm12, $0x1FF, v0  }
0x108: {  	v3 =	vadd.s32 v3, v48  }
0x109: {  	[tilespmem:$0x55C0] =	vst v1;
	vm13 =	vgt.s32 v3, $0x0  }
0x10a: {  	v1 =	vmul.f32 $2.560000000e+02, v46;
	v3 =	vnsel vm13, $0x0, v3;
	v2 =	vld.idx.msk [tilespmem:v2+s3+$0x0], $0xffff  }
0x10b: {  	v49 =	vld [tilespmem:$0x4A0];
	v3 =	vmin.u32 v3, $0x3FF  }
0x10c: {  	v4 =	vtrunc.f32 v1  }
0x10d: {  	vm14 =	vlt.f32 v1, v4;
	v1 =	vcvt.f32.s32 v4  }
0x10e: {  	v50 =	vsel vm14, $0x1FF, v0  }
0x10f: {  	v1 =	vadd.s32 v1, v50;
	[tilespmem:$0x55D0] =	vst v2  }
0x110: {  	vm15 =	vgt.s32 v1, $0x0;
	v2 =	vld.idx.msk [tilespmem:v3+s3+$0x0], $0xffff;
	v3 =	vmul.f32 $2.560000000e+02, v49  }
0x111: {  	v51 =	vld [tilespmem:$0x4B0];
	v1 =	vnsel vm15, $0x0, v1  }
0x112: {  	v1 =	vmin.u32 v1, $0x3FF;
	v5 =	vtrunc.f32 v3  }
0x113: {  	vm4 =	vlt.f32 v3, v5;
	v3 =	vcvt.f32.s32 v5  }
0x114: {  	v52 =	vsel vm4, $0x1FF, v0  }
0x115: {  	[tilespmem:$0x55E0] =	vst v2;
	v2 =	vadd.s32 v3, v52  }
0x116: {  	v3 =	vmul.f32 $2.560000000e+02, v51;
	vm5 =	vgt.s32 v2, $0x0  }
0x117: {  	v1 =	vld.idx.msk [tilespmem:v1+s3+$0x0], $0xffff;
	v2 =	vnsel vm5, $0x0, v2  }
0x118: {  	v53 =	vld [tilespmem:$0x4C0];
	v54 =	vtrunc.f32 v3;
	v2 =	vmin.u32 v2, $0x3FF  }
0x119: {  	vm6 =	vlt.f32 v3, v54;
	v3 =	vcvt.f32.s32 v54  }
0x11a: {  	v55 =	vsel vm6, $0x1FF, v0  }
0x11b: {  	v3 =	vadd.s32 v3, v55  }
0x11c: {  	[tilespmem:$0x55F0] =	vst v1;
	vm7 =	vgt.s32 v3, $0x0  }
0x11d: {  	v1 =	vmul.f32 $2.560000000e+02, v53;
	v3 =	vnsel vm7, $0x0, v3;
	v2 =	vld.idx.msk [tilespmem:v2+s3+$0x0], $0xffff  }
0x11e: {  	v56 =	vld [tilespmem:$0x4D0];
	v3 =	vmin.u32 v3, $0x3FF  }
0x11f: {  	v4 =	vtrunc.f32 v1  }
0x120: {  	vm8 =	vlt.f32 v1, v4;
	v1 =	vcvt.f32.s32 v4  }
0x121: {  	v57 =	vsel vm8, $0x1FF, v0  }
0x122: {  	v1 =	vadd.s32 v1, v57;
	[tilespmem:$0x5600] =	vst v2  }
0x123: {  	vm9 =	vgt.s32 v1, $0x0;
	v2 =	vld.idx.msk [tilespmem:v3+s3+$0x0], $0xffff;
	v3 =	vmul.f32 $2.560000000e+02, v56  }
0x124: {  	v58 =	vld [tilespmem:$0x4E0];
	v1 =	vnsel vm9, $0x0, v1  }
0x125: {  	v1 =	vmin.u32 v1, $0x3FF;
	v5 =	vtrunc.f32 v3  }
0x126: {  	vm10 =	vlt.f32 v3, v5;
	v3 =	vcvt.f32.s32 v5  }
0x127: {  	v59 =	vsel vm10, $0x1FF, v0  }
0x128: {  	[tilespmem:$0x5610] =	vst v2;
	v2 =	vadd.s32 v3, v59  }
0x129: {  	v60 =	vld [tilespmem:$0x4F0];
	v3 =	vmul.f32 $2.560000000e+02, v58;
	vm11 =	vgt.s32 v2, $0x0  }
0x12a: {  	v1 =	vld.idx.msk [tilespmem:v1+s3+$0x0], $0xffff;
	v2 =	vnsel vm11, $0x0, v2  }
0x12b: {  	v61 =	vtrunc.f32 v3;
	v2 =	vmin.u32 v2, $0x3FF  }
0x12c: {  	vm12 =	vlt.f32 v3, v61;
	v3 =	vcvt.f32.s32 v61  }
0x12d: {  	v62 =	vsel vm12, $0x1FF, v0  }
0x12e: {  	v3 =	vadd.s32 v3, v62  }
0x12f: {  	[tilespmem:$0x5620] =	vst v1;
	vm13 =	vgt.s32 v3, $0x0;
	v1 =	vmul.f32 $2.560000000e+02, v60  }
0x130: {  	v3 =	vnsel vm13, $0x0, v3;
	v2 =	vld.idx.msk [tilespmem:v2+s3+$0x0], $0xffff  }
0x131: {  	v3 =	vmin.u32 v3, $0x3FF;
	v4 =	vtrunc.f32 v1  }
0x132: {  	vm14 =	vlt.f32 v1, v4;
	v1 =	vcvt.f32.s32 v4  }
0x133: {  	v63 =	vsel vm14, $0x1FF, v0  }
0x134: {  	v1 =	vadd.s32 v1, v63  }
0x135: {  	vm15 =	vgt.s32 v1, $0x0;
	[tilespmem:$0x5630] =	vst v2  }
0x136: {  	v1 =	vnsel vm15, $0x0, v1;
	v2 =	vld.idx.msk [tilespmem:v3+s3+$0x0], $0xffff  }
0x137: {  	v1 =	vmin.u32 v1, $0x3FF;
	_ =	sdelay $0x3  }
0x138: {  	[tilespmem:$0x5640] =	vst v2  }
0x139: {  	v1 =	vld.idx.msk [tilespmem:v1+s3+$0x0], $0xffff;
	_ =	sdelay $0x4  }
.Ltmp7:
0x13a: {  	[tilespmem:$0x5650] =	vst v1;
	(pc) =	sbr.rel .LBB2_11-.Ltmp7, $4  }
0x13b: {  	[hbm4b:s5+s3] =	stream.linear.scatter [tilespmem:s15], [sflag:$0x5], $0x100, $0x38;
	[tilespmem:$0xA6C0] =	vst v63  }
0x13c: {  	_ =	swait.ge [sflag:s11], $0x100  }
0x13d: {  	[sflag:s11] =	ssyncset.done $0x0  }
0x13e: {  	[sflag:s11] =	ssyncadd.s32 $0xFFFFFF00  }
.LBB2_12:
0x13f: {  	_ =	sfence.sel $0x180000  }
0x140: {  	[bflag:$0x0] =	sbarrier.arrive $0xFFFF  }
0x141: {  	p0 =	sne.s32 s0, $0x0;
	_ =	strace $0x90000056  }
0x142: {  	s0 =	sadd.s32 @!p0 $0x100000, s1;
	[bflag:$0x2] =	sbarrier.arrive $0xFFFF  }
0x143: {  	[sflag:s0] =	ssyncadd.tile.s32 @!p0 $0x1;
	_ =	shalt  }
.Lfunc_end2:
_tile_overlayer_lowered:
.L_overlay_start_2:
0x144: {  	(tag) =	ssettag $0x2  }
0x145: {  	s0 =	rddreg [dreg:$0x0];
	s2 =	stileid.u32  }
0x146: {  	s1 =	rddreg [dreg:$0x1];
	p0 =	sne.s32 s2, $0x0  }
0x147: {  	s3 =	rddreg [dreg:$0x2];
	[bflag:$0x3] =	sbarrier.arrive $0xFFFF;
	s2 =	simm.s32 @!p0 $0x1C05  }
0x148: {  	[timem:s3], [sflag:s2] =	dma.local @!p0 [hbm:s0], s1  }
0x149: {  	s0 =	simm.s32 @!p0 $0x5  }
0x14a: {  	_ =	swait.ge @!p0 [sflag:s0], s1  }
0x14b: {  	s1 =	ssub.s32 @!p0 $0x0, s1;
	[sflag:s0] =	ssyncset.done @!p0 $0x0  }
0x14c: {  	[sflag:s0] =	ssyncadd.s32 @!p0 s1  }
0x14d: {  	[bflag:$0x3] =	sbarrier.arrive $0xFFFF  }
0x14e: {  	_ =	shalt  }

// kernel: pcn_piece0.3.cloned.1.call-start
scs
__scs_entry_jumppad:
0x0: {  	(pc) =	sbr.rel $0x88, $3  }
0x1: {  	(tag) =	ssettag $0x0;
	lr =	simm.s32 $0x1  }
0x2: {  	[smem:$0x3F9F] =	sst lr;
	_ =	strace $0xD0000000  }
0x3: {  	_ = 	snop  }
0x4: {  	_ = 	snop  }
0x5: {  	_ = 	snop  }
0x6: {  	_ = 	snop  }
0x7: {  	_ = 	snop  }
__scs_overlays_trampoline_lowered:
0x8: {  	[smem:$0x3FAE] =	sst s0  }
0x9: {  	[smem:$0x3FAF] =	sst s1  }
0xa: {  	[smem:$0x3FB0] =	sst s2  }
0xb: {  	[smem:$0x3FB1] =	sst s3  }
0xc: {  	[smem:$0x3FB2] =	sst s4  }
0xd: {  	[smem:$0x3FB3] =	sst s5  }
0xe: {  	[smem:$0x3FB4] =	sst s6  }
0xf: {  	[smem:$0x3FB5] =	sst s7  }
0x10: {  	[smem:$0x3FB6] =	sst s8  }
0x11: {  	[smem:$0x3FB7] =	sst s9;
	s0 =	simm.s32 @!p0 $0x0  }
0x12: {  	s1 =	sld [smem:$0x3F9D];
	s0 =	simm.s32 @p0 $0x1  }
0x13: {  	[smem:$0x3FB8] =	sst s0;
	s0 =	simm.s32 @!p1 $0x0  }
0x14: {  	s2 =	sld [smem:$0x3F9C];
	s0 =	simm.s32 @p1 $0x1  }
0x15: {  	[smem:$0x3FB9] =	sst s0;
	s0 =	simm.s32 @!p2 $0x0  }
0x16: {  	s3 =	sld [smem:$0x3FDB];
	s0 =	simm.s32 @p2 $0x1  }
0x17: {  	s4 =	simm.s32 $0x1BF5;
	[smem:$0x3FBB] =	sst s0  }
0x18: {  	s0 =	sld [smem:$0x3F9E];
	_ =	swait.ge [sflag:s4], $0x0  }
0x19: {  	s7 =	sld [smem:$0x3F9F]  }
0x1a: {  	s8 =	sadd.s32 $0xFFFFE003, lr  }
0x1b: {  	s9 =	sadd.s32 $0xFFFFFEF7, lr;
	s5 =	simm.s32 $0xFFFFFFFF;
	p2 =	slt.u32 s8, $0xFFFFF086  }
0x1c: {  	p1 =	slt.u32 s9, $0xF7A;
	s5 =	simm.s32 @!p2 $0x0  }
0x1d: {  	s5 =	simm.s32 @p1 $0x1;
	p0 =	seq.s32 s7, s2  }
0x1e: {  	s7 =	smul.u32 @!p0 $0xF7A, s2;
	p2 =	seq.s32 @!p0 s5, $0x0  }
0x1f: {  	s9 =	smul.u32 $0xF7A, s1;
	s8 =	simm.s32 @!p0 $0x1BF5;
	p2 =	por !p2, p0  }
0x20: {  	[sflag:s8] =	ssyncset.s32 @!p0 $0xFFFFF086;
	s6 =	sadd.s32 @!p0 s3, s7;
	s7 =	simm.s32 @!p0 $0x108  }
0x21: {  	s3 =	sadd.s32 s3, s9;
	s6 =	sadd.s32 @!p0 $0x88, s6;
	s7 =	simm.s32 @p2 $0x1082  }
0x22: {  	[simem:s7], [sflag:s8] =	dma.local @!p0 [hbm:s6], $0xF7A  }
0x23: {  	s9 =	sor.u32 $0xD0000000, s2;
	s6 =	simm.s32 $0x108;
	_ =	swait.ge @!p0 [sflag:s8], $0x0  }
0x24: {  	s3 =	sadd.s32 $0x88, s3;
	s6 =	simm.s32 @!p1 $0x1082;
	[sflag:s4] =	ssyncset.s32 $0xFFFFF086  }
0x25: {  	[simem:s6], [sflag:s4] =	dma.local [hbm:s3], $0xF7A  }
0x26: {  	[smem:$0x3F9F] =	sst s1;
	(tag) =	ssettag s2;
	_ =	strace s9  }
0x27: {  	s1 =	sld [smem:$0x3FAF]  }
0x28: {  	s2 =	sld [smem:$0x3FB0]  }
0x29: {  	s4 =	sld [smem:$0x3FB2]  }
0x2a: {  	p0 =	seq.s32 s5, $0x0;
	s5 =	sld [smem:$0x3FB3]  }
0x2b: {  	s6 =	sld [smem:$0x3FB4]  }
0x2c: {  	s7 =	sld [smem:$0x3FB5]  }
0x2d: {  	s3 =	simm.s32 $0x108;
	s8 =	sld [smem:$0x3FB6]  }
0x2e: {  	s3 =	simm.s32 @!p0 $0x1082;
	s9 =	sld [smem:$0x3FB7]  }
0x2f: {  	lr =	sadd.s32 s0, s3;
	s0 =	sld [smem:$0x3FAE]  }
0x30: {  	s3 =	sld [smem:$0x3FB1]  }
0x31: {  	[smem:$0x3FBA] =	sst s10  }
0x32: {  	s10 =	sld [smem:$0x3FB8];
	_ =	sdelay $0x3  }
0x33: {  	p0 =	seq.s32 s10, $0x1;
	s10 =	sld [smem:$0x3FBA];
	_ =	sdelay $0x3  }
0x34: {  	[smem:$0x3FBA] =	sst s10  }
0x35: {  	s10 =	sld [smem:$0x3FB9];
	_ =	sdelay $0x3  }
0x36: {  	p1 =	seq.s32 s10, $0x1;
	s10 =	sld [smem:$0x3FBA];
	_ =	sdelay $0x3  }
0x37: {  	[smem:$0x3FBA] =	sst s10  }
0x38: {  	s10 =	sld [smem:$0x3FBB]  }
0x39: {  	_ = 	snop;
	(pc) =	sbr.ind lr, $3  }
0x3a: {  	_ = 	snop  }
0x3b: {  	_ = 	snop  }
0x3c: {  	p2 =	seq.s32 s10, $0x1;
	s10 =	sld [smem:$0x3FBA]  }
0x3d: {  	_ =	shalt  }
0x3e: {  	_ =	shalt  }
0x3f: {  	_ =	shalt  }
0x40: {  	_ =	shalt  }
0x41: {  	_ =	shalt  }
0x42: {  	_ =	shalt  }
0x43: {  	_ =	shalt  }
0x44: {  	_ =	shalt  }
0x45: {  	_ =	shalt  }
0x46: {  	_ =	shalt  }
0x47: {  	_ =	shalt  }
0x48: {  	_ =	shalt  }
0x49: {  	_ =	shalt  }
0x4a: {  	_ =	shalt  }
0x4b: {  	_ =	shalt  }
0x4c: {  	_ =	shalt  }
0x4d: {  	_ =	shalt  }
0x4e: {  	_ =	shalt  }
0x4f: {  	_ =	shalt  }
0x50: {  	_ =	shalt  }
0x51: {  	_ =	shalt  }
0x52: {  	_ =	shalt  }
0x53: {  	_ =	shalt  }
0x54: {  	_ =	shalt  }
0x55: {  	_ =	shalt  }
0x56: {  	_ =	shalt  }
0x57: {  	_ =	shalt  }
0x58: {  	_ =	shalt  }
0x59: {  	_ =	shalt  }
0x5a: {  	_ =	shalt  }
0x5b: {  	_ =	shalt  }
0x5c: {  	_ =	shalt  }
0x5d: {  	_ =	shalt  }
0x5e: {  	_ =	shalt  }
0x5f: {  	_ =	shalt  }
0x60: {  	_ =	shalt  }
0x61: {  	_ =	shalt  }
0x62: {  	_ =	shalt  }
0x63: {  	_ =	shalt  }
0x64: {  	_ =	shalt  }
0x65: {  	_ =	shalt  }
0x66: {  	_ =	shalt  }
0x67: {  	_ =	shalt  }
0x68: {  	_ =	shalt  }
0x69: {  	_ =	shalt  }
0x6a: {  	_ =	shalt  }
0x6b: {  	_ =	shalt  }
0x6c: {  	_ =	shalt  }
0x6d: {  	_ =	shalt  }
0x6e: {  	_ =	shalt  }
0x6f: {  	_ =	shalt  }
0x70: {  	_ =	shalt  }
0x71: {  	_ =	shalt  }
0x72: {  	_ =	shalt  }
0x73: {  	_ =	shalt  }
0x74: {  	_ =	shalt  }
0x75: {  	_ =	shalt  }
0x76: {  	_ =	shalt  }
0x77: {  	_ =	shalt  }
0x78: {  	_ =	shalt  }
0x79: {  	_ =	shalt  }
0x7a: {  	_ =	shalt  }
0x7b: {  	_ =	shalt  }
0x7c: {  	_ =	shalt  }
0x7d: {  	_ =	shalt  }
0x7e: {  	_ =	shalt  }
0x7f: {  	_ =	shalt  }
0x80: {  	_ =	shalt  }
0x81: {  	_ =	shalt  }
0x82: {  	_ =	shalt  }
0x83: {  	_ =	shalt  }
0x84: {  	_ =	shalt  }
0x85: {  	_ =	shalt  }
0x86: {  	_ =	shalt  }
0x87: {  	_ =	shalt  }
.Lfunc_end0:
.L_simem_size_0:
called_computation_lowered:
.L_overlay_start_0:
0x88: {  	s2 =	sld [smem:$0x3FD9]  }
0x89: {  	s3 =	sld [smem:$0x3FFE];
	_ =	sdelay $0x1  }
0x8a: {  	s1 =	srdreg.scid  }
0x8b: {  	s0 =	sand.u32 $0x1, s1  }
0x8c: {  	s17 =	sshll.u32 s0, $0xA;
	s2 =	sadd.s32 s3, s2  }
0x8d: {  	s2 =	sadd.s32 s2, s17  }
0x8e: {  	[smem:$0x3FC6] =	sst s2  }
0x8f: {  	_ = 	snop  }
0x90: {  	s2 =	sld [smem:$0x3FC8]  }
0x91: {  	s18 =	sld [smem:$0x3FD0];
	(tm) =	ssettm $0x1  }
0x92: {  	s4 =	sld [smem:$0x3FFB];
	_ =	sdelay $0x3  }
0x93: {  	_ =	strace s4  }
0x94: {  	s4 =	sld [smem:$0x3FFC];
	_ =	sdelay $0x3  }
0x95: {  	_ =	strace s4  }
0x96: {  	s4 =	sld [smem:$0x3FFD];
	_ =	sdelay $0x3  }
0x97: {  	_ =	strace s4  }
0x98: {  	_ =	strace $0x8FFFFFFF  }
0x99: {  	s19 =	sld [smem:$0x3FDB];
	_ =	sdelay $0x1  }
0x9a: {  	s5 =	simm.s32 $_scs_section_size  }
0x9b: {  	s6 =	simm.s32 $_size__tile_overlayer_lowered;
	s7 =	simm.s32 $_tile_overlayer_lowered  }
0x9c: {  	s22 =	simm.s32 $0x1BFF;
	s21 =	sshll.u32 s7, $0x1;
	s4 =	sadd.s32 s5, s19  }
0x9d: {  	s8 =	simm.s32 $0x0;
	s20 =	sshll.u32 s6, $0x1;
	s6 =	sadd.s32 s21, s4  }
0x9e: {  	[timem:s8], [sflag:s22] =	dma.local [hbm:s6], s20  }
0x9f: {  	_ =	swait.ge [sflag:s22], s20  }
0xa0: {  	s5 =	ssub.s32 $0x0, s20;
	[sflag:s22] =	ssyncset.done $0x0  }
0xa1: {  	[sflag:s22] =	ssyncadd.s32 s5;
	_ =	sdelay $0x1  }
0xa2: {  	s23 =	simm.s32 $0x1B8B  }
0xa3: {  	_ =	swait.ge [sflag:s23], $0x1  }
0xa4: {  	[sflag:s23] =	ssyncset.done $0x0  }
0xa5: {  	s25 =	simm.s32 $0x1B8E;
	s24 =	sld [smem:$0x3FFE];
	[sflag:s23] =	ssyncadd.s32 $0xFFFFFFFF  }
0xa6: {  	s26 =	simm.s32 $execute0_lowered;
	[smem:$0x3FD2] =	sst s25  }
0xa7: {  	s6 =	sshll.u32 s26, $0x1;
	_ =	strace $0x80000046;
	[dreg:$0x1] =	wrdreg $0xFFFFFFFF  }
0xa8: {  	s28 =	simm.s32 $_size_execute0_lowered;
	s4 =	sadd.s32 s4, s6;
	[dreg:$0x0] =	wrdreg $0x0  }
0xa9: {  	s6 =	sshll.u32 s28, $0x1;
	[dreg:$0x2] =	wrdreg s4  }
0xaa: {  	[dreg:$0x3] =	wrdreg s6  }
0xab: {  	[dreg:$0x4] =	wrdreg $0xC0  }
0xac: {  	_ =	task [dreg:s8], $0x5FFFF  }
0xad: {  	[dreg:$0x1] =	wrdreg $0xFFFFFFFF  }
0xae: {  	[dreg:$0x0] =	wrdreg $0x60  }
0xaf: {  	[dreg:$0x2] =	wrdreg s18  }
0xb0: {  	[dreg:$0x3] =	wrdreg s2  }
0xb1: {  	[dreg:$0x4] =	wrdreg s24  }
0xb2: {  	[dreg:$0x5] =	wrdreg $0x9  }
0xb3: {  	_ =	task.clear_ibuf [dreg:s8], $0x6FFFF;
	_ =	strace $0x90000046  }
0xb4: {  	s29 =	simm.s32 $0x9;
	_ =	strace $0x80000048  }
0xb5: {  	_ =	swait.ge [sflag:s29], $0x1  }
0xb6: {  	[sflag:s29] =	ssyncadd.s32 $0xFFFFFFFF  }
0xb7: {  	_ =	strace $0x90000048  }
0xb8: {  	_ =	sfence  }
0xb9: {  	s30 =	sld [smem:$0x0];
	_ =	sdelay $0x2  }
0xba: {  	s31 =	sshll.u32 s1, $0xD;
	s1 =	sshrl.u32 s1, $0x2  }
0xbb: {  	s3 =	sand.u32 $0x4000, s31;
	s1 =	sadd.s32 s1, s30  }
0xbc: {  	s0 =	sor.u32 s3, s0;
	s1 =	sshll.u32 s1, $0x11  }
0xbd: {  	s0 =	sor.u32 s1, s0  }
0xbe: {  	s0 =	sadd.s32 $0x8F2B, s0  }
0xbf: {  	[sflag:s0] =	ssyncadd.remote.s32 $0x1  }
0xc0: {  	_ =	sfence.sel $0xFFFF  }
0xc1: {  	[dreg:$0x0] =	wrdreg $0xFFFFFFFF;
	(pc) =	sbr.abs _section_cstart, $3  }
0xc2: {  	[dreg:$0x1] =	wrdreg $0xFFFFFFFF  }
0xc3: {  	_ =	task.clear_ibuf [dreg:s8], $0x2FFFF;
	_ =	strace $0x9FFFFFFF  }
0xc4: {  	(tm) =	ssettm $0x7FFFFFFF  }
0xc5: {  	_ =	shalt  }
tec
execute0_lowered:
.L_overlay_start_1:
0x0: {  	(tag) =	ssettag $0x1  }
0x1: {  	s5 =	rddreg [dreg:$0x0];
	s1 =	srdreg.scid  }
0x2: {  	s0 =	stileid.u32;
	s2 =	rddreg [dreg:$0x1]  }
0x3: {  	s6 =	rddreg [dreg:$0x2];
	s3 =	simm.s32 $0x0;
	s11 =	simm.s32 $0x2CB0  }
0x4: {  	s12 =	simm.s32 $0x1;
	s13 =	simm.s32 $0x5560;
	s14 =	simm.s32 $0x2  }
0x5: {  	s15 =	simm.s32 $0x7E10;
	s4 =	sand.u32 $0x1, s1;
	s31 =	sshll.u32 s0, $0x1  }
0x6: {  	s16 =	simm.s32 $0x3;
	s17 =	simm.s32 $0x4;
	s7 =	sor.u32 s4, s31  }
0x7: {  	s1 =	rddreg [dreg:$0x3];
	s4 =	ssub.s32 $0x2, s4;
	s7 =	smul.u32 $0x5160, s7  }
0x8: {  	s18 =	simm.s32 $0x0;
	[smem:$0x7FF] =	sst s3;
	s8 =	sshrl.u32 s4, $0x1  }
0x9: {  	s9 =	sadd.s32 $0x1E00, s6;
	s8 =	ssub.s32 s4, s8;
	s7 =	sshrl.u32 s7, $0x3  }
0xa: {  	_ =	strace $0x80000047;
	s8 =	smax.u32 s8, $0x1;
	s10 =	sadd.s32 $0x516, s7  }
0xb: {  	s4 =	sadd.s32 s5, s7;
	s6 =	sadd.s32 s9, s7;
	s5 =	sadd.s32 s5, s10  }
0xc: {  	v0 =	vimm.s32 $0x200;
	s7 =	sadd.s32 s9, s10;
	s9 =	simm.s32 $0x5;
	s10 =	simm.s32 $0x400  }
.LBB2_1:
0xd: {  	[tilespmem:s3], [sflag:$0x5] =	stream.linear.gather [hbm4b:s2+s3], $0x400, $0x38;
	[tilespmem:$0xA6C0] =	vst v63  }
0xe: {  	_ =	swait.ge [sflag:s9], $0x400  }
0xf: {  	[sflag:s9] =	ssyncset.done $0x0  }
0x10: {  	[sflag:s9] =	ssyncadd.s32 $0xFFFFFC00  }
0x11: {  	[tilespmem:s10], [sflag:$0x1] =	stream.linear.gather [hbm4b:s4+s3], $0x28B0, $0x38;
	[tilespmem:$0xA6C0] =	vst v63  }
0x12: {  	_ = 	snop  }
0x13: {  	[tilespmem:s11], [sflag:$0x2] =	stream.linear.gather [hbm4b:s5+s3], $0x28B0, $0x38;
	[tilespmem:$0xA6C0] =	vst v63  }
0x14: {  	_ =	swait.ge [sflag:s12], $0x28B0  }
0x15: {  	[sflag:s12] =	ssyncset.done $0x0  }
0x16: {  	s19 =	simm.s32 $0x440;
	[sflag:s12] =	ssyncadd.s32 $0xFFFFD750  }
0x17: {  	v1 =	vld [tilespmem:s19+$0x30]  }
0x18: {  	v2 =	vld [tilespmem:s19+$0xFFFFFFD0]  }
0x19: {  	v3 =	vld [tilespmem:s19+$0xFFFFFFE0]  }
0x1a: {  	v4 =	vld [tilespmem:s19+$0xFFFFFFF0]  }
0x1b: {  	v5 =	vld [tilespmem:s19+$0x0]  }
0x1c: {  	v6 =	vld [tilespmem:s19+$0x10]  }
0x1d: {  	v7 =	vld [tilespmem:s19+$0x20]  }
0x1e: {  	v8 =	vld [tilespmem:s19+$0xFFFFFFC0];
	v1 =	vmul.f32 $2.560000000e+02, v1  }
0x1f: {  	v2 =	vmul.f32 $2.560000000e+02, v2;
	v3 =	vmul.f32 $2.560000000e+02, v3  }
0x20: {  	v4 =	vmul.f32 $2.560000000e+02, v4;
	v5 =	vmul.f32 $2.560000000e+02, v5  }
0x21: {  	v6 =	vmul.f32 $2.560000000e+02, v6;
	v9 =	vtrunc.f32 v1  }
0x22: {  	v7 =	vmul.f32 $2.560000000e+02, v7;
	v10 =	vcvt.f32.s32 v9;
	vm0 =	vlt.f32 v1, v9  }
0x23: {  	v8 =	vmul.f32 $2.560000000e+02, v8;
	v11 =	vtrunc.f32 v3;
	v9 =	vsel vm0, $0x1FF, v0  }
0x24: {  	v12 =	vtrunc.f32 v5;
	v13 =	vtrunc.f32 v6;
	v9 =	vadd.s32 v10, v9  }
0x25: {  	v14 =	vtrunc.f32 v7;
	v15 =	vtrunc.f32 v8;
	vm0 =	vgt.s32 v9, $0x0  }
0x26: {  	v1 =	vtrunc.f32 v2;
	vm1 =	vlt.f32 v8, v15;
	v9 =	vnsel vm0, $0x0, v9  }
0x27: {  	vm2 =	vlt.f32 v3, v11;
	vm4 =	vlt.f32 v5, v12;
	v9 =	vmin.u32 v9, $0x3FF  }
0x28: {  	vm5 =	vlt.f32 v6, v13;
	v59 =	vcvt.f32.s32 v14;
	vm6 =	vlt.f32 v7, v14  }
0x29: {  	v16 =	vcvt.f32.s32 v1;
	v6 =	vsel vm2, $0x1FF, v0;
	v61 =	vsel vm4, $0x1FF, v0  }
0x2a: {  	v10 =	vtrunc.f32 v4;
	vm0 =	vlt.f32 v2, v1;
	v1 =	vcvt.f32.s32 v15  }
0x2b: {  	v62 =	vsel vm5, $0x1FF, v0;
	vm3 =	vlt.f32 v4, v10;
	v4 =	vsel vm1, $0x1FF, v0  }
0x2c: {  	v63 =	vsel vm6, $0x1FF, v0;
	v3 =	vcvt.f32.s32 v10;
	v7 =	vadd.s32 v1, v4;
	v1 =	vld.idx.msk [tilespmem:v9+s3+$0x0], $0xffff  }
0x2d: {  	v10 =	vcvt.f32.s32 v12;
	v2 =	vcvt.f32.s32 v11;
	v5 =	vsel vm0, $0x1FF, v0  }
0x2e: {  	v11 =	vcvt.f32.s32 v13;
	v60 =	vsel vm3, $0x1FF, v0;
	v5 =	vadd.s32 v16, v5  }
0x2f: {  	s22 =	simm.s32 $0x55A0;
	v8 =	vadd.s32 v2, v6;
	v4 =	vadd.s32 v3, v60;
	v3 =	vadd.s32 v10, v61  }
0x30: {  	s23 =	simm.s32 $0x0;
	s24 =	simm.s32 $0x4C0;
	s19 =	simm.s32 $0x2C80;
	v6 =	vadd.s32 v11, v62;
	v2 =	vadd.s32 v59, v63;
	vm0 =	vgt.s32 v7, $0x0  }
.LBB2_2:
0x31: {  	v9 =	vld [tilespmem:s24+$0x30];
	s23 =	sadd.s32 $0x80, s23;
	vm1 =	vgt.s32 v5, $0x0;
	vm2 =	vgt.s32 v8, $0x0;
	vm3 =	vgt.s32 v4, $0x0;
	[tilespmem:s22+$0x30] =	vst v1;
	s20 =	simm.s32 $0x2870;
	s21 =	simm.s32 $0x7DE0  }
0x32: {  	vm4 =	vgt.s32 v3, $0x0;
	vm5 =	vgt.s32 v6, $0x0;
	vm6 =	vgt.s32 v2, $0x0;
	v1 =	vld [tilespmem:s24+$0xFFFFFFD0];
	p0 =	slt.u32 s23, $0x2800  }
0x33: {  	v7 =	vnsel vm0, $0x0, v7;
	v5 =	vnsel vm1, $0x0, v5;
	v8 =	vnsel vm2, $0x0, v8;
	v10 =	vld [tilespmem:s24+$0xFFFFFFE0]  }
0x34: {  	v4 =	vnsel vm3, $0x0, v4;
	v3 =	vnsel vm4, $0x0, v3;
	v6 =	vnsel vm5, $0x0, v6;
	v11 =	vld [tilespmem:s24+$0xFFFFFFF0]  }
0x35: {  	v7 =	vmin.u32 v7, $0x3FF;
	v2 =	vnsel vm6, $0x0, v2;
	v5 =	vmin.u32 v5, $0x3FF;
	v12 =	vld [tilespmem:s24+$0x0]  }
0x36: {  	v8 =	vmin.u32 v8, $0x3FF;
	v4 =	vmin.u32 v4, $0x3FF;
	v13 =	vld [tilespmem:s24+$0x10];
	v9 =	vmul.f32 $2.560000000e+02, v9  }
0x37: {  	v3 =	vmin.u32 v3, $0x3FF;
	v6 =	vmin.u32 v6, $0x3FF;
	v1 =	vmul.f32 $2.560000000e+02, v1;
	v14 =	vld [tilespmem:s24+$0x20]  }
0x38: {  	v2 =	vmin.u32 v2, $0x3FF;
	v15 =	vld [tilespmem:s24+$0xFFFFFFC0];
	v10 =	vmul.f32 $2.560000000e+02, v10;
	v16 =	vtrunc.f32 v9  }
0x39: {  	v11 =	vmul.f32 $2.560000000e+02, v11;
	v17 =	vcvt.f32.s32 v16;
	vm0 =	vlt.f32 v9, v16  }
0x3a: {  	v9 =	vtrunc.f32 v1;
	v12 =	vmul.f32 $2.560000000e+02, v12;
	v16 =	vsel vm0, $0x1FF, v0;
	v7 =	vld.idx.msk [tilespmem:v7+s3+$0x0], $0xffff  }
0x3b: {  	v18 =	vtrunc.f32 v10;
	v13 =	vmul.f32 $2.560000000e+02, v13;
	v16 =	vadd.s32 v17, v16;
	v5 =	vld.idx.msk [tilespmem:v5+s3+$0x0], $0xffff  }
0x3c: {  	v17 =	vtrunc.f32 v11;
	v14 =	vmul.f32 $2.560000000e+02, v14;
	vm0 =	vgt.s32 v16, $0x0;
	v8 =	vld.idx.msk [tilespmem:v8+s3+$0x0], $0xffff  }
0x3d: {  	v19 =	vtrunc.f32 v12;
	v15 =	vmul.f32 $2.560000000e+02, v15;
	v16 =	vnsel vm0, $0x0, v16;
	v4 =	vld.idx.msk [tilespmem:v4+s3+$0x0], $0xffff  }
0x3e: {  	v20 =	vtrunc.f32 v13;
	v21 =	vtrunc.f32 v14;
	v16 =	vmin.u32 v16, $0x3FF;
	v3 =	vld.idx.msk [tilespmem:v3+s3+$0x0], $0xffff  }
0x3f: {  	v23 =	vcvt.f32.s32 v9;
	vm0 =	vlt.f32 v1, v9;
	v22 =	vtrunc.f32 v15;
	v6 =	vld.idx.msk [tilespmem:v6+s3+$0x0], $0xffff  }
0x40: {  	v9 =	vcvt.f32.s32 v22;
	vm1 =	vlt.f32 v15, v22;
	v15 =	vcvt.f32.s32 v18;
	[tilespmem:s22+$0xFFFFFFC0] =	vst v7;
	v2 =	vld.idx.msk [tilespmem:v2+s3+$0x0], $0xffff  }
0x41: {  	vm2 =	vlt.f32 v10, v18;
	v10 =	vcvt.f32.s32 v17;
	vm3 =	vlt.f32 v11, v17;
	[tilespmem:s22+$0xFFFFFFD0] =	vst v5  }
0x42: {  	v11 =	vcvt.f32.s32 v19;
	vm4 =	vlt.f32 v12, v19;
	v12 =	vcvt.f32.s32 v20;
	[tilespmem:s22+$0xFFFFFFE0] =	vst v8  }
0x43: {  	vm5 =	vlt.f32 v13, v20;
	v13 =	vcvt.f32.s32 v21;
	vm6 =	vlt.f32 v14, v21;
	v1 =	vld.idx.msk [tilespmem:v16+s3+$0x0], $0xffff;
	[tilespmem:s22+$0xFFFFFFF0] =	vst v4  }
.Ltmp0:
0x44: {  	v5 =	vsel vm0, $0x1FF, v0;
	v8 =	vsel vm2, $0x1FF, v0;
	v4 =	vsel vm1, $0x1FF, v0;
	[tilespmem:s22+$0x0] =	vst v3;
	(pc) =	sbr.rel @p0 .LBB2_2-.Ltmp0, $4  }
0x45: {  	v14 =	vsel vm4, $0x1FF, v0;
	v16 =	vsel vm5, $0x1FF, v0;
	v3 =	vsel vm3, $0x1FF, v0;
	[tilespmem:s22+$0x10] =	vst v6  }
0x46: {  	v5 =	vadd.s32 v23, v5;
	v7 =	vadd.s32 v9, v4;
	v9 =	vsel vm6, $0x1FF, v0;
	[tilespmem:s22+$0x20] =	vst v2  }
0x47: {  	v8 =	vadd.s32 v15, v8;
	v4 =	vadd.s32 v10, v3;
	v3 =	vadd.s32 v11, v14  }
0x48: {  	s24 =	sadd.s32 $0x80, s24;
	vm0 =	vgt.s32 v7, $0x0;
	v6 =	vadd.s32 v12, v16;
	v2 =	vadd.s32 v13, v9;
	s22 =	sadd.s32 $0x80, s22  }
0x49: {  	vm1 =	vgt.s32 v5, $0x0;
	v7 =	vnsel vm0, $0x0, v7  }
0x4a: {  	vm11 =	vgt.s32 v8, $0x0;
	v5 =	vnsel vm1, $0x0, v5;
	v7 =	vmin.u32 v7, $0x3FF  }
0x4b: {  	vm12 =	vgt.s32 v4, $0x0;
	v8 =	vnsel vm11, $0x0, v8;
	v5 =	vmin.u32 v5, $0x3FF  }
0x4c: {  	vm13 =	vgt.s32 v3, $0x0;
	v4 =	vnsel vm12, $0x0, v4;
	v8 =	vmin.u32 v8, $0x3FF  }
0x4d: {  	vm14 =	vgt.s32 v6, $0x0;
	v3 =	vnsel vm13, $0x0, v3;
	v4 =	vmin.u32 v4, $0x3FF  }
0x4e: {  	vm15 =	vgt.s32 v2, $0x0;
	v6 =	vnsel vm14, $0x0, v6;
	v3 =	vmin.u32 v3, $0x3FF  }
0x4f: {  	v2 =	vnsel vm15, $0x0, v2;
	v6 =	vmin.u32 v6, $0x3FF;
	v7 =	vld.idx.msk [tilespmem:v7+s3+$0x0], $0xffff  }
0x50: {  	v2 =	vmin.u32 v2, $0x3FF;
	v5 =	vld.idx.msk [tilespmem:v5+s3+$0x0], $0xffff  }
0x51: {  	v8 =	vld.idx.msk [tilespmem:v8+s3+$0x0], $0xffff  }
0x52: {  	v4 =	vld.idx.msk [tilespmem:v4+s3+$0x0], $0xffff  }
0x53: {  	[tilespmem:s22+$0x30] =	vst v1;
	v1 =	vld.idx.msk [tilespmem:v3+s3+$0x0], $0xffff  }
0x54: {  	v3 =	vld.idx.msk [tilespmem:v6+s3+$0x0], $0xffff;
	[tilespmem:s22+$0xFFFFFFC0] =	vst v7  }
0x55: {  	v2 =	vld.idx.msk [tilespmem:v2+s3+$0x0], $0xffff;
	[tilespmem:s22+$0xFFFFFFD0] =	vst v5  }
0x56: {  	[tilespmem:s22+$0xFFFFFFE0] =	vst v8  }
0x57: {  	[tilespmem:s22+$0xFFFFFFF0] =	vst v4  }
0x58: {  	[tilespmem:s22+$0x0] =	vst v1  }
0x59: {  	[tilespmem:s22+$0x10] =	vst v3  }
0x5a: {  	[tilespmem:s22+$0x20] =	vst v2  }
.LBB2_4:
0x5b: {  	v1 =	vld [tilespmem:s19+$0x0];
	_ =	sdelay $0x4  }
0x5c: {  	v1 =	vmul.f32 $2.560000000e+02, v1;
	_ =	sdelay $0x1  }
0x5d: {  	v2 =	vtrunc.f32 v1  }
0x5e: {  	v3 =	vcvt.f32.s32 v2;
	vm0 =	vlt.f32 v1, v2  }
0x5f: {  	v1 =	vsel vm0, $0x1FF, v0  }
0x60: {  	v1 =	vadd.s32 v3, v1  }
0x61: {  	vm15 =	vgt.s32 v1, $0x0  }
0x62: {  	v1 =	vnsel vm15, $0x0, v1  }
0x63: {  	v1 =	vmin.u32 v1, $0x3FF;
	_ =	sdelay $0x3  }
0x64: {  	s20 =	sadd.s32 $0x10, s20  }
0x65: {  	p0 =	slt.u32 s20, $0x28A0;
	v1 =	vld.idx.msk [tilespmem:v1+s3+$0x0], $0xffff  }
.Ltmp1:
0x66: {  	_ = 	snop;
	(pc) =	sbr.rel @p0 .LBB2_4-.Ltmp1, $2  }
0x67: {  	_ =	sdelay $0x2  }
0x68: {  	s19 =	sadd.s32 $0x10, s19;
	[tilespmem:s21+$0x0] =	vst v1;
	s21 =	sadd.s32 $0x10, s21  }
0x69: {  	[hbm4b:s6+s3] =	stream.linear.scatter [tilespmem:s13], [sflag:$0x3], $0x28B0, $0x38;
	[tilespmem:$0xA6C0] =	vst v63  }
0x6a: {  	_ =	swait.ge [sflag:s14], $0x28B0  }
0x6b: {  	[sflag:s14] =	ssyncset.done $0x0  }
0x6c: {  	s19 =	simm.s32 $0x2CF0;
	[sflag:s14] =	ssyncadd.s32 $0xFFFFD750  }
0x6d: {  	v1 =	vld [tilespmem:s19+$0x30]  }
0x6e: {  	v2 =	vld [tilespmem:s19+$0xFFFFFFD0]  }
0x6f: {  	v3 =	vld [tilespmem:s19+$0xFFFFFFE0]  }
0x70: {  	v4 =	vld [tilespmem:s19+$0xFFFFFFF0]  }
0x71: {  	v5 =	vld [tilespmem:s19+$0x0]  }
0x72: {  	v6 =	vld [tilespmem:s19+$0x10]  }
0x73: {  	v7 =	vld [tilespmem:s19+$0x20]  }
0x74: {  	v8 =	vld [tilespmem:s19+$0xFFFFFFC0];
	v1 =	vmul.f32 $2.560000000e+02, v1  }
0x75: {  	v2 =	vmul.f32 $2.560000000e+02, v2;
	v3 =	vmul.f32 $2.560000000e+02, v3  }
0x76: {  	v4 =	vmul.f32 $2.560000000e+02, v4;
	v5 =	vmul.f32 $2.560000000e+02, v5  }
0x77: {  	v6 =	vmul.f32 $2.560000000e+02, v6;
	v9 =	vtrunc.f32 v1  }
0x78: {  	v7 =	vmul.f32 $2.560000000e+02, v7;
	v10 =	vcvt.f32.s32 v9;
	vm0 =	vlt.f32 v1, v9  }
0x79: {  	v8 =	vmul.f32 $2.560000000e+02, v8;
	v11 =	vtrunc.f32 v3;
	v9 =	vsel vm0, $0x1FF, v0  }
0x7a: {  	v12 =	vtrunc.f32 v5;
	v13 =	vtrunc.f32 v6;
	v9 =	vadd.s32 v10, v9  }
0x7b: {  	v14 =	vtrunc.f32 v7;
	v15 =	vtrunc.f32 v8;
	vm0 =	vgt.s32 v9, $0x0  }
0x7c: {  	v1 =	vtrunc.f32 v2;
	vm1 =	vlt.f32 v8, v15;
	v9 =	vnsel vm0, $0x0, v9  }
0x7d: {  	vm2 =	vlt.f32 v3, v11;
	vm4 =	vlt.f32 v5, v12;
	v9 =	vmin.u32 v9, $0x3FF  }
0x7e: {  	vm5 =	vlt.f32 v6, v13;
	v59 =	vcvt.f32.s32 v14;
	vm6 =	vlt.f32 v7, v14  }
0x7f: {  	v16 =	vcvt.f32.s32 v1;
	v6 =	vsel vm2, $0x1FF, v0;
	v61 =	vsel vm4, $0x1FF, v0  }
0x80: {  	v10 =	vtrunc.f32 v4;
	vm0 =	vlt.f32 v2, v1;
	v1 =	vcvt.f32.s32 v15  }
0x81: {  	v62 =	vsel vm5, $0x1FF, v0;
	vm3 =	vlt.f32 v4, v10;
	v4 =	vsel vm1, $0x1FF, v0  }
0x82: {  	v63 =	vsel vm6, $0x1FF, v0;
	v3 =	vcvt.f32.s32 v10;
	v7 =	vadd.s32 v1, v4;
	v1 =	vld.idx.msk [tilespmem:v9+s3+$0x0], $0xffff  }
0x83: {  	v10 =	vcvt.f32.s32 v12;
	v2 =	vcvt.f32.s32 v11;
	v5 =	vsel vm0, $0x1FF, v0  }
0x84: {  	v11 =	vcvt.f32.s32 v13;
	v60 =	vsel vm3, $0x1FF, v0;
	v5 =	vadd.s32 v16, v5  }
0x85: {  	s21 =	simm.s32 $0x7E50;
	v8 =	vadd.s32 v2, v6;
	v4 =	vadd.s32 v3, v60;
	v3 =	vadd.s32 v10, v61  }
0x86: {  	s22 =	simm.s32 $0x0;
	s23 =	simm.s32 $0x2D70;
	s19 =	simm.s32 $0x5530;
	v6 =	vadd.s32 v11, v62;
	v2 =	vadd.s32 v59, v63;
	vm0 =	vgt.s32 v7, $0x0  }
.LBB2_6:
0x87: {  	v9 =	vld [tilespmem:s23+$0x30];
	s22 =	sadd.s32 $0x80, s22;
	vm1 =	vgt.s32 v5, $0x0;
	vm2 =	vgt.s32 v8, $0x0;
	vm3 =	vgt.s32 v4, $0x0;
	[tilespmem:s21+$0x30] =	vst v1;
	s20 =	simm.s32 $0xA690  }
0x88: {  	vm4 =	vgt.s32 v3, $0x0;
	vm5 =	vgt.s32 v6, $0x0;
	vm6 =	vgt.s32 v2, $0x0;
	v1 =	vld [tilespmem:s23+$0xFFFFFFD0];
	p0 =	slt.u32 s22, $0x2800  }
0x89: {  	v7 =	vnsel vm0, $0x0, v7;
	v5 =	vnsel vm1, $0x0, v5;
	v8 =	vnsel vm2, $0x0, v8;
	v10 =	vld [tilespmem:s23+$0xFFFFFFE0]  }
0x8a: {  	v4 =	vnsel vm3, $0x0, v4;
	v3 =	vnsel vm4, $0x0, v3;
	v6 =	vnsel vm5, $0x0, v6;
	v11 =	vld [tilespmem:s23+$0xFFFFFFF0]  }
0x8b: {  	v7 =	vmin.u32 v7, $0x3FF;
	v2 =	vnsel vm6, $0x0, v2;
	v5 =	vmin.u32 v5, $0x3FF;
	v12 =	vld [tilespmem:s23+$0x0]  }
0x8c: {  	v8 =	vmin.u32 v8, $0x3FF;
	v4 =	vmin.u32 v4, $0x3FF;
	v13 =	vld [tilespmem:s23+$0x10];
	v9 =	vmul.f32 $2.560000000e+02, v9  }
0x8d: {  	v3 =	vmin.u32 v3, $0x3FF;
	v6 =	vmin.u32 v6, $0x3FF;
	v1 =	vmul.f32 $2.560000000e+02, v1;
	v14 =	vld [tilespmem:s23+$0x20]  }
0x8e: {  	v2 =	vmin.u32 v2, $0x3FF;
	v15 =	vld [tilespmem:s23+$0xFFFFFFC0];
	v10 =	vmul.f32 $2.560000000e+02, v10;
	v16 =	vtrunc.f32 v9  }
0x8f: {  	v11 =	vmul.f32 $2.560000000e+02, v11;
	v17 =	vcvt.f32.s32 v16;
	vm0 =	vlt.f32 v9, v16  }
0x90: {  	v9 =	vtrunc.f32 v1;
	v12 =	vmul.f32 $2.560000000e+02, v12;
	v16 =	vsel vm0, $0x1FF, v0;
	v7 =	vld.idx.msk [tilespmem:v7+s3+$0x0], $0xffff  }
0x91: {  	v18 =	vtrunc.f32 v10;
	v13 =	vmul.f32 $2.560000000e+02, v13;
	v16 =	vadd.s32 v17, v16;
	v5 =	vld.idx.msk [tilespmem:v5+s3+$0x0], $0xffff  }
0x92: {  	v17 =	vtrunc.f32 v11;
	v14 =	vmul.f32 $2.560000000e+02, v14;
	vm0 =	vgt.s32 v16, $0x0;
	v8 =	vld.idx.msk [tilespmem:v8+s3+$0x0], $0xffff  }
0x93: {  	v19 =	vtrunc.f32 v12;
	v15 =	vmul.f32 $2.560000000e+02, v15;
	v16 =	vnsel vm0, $0x0, v16;
	v4 =	vld.idx.msk [tilespmem:v4+s3+$0x0], $0xffff  }
0x94: {  	v20 =	vtrunc.f32 v13;
	v21 =	vtrunc.f32 v14;
	v16 =	vmin.u32 v16, $0x3FF;
	v3 =	vld.idx.msk [tilespmem:v3+s3+$0x0], $0xffff  }
0x95: {  	v23 =	vcvt.f32.s32 v9;
	vm0 =	vlt.f32 v1, v9;
	v22 =	vtrunc.f32 v15;
	v6 =	vld.idx.msk [tilespmem:v6+s3+$0x0], $0xffff  }
0x96: {  	v9 =	vcvt.f32.s32 v22;
	vm1 =	vlt.f32 v15, v22;
	v15 =	vcvt.f32.s32 v18;
	[tilespmem:s21+$0xFFFFFFC0] =	vst v7;
	v2 =	vld.idx.msk [tilespmem:v2+s3+$0x0], $0xffff  }
0x97: {  	vm2 =	vlt.f32 v10, v18;
	v10 =	vcvt.f32.s32 v17;
	vm3 =	vlt.f32 v11, v17;
	[tilespmem:s21+$0xFFFFFFD0] =	vst v5  }
0x98: {  	v11 =	vcvt.f32.s32 v19;
	vm4 =	vlt.f32 v12, v19;
	v12 =	vcvt.f32.s32 v20;
	[tilespmem:s21+$0xFFFFFFE0] =	vst v8  }
0x99: {  	vm5 =	vlt.f32 v13, v20;
	v13 =	vcvt.f32.s32 v21;
	vm6 =	vlt.f32 v14, v21;
	v1 =	vld.idx.msk [tilespmem:v16+s3+$0x0], $0xffff;
	[tilespmem:s21+$0xFFFFFFF0] =	vst v4  }
.Ltmp2:
0x9a: {  	v5 =	vsel vm0, $0x1FF, v0;
	v8 =	vsel vm2, $0x1FF, v0;
	v4 =	vsel vm1, $0x1FF, v0;
	[tilespmem:s21+$0x0] =	vst v3;
	(pc) =	sbr.rel @p0 .LBB2_6-.Ltmp2, $4  }
0x9b: {  	v14 =	vsel vm4, $0x1FF, v0;
	v16 =	vsel vm5, $0x1FF, v0;
	v3 =	vsel vm3, $0x1FF, v0;
	[tilespmem:s21+$0x10] =	vst v6  }
0x9c: {  	v5 =	vadd.s32 v23, v5;
	v7 =	vadd.s32 v9, v4;
	v9 =	vsel vm6, $0x1FF, v0;
	[tilespmem:s21+$0x20] =	vst v2  }
0x9d: {  	v8 =	vadd.s32 v15, v8;
	v4 =	vadd.s32 v10, v3;
	v3 =	vadd.s32 v11, v14  }
0x9e: {  	s23 =	sadd.s32 $0x80, s23;
	vm0 =	vgt.s32 v7, $0x0;
	v6 =	vadd.s32 v12, v16;
	v2 =	vadd.s32 v13, v9;
	s21 =	sadd.s32 $0x80, s21  }
0x9f: {  	vm1 =	vgt.s32 v5, $0x0;
	v7 =	vnsel vm0, $0x0, v7  }
0xa0: {  	vm11 =	vgt.s32 v8, $0x0;
	v5 =	vnsel vm1, $0x0, v5;
	v7 =	vmin.u32 v7, $0x3FF  }
0xa1: {  	vm12 =	vgt.s32 v4, $0x0;
	v8 =	vnsel vm11, $0x0, v8;
	v5 =	vmin.u32 v5, $0x3FF  }
0xa2: {  	vm13 =	vgt.s32 v3, $0x0;
	v4 =	vnsel vm12, $0x0, v4;
	v8 =	vmin.u32 v8, $0x3FF  }
0xa3: {  	vm14 =	vgt.s32 v6, $0x0;
	v3 =	vnsel vm13, $0x0, v3;
	v4 =	vmin.u32 v4, $0x3FF  }
0xa4: {  	vm15 =	vgt.s32 v2, $0x0;
	v6 =	vnsel vm14, $0x0, v6;
	v3 =	vmin.u32 v3, $0x3FF  }
0xa5: {  	v2 =	vnsel vm15, $0x0, v2;
	v6 =	vmin.u32 v6, $0x3FF;
	v7 =	vld.idx.msk [tilespmem:v7+s3+$0x0], $0xffff  }
0xa6: {  	v2 =	vmin.u32 v2, $0x3FF;
	v5 =	vld.idx.msk [tilespmem:v5+s3+$0x0], $0xffff  }
0xa7: {  	v8 =	vld.idx.msk [tilespmem:v8+s3+$0x0], $0xffff  }
0xa8: {  	v4 =	vld.idx.msk [tilespmem:v4+s3+$0x0], $0xffff  }
0xa9: {  	[tilespmem:s21+$0x30] =	vst v1;
	v1 =	vld.idx.msk [tilespmem:v3+s3+$0x0], $0xffff  }
0xaa: {  	v3 =	vld.idx.msk [tilespmem:v6+s3+$0x0], $0xffff;
	[tilespmem:s21+$0xFFFFFFC0] =	vst v7  }
0xab: {  	v2 =	vld.idx.msk [tilespmem:v2+s3+$0x0], $0xffff;
	[tilespmem:s21+$0xFFFFFFD0] =	vst v5  }
0xac: {  	[tilespmem:s21+$0xFFFFFFE0] =	vst v8  }
0xad: {  	[tilespmem:s21+$0xFFFFFFF0] =	vst v4  }
0xae: {  	[tilespmem:s21+$0x0] =	vst v1  }
0xaf: {  	[tilespmem:s21+$0x10] =	vst v3  }
0xb0: {  	s22 =	simm.s32 $0x2870;
	[tilespmem:s21+$0x20] =	vst v2  }
.LBB2_8:
0xb1: {  	v1 =	vld [tilespmem:s19+$0x0];
	_ =	sdelay $0x4  }
0xb2: {  	v1 =	vmul.f32 $2.560000000e+02, v1;
	_ =	sdelay $0x1  }
0xb3: {  	v2 =	vtrunc.f32 v1  }
0xb4: {  	v3 =	vcvt.f32.s32 v2;
	vm0 =	vlt.f32 v1, v2  }
0xb5: {  	v1 =	vsel vm0, $0x1FF, v0  }
0xb6: {  	v1 =	vadd.s32 v3, v1  }
0xb7: {  	vm15 =	vgt.s32 v1, $0x0  }
0xb8: {  	v1 =	vnsel vm15, $0x0, v1  }
0xb9: {  	v1 =	vmin.u32 v1, $0x3FF;
	_ =	sdelay $0x3  }
0xba: {  	s22 =	sadd.s32 $0x10, s22  }
0xbb: {  	p0 =	slt.u32 s22, $0x28A0;
	v1 =	vld.idx.msk [tilespmem:v1+s3+$0x0], $0xffff  }
.Ltmp3:
0xbc: {  	_ = 	snop;
	(pc) =	sbr.rel @p0 .LBB2_8-.Ltmp3, $2  }
0xbd: {  	_ =	sdelay $0x2  }
0xbe: {  	s19 =	sadd.s32 $0x10, s19;
	[tilespmem:s20+$0x0] =	vst v1;
	s20 =	sadd.s32 $0x10, s20  }
0xbf: {  	[hbm4b:s7+s3] =	stream.linear.scatter [tilespmem:s15], [sflag:$0x4], $0x28B0, $0x38;
	[tilespmem:$0xA6C0] =	vst v63  }
0xc0: {  	s18 =	sadd.s32 $0x1, s18  }
0xc1: {  	_ =	swait.ge [sflag:s16], $0x28B0;
	p0 =	sne.s32 s18, s8  }
.Ltmp4:
0xc2: {  	[sflag:s16] =	ssyncset.done $0x0;
	(pc) =	sbr.rel @p0 .LBB2_1-.Ltmp4, $4  }
0xc3: {  	[sflag:s16] =	ssyncadd.s32 $0xFFFFD750  }
0xc4: {  	_ =	swait.ge [sflag:s17], $0x28B0  }
0xc5: {  	[sflag:s17] =	ssyncset.done $0x0  }
0xc6: {  	[sflag:s17] =	ssyncadd.s32 $0xFFFFD750  }
0xc7: {  	_ =	sfence.sel $0x180000  }
0xc8: {  	[bflag:$0x0] =	sbarrier.arrive $0xFFFF  }
0xc9: {  	p0 =	sne.s32 s0, $0x0;
	_ =	strace $0x90000047  }
0xca: {  	s0 =	sadd.s32 @!p0 $0x100000, s1;
	[bflag:$0x2] =	sbarrier.arrive $0xFFFF  }
0xcb: {  	[sflag:s0] =	ssyncadd.tile.s32 @!p0 $0x1;
	_ =	shalt  }
.Lfunc_end2:
_tile_overlayer_lowered:
.L_overlay_start_2:
0xcc: {  	(tag) =	ssettag $0x2  }
0xcd: {  	s0 =	rddreg [dreg:$0x0];
	s2 =	stileid.u32  }
0xce: {  	s1 =	rddreg [dreg:$0x1];
	p0 =	sne.s32 s2, $0x0  }
0xcf: {  	s3 =	rddreg [dreg:$0x2];
	[bflag:$0x3] =	sbarrier.arrive $0xFFFF;
	s2 =	simm.s32 @!p0 $0x1C05  }
0xd0: {  	[timem:s3], [sflag:s2] =	dma.local @!p0 [hbm:s0], s1  }
0xd1: {  	s0 =	simm.s32 @!p0 $0x5  }
0xd2: {  	_ =	swait.ge @!p0 [sflag:s0], s1  }
0xd3: {  	s1 =	ssub.s32 @!p0 $0x0, s1;
	[sflag:s0] =	ssyncset.done @!p0 $0x0  }
0xd4: {  	[sflag:s0] =	ssyncadd.s32 @!p0 s1  }
0xd5: {  	[bflag:$0x3] =	sbarrier.arrive $0xFFFF  }
0xd6: {  	_ =	shalt  }

// kernel: pcn_piece1.3.cloned.1.call-start
scs
__scs_entry_jumppad:
0x0: {  	(pc) =	sbr.rel $0x88, $3  }
0x1: {  	(tag) =	ssettag $0x0;
	lr =	simm.s32 $0x1  }
0x2: {  	[smem:$0x3F9F] =	sst lr;
	_ =	strace $0xD0000000  }
0x3: {  	_ = 	snop  }
0x4: {  	_ = 	snop  }
0x5: {  	_ = 	snop  }
0x6: {  	_ = 	snop  }
0x7: {  	_ = 	snop  }
__scs_overlays_trampoline_lowered:
0x8: {  	[smem:$0x3FAE] =	sst s0  }
0x9: {  	[smem:$0x3FAF] =	sst s1  }
0xa: {  	[smem:$0x3FB0] =	sst s2  }
0xb: {  	[smem:$0x3FB1] =	sst s3  }
0xc: {  	[smem:$0x3FB2] =	sst s4  }
0xd: {  	[smem:$0x3FB3] =	sst s5  }
0xe: {  	[smem:$0x3FB4] =	sst s6  }
0xf: {  	[smem:$0x3FB5] =	sst s7  }
0x10: {  	[smem:$0x3FB6] =	sst s8  }
0x11: {  	[smem:$0x3FB7] =	sst s9;
	s0 =	simm.s32 @!p0 $0x0  }
0x12: {  	s1 =	sld [smem:$0x3F9D];
	s0 =	simm.s32 @p0 $0x1  }
0x13: {  	[smem:$0x3FB8] =	sst s0;
	s0 =	simm.s32 @!p1 $0x0  }
0x14: {  	s2 =	sld [smem:$0x3F9C];
	s0 =	simm.s32 @p1 $0x1  }
0x15: {  	[smem:$0x3FB9] =	sst s0;
	s0 =	simm.s32 @!p2 $0x0  }
0x16: {  	s3 =	sld [smem:$0x3FDB];
	s0 =	simm.s32 @p2 $0x1  }
0x17: {  	s4 =	simm.s32 $0x1BF5;
	[smem:$0x3FBB] =	sst s0  }
0x18: {  	s0 =	sld [smem:$0x3F9E];
	_ =	swait.ge [sflag:s4], $0x0  }
0x19: {  	s7 =	sld [smem:$0x3F9F]  }
0x1a: {  	s8 =	sadd.s32 $0xFFFFE003, lr  }
0x1b: {  	s9 =	sadd.s32 $0xFFFFFEF7, lr;
	s5 =	simm.s32 $0xFFFFFFFF;
	p2 =	slt.u32 s8, $0xFFFFF086  }
0x1c: {  	p1 =	slt.u32 s9, $0xF7A;
	s5 =	simm.s32 @!p2 $0x0  }
0x1d: {  	s5 =	simm.s32 @p1 $0x1;
	p0 =	seq.s32 s7, s2  }
0x1e: {  	s7 =	smul.u32 @!p0 $0xF7A, s2;
	p2 =	seq.s32 @!p0 s5, $0x0  }
0x1f: {  	s9 =	smul.u32 $0xF7A, s1;
	s8 =	simm.s32 @!p0 $0x1BF5;
	p2 =	por !p2, p0  }
0x20: {  	[sflag:s8] =	ssyncset.s32 @!p0 $0xFFFFF086;
	s6 =	sadd.s32 @!p0 s3, s7;
	s7 =	simm.s32 @!p0 $0x108  }
0x21: {  	s3 =	sadd.s32 s3, s9;
	s6 =	sadd.s32 @!p0 $0x88, s6;
	s7 =	simm.s32 @p2 $0x1082  }
0x22: {  	[simem:s7], [sflag:s8] =	dma.local @!p0 [hbm:s6], $0xF7A  }
0x23: {  	s9 =	sor.u32 $0xD0000000, s2;
	s6 =	simm.s32 $0x108;
	_ =	swait.ge @!p0 [sflag:s8], $0x0  }
0x24: {  	s3 =	sadd.s32 $0x88, s3;
	s6 =	simm.s32 @!p1 $0x1082;
	[sflag:s4] =	ssyncset.s32 $0xFFFFF086  }
0x25: {  	[simem:s6], [sflag:s4] =	dma.local [hbm:s3], $0xF7A  }
0x26: {  	[smem:$0x3F9F] =	sst s1;
	(tag) =	ssettag s2;
	_ =	strace s9  }
0x27: {  	s1 =	sld [smem:$0x3FAF]  }
0x28: {  	s2 =	sld [smem:$0x3FB0]  }
0x29: {  	s4 =	sld [smem:$0x3FB2]  }
0x2a: {  	p0 =	seq.s32 s5, $0x0;
	s5 =	sld [smem:$0x3FB3]  }
0x2b: {  	s6 =	sld [smem:$0x3FB4]  }
0x2c: {  	s7 =	sld [smem:$0x3FB5]  }
0x2d: {  	s3 =	simm.s32 $0x108;
	s8 =	sld [smem:$0x3FB6]  }
0x2e: {  	s3 =	simm.s32 @!p0 $0x1082;
	s9 =	sld [smem:$0x3FB7]  }
0x2f: {  	lr =	sadd.s32 s0, s3;
	s0 =	sld [smem:$0x3FAE]  }
0x30: {  	s3 =	sld [smem:$0x3FB1]  }
0x31: {  	[smem:$0x3FBA] =	sst s10  }
0x32: {  	s10 =	sld [smem:$0x3FB8];
	_ =	sdelay $0x3  }
0x33: {  	p0 =	seq.s32 s10, $0x1;
	s10 =	sld [smem:$0x3FBA];
	_ =	sdelay $0x3  }
0x34: {  	[smem:$0x3FBA] =	sst s10  }
0x35: {  	s10 =	sld [smem:$0x3FB9];
	_ =	sdelay $0x3  }
0x36: {  	p1 =	seq.s32 s10, $0x1;
	s10 =	sld [smem:$0x3FBA];
	_ =	sdelay $0x3  }
0x37: {  	[smem:$0x3FBA] =	sst s10  }
0x38: {  	s10 =	sld [smem:$0x3FBB]  }
0x39: {  	_ = 	snop;
	(pc) =	sbr.ind lr, $3  }
0x3a: {  	_ = 	snop  }
0x3b: {  	_ = 	snop  }
0x3c: {  	p2 =	seq.s32 s10, $0x1;
	s10 =	sld [smem:$0x3FBA]  }
0x3d: {  	_ =	shalt  }
0x3e: {  	_ =	shalt  }
0x3f: {  	_ =	shalt  }
0x40: {  	_ =	shalt  }
0x41: {  	_ =	shalt  }
0x42: {  	_ =	shalt  }
0x43: {  	_ =	shalt  }
0x44: {  	_ =	shalt  }
0x45: {  	_ =	shalt  }
0x46: {  	_ =	shalt  }
0x47: {  	_ =	shalt  }
0x48: {  	_ =	shalt  }
0x49: {  	_ =	shalt  }
0x4a: {  	_ =	shalt  }
0x4b: {  	_ =	shalt  }
0x4c: {  	_ =	shalt  }
0x4d: {  	_ =	shalt  }
0x4e: {  	_ =	shalt  }
0x4f: {  	_ =	shalt  }
0x50: {  	_ =	shalt  }
0x51: {  	_ =	shalt  }
0x52: {  	_ =	shalt  }
0x53: {  	_ =	shalt  }
0x54: {  	_ =	shalt  }
0x55: {  	_ =	shalt  }
0x56: {  	_ =	shalt  }
0x57: {  	_ =	shalt  }
0x58: {  	_ =	shalt  }
0x59: {  	_ =	shalt  }
0x5a: {  	_ =	shalt  }
0x5b: {  	_ =	shalt  }
0x5c: {  	_ =	shalt  }
0x5d: {  	_ =	shalt  }
0x5e: {  	_ =	shalt  }
0x5f: {  	_ =	shalt  }
0x60: {  	_ =	shalt  }
0x61: {  	_ =	shalt  }
0x62: {  	_ =	shalt  }
0x63: {  	_ =	shalt  }
0x64: {  	_ =	shalt  }
0x65: {  	_ =	shalt  }
0x66: {  	_ =	shalt  }
0x67: {  	_ =	shalt  }
0x68: {  	_ =	shalt  }
0x69: {  	_ =	shalt  }
0x6a: {  	_ =	shalt  }
0x6b: {  	_ =	shalt  }
0x6c: {  	_ =	shalt  }
0x6d: {  	_ =	shalt  }
0x6e: {  	_ =	shalt  }
0x6f: {  	_ =	shalt  }
0x70: {  	_ =	shalt  }
0x71: {  	_ =	shalt  }
0x72: {  	_ =	shalt  }
0x73: {  	_ =	shalt  }
0x74: {  	_ =	shalt  }
0x75: {  	_ =	shalt  }
0x76: {  	_ =	shalt  }
0x77: {  	_ =	shalt  }
0x78: {  	_ =	shalt  }
0x79: {  	_ =	shalt  }
0x7a: {  	_ =	shalt  }
0x7b: {  	_ =	shalt  }
0x7c: {  	_ =	shalt  }
0x7d: {  	_ =	shalt  }
0x7e: {  	_ =	shalt  }
0x7f: {  	_ =	shalt  }
0x80: {  	_ =	shalt  }
0x81: {  	_ =	shalt  }
0x82: {  	_ =	shalt  }
0x83: {  	_ =	shalt  }
0x84: {  	_ =	shalt  }
0x85: {  	_ =	shalt  }
0x86: {  	_ =	shalt  }
0x87: {  	_ =	shalt  }
.Lfunc_end0:
.L_simem_size_0:
called_computation.1_lowered:
.L_overlay_start_0:
0x88: {  	s2 =	sld [smem:$0x3FD9]  }
0x89: {  	s3 =	sld [smem:$0x3FFE];
	_ =	sdelay $0x1  }
0x8a: {  	s1 =	srdreg.scid  }
0x8b: {  	s0 =	sand.u32 $0x1, s1  }
0x8c: {  	s17 =	sshll.u32 s0, $0xA;
	s2 =	sadd.s32 s3, s2  }
0x8d: {  	s2 =	sadd.s32 s2, s17  }
0x8e: {  	[smem:$0x3FC6] =	sst s2  }
0x8f: {  	_ = 	snop  }
0x90: {  	s18 =	sld [smem:$0x3FC8]  }
0x91: {  	s4 =	sld [smem:$0x3FD0];
	(tm) =	ssettm $0x1  }
0x92: {  	s19 =	sld [smem:$0x3FFB];
	_ =	sdelay $0x3  }
0x93: {  	_ =	strace s19  }
0x94: {  	s2 =	sld [smem:$0x3FFC];
	_ =	sdelay $0x3  }
0x95: {  	_ =	strace s2  }
0x96: {  	s2 =	sld [smem:$0x3FFD];
	_ =	sdelay $0x3  }
0x97: {  	_ =	strace s2  }
0x98: {  	_ =	strace $0x8FFFFFFF  }
0x99: {  	s20 =	sld [smem:$0x3FDB];
	_ =	sdelay $0x1  }
0x9a: {  	s5 =	simm.s32 $_scs_section_size  }
0x9b: {  	s6 =	simm.s32 $_size__tile_overlayer_lowered;
	s7 =	simm.s32 $_tile_overlayer_lowered  }
0x9c: {  	s8 =	simm.s32 $0x1BFF;
	s21 =	sshll.u32 s7, $0x1;
	s5 =	sadd.s32 s5, s20  }
0x9d: {  	s22 =	simm.s32 $0x0;
	s6 =	sshll.u32 s6, $0x1;
	s7 =	sadd.s32 s21, s5  }
0x9e: {  	[timem:s22], [sflag:s8] =	dma.local [hbm:s7], s6  }
0x9f: {  	_ =	swait.ge [sflag:s8], s6  }
0xa0: {  	s6 =	ssub.s32 $0x0, s6;
	[sflag:s8] =	ssyncset.done $0x0  }
0xa1: {  	[sflag:s8] =	ssyncadd.s32 s6;
	_ =	sdelay $0x1  }
0xa2: {  	s23 =	simm.s32 $0x1B8B  }
0xa3: {  	_ =	swait.ge [sflag:s23], $0x1  }
0xa4: {  	[sflag:s23] =	ssyncset.done $0x0  }
0xa5: {  	[sflag:s23] =	ssyncadd.s32 $0xFFFFFFFF  }
0xa6: {  	s6 =	sld [smem:$0x0]  }
0xa7: {  	s7 =	sand.u32 $0xFFFFFFFE, s1  }
0xa8: {  	p0 =	sne.s32 s1, s7  }
0xa9: {  	s7 =	sshll.u32 @p0 s7, $0xE  }
0xaa: {  	s7 =	sadd.s32 @p0 $0x11B8D, s7;
	s8 =	sshll.u32 @p0 s6, $0x11  }
0xab: {  	s7 =	sor.u32 @p0 s8, s7  }
0xac: {  	[sflag:s7] =	ssyncadd.remote.s32 @p0 $0x1;
	_ =	sdelay $0x1  }
0xad: {  	s7 =	simm.s32 @p0 $0x1B8D  }
0xae: {  	_ =	swait.eq @p0 [sflag:s7], $0x1  }
0xaf: {  	[sflag:s7] =	ssyncadd.s32 @p0 $0xFFFFFFFF  }
0xb0: {  	s8 =	sshll.u32 @!p0 s1, $0xE  }
0xb1: {  	s8 =	sor.u32 @!p0 $0x4000, s8;
	s7 =	simm.s32 @!p0 $0x1B8D  }
0xb2: {  	s6 =	sshll.u32 @!p0 s6, $0x11;
	s8 =	sadd.s32 @!p0 $0x11B8D, s8;
	_ =	swait.eq @!p0 [sflag:s7], $0x1  }
0xb3: {  	s6 =	sor.u32 @!p0 s6, s8;
	[sflag:s7] =	ssyncadd.s32 @!p0 $0xFFFFFFFF  }
0xb4: {  	s25 =	simm.s32 $0x1B8E;
	s24 =	sld [smem:$0x3FFE];
	[sflag:s6] =	ssyncadd.remote.s32 @!p0 $0x1  }
0xb5: {  	s26 =	simm.s32 $execute0_lowered;
	[smem:$0x3FD2] =	sst s25  }
0xb6: {  	s7 =	sshll.u32 s26, $0x1;
	_ =	strace $0x80000049;
	[dreg:$0x1] =	wrdreg $0xFFFFFFFF  }
0xb7: {  	s28 =	simm.s32 $_size_execute0_lowered;
	s5 =	sadd.s32 s5, s7;
	[dreg:$0x0] =	wrdreg $0x0  }
0xb8: {  	s7 =	sshll.u32 s28, $0x1;
	[dreg:$0x2] =	wrdreg s5  }
0xb9: {  	[dreg:$0x3] =	wrdreg s7  }
0xba: {  	[dreg:$0x4] =	wrdreg $0xC0  }
0xbb: {  	_ =	task [dreg:s22], $0x5FFFF  }
0xbc: {  	[dreg:$0x1] =	wrdreg $0xFFFFFFFF  }
0xbd: {  	[dreg:$0x0] =	wrdreg $0x60  }
0xbe: {  	[dreg:$0x2] =	wrdreg s4  }
0xbf: {  	[dreg:$0x3] =	wrdreg s18  }
0xc0: {  	[dreg:$0x4] =	wrdreg s24  }
0xc1: {  	[dreg:$0x5] =	wrdreg $0xA  }
0xc2: {  	_ =	task.clear_ibuf [dreg:s22], $0x6FFFF;
	_ =	strace $0x90000049  }
0xc3: {  	s29 =	simm.s32 $0xA;
	_ =	strace $0x8000004B  }
0xc4: {  	_ =	swait.ge [sflag:s29], $0x1  }
0xc5: {  	[sflag:s29] =	ssyncadd.s32 $0xFFFFFFFF  }
0xc6: {  	_ =	strace $0x9000004B  }
0xc7: {  	_ =	sfence  }
0xc8: {  	s30 =	sld [smem:$0x0];
	_ =	sdelay $0x2  }
0xc9: {  	s31 =	sshll.u32 s1, $0xD;
	s1 =	sshrl.u32 s1, $0x2  }
0xca: {  	s4 =	sand.u32 $0x4000, s31;
	s1 =	sadd.s32 s1, s30  }
0xcb: {  	s0 =	sor.u32 s4, s0;
	s1 =	sshll.u32 s1, $0x11  }
0xcc: {  	s0 =	sor.u32 s1, s0  }
0xcd: {  	s0 =	sadd.s32 $0x8F2B, s0  }
0xce: {  	[sflag:s0] =	ssyncadd.remote.s32 $0x1  }
0xcf: {  	_ =	sfence.sel $0xFFFF  }
0xd0: {  	[dreg:$0x0] =	wrdreg $0xFFFFFFFF;
	(pc) =	sbr.abs _section_cstart, $3  }
0xd1: {  	[dreg:$0x1] =	wrdreg $0xFFFFFFFF  }
0xd2: {  	_ =	task.clear_ibuf [dreg:s22], $0x2FFFF;
	_ =	strace $0x9FFFFFFF  }
0xd3: {  	(tm) =	ssettm $0x7FFFFFFF  }
tec
execute0_lowered:
.L_overlay_start_1:
0x0: {  	(tag) =	ssettag $0x1  }
0x1: {  	s4 =	rddreg [dreg:$0x0];
	s1 =	srdreg.scid  }
0x2: {  	s0 =	stileid.u32;
	s2 =	rddreg [dreg:$0x1]  }
0x3: {  	s6 =	rddreg [dreg:$0x2];
	s3 =	simm.s32 $0x0;
	s10 =	simm.s32 $0x400  }
0x4: {  	s11 =	simm.s32 $0x2CB0;
	s12 =	simm.s32 $0x1;
	s13 =	simm.s32 $0x5560  }
0x5: {  	s14 =	simm.s32 $0x2;
	s5 =	sand.u32 $0x1, s1;
	s30 =	sshll.u32 s0, $0x1  }
0x6: {  	s15 =	simm.s32 $0x7E10;
	s16 =	simm.s32 $0x3;
	s7 =	sor.u32 s5, s30  }
0x7: {  	s17 =	simm.s32 $0x4;
	s5 =	ssub.s32 $0x2, s5;
	s7 =	smul.u32 $0x5160, s7  }
0x8: {  	s18 =	simm.s32 $0x0;
	s1 =	rddreg [dreg:$0x3];
	s8 =	sshrl.u32 s5, $0x1  }
0x9: {  	[smem:$0x7FF] =	sst s3;
	s8 =	ssub.s32 s5, s8;
	s7 =	sshrl.u32 s7, $0x3  }
0xa: {  	_ =	strace $0x8000004A;
	s8 =	smax.u32 s8, $0x1;
	s31 =	sadd.s32 s4, s7  }
0xb: {  	s9 =	sadd.s32 s7, s6;
	s4 =	sadd.s32 $0x14580, s31;
	s5 =	sadd.s32 $0x14A96, s31  }
0xc: {  	v0 =	vimm.s32 $0x200;
	s6 =	sadd.s32 $0x16400, s9;
	s7 =	sadd.s32 $0x16916, s9;
	s9 =	simm.s32 $0x5  }
.LBB2_1:
0xd: {  	[tilespmem:s3], [sflag:$0x5] =	stream.linear.gather [hbm4b:s2+s3], $0x400, $0x38;
	[tilespmem:$0xA6C0] =	vst v63  }
0xe: {  	_ =	swait.ge [sflag:s9], $0x400  }
0xf: {  	[sflag:s9] =	ssyncset.done $0x0  }
0x10: {  	[sflag:s9] =	ssyncadd.s32 $0xFFFFFC00  }
0x11: {  	[tilespmem:s10], [sflag:$0x1] =	stream.linear.gather [hbm4b:s4+s3], $0x28B0, $0x38;
	[tilespmem:$0xA6C0] =	vst v63  }
0x12: {  	_ = 	snop  }
0x13: {  	[tilespmem:s11], [sflag:$0x2] =	stream.linear.gather [hbm4b:s5+s3], $0x28B0, $0x38;
	[tilespmem:$0xA6C0] =	vst v63  }
0x14: {  	_ =	swait.ge [sflag:s12], $0x28B0  }
0x15: {  	[sflag:s12] =	ssyncset.done $0x0  }
0x16: {  	s19 =	simm.s32 $0x440;
	[sflag:s12] =	ssyncadd.s32 $0xFFFFD750  }
0x17: {  	v1 =	vld [tilespmem:s19+$0x30]  }
0x18: {  	v2 =	vld [tilespmem:s19+$0xFFFFFFD0]  }
0x19: {  	v3 =	vld [tilespmem:s19+$0xFFFFFFE0]  }
0x1a: {  	v4 =	vld [tilespmem:s19+$0xFFFFFFF0]  }
0x1b: {  	v5 =	vld [tilespmem:s19+$0x0]  }
0x1c: {  	v6 =	vld [tilespmem:s19+$0x10]  }
0x1d: {  	v7 =	vld [tilespmem:s19+$0x20]  }
0x1e: {  	v8 =	vld [tilespmem:s19+$0xFFFFFFC0];
	v1 =	vmul.f32 $2.560000000e+02, v1  }
0x1f: {  	v2 =	vmul.f32 $2.560000000e+02, v2;
	v3 =	vmul.f32 $2.560000000e+02, v3  }
0x20: {  	v4 =	vmul.f32 $2.560000000e+02, v4;
	v5 =	vmul.f32 $2.560000000e+02, v5  }
0x21: {  	v6 =	vmul.f32 $2.560000000e+02, v6;
	v9 =	vtrunc.f32 v1  }
0x22: {  	v7 =	vmul.f32 $2.560000000e+02, v7;
	v10 =	vcvt.f32.s32 v9;
	vm0 =	vlt.f32 v1, v9  }
0x23: {  	v8 =	vmul.f32 $2.560000000e+02, v8;
	v11 =	vtrunc.f32 v3;
	v9 =	vsel vm0, $0x1FF, v0  }
0x24: {  	v12 =	vtrunc.f32 v5;
	v13 =	vtrunc.f32 v6;
	v9 =	vadd.s32 v10, v9  }
0x25: {  	v14 =	vtrunc.f32 v7;
	v15 =	vtrunc.f32 v8;
	vm0 =	vgt.s32 v9, $0x0  }
0x26: {  	v1 =	vtrunc.f32 v2;
	vm1 =	vlt.f32 v8, v15;
	v9 =	vnsel vm0, $0x0, v9  }
0x27: {  	vm2 =	vlt.f32 v3, v11;
	vm4 =	vlt.f32 v5, v12;
	v9 =	vmin.u32 v9, $0x3FF  }
0x28: {  	vm5 =	vlt.f32 v6, v13;
	v59 =	vcvt.f32.s32 v14;
	vm6 =	vlt.f32 v7, v14  }
0x29: {  	v16 =	vcvt.f32.s32 v1;
	v6 =	vsel vm2, $0x1FF, v0;
	v61 =	vsel vm4, $0x1FF, v0  }
0x2a: {  	v10 =	vtrunc.f32 v4;
	vm0 =	vlt.f32 v2, v1;
	v1 =	vcvt.f32.s32 v15  }
0x2b: {  	v62 =	vsel vm5, $0x1FF, v0;
	vm3 =	vlt.f32 v4, v10;
	v4 =	vsel vm1, $0x1FF, v0  }
0x2c: {  	v63 =	vsel vm6, $0x1FF, v0;
	v3 =	vcvt.f32.s32 v10;
	v7 =	vadd.s32 v1, v4;
	v1 =	vld.idx.msk [tilespmem:v9+s3+$0x0], $0xffff  }
0x2d: {  	v10 =	vcvt.f32.s32 v12;
	v2 =	vcvt.f32.s32 v11;
	v5 =	vsel vm0, $0x1FF, v0  }
0x2e: {  	v11 =	vcvt.f32.s32 v13;
	v60 =	vsel vm3, $0x1FF, v0;
	v5 =	vadd.s32 v16, v5  }
0x2f: {  	s22 =	simm.s32 $0x55A0;
	v8 =	vadd.s32 v2, v6;
	v4 =	vadd.s32 v3, v60;
	v3 =	vadd.s32 v10, v61  }
0x30: {  	s23 =	simm.s32 $0x0;
	s24 =	simm.s32 $0x4C0;
	s19 =	simm.s32 $0x2C80;
	v6 =	vadd.s32 v11, v62;
	v2 =	vadd.s32 v59, v63;
	vm0 =	vgt.s32 v7, $0x0  }
.LBB2_2:
0x31: {  	v9 =	vld [tilespmem:s24+$0x30];
	s23 =	sadd.s32 $0x80, s23;
	vm1 =	vgt.s32 v5, $0x0;
	vm2 =	vgt.s32 v8, $0x0;
	vm3 =	vgt.s32 v4, $0x0;
	[tilespmem:s22+$0x30] =	vst v1;
	s20 =	simm.s32 $0x2870;
	s21 =	simm.s32 $0x7DE0  }
0x32: {  	vm4 =	vgt.s32 v3, $0x0;
	vm5 =	vgt.s32 v6, $0x0;
	vm6 =	vgt.s32 v2, $0x0;
	v1 =	vld [tilespmem:s24+$0xFFFFFFD0];
	p0 =	slt.u32 s23, $0x2800  }
0x33: {  	v7 =	vnsel vm0, $0x0, v7;
	v5 =	vnsel vm1, $0x0, v5;
	v8 =	vnsel vm2, $0x0, v8;
	v10 =	vld [tilespmem:s24+$0xFFFFFFE0]  }
0x34: {  	v4 =	vnsel vm3, $0x0, v4;
	v3 =	vnsel vm4, $0x0, v3;
	v6 =	vnsel vm5, $0x0, v6;
	v11 =	vld [tilespmem:s24+$0xFFFFFFF0]  }
0x35: {  	v7 =	vmin.u32 v7, $0x3FF;
	v2 =	vnsel vm6, $0x0, v2;
	v5 =	vmin.u32 v5, $0x3FF;
	v12 =	vld [tilespmem:s24+$0x0]  }
0x36: {  	v8 =	vmin.u32 v8, $0x3FF;
	v4 =	vmin.u32 v4, $0x3FF;
	v13 =	vld [tilespmem:s24+$0x10];
	v9 =	vmul.f32 $2.560000000e+02, v9  }
0x37: {  	v3 =	vmin.u32 v3, $0x3FF;
	v6 =	vmin.u32 v6, $0x3FF;
	v1 =	vmul.f32 $2.560000000e+02, v1;
	v14 =	vld [tilespmem:s24+$0x20]  }
0x38: {  	v2 =	vmin.u32 v2, $0x3FF;
	v15 =	vld [tilespmem:s24+$0xFFFFFFC0];
	v10 =	vmul.f32 $2.560000000e+02, v10;
	v16 =	vtrunc.f32 v9  }
0x39: {  	v11 =	vmul.f32 $2.560000000e+02, v11;
	v17 =	vcvt.f32.s32 v16;
	vm0 =	vlt.f32 v9, v16  }
0x3a: {  	v9 =	vtrunc.f32 v1;
	v12 =	vmul.f32 $2.560000000e+02, v12;
	v16 =	vsel vm0, $0x1FF, v0;
	v7 =	vld.idx.msk [tilespmem:v7+s3+$0x0], $0xffff  }
0x3b: {  	v18 =	vtrunc.f32 v10;
	v13 =	vmul.f32 $2.560000000e+02, v13;
	v16 =	vadd.s32 v17, v16;
	v5 =	vld.idx.msk [tilespmem:v5+s3+$0x0], $0xffff  }
0x3c: {  	v17 =	vtrunc.f32 v11;
	v14 =	vmul.f32 $2.560000000e+02, v14;
	vm0 =	vgt.s32 v16, $0x0;
	v8 =	vld.idx.msk [tilespmem:v8+s3+$0x0], $0xffff  }
0x3d: {  	v19 =	vtrunc.f32 v12;
	v15 =	vmul.f32 $2.560000000e+02, v15;
	v16 =	vnsel vm0, $0x0, v16;
	v4 =	vld.idx.msk [tilespmem:v4+s3+$0x0], $0xffff  }
0x3e: {  	v20 =	vtrunc.f32 v13;
	v21 =	vtrunc.f32 v14;
	v16 =	vmin.u32 v16, $0x3FF;
	v3 =	vld.idx.msk [tilespmem:v3+s3+$0x0], $0xffff  }
0x3f: {  	v23 =	vcvt.f32.s32 v9;
	vm0 =	vlt.f32 v1, v9;
	v22 =	vtrunc.f32 v15;
	v6 =	vld.idx.msk [tilespmem:v6+s3+$0x0], $0xffff  }
0x40: {  	v9 =	vcvt.f32.s32 v22;
	vm1 =	vlt.f32 v15, v22;
	v15 =	vcvt.f32.s32 v18;
	[tilespmem:s22+$0xFFFFFFC0] =	vst v7;
	v2 =	vld.idx.msk [tilespmem:v2+s3+$0x0], $0xffff  }
0x41: {  	vm2 =	vlt.f32 v10, v18;
	v10 =	vcvt.f32.s32 v17;
	vm3 =	vlt.f32 v11, v17;
	[tilespmem:s22+$0xFFFFFFD0] =	vst v5  }
0x42: {  	v11 =	vcvt.f32.s32 v19;
	vm4 =	vlt.f32 v12, v19;
	v12 =	vcvt.f32.s32 v20;
	[tilespmem:s22+$0xFFFFFFE0] =	vst v8  }
0x43: {  	vm5 =	vlt.f32 v13, v20;
	v13 =	vcvt.f32.s32 v21;
	vm6 =	vlt.f32 v14, v21;
	v1 =	vld.idx.msk [tilespmem:v16+s3+$0x0], $0xffff;
	[tilespmem:s22+$0xFFFFFFF0] =	vst v4  }
.Ltmp0:
0x44: {  	v5 =	vsel vm0, $0x1FF, v0;
	v8 =	vsel vm2, $0x1FF, v0;
	v4 =	vsel vm1, $0x1FF, v0;
	[tilespmem:s22+$0x0] =	vst v3;
	(pc) =	sbr.rel @p0 .LBB2_2-.Ltmp0, $4  }
0x45: {  	v14 =	vsel vm4, $0x1FF, v0;
	v16 =	vsel vm5, $0x1FF, v0;
	v3 =	vsel vm3, $0x1FF, v0;
	[tilespmem:s22+$0x10] =	vst v6  }
0x46: {  	v5 =	vadd.s32 v23, v5;
	v7 =	vadd.s32 v9, v4;
	v9 =	vsel vm6, $0x1FF, v0;
	[tilespmem:s22+$0x20] =	vst v2  }
0x47: {  	v8 =	vadd.s32 v15, v8;
	v4 =	vadd.s32 v10, v3;
	v3 =	vadd.s32 v11, v14  }
0x48: {  	s24 =	sadd.s32 $0x80, s24;
	vm0 =	vgt.s32 v7, $0x0;
	v6 =	vadd.s32 v12, v16;
	v2 =	vadd.s32 v13, v9;
	s22 =	sadd.s32 $0x80, s22  }
0x49: {  	vm1 =	vgt.s32 v5, $0x0;
	v7 =	vnsel vm0, $0x0, v7  }
0x4a: {  	vm11 =	vgt.s32 v8, $0x0;
	v5 =	vnsel vm1, $0x0, v5;
	v7 =	vmin.u32 v7, $0x3FF  }
0x4b: {  	vm12 =	vgt.s32 v4, $0x0;
	v8 =	vnsel vm11, $0x0, v8;
	v5 =	vmin.u32 v5, $0x3FF  }
0x4c: {  	vm13 =	vgt.s32 v3, $0x0;
	v4 =	vnsel vm12, $0x0, v4;
	v8 =	vmin.u32 v8, $0x3FF  }
0x4d: {  	vm14 =	vgt.s32 v6, $0x0;
	v3 =	vnsel vm13, $0x0, v3;
	v4 =	vmin.u32 v4, $0x3FF  }
0x4e: {  	vm15 =	vgt.s32 v2, $0x0;
	v6 =	vnsel vm14, $0x0, v6;
	v3 =	vmin.u32 v3, $0x3FF  }
0x4f: {  	v2 =	vnsel vm15, $0x0, v2;
	v6 =	vmin.u32 v6, $0x3FF;
	v7 =	vld.idx.msk [tilespmem:v7+s3+$0x0], $0xffff  }
0x50: {  	v2 =	vmin.u32 v2, $0x3FF;
	v5 =	vld.idx.msk [tilespmem:v5+s3+$0x0], $0xffff  }
0x51: {  	v8 =	vld.idx.msk [tilespmem:v8+s3+$0x0], $0xffff  }
0x52: {  	v4 =	vld.idx.msk [tilespmem:v4+s3+$0x0], $0xffff  }
0x53: {  	[tilespmem:s22+$0x30] =	vst v1;
	v1 =	vld.idx.msk [tilespmem:v3+s3+$0x0], $0xffff  }
0x54: {  	v3 =	vld.idx.msk [tilespmem:v6+s3+$0x0], $0xffff;
	[tilespmem:s22+$0xFFFFFFC0] =	vst v7  }
0x55: {  	v2 =	vld.idx.msk [tilespmem:v2+s3+$0x0], $0xffff;
	[tilespmem:s22+$0xFFFFFFD0] =	vst v5  }
0x56: {  	[tilespmem:s22+$0xFFFFFFE0] =	vst v8  }
0x57: {  	[tilespmem:s22+$0xFFFFFFF0] =	vst v4  }
0x58: {  	[tilespmem:s22+$0x0] =	vst v1  }
0x59: {  	[tilespmem:s22+$0x10] =	vst v3  }
0x5a: {  	[tilespmem:s22+$0x20] =	vst v2  }
.LBB2_4:
0x5b: {  	v1 =	vld [tilespmem:s19+$0x0];
	_ =	sdelay $0x4  }
0x5c: {  	v1 =	vmul.f32 $2.560000000e+02, v1;
	_ =	sdelay $0x1  }
0x5d: {  	v2 =	vtrunc.f32 v1  }
0x5e: {  	v3 =	vcvt.f32.s32 v2;
	vm0 =	vlt.f32 v1, v2  }
0x5f: {  	v1 =	vsel vm0, $0x1FF, v0  }
0x60: {  	v1 =	vadd.s32 v3, v1  }
0x61: {  	vm15 =	vgt.s32 v1, $0x0  }
0x62: {  	v1 =	vnsel vm15, $0x0, v1  }
0x63: {  	v1 =	vmin.u32 v1, $0x3FF;
	_ =	sdelay $0x3  }
0x64: {  	s20 =	sadd.s32 $0x10, s20  }
0x65: {  	p0 =	slt.u32 s20, $0x28A0;
	v1 =	vld.idx.msk [tilespmem:v1+s3+$0x0], $0xffff  }
.Ltmp1:
0x66: {  	_ = 	snop;
	(pc) =	sbr.rel @p0 .LBB2_4-.Ltmp1, $2  }
0x67: {  	_ =	sdelay $0x2  }
0x68: {  	s19 =	sadd.s32 $0x10, s19;
	[tilespmem:s21+$0x0] =	vst v1;
	s21 =	sadd.s32 $0x10, s21  }
0x69: {  	[hbm4b:s6+s3] =	stream.linear.scatter [tilespmem:s13], [sflag:$0x3], $0x28B0, $0x38;
	[tilespmem:$0xA6C0] =	vst v63  }
0x6a: {  	_ =	swait.ge [sflag:s14], $0x28B0  }
0x6b: {  	[sflag:s14] =	ssyncset.done $0x0  }
0x6c: {  	s19 =	simm.s32 $0x2CF0;
	[sflag:s14] =	ssyncadd.s32 $0xFFFFD750  }
0x6d: {  	v1 =	vld [tilespmem:s19+$0x30]  }
0x6e: {  	v2 =	vld [tilespmem:s19+$0xFFFFFFD0]  }
0x6f: {  	v3 =	vld [tilespmem:s19+$0xFFFFFFE0]  }
0x70: {  	v4 =	vld [tilespmem:s19+$0xFFFFFFF0]  }
0x71: {  	v5 =	vld [tilespmem:s19+$0x0]  }
0x72: {  	v6 =	vld [tilespmem:s19+$0x10]  }
0x73: {  	v7 =	vld [tilespmem:s19+$0x20]  }
0x74: {  	v8 =	vld [tilespmem:s19+$0xFFFFFFC0];
	v1 =	vmul.f32 $2.560000000e+02, v1  }
0x75: {  	v2 =	vmul.f32 $2.560000000e+02, v2;
	v3 =	vmul.f32 $2.560000000e+02, v3  }
0x76: {  	v4 =	vmul.f32 $2.560000000e+02, v4;
	v5 =	vmul.f32 $2.560000000e+02, v5  }
0x77: {  	v6 =	vmul.f32 $2.560000000e+02, v6;
	v9 =	vtrunc.f32 v1  }
0x78: {  	v7 =	vmul.f32 $2.560000000e+02, v7;
	v10 =	vcvt.f32.s32 v9;
	vm0 =	vlt.f32 v1, v9  }
0x79: {  	v8 =	vmul.f32 $2.560000000e+02, v8;
	v11 =	vtrunc.f32 v3;
	v9 =	vsel vm0, $0x1FF, v0  }
0x7a: {  	v12 =	vtrunc.f32 v5;
	v13 =	vtrunc.f32 v6;
	v9 =	vadd.s32 v10, v9  }
0x7b: {  	v14 =	vtrunc.f32 v7;
	v15 =	vtrunc.f32 v8;
	vm0 =	vgt.s32 v9, $0x0  }
0x7c: {  	v1 =	vtrunc.f32 v2;
	vm1 =	vlt.f32 v8, v15;
	v9 =	vnsel vm0, $0x0, v9  }
0x7d: {  	vm2 =	vlt.f32 v3, v11;
	vm4 =	vlt.f32 v5, v12;
	v9 =	vmin.u32 v9, $0x3FF  }
0x7e: {  	vm5 =	vlt.f32 v6, v13;
	v59 =	vcvt.f32.s32 v14;
	vm6 =	vlt.f32 v7, v14  }
0x7f: {  	v16 =	vcvt.f32.s32 v1;
	v6 =	vsel vm2, $0x1FF, v0;
	v61 =	vsel vm4, $0x1FF, v0  }
0x80: {  	v10 =	vtrunc.f32 v4;
	vm0 =	vlt.f32 v2, v1;
	v1 =	vcvt.f32.s32 v15  }
0x81: {  	v62 =	vsel vm5, $0x1FF, v0;
	vm3 =	vlt.f32 v4, v10;
	v4 =	vsel vm1, $0x1FF, v0  }
0x82: {  	v63 =	vsel vm6, $0x1FF, v0;
	v3 =	vcvt.f32.s32 v10;
	v7 =	vadd.s32 v1, v4;
	v1 =	vld.idx.msk [tilespmem:v9+s3+$0x0], $0xffff  }
0x83: {  	v10 =	vcvt.f32.s32 v12;
	v2 =	vcvt.f32.s32 v11;
	v5 =	vsel vm0, $0x1FF, v0  }
0x84: {  	v11 =	vcvt.f32.s32 v13;
	v60 =	vsel vm3, $0x1FF, v0;
	v5 =	vadd.s32 v16, v5  }
0x85: {  	s21 =	simm.s32 $0x7E50;
	v8 =	vadd.s32 v2, v6;
	v4 =	vadd.s32 v3, v60;
	v3 =	vadd.s32 v10, v61  }
0x86: {  	s22 =	simm.s32 $0x0;
	s23 =	simm.s32 $0x2D70;
	s19 =	simm.s32 $0x5530;
	v6 =	vadd.s32 v11, v62;
	v2 =	vadd.s32 v59, v63;
	vm0 =	vgt.s32 v7, $0x0  }
.LBB2_6:
0x87: {  	v9 =	vld [tilespmem:s23+$0x30];
	s22 =	sadd.s32 $0x80, s22;
	vm1 =	vgt.s32 v5, $0x0;
	vm2 =	vgt.s32 v8, $0x0;
	vm3 =	vgt.s32 v4, $0x0;
	[tilespmem:s21+$0x30] =	vst v1;
	s20 =	simm.s32 $0xA690  }
0x88: {  	vm4 =	vgt.s32 v3, $0x0;
	vm5 =	vgt.s32 v6, $0x0;
	vm6 =	vgt.s32 v2, $0x0;
	v1 =	vld [tilespmem:s23+$0xFFFFFFD0];
	p0 =	slt.u32 s22, $0x2800  }
0x89: {  	v7 =	vnsel vm0, $0x0, v7;
	v5 =	vnsel vm1, $0x0, v5;
	v8 =	vnsel vm2, $0x0, v8;
	v10 =	vld [tilespmem:s23+$0xFFFFFFE0]  }
0x8a: {  	v4 =	vnsel vm3, $0x0, v4;
	v3 =	vnsel vm4, $0x0, v3;
	v6 =	vnsel vm5, $0x0, v6;
	v11 =	vld [tilespmem:s23+$0xFFFFFFF0]  }
0x8b: {  	v7 =	vmin.u32 v7, $0x3FF;
	v2 =	vnsel vm6, $0x0, v2;
	v5 =	vmin.u32 v5, $0x3FF;
	v12 =	vld [tilespmem:s23+$0x0]  }
0x8c: {  	v8 =	vmin.u32 v8, $0x3FF;
	v4 =	vmin.u32 v4, $0x3FF;
	v13 =	vld [tilespmem:s23+$0x10];
	v9 =	vmul.f32 $2.560000000e+02, v9  }
0x8d: {  	v3 =	vmin.u32 v3, $0x3FF;
	v6 =	vmin.u32 v6, $0x3FF;
	v1 =	vmul.f32 $2.560000000e+02, v1;
	v14 =	vld [tilespmem:s23+$0x20]  }
0x8e: {  	v2 =	vmin.u32 v2, $0x3FF;
	v15 =	vld [tilespmem:s23+$0xFFFFFFC0];
	v10 =	vmul.f32 $2.560000000e+02, v10;
	v16 =	vtrunc.f32 v9  }
0x8f: {  	v11 =	vmul.f32 $2.560000000e+02, v11;
	v17 =	vcvt.f32.s32 v16;
	vm0 =	vlt.f32 v9, v16  }
0x90: {  	v9 =	vtrunc.f32 v1;
	v12 =	vmul.f32 $2.560000000e+02, v12;
	v16 =	vsel vm0, $0x1FF, v0;
	v7 =	vld.idx.msk [tilespmem:v7+s3+$0x0], $0xffff  }
0x91: {  	v18 =	vtrunc.f32 v10;
	v13 =	vmul.f32 $2.560000000e+02, v13;
	v16 =	vadd.s32 v17, v16;
	v5 =	vld.idx.msk [tilespmem:v5+s3+$0x0], $0xffff  }
0x92: {  	v17 =	vtrunc.f32 v11;
	v14 =	vmul.f32 $2.560000000e+02, v14;
	vm0 =	vgt.s32 v16, $0x0;
	v8 =	vld.idx.msk [tilespmem:v8+s3+$0x0], $0xffff  }
0x93: {  	v19 =	vtrunc.f32 v12;
	v15 =	vmul.f32 $2.560000000e+02, v15;
	v16 =	vnsel vm0, $0x0, v16;
	v4 =	vld.idx.msk [tilespmem:v4+s3+$0x0], $0xffff  }
0x94: {  	v20 =	vtrunc.f32 v13;
	v21 =	vtrunc.f32 v14;
	v16 =	vmin.u32 v16, $0x3FF;
	v3 =	vld.idx.msk [tilespmem:v3+s3+$0x0], $0xffff  }
0x95: {  	v23 =	vcvt.f32.s32 v9;
	vm0 =	vlt.f32 v1, v9;
	v22 =	vtrunc.f32 v15;
	v6 =	vld.idx.msk [tilespmem:v6+s3+$0x0], $0xffff  }
0x96: {  	v9 =	vcvt.f32.s32 v22;
	vm1 =	vlt.f32 v15, v22;
	v15 =	vcvt.f32.s32 v18;
	[tilespmem:s21+$0xFFFFFFC0] =	vst v7;
	v2 =	vld.idx.msk [tilespmem:v2+s3+$0x0], $0xffff  }
0x97: {  	vm2 =	vlt.f32 v10, v18;
	v10 =	vcvt.f32.s32 v17;
	vm3 =	vlt.f32 v11, v17;
	[tilespmem:s21+$0xFFFFFFD0] =	vst v5  }
0x98: {  	v11 =	vcvt.f32.s32 v19;
	vm4 =	vlt.f32 v12, v19;
	v12 =	vcvt.f32.s32 v20;
	[tilespmem:s21+$0xFFFFFFE0] =	vst v8  }
0x99: {  	vm5 =	vlt.f32 v13, v20;
	v13 =	vcvt.f32.s32 v21;
	vm6 =	vlt.f32 v14, v21;
	v1 =	vld.idx.msk [tilespmem:v16+s3+$0x0], $0xffff;
	[tilespmem:s21+$0xFFFFFFF0] =	vst v4  }
.Ltmp2:
0x9a: {  	v5 =	vsel vm0, $0x1FF, v0;
	v8 =	vsel vm2, $0x1FF, v0;
	v4 =	vsel vm1, $0x1FF, v0;
	[tilespmem:s21+$0x0] =	vst v3;
	(pc) =	sbr.rel @p0 .LBB2_6-.Ltmp2, $4  }
0x9b: {  	v14 =	vsel vm4, $0x1FF, v0;
	v16 =	vsel vm5, $0x1FF, v0;
	v3 =	vsel vm3, $0x1FF, v0;
	[tilespmem:s21+$0x10] =	vst v6  }
0x9c: {  	v5 =	vadd.s32 v23, v5;
	v7 =	vadd.s32 v9, v4;
	v9 =	vsel vm6, $0x1FF, v0;
	[tilespmem:s21+$0x20] =	vst v2  }
0x9d: {  	v8 =	vadd.s32 v15, v8;
	v4 =	vadd.s32 v10, v3;
	v3 =	vadd.s32 v11, v14  }
0x9e: {  	s23 =	sadd.s32 $0x80, s23;
	vm0 =	vgt.s32 v7, $0x0;
	v6 =	vadd.s32 v12, v16;
	v2 =	vadd.s32 v13, v9;
	s21 =	sadd.s32 $0x80, s21  }
0x9f: {  	vm1 =	vgt.s32 v5, $0x0;
	v7 =	vnsel vm0, $0x0, v7  }
0xa0: {  	vm11 =	vgt.s32 v8, $0x0;
	v5 =	vnsel vm1, $0x0, v5;
	v7 =	vmin.u32 v7, $0x3FF  }
0xa1: {  	vm12 =	vgt.s32 v4, $0x0;
	v8 =	vnsel vm11, $0x0, v8;
	v5 =	vmin.u32 v5, $0x3FF  }
0xa2: {  	vm13 =	vgt.s32 v3, $0x0;
	v4 =	vnsel vm12, $0x0, v4;
	v8 =	vmin.u32 v8, $0x3FF  }
0xa3: {  	vm14 =	vgt.s32 v6, $0x0;
	v3 =	vnsel vm13, $0x0, v3;
	v4 =	vmin.u32 v4, $0x3FF  }
0xa4: {  	vm15 =	vgt.s32 v2, $0x0;
	v6 =	vnsel vm14, $0x0, v6;
	v3 =	vmin.u32 v3, $0x3FF  }
0xa5: {  	v2 =	vnsel vm15, $0x0, v2;
	v6 =	vmin.u32 v6, $0x3FF;
	v7 =	vld.idx.msk [tilespmem:v7+s3+$0x0], $0xffff  }
0xa6: {  	v2 =	vmin.u32 v2, $0x3FF;
	v5 =	vld.idx.msk [tilespmem:v5+s3+$0x0], $0xffff  }
0xa7: {  	v8 =	vld.idx.msk [tilespmem:v8+s3+$0x0], $0xffff  }
0xa8: {  	v4 =	vld.idx.msk [tilespmem:v4+s3+$0x0], $0xffff  }
0xa9: {  	[tilespmem:s21+$0x30] =	vst v1;
	v1 =	vld.idx.msk [tilespmem:v3+s3+$0x0], $0xffff  }
0xaa: {  	v3 =	vld.idx.msk [tilespmem:v6+s3+$0x0], $0xffff;
	[tilespmem:s21+$0xFFFFFFC0] =	vst v7  }
0xab: {  	v2 =	vld.idx.msk [tilespmem:v2+s3+$0x0], $0xffff;
	[tilespmem:s21+$0xFFFFFFD0] =	vst v5  }
0xac: {  	[tilespmem:s21+$0xFFFFFFE0] =	vst v8  }
0xad: {  	[tilespmem:s21+$0xFFFFFFF0] =	vst v4  }
0xae: {  	[tilespmem:s21+$0x0] =	vst v1  }
0xaf: {  	[tilespmem:s21+$0x10] =	vst v3  }
0xb0: {  	s22 =	simm.s32 $0x2870;
	[tilespmem:s21+$0x20] =	vst v2  }
.LBB2_8:
0xb1: {  	v1 =	vld [tilespmem:s19+$0x0];
	_ =	sdelay $0x4  }
0xb2: {  	v1 =	vmul.f32 $2.560000000e+02, v1;
	_ =	sdelay $0x1  }
0xb3: {  	v2 =	vtrunc.f32 v1  }
0xb4: {  	v3 =	vcvt.f32.s32 v2;
	vm0 =	vlt.f32 v1, v2  }
0xb5: {  	v1 =	vsel vm0, $0x1FF, v0  }
0xb6: {  	v1 =	vadd.s32 v3, v1  }
0xb7: {  	vm15 =	vgt.s32 v1, $0x0  }
0xb8: {  	v1 =	vnsel vm15, $0x0, v1  }
0xb9: {  	v1 =	vmin.u32 v1, $0x3FF;
	_ =	sdelay $0x3  }
0xba: {  	s22 =	sadd.s32 $0x10, s22  }
0xbb: {  	p0 =	slt.u32 s22, $0x28A0;
	v1 =	vld.idx.msk [tilespmem:v1+s3+$0x0], $0xffff  }
.Ltmp3:
0xbc: {  	_ = 	snop;
	(pc) =	sbr.rel @p0 .LBB2_8-.Ltmp3, $2  }
0xbd: {  	_ =	sdelay $0x2  }
0xbe: {  	s19 =	sadd.s32 $0x10, s19;
	[tilespmem:s20+$0x0] =	vst v1;
	s20 =	sadd.s32 $0x10, s20  }
0xbf: {  	[hbm4b:s7+s3] =	stream.linear.scatter [tilespmem:s15], [sflag:$0x4], $0x28B0, $0x38;
	[tilespmem:$0xA6C0] =	vst v63  }
0xc0: {  	s18 =	sadd.s32 $0x1, s18  }
0xc1: {  	_ =	swait.ge [sflag:s16], $0x28B0;
	p0 =	sne.s32 s18, s8  }
.Ltmp4:
0xc2: {  	[sflag:s16] =	ssyncset.done $0x0;
	(pc) =	sbr.rel @p0 .LBB2_1-.Ltmp4, $4  }
0xc3: {  	[sflag:s16] =	ssyncadd.s32 $0xFFFFD750  }
0xc4: {  	_ =	swait.ge [sflag:s17], $0x28B0  }
0xc5: {  	[sflag:s17] =	ssyncset.done $0x0  }
0xc6: {  	[sflag:s17] =	ssyncadd.s32 $0xFFFFD750  }
0xc7: {  	_ =	sfence.sel $0x180000  }
0xc8: {  	[bflag:$0x0] =	sbarrier.arrive $0xFFFF  }
0xc9: {  	p0 =	sne.s32 s0, $0x0;
	_ =	strace $0x9000004A  }
0xca: {  	s0 =	sadd.s32 @!p0 $0x100000, s1;
	[bflag:$0x2] =	sbarrier.arrive $0xFFFF  }
0xcb: {  	[sflag:s0] =	ssyncadd.tile.s32 @!p0 $0x1;
	_ =	shalt  }
.Lfunc_end2:
_tile_overlayer_lowered:
.L_overlay_start_2:
0xcc: {  	(tag) =	ssettag $0x2  }
0xcd: {  	s0 =	rddreg [dreg:$0x0];
	s2 =	stileid.u32  }
0xce: {  	s1 =	rddreg [dreg:$0x1];
	p0 =	sne.s32 s2, $0x0  }
0xcf: {  	s3 =	rddreg [dreg:$0x2];
	[bflag:$0x3] =	sbarrier.arrive $0xFFFF;
	s2 =	simm.s32 @!p0 $0x1C05  }
0xd0: {  	[timem:s3], [sflag:s2] =	dma.local @!p0 [hbm:s0], s1  }
0xd1: {  	s0 =	simm.s32 @!p0 $0x5  }
0xd2: {  	_ =	swait.ge @!p0 [sflag:s0], s1  }
0xd3: {  	s1 =	ssub.s32 @!p0 $0x0, s1;
	[sflag:s0] =	ssyncset.done @!p0 $0x0  }
0xd4: {  	[sflag:s0] =	ssyncadd.s32 @!p0 s1  }
0xd5: {  	[bflag:$0x3] =	sbarrier.arrive $0xFFFF  }
0xd6: {  	_ =	shalt  }

// kernel: pcn_piece2.3.cloned.1.call-start
scs
__scs_entry_jumppad:
0x0: {  	(pc) =	sbr.rel $0x88, $3  }
0x1: {  	(tag) =	ssettag $0x0;
	lr =	simm.s32 $0x1  }
0x2: {  	[smem:$0x3F9F] =	sst lr;
	_ =	strace $0xD0000000  }
0x3: {  	_ = 	snop  }
0x4: {  	_ = 	snop  }
0x5: {  	_ = 	snop  }
0x6: {  	_ = 	snop  }
0x7: {  	_ = 	snop  }
__scs_overlays_trampoline_lowered:
0x8: {  	[smem:$0x3FAE] =	sst s0  }
0x9: {  	[smem:$0x3FAF] =	sst s1  }
0xa: {  	[smem:$0x3FB0] =	sst s2  }
0xb: {  	[smem:$0x3FB1] =	sst s3  }
0xc: {  	[smem:$0x3FB2] =	sst s4  }
0xd: {  	[smem:$0x3FB3] =	sst s5  }
0xe: {  	[smem:$0x3FB4] =	sst s6  }
0xf: {  	[smem:$0x3FB5] =	sst s7  }
0x10: {  	[smem:$0x3FB6] =	sst s8  }
0x11: {  	[smem:$0x3FB7] =	sst s9;
	s0 =	simm.s32 @!p0 $0x0  }
0x12: {  	s1 =	sld [smem:$0x3F9D];
	s0 =	simm.s32 @p0 $0x1  }
0x13: {  	[smem:$0x3FB8] =	sst s0;
	s0 =	simm.s32 @!p1 $0x0  }
0x14: {  	s2 =	sld [smem:$0x3F9C];
	s0 =	simm.s32 @p1 $0x1  }
0x15: {  	[smem:$0x3FB9] =	sst s0;
	s0 =	simm.s32 @!p2 $0x0  }
0x16: {  	s3 =	sld [smem:$0x3FDB];
	s0 =	simm.s32 @p2 $0x1  }
0x17: {  	s4 =	simm.s32 $0x1BF5;
	[smem:$0x3FBB] =	sst s0  }
0x18: {  	s0 =	sld [smem:$0x3F9E];
	_ =	swait.ge [sflag:s4], $0x0  }
0x19: {  	s7 =	sld [smem:$0x3F9F]  }
0x1a: {  	s8 =	sadd.s32 $0xFFFFE003, lr  }
0x1b: {  	s9 =	sadd.s32 $0xFFFFFEF7, lr;
	s5 =	simm.s32 $0xFFFFFFFF;
	p2 =	slt.u32 s8, $0xFFFFF086  }
0x1c: {  	p1 =	slt.u32 s9, $0xF7A;
	s5 =	simm.s32 @!p2 $0x0  }
0x1d: {  	s5 =	simm.s32 @p1 $0x1;
	p0 =	seq.s32 s7, s2  }
0x1e: {  	s7 =	smul.u32 @!p0 $0xF7A, s2;
	p2 =	seq.s32 @!p0 s5, $0x0  }
0x1f: {  	s9 =	smul.u32 $0xF7A, s1;
	s8 =	simm.s32 @!p0 $0x1BF5;
	p2 =	por !p2, p0  }
0x20: {  	[sflag:s8] =	ssyncset.s32 @!p0 $0xFFFFF086;
	s6 =	sadd.s32 @!p0 s3, s7;
	s7 =	simm.s32 @!p0 $0x108  }
0x21: {  	s3 =	sadd.s32 s3, s9;
	s6 =	sadd.s32 @!p0 $0x88, s6;
	s7 =	simm.s32 @p2 $0x1082  }
0x22: {  	[simem:s7], [sflag:s8] =	dma.local @!p0 [hbm:s6], $0xF7A  }
0x23: {  	s9 =	sor.u32 $0xD0000000, s2;
	s6 =	simm.s32 $0x108;
	_ =	swait.ge @!p0 [sflag:s8], $0x0  }
0x24: {  	s3 =	sadd.s32 $0x88, s3;
	s6 =	simm.s32 @!p1 $0x1082;
	[sflag:s4] =	ssyncset.s32 $0xFFFFF086  }
0x25: {  	[simem:s6], [sflag:s4] =	dma.local [hbm:s3], $0xF7A  }
0x26: {  	[smem:$0x3F9F] =	sst s1;
	(tag) =	ssettag s2;
	_ =	strace s9  }
0x27: {  	s1 =	sld [smem:$0x3FAF]  }
0x28: {  	s2 =	sld [smem:$0x3FB0]  }
0x29: {  	s4 =	sld [smem:$0x3FB2]  }
0x2a: {  	p0 =	seq.s32 s5, $0x0;
	s5 =	sld [smem:$0x3FB3]  }
0x2b: {  	s6 =	sld [smem:$0x3FB4]  }
0x2c: {  	s7 =	sld [smem:$0x3FB5]  }
0x2d: {  	s3 =	simm.s32 $0x108;
	s8 =	sld [smem:$0x3FB6]  }
0x2e: {  	s3 =	simm.s32 @!p0 $0x1082;
	s9 =	sld [smem:$0x3FB7]  }
0x2f: {  	lr =	sadd.s32 s0, s3;
	s0 =	sld [smem:$0x3FAE]  }
0x30: {  	s3 =	sld [smem:$0x3FB1]  }
0x31: {  	[smem:$0x3FBA] =	sst s10  }
0x32: {  	s10 =	sld [smem:$0x3FB8];
	_ =	sdelay $0x3  }
0x33: {  	p0 =	seq.s32 s10, $0x1;
	s10 =	sld [smem:$0x3FBA];
	_ =	sdelay $0x3  }
0x34: {  	[smem:$0x3FBA] =	sst s10  }
0x35: {  	s10 =	sld [smem:$0x3FB9];
	_ =	sdelay $0x3  }
0x36: {  	p1 =	seq.s32 s10, $0x1;
	s10 =	sld [smem:$0x3FBA];
	_ =	sdelay $0x3  }
0x37: {  	[smem:$0x3FBA] =	sst s10  }
0x38: {  	s10 =	sld [smem:$0x3FBB]  }
0x39: {  	_ = 	snop;
	(pc) =	sbr.ind lr, $3  }
0x3a: {  	_ = 	snop  }
0x3b: {  	_ = 	snop  }
0x3c: {  	p2 =	seq.s32 s10, $0x1;
	s10 =	sld [smem:$0x3FBA]  }
0x3d: {  	_ =	shalt  }
0x3e: {  	_ =	shalt  }
0x3f: {  	_ =	shalt  }
0x40: {  	_ =	shalt  }
0x41: {  	_ =	shalt  }
0x42: {  	_ =	shalt  }
0x43: {  	_ =	shalt  }
0x44: {  	_ =	shalt  }
0x45: {  	_ =	shalt  }
0x46: {  	_ =	shalt  }
0x47: {  	_ =	shalt  }
0x48: {  	_ =	shalt  }
0x49: {  	_ =	shalt  }
0x4a: {  	_ =	shalt  }
0x4b: {  	_ =	shalt  }
0x4c: {  	_ =	shalt  }
0x4d: {  	_ =	shalt  }
0x4e: {  	_ =	shalt  }
0x4f: {  	_ =	shalt  }
0x50: {  	_ =	shalt  }
0x51: {  	_ =	shalt  }
0x52: {  	_ =	shalt  }
0x53: {  	_ =	shalt  }
0x54: {  	_ =	shalt  }
0x55: {  	_ =	shalt  }
0x56: {  	_ =	shalt  }
0x57: {  	_ =	shalt  }
0x58: {  	_ =	shalt  }
0x59: {  	_ =	shalt  }
0x5a: {  	_ =	shalt  }
0x5b: {  	_ =	shalt  }
0x5c: {  	_ =	shalt  }
0x5d: {  	_ =	shalt  }
0x5e: {  	_ =	shalt  }
0x5f: {  	_ =	shalt  }
0x60: {  	_ =	shalt  }
0x61: {  	_ =	shalt  }
0x62: {  	_ =	shalt  }
0x63: {  	_ =	shalt  }
0x64: {  	_ =	shalt  }
0x65: {  	_ =	shalt  }
0x66: {  	_ =	shalt  }
0x67: {  	_ =	shalt  }
0x68: {  	_ =	shalt  }
0x69: {  	_ =	shalt  }
0x6a: {  	_ =	shalt  }
0x6b: {  	_ =	shalt  }
0x6c: {  	_ =	shalt  }
0x6d: {  	_ =	shalt  }
0x6e: {  	_ =	shalt  }
0x6f: {  	_ =	shalt  }
0x70: {  	_ =	shalt  }
0x71: {  	_ =	shalt  }
0x72: {  	_ =	shalt  }
0x73: {  	_ =	shalt  }
0x74: {  	_ =	shalt  }
0x75: {  	_ =	shalt  }
0x76: {  	_ =	shalt  }
0x77: {  	_ =	shalt  }
0x78: {  	_ =	shalt  }
0x79: {  	_ =	shalt  }
0x7a: {  	_ =	shalt  }
0x7b: {  	_ =	shalt  }
0x7c: {  	_ =	shalt  }
0x7d: {  	_ =	shalt  }
0x7e: {  	_ =	shalt  }
0x7f: {  	_ =	shalt  }
0x80: {  	_ =	shalt  }
0x81: {  	_ =	shalt  }
0x82: {  	_ =	shalt  }
0x83: {  	_ =	shalt  }
0x84: {  	_ =	shalt  }
0x85: {  	_ =	shalt  }
0x86: {  	_ =	shalt  }
0x87: {  	_ =	shalt  }
.Lfunc_end0:
.L_simem_size_0:
called_computation.2_lowered:
.L_overlay_start_0:
0x88: {  	s2 =	sld [smem:$0x3FD9]  }
0x89: {  	s3 =	sld [smem:$0x3FFE];
	_ =	sdelay $0x1  }
0x8a: {  	s1 =	srdreg.scid  }
0x8b: {  	s0 =	sand.u32 $0x1, s1  }
0x8c: {  	s17 =	sshll.u32 s0, $0xA;
	s2 =	sadd.s32 s3, s2  }
0x8d: {  	s2 =	sadd.s32 s2, s17  }
0x8e: {  	[smem:$0x3FC6] =	sst s2  }
0x8f: {  	_ = 	snop  }
0x90: {  	s18 =	sld [smem:$0x3FC8]  }
0x91: {  	s4 =	sld [smem:$0x3FD0];
	(tm) =	ssettm $0x1  }
0x92: {  	s19 =	sld [smem:$0x3FFB];
	_ =	sdelay $0x3  }
0x93: {  	_ =	strace s19  }
0x94: {  	s2 =	sld [smem:$0x3FFC];
	_ =	sdelay $0x3  }
0x95: {  	_ =	strace s2  }
0x96: {  	s2 =	sld [smem:$0x3FFD];
	_ =	sdelay $0x3  }
0x97: {  	_ =	strace s2  }
0x98: {  	_ =	strace $0x8FFFFFFF  }
0x99: {  	s20 =	sld [smem:$0x3FDB];
	_ =	sdelay $0x1  }
0x9a: {  	s5 =	simm.s32 $_scs_section_size  }
0x9b: {  	s6 =	simm.s32 $_size__tile_overlayer_lowered;
	s7 =	simm.s32 $_tile_overlayer_lowered  }
0x9c: {  	s8 =	simm.s32 $0x1BFF;
	s21 =	sshll.u32 s7, $0x1;
	s5 =	sadd.s32 s5, s20  }
0x9d: {  	s22 =	simm.s32 $0x0;
	s6 =	sshll.u32 s6, $0x1;
	s7 =	sadd.s32 s21, s5  }
0x9e: {  	[timem:s22], [sflag:s8] =	dma.local [hbm:s7], s6  }
0x9f: {  	_ =	swait.ge [sflag:s8], s6  }
0xa0: {  	s6 =	ssub.s32 $0x0, s6;
	[sflag:s8] =	ssyncset.done $0x0  }
0xa1: {  	[sflag:s8] =	ssyncadd.s32 s6;
	_ =	sdelay $0x1  }
0xa2: {  	s23 =	simm.s32 $0x1B8B  }
0xa3: {  	_ =	swait.ge [sflag:s23], $0x1  }
0xa4: {  	[sflag:s23] =	ssyncset.done $0x0  }
0xa5: {  	[sflag:s23] =	ssyncadd.s32 $0xFFFFFFFF  }
0xa6: {  	s6 =	sld [smem:$0x0]  }
0xa7: {  	s7 =	sand.u32 $0xFFFFFFFE, s1  }
0xa8: {  	p0 =	sne.s32 s1, s7  }
0xa9: {  	s7 =	sshll.u32 @p0 s7, $0xE  }
0xaa: {  	s7 =	sadd.s32 @p0 $0x11B8D, s7;
	s8 =	sshll.u32 @p0 s6, $0x11  }
0xab: {  	s7 =	sor.u32 @p0 s8, s7  }
0xac: {  	[sflag:s7] =	ssyncadd.remote.s32 @p0 $0x1;
	_ =	sdelay $0x1  }
0xad: {  	s7 =	simm.s32 @p0 $0x1B8D  }
0xae: {  	_ =	swait.eq @p0 [sflag:s7], $0x1  }
0xaf: {  	[sflag:s7] =	ssyncadd.s32 @p0 $0xFFFFFFFF  }
0xb0: {  	s8 =	sshll.u32 @!p0 s1, $0xE  }
0xb1: {  	s8 =	sor.u32 @!p0 $0x4000, s8;
	s7 =	simm.s32 @!p0 $0x1B8D  }
0xb2: {  	s6 =	sshll.u32 @!p0 s6, $0x11;
	s8 =	sadd.s32 @!p0 $0x11B8D, s8;
	_ =	swait.eq @!p0 [sflag:s7], $0x1  }
0xb3: {  	s6 =	sor.u32 @!p0 s6, s8;
	[sflag:s7] =	ssyncadd.s32 @!p0 $0xFFFFFFFF  }
0xb4: {  	s25 =	simm.s32 $0x1B8E;
	s24 =	sld [smem:$0x3FFE];
	[sflag:s6] =	ssyncadd.remote.s32 @!p0 $0x1  }
0xb5: {  	s26 =	simm.s32 $execute0_lowered;
	[smem:$0x3FD2] =	sst s25  }
0xb6: {  	s7 =	sshll.u32 s26, $0x1;
	_ =	strace $0x8000004C;
	[dreg:$0x1] =	wrdreg $0xFFFFFFFF  }
0xb7: {  	s28 =	simm.s32 $_size_execute0_lowered;
	s5 =	sadd.s32 s5, s7;
	[dreg:$0x0] =	wrdreg $0x0  }
0xb8: {  	s7 =	sshll.u32 s28, $0x1;
	[dreg:$0x2] =	wrdreg s5  }
0xb9: {  	[dreg:$0x3] =	wrdreg s7  }
0xba: {  	[dreg:$0x4] =	wrdreg $0xC0  }
0xbb: {  	_ =	task [dreg:s22], $0x5FFFF  }
0xbc: {  	[dreg:$0x1] =	wrdreg $0xFFFFFFFF  }
0xbd: {  	[dreg:$0x0] =	wrdreg $0x60  }
0xbe: {  	[dreg:$0x2] =	wrdreg s4  }
0xbf: {  	[dreg:$0x3] =	wrdreg s18  }
0xc0: {  	[dreg:$0x4] =	wrdreg s24  }
0xc1: {  	[dreg:$0x5] =	wrdreg $0xB  }
0xc2: {  	_ =	task.clear_ibuf [dreg:s22], $0x6FFFF;
	_ =	strace $0x9000004C  }
0xc3: {  	s29 =	simm.s32 $0xB;
	_ =	strace $0x8000004E  }
0xc4: {  	_ =	swait.ge [sflag:s29], $0x1  }
0xc5: {  	[sflag:s29] =	ssyncadd.s32 $0xFFFFFFFF  }
0xc6: {  	_ =	strace $0x9000004E  }
0xc7: {  	_ =	sfence  }
0xc8: {  	s30 =	sld [smem:$0x0];
	_ =	sdelay $0x2  }
0xc9: {  	s31 =	sshll.u32 s1, $0xD;
	s1 =	sshrl.u32 s1, $0x2  }
0xca: {  	s4 =	sand.u32 $0x4000, s31;
	s1 =	sadd.s32 s1, s30  }
0xcb: {  	s0 =	sor.u32 s4, s0;
	s1 =	sshll.u32 s1, $0x11  }
0xcc: {  	s0 =	sor.u32 s1, s0  }
0xcd: {  	s0 =	sadd.s32 $0x8F2B, s0  }
0xce: {  	[sflag:s0] =	ssyncadd.remote.s32 $0x1  }
0xcf: {  	_ =	sfence.sel $0xFFFF  }
0xd0: {  	[dreg:$0x0] =	wrdreg $0xFFFFFFFF;
	(pc) =	sbr.abs _section_cstart, $3  }
0xd1: {  	[dreg:$0x1] =	wrdreg $0xFFFFFFFF  }
0xd2: {  	_ =	task.clear_ibuf [dreg:s22], $0x2FFFF;
	_ =	strace $0x9FFFFFFF  }
0xd3: {  	(tm) =	ssettm $0x7FFFFFFF  }
tec
execute0_lowered:
.L_overlay_start_1:
0x0: {  	(tag) =	ssettag $0x1  }
0x1: {  	s4 =	rddreg [dreg:$0x0];
	s1 =	srdreg.scid  }
0x2: {  	s0 =	stileid.u32;
	s2 =	rddreg [dreg:$0x1]  }
0x3: {  	s6 =	rddreg [dreg:$0x2];
	s3 =	simm.s32 $0x0;
	s10 =	simm.s32 $0x400  }
0x4: {  	s11 =	simm.s32 $0x2CB0;
	s12 =	simm.s32 $0x1;
	s13 =	simm.s32 $0x5560  }
0x5: {  	s14 =	simm.s32 $0x2;
	s5 =	sand.u32 $0x1, s1;
	s30 =	sshll.u32 s0, $0x1  }
0x6: {  	s15 =	simm.s32 $0x7E10;
	s16 =	simm.s32 $0x3;
	s7 =	sor.u32 s5, s30  }
0x7: {  	s17 =	simm.s32 $0x4;
	s5 =	ssub.s32 $0x2, s5;
	s7 =	smul.u32 $0x5160, s7  }
0x8: {  	s18 =	simm.s32 $0x0;
	s1 =	rddreg [dreg:$0x3];
	s8 =	sshrl.u32 s5, $0x1  }
0x9: {  	[smem:$0x7FF] =	sst s3;
	s8 =	ssub.s32 s5, s8;
	s7 =	sshrl.u32 s7, $0x3  }
0xa: {  	_ =	strace $0x8000004D;
	s8 =	smax.u32 s8, $0x1;
	s31 =	sadd.s32 s4, s7  }
0xb: {  	s9 =	sadd.s32 s7, s6;
	s4 =	sadd.s32 $0x28B00, s31;
	s5 =	sadd.s32 $0x29016, s31  }
0xc: {  	v0 =	vimm.s32 $0x200;
	s6 =	sadd.s32 $0x2AA00, s9;
	s7 =	sadd.s32 $0x2AF16, s9;
	s9 =	simm.s32 $0x5  }
.LBB2_1:
0xd: {  	[tilespmem:s3], [sflag:$0x5] =	stream.linear.gather [hbm4b:s2+s3], $0x400, $0x38;
	[tilespmem:$0xA6C0] =	vst v63  }
0xe: {  	_ =	swait.ge [sflag:s9], $0x400  }
0xf: {  	[sflag:s9] =	ssyncset.done $0x0  }
0x10: {  	[sflag:s9] =	ssyncadd.s32 $0xFFFFFC00  }
0x11: {  	[tilespmem:s10], [sflag:$0x1] =	stream.linear.gather [hbm4b:s4+s3], $0x28B0, $0x38;
	[tilespmem:$0xA6C0] =	vst v63  }
0x12: {  	_ = 	snop  }
0x13: {  	[tilespmem:s11], [sflag:$0x2] =	stream.linear.gather [hbm4b:s5+s3], $0x28B0, $0x38;
	[tilespmem:$0xA6C0] =	vst v63  }
0x14: {  	_ =	swait.ge [sflag:s12], $0x28B0  }
0x15: {  	[sflag:s12] =	ssyncset.done $0x0  }
0x16: {  	s19 =	simm.s32 $0x440;
	[sflag:s12] =	ssyncadd.s32 $0xFFFFD750  }
0x17: {  	v1 =	vld [tilespmem:s19+$0x30]  }
0x18: {  	v2 =	vld [tilespmem:s19+$0xFFFFFFD0]  }
0x19: {  	v3 =	vld [tilespmem:s19+$0xFFFFFFE0]  }
0x1a: {  	v4 =	vld [tilespmem:s19+$0xFFFFFFF0]  }
0x1b: {  	v5 =	vld [tilespmem:s19+$0x0]  }
0x1c: {  	v6 =	vld [tilespmem:s19+$0x10]  }
0x1d: {  	v7 =	vld [tilespmem:s19+$0x20]  }
0x1e: {  	v8 =	vld [tilespmem:s19+$0xFFFFFFC0];
	v1 =	vmul.f32 $2.560000000e+02, v1  }
0x1f: {  	v2 =	vmul.f32 $2.560000000e+02, v2;
	v3 =	vmul.f32 $2.560000000e+02, v3  }
0x20: {  	v4 =	vmul.f32 $2.560000000e+02, v4;
	v5 =	vmul.f32 $2.560000000e+02, v5  }
0x21: {  	v6 =	vmul.f32 $2.560000000e+02, v6;
	v9 =	vtrunc.f32 v1  }
0x22: {  	v7 =	vmul.f32 $2.560000000e+02, v7;
	v10 =	vcvt.f32.s32 v9;
	vm0 =	vlt.f32 v1, v9  }
0x23: {  	v8 =	vmul.f32 $2.560000000e+02, v8;
	v11 =	vtrunc.f32 v3;
	v9 =	vsel vm0, $0x1FF, v0  }
0x24: {  	v12 =	vtrunc.f32 v5;
	v13 =	vtrunc.f32 v6;
	v9 =	vadd.s32 v10, v9  }
0x25: {  	v14 =	vtrunc.f32 v7;
	v15 =	vtrunc.f32 v8;
	vm0 =	vgt.s32 v9, $0x0  }
0x26: {  	v1 =	vtrunc.f32 v2;
	vm1 =	vlt.f32 v8, v15;
	v9 =	vnsel vm0, $0x0, v9  }
0x27: {  	vm2 =	vlt.f32 v3, v11;
	vm4 =	vlt.f32 v5, v12;
	v9 =	vmin.u32 v9, $0x3FF  }
0x28: {  	vm5 =	vlt.f32 v6, v13;
	v59 =	vcvt.f32.s32 v14;
	vm6 =	vlt.f32 v7, v14  }
0x29: {  	v16 =	vcvt.f32.s32 v1;
	v6 =	vsel vm2, $0x1FF, v0;
	v61 =	vsel vm4, $0x1FF, v0  }
0x2a: {  	v10 =	vtrunc.f32 v4;
	vm0 =	vlt.f32 v2, v1;
	v1 =	vcvt.f32.s32 v15  }
0x2b: {  	v62 =	vsel vm5, $0x1FF, v0;
	vm3 =	vlt.f32 v4, v10;
	v4 =	vsel vm1, $0x1FF, v0  }
0x2c: {  	v63 =	vsel vm6, $0x1FF, v0;
	v3 =	vcvt.f32.s32 v10;
	v7 =	vadd.s32 v1, v4;
	v1 =	vld.idx.msk [tilespmem:v9+s3+$0x0], $0xffff  }
0x2d: {  	v10 =	vcvt.f32.s32 v12;
	v2 =	vcvt.f32.s32 v11;
	v5 =	vsel vm0, $0x1FF, v0  }
0x2e: {  	v11 =	vcvt.f32.s32 v13;
	v60 =	vsel vm3, $0x1FF, v0;
	v5 =	vadd.s32 v16, v5  }
0x2f: {  	s22 =	simm.s32 $0x55A0;
	v8 =	vadd.s32 v2, v6;
	v4 =	vadd.s32 v3, v60;
	v3 =	vadd.s32 v10, v61  }
0x30: {  	s23 =	simm.s32 $0x0;
	s24 =	simm.s32 $0x4C0;
	s19 =	simm.s32 $0x2C80;
	v6 =	vadd.s32 v11, v62;
	v2 =	vadd.s32 v59, v63;
	vm0 =	vgt.s32 v7, $0x0  }
.LBB2_2:
0x31: {  	v9 =	vld [tilespmem:s24+$0x30];
	s23 =	sadd.s32 $0x80, s23;
	vm1 =	vgt.s32 v5, $0x0;
	vm2 =	vgt.s32 v8, $0x0;
	vm3 =	vgt.s32 v4, $0x0;
	[tilespmem:s22+$0x30] =	vst v1;
	s20 =	simm.s32 $0x2870;
	s21 =	simm.s32 $0x7DE0  }
0x32: {  	vm4 =	vgt.s32 v3, $0x0;
	vm5 =	vgt.s32 v6, $0x0;
	vm6 =	vgt.s32 v2, $0x0;
	v1 =	vld [tilespmem:s24+$0xFFFFFFD0];
	p0 =	slt.u32 s23, $0x2800  }
0x33: {  	v7 =	vnsel vm0, $0x0, v7;
	v5 =	vnsel vm1, $0x0, v5;
	v8 =	vnsel vm2, $0x0, v8;
	v10 =	vld [tilespmem:s24+$0xFFFFFFE0]  }
0x34: {  	v4 =	vnsel vm3, $0x0, v4;
	v3 =	vnsel vm4, $0x0, v3;
	v6 =	vnsel vm5, $0x0, v6;
	v11 =	vld [tilespmem:s24+$0xFFFFFFF0]  }
0x35: {  	v7 =	vmin.u32 v7, $0x3FF;
	v2 =	vnsel vm6, $0x0, v2;
	v5 =	vmin.u32 v5, $0x3FF;
	v12 =	vld [tilespmem:s24+$0x0]  }
0x36: {  	v8 =	vmin.u32 v8, $0x3FF;
	v4 =	vmin.u32 v4, $0x3FF;
	v13 =	vld [tilespmem:s24+$0x10];
	v9 =	vmul.f32 $2.560000000e+02, v9  }
0x37: {  	v3 =	vmin.u32 v3, $0x3FF;
	v6 =	vmin.u32 v6, $0x3FF;
	v1 =	vmul.f32 $2.560000000e+02, v1;
	v14 =	vld [tilespmem:s24+$0x20]  }
0x38: {  	v2 =	vmin.u32 v2, $0x3FF;
	v15 =	vld [tilespmem:s24+$0xFFFFFFC0];
	v10 =	vmul.f32 $2.560000000e+02, v10;
	v16 =	vtrunc.f32 v9  }
0x39: {  	v11 =	vmul.f32 $2.560000000e+02, v11;
	v17 =	vcvt.f32.s32 v16;
	vm0 =	vlt.f32 v9, v16  }
0x3a: {  	v9 =	vtrunc.f32 v1;
	v12 =	vmul.f32 $2.560000000e+02, v12;
	v16 =	vsel vm0, $0x1FF, v0;
	v7 =	vld.idx.msk [tilespmem:v7+s3+$0x0], $0xffff  }
0x3b: {  	v18 =	vtrunc.f32 v10;
	v13 =	vmul.f32 $2.560000000e+02, v13;
	v16 =	vadd.s32 v17, v16;
	v5 =	vld.idx.msk [tilespmem:v5+s3+$0x0], $0xffff  }
0x3c: {  	v17 =	vtrunc.f32 v11;
	v14 =	vmul.f32 $2.560000000e+02, v14;
	vm0 =	vgt.s32 v16, $0x0;
	v8 =	vld.idx.msk [tilespmem:v8+s3+$0x0], $0xffff  }
0x3d: {  	v19 =	vtrunc.f32 v12;
	v15 =	vmul.f32 $2.560000000e+02, v15;
	v16 =	vnsel vm0, $0x0, v16;
	v4 =	vld.idx.msk [tilespmem:v4+s3+$0x0], $0xffff  }
0x3e: {  	v20 =	vtrunc.f32 v13;
	v21 =	vtrunc.f32 v14;
	v16 =	vmin.u32 v16, $0x3FF;
	v3 =	vld.idx.msk [tilespmem:v3+s3+$0x0], $0xffff  }
0x3f: {  	v23 =	vcvt.f32.s32 v9;
	vm0 =	vlt.f32 v1, v9;
	v22 =	vtrunc.f32 v15;
	v6 =	vld.idx.msk [tilespmem:v6+s3+$0x0], $0xffff  }
0x40: {  	v9 =	vcvt.f32.s32 v22;
	vm1 =	vlt.f32 v15, v22;
	v15 =	vcvt.f32.s32 v18;
	[tilespmem:s22+$0xFFFFFFC0] =	vst v7;
	v2 =	vld.idx.msk [tilespmem:v2+s3+$0x0], $0xffff  }
0x41: {  	vm2 =	vlt.f32 v10, v18;
	v10 =	vcvt.f32.s32 v17;
	vm3 =	vlt.f32 v11, v17;
	[tilespmem:s22+$0xFFFFFFD0] =	vst v5  }
0x42: {  	v11 =	vcvt.f32.s32 v19;
	vm4 =	vlt.f32 v12, v19;
	v12 =	vcvt.f32.s32 v20;
	[tilespmem:s22+$0xFFFFFFE0] =	vst v8  }
0x43: {  	vm5 =	vlt.f32 v13, v20;
	v13 =	vcvt.f32.s32 v21;
	vm6 =	vlt.f32 v14, v21;
	v1 =	vld.idx.msk [tilespmem:v16+s3+$0x0], $0xffff;
	[tilespmem:s22+$0xFFFFFFF0] =	vst v4  }
.Ltmp0:
0x44: {  	v5 =	vsel vm0, $0x1FF, v0;
	v8 =	vsel vm2, $0x1FF, v0;
	v4 =	vsel vm1, $0x1FF, v0;
	[tilespmem:s22+$0x0] =	vst v3;
	(pc) =	sbr.rel @p0 .LBB2_2-.Ltmp0, $4  }
0x45: {  	v14 =	vsel vm4, $0x1FF, v0;
	v16 =	vsel vm5, $0x1FF, v0;
	v3 =	vsel vm3, $0x1FF, v0;
	[tilespmem:s22+$0x10] =	vst v6  }
0x46: {  	v5 =	vadd.s32 v23, v5;
	v7 =	vadd.s32 v9, v4;
	v9 =	vsel vm6, $0x1FF, v0;
	[tilespmem:s22+$0x20] =	vst v2  }
0x47: {  	v8 =	vadd.s32 v15, v8;
	v4 =	vadd.s32 v10, v3;
	v3 =	vadd.s32 v11, v14  }
0x48: {  	s24 =	sadd.s32 $0x80, s24;
	vm0 =	vgt.s32 v7, $0x0;
	v6 =	vadd.s32 v12, v16;
	v2 =	vadd.s32 v13, v9;
	s22 =	sadd.s32 $0x80, s22  }
0x49: {  	vm1 =	vgt.s32 v5, $0x0;
	v7 =	vnsel vm0, $0x0, v7  }
0x4a: {  	vm11 =	vgt.s32 v8, $0x0;
	v5 =	vnsel vm1, $0x0, v5;
	v7 =	vmin.u32 v7, $0x3FF  }
0x4b: {  	vm12 =	vgt.s32 v4, $0x0;
	v8 =	vnsel vm11, $0x0, v8;
	v5 =	vmin.u32 v5, $0x3FF  }
0x4c: {  	vm13 =	vgt.s32 v3, $0x0;
	v4 =	vnsel vm12, $0x0, v4;
	v8 =	vmin.u32 v8, $0x3FF  }
0x4d: {  	vm14 =	vgt.s32 v6, $0x0;
	v3 =	vnsel vm13, $0x0, v3;
	v4 =	vmin.u32 v4, $0x3FF  }
0x4e: {  	vm15 =	vgt.s32 v2, $0x0;
	v6 =	vnsel vm14, $0x0, v6;
	v3 =	vmin.u32 v3, $0x3FF  }
0x4f: {  	v2 =	vnsel vm15, $0x0, v2;
	v6 =	vmin.u32 v6, $0x3FF;
	v7 =	vld.idx.msk [tilespmem:v7+s3+$0x0], $0xffff  }
0x50: {  	v2 =	vmin.u32 v2, $0x3FF;
	v5 =	vld.idx.msk [tilespmem:v5+s3+$0x0], $0xffff  }
0x51: {  	v8 =	vld.idx.msk [tilespmem:v8+s3+$0x0], $0xffff  }
0x52: {  	v4 =	vld.idx.msk [tilespmem:v4+s3+$0x0], $0xffff  }
0x53: {  	[tilespmem:s22+$0x30] =	vst v1;
	v1 =	vld.idx.msk [tilespmem:v3+s3+$0x0], $0xffff  }
0x54: {  	v3 =	vld.idx.msk [tilespmem:v6+s3+$0x0], $0xffff;
	[tilespmem:s22+$0xFFFFFFC0] =	vst v7  }
0x55: {  	v2 =	vld.idx.msk [tilespmem:v2+s3+$0x0], $0xffff;
	[tilespmem:s22+$0xFFFFFFD0] =	vst v5  }
0x56: {  	[tilespmem:s22+$0xFFFFFFE0] =	vst v8  }
0x57: {  	[tilespmem:s22+$0xFFFFFFF0] =	vst v4  }
0x58: {  	[tilespmem:s22+$0x0] =	vst v1  }
0x59: {  	[tilespmem:s22+$0x10] =	vst v3  }
0x5a: {  	[tilespmem:s22+$0x20] =	vst v2  }
.LBB2_4:
0x5b: {  	v1 =	vld [tilespmem:s19+$0x0];
	_ =	sdelay $0x4  }
0x5c: {  	v1 =	vmul.f32 $2.560000000e+02, v1;
	_ =	sdelay $0x1  }
0x5d: {  	v2 =	vtrunc.f32 v1  }
0x5e: {  	v3 =	vcvt.f32.s32 v2;
	vm0 =	vlt.f32 v1, v2  }
0x5f: {  	v1 =	vsel vm0, $0x1FF, v0  }
0x60: {  	v1 =	vadd.s32 v3, v1  }
0x61: {  	vm15 =	vgt.s32 v1, $0x0  }
0x62: {  	v1 =	vnsel vm15, $0x0, v1  }
0x63: {  	v1 =	vmin.u32 v1, $0x3FF;
	_ =	sdelay $0x3  }
0x64: {  	s20 =	sadd.s32 $0x10, s20  }
0x65: {  	p0 =	slt.u32 s20, $0x28A0;
	v1 =	vld.idx.msk [tilespmem:v1+s3+$0x0], $0xffff  }
.Ltmp1:
0x66: {  	_ = 	snop;
	(pc) =	sbr.rel @p0 .LBB2_4-.Ltmp1, $2  }
0x67: {  	_ =	sdelay $0x2  }
0x68: {  	s19 =	sadd.s32 $0x10, s19;
	[tilespmem:s21+$0x0] =	vst v1;
	s21 =	sadd.s32 $0x10, s21  }
0x69: {  	[hbm4b:s6+s3] =	stream.linear.scatter [tilespmem:s13], [sflag:$0x3], $0x28B0, $0x38;
	[tilespmem:$0xA6C0] =	vst v63  }
0x6a: {  	_ =	swait.ge [sflag:s14], $0x28B0  }
0x6b: {  	[sflag:s14] =	ssyncset.done $0x0  }
0x6c: {  	s19 =	simm.s32 $0x2CF0;
	[sflag:s14] =	ssyncadd.s32 $0xFFFFD750  }
0x6d: {  	v1 =	vld [tilespmem:s19+$0x30]  }
0x6e: {  	v2 =	vld [tilespmem:s19+$0xFFFFFFD0]  }
0x6f: {  	v3 =	vld [tilespmem:s19+$0xFFFFFFE0]  }
0x70: {  	v4 =	vld [tilespmem:s19+$0xFFFFFFF0]  }
0x71: {  	v5 =	vld [tilespmem:s19+$0x0]  }
0x72: {  	v6 =	vld [tilespmem:s19+$0x10]  }
0x73: {  	v7 =	vld [tilespmem:s19+$0x20]  }
0x74: {  	v8 =	vld [tilespmem:s19+$0xFFFFFFC0];
	v1 =	vmul.f32 $2.560000000e+02, v1  }
0x75: {  	v2 =	vmul.f32 $2.560000000e+02, v2;
	v3 =	vmul.f32 $2.560000000e+02, v3  }
0x76: {  	v4 =	vmul.f32 $2.560000000e+02, v4;
	v5 =	vmul.f32 $2.560000000e+02, v5  }
0x77: {  	v6 =	vmul.f32 $2.560000000e+02, v6;
	v9 =	vtrunc.f32 v1  }
0x78: {  	v7 =	vmul.f32 $2.560000000e+02, v7;
	v10 =	vcvt.f32.s32 v9;
	vm0 =	vlt.f32 v1, v9  }
0x79: {  	v8 =	vmul.f32 $2.560000000e+02, v8;
	v11 =	vtrunc.f32 v3;
	v9 =	vsel vm0, $0x1FF, v0  }
0x7a: {  	v12 =	vtrunc.f32 v5;
	v13 =	vtrunc.f32 v6;
	v9 =	vadd.s32 v10, v9  }
0x7b: {  	v14 =	vtrunc.f32 v7;
	v15 =	vtrunc.f32 v8;
	vm0 =	vgt.s32 v9, $0x0  }
0x7c: {  	v1 =	vtrunc.f32 v2;
	vm1 =	vlt.f32 v8, v15;
	v9 =	vnsel vm0, $0x0, v9  }
0x7d: {  	vm2 =	vlt.f32 v3, v11;
	vm4 =	vlt.f32 v5, v12;
	v9 =	vmin.u32 v9, $0x3FF  }
0x7e: {  	vm5 =	vlt.f32 v6, v13;
	v59 =	vcvt.f32.s32 v14;
	vm6 =	vlt.f32 v7, v14  }
0x7f: {  	v16 =	vcvt.f32.s32 v1;
	v6 =	vsel vm2, $0x1FF, v0;
	v61 =	vsel vm4, $0x1FF, v0  }
0x80: {  	v10 =	vtrunc.f32 v4;
	vm0 =	vlt.f32 v2, v1;
	v1 =	vcvt.f32.s32 v15  }
0x81: {  	v62 =	vsel vm5, $0x1FF, v0;
	vm3 =	vlt.f32 v4, v10;
	v4 =	vsel vm1, $0x1FF, v0  }
0x82: {  	v63 =	vsel vm6, $0x1FF, v0;
	v3 =	vcvt.f32.s32 v10;
	v7 =	vadd.s32 v1, v4;
	v1 =	vld.idx.msk [tilespmem:v9+s3+$0x0], $0xffff  }
0x83: {  	v10 =	vcvt.f32.s32 v12;
	v2 =	vcvt.f32.s32 v11;
	v5 =	vsel vm0, $0x1FF, v0  }
0x84: {  	v11 =	vcvt.f32.s32 v13;
	v60 =	vsel vm3, $0x1FF, v0;
	v5 =	vadd.s32 v16, v5  }
0x85: {  	s21 =	simm.s32 $0x7E50;
	v8 =	vadd.s32 v2, v6;
	v4 =	vadd.s32 v3, v60;
	v3 =	vadd.s32 v10, v61  }
0x86: {  	s22 =	simm.s32 $0x0;
	s23 =	simm.s32 $0x2D70;
	s19 =	simm.s32 $0x5530;
	v6 =	vadd.s32 v11, v62;
	v2 =	vadd.s32 v59, v63;
	vm0 =	vgt.s32 v7, $0x0  }
.LBB2_6:
0x87: {  	v9 =	vld [tilespmem:s23+$0x30];
	s22 =	sadd.s32 $0x80, s22;
	vm1 =	vgt.s32 v5, $0x0;
	vm2 =	vgt.s32 v8, $0x0;
	vm3 =	vgt.s32 v4, $0x0;
	[tilespmem:s21+$0x30] =	vst v1;
	s20 =	simm.s32 $0xA690  }
0x88: {  	vm4 =	vgt.s32 v3, $0x0;
	vm5 =	vgt.s32 v6, $0x0;
	vm6 =	vgt.s32 v2, $0x0;
	v1 =	vld [tilespmem:s23+$0xFFFFFFD0];
	p0 =	slt.u32 s22, $0x2800  }
0x89: {  	v7 =	vnsel vm0, $0x0, v7;
	v5 =	vnsel vm1, $0x0, v5;
	v8 =	vnsel vm2, $0x0, v8;
	v10 =	vld [tilespmem:s23+$0xFFFFFFE0]  }
0x8a: {  	v4 =	vnsel vm3, $0x0, v4;
	v3 =	vnsel vm4, $0x0, v3;
	v6 =	vnsel vm5, $0x0, v6;
	v11 =	vld [tilespmem:s23+$0xFFFFFFF0]  }
0x8b: {  	v7 =	vmin.u32 v7, $0x3FF;
	v2 =	vnsel vm6, $0x0, v2;
	v5 =	vmin.u32 v5, $0x3FF;
	v12 =	vld [tilespmem:s23+$0x0]  }
0x8c: {  	v8 =	vmin.u32 v8, $0x3FF;
	v4 =	vmin.u32 v4, $0x3FF;
	v13 =	vld [tilespmem:s23+$0x10];
	v9 =	vmul.f32 $2.560000000e+02, v9  }
0x8d: {  	v3 =	vmin.u32 v3, $0x3FF;
	v6 =	vmin.u32 v6, $0x3FF;
	v1 =	vmul.f32 $2.560000000e+02, v1;
	v14 =	vld [tilespmem:s23+$0x20]  }
0x8e: {  	v2 =	vmin.u32 v2, $0x3FF;
	v15 =	vld [tilespmem:s23+$0xFFFFFFC0];
	v10 =	vmul.f32 $2.560000000e+02, v10;
	v16 =	vtrunc.f32 v9  }
0x8f: {  	v11 =	vmul.f32 $2.560000000e+02, v11;
	v17 =	vcvt.f32.s32 v16;
	vm0 =	vlt.f32 v9, v16  }
0x90: {  	v9 =	vtrunc.f32 v1;
	v12 =	vmul.f32 $2.560000000e+02, v12;
	v16 =	vsel vm0, $0x1FF, v0;
	v7 =	vld.idx.msk [tilespmem:v7+s3+$0x0], $0xffff  }
0x91: {  	v18 =	vtrunc.f32 v10;
	v13 =	vmul.f32 $2.560000000e+02, v13;
	v16 =	vadd.s32 v17, v16;
	v5 =	vld.idx.msk [tilespmem:v5+s3+$0x0], $0xffff  }
0x92: {  	v17 =	vtrunc.f32 v11;
	v14 =	vmul.f32 $2.560000000e+02, v14;
	vm0 =	vgt.s32 v16, $0x0;
	v8 =	vld.idx.msk [tilespmem:v8+s3+$0x0], $0xffff  }
0x93: {  	v19 =	vtrunc.f32 v12;
	v15 =	vmul.f32 $2.560000000e+02, v15;
	v16 =	vnsel vm0, $0x0, v16;
	v4 =	vld.idx.msk [tilespmem:v4+s3+$0x0], $0xffff  }
0x94: {  	v20 =	vtrunc.f32 v13;
	v21 =	vtrunc.f32 v14;
	v16 =	vmin.u32 v16, $0x3FF;
	v3 =	vld.idx.msk [tilespmem:v3+s3+$0x0], $0xffff  }
0x95: {  	v23 =	vcvt.f32.s32 v9;
	vm0 =	vlt.f32 v1, v9;
	v22 =	vtrunc.f32 v15;
	v6 =	vld.idx.msk [tilespmem:v6+s3+$0x0], $0xffff  }
0x96: {  	v9 =	vcvt.f32.s32 v22;
	vm1 =	vlt.f32 v15, v22;
	v15 =	vcvt.f32.s32 v18;
	[tilespmem:s21+$0xFFFFFFC0] =	vst v7;
	v2 =	vld.idx.msk [tilespmem:v2+s3+$0x0], $0xffff  }
0x97: {  	vm2 =	vlt.f32 v10, v18;
	v10 =	vcvt.f32.s32 v17;
	vm3 =	vlt.f32 v11, v17;
	[tilespmem:s21+$0xFFFFFFD0] =	vst v5  }
0x98: {  	v11 =	vcvt.f32.s32 v19;
	vm4 =	vlt.f32 v12, v19;
	v12 =	vcvt.f32.s32 v20;
	[tilespmem:s21+$0xFFFFFFE0] =	vst v8  }
0x99: {  	vm5 =	vlt.f32 v13, v20;
	v13 =	vcvt.f32.s32 v21;
	vm6 =	vlt.f32 v14, v21;
	v1 =	vld.idx.msk [tilespmem:v16+s3+$0x0], $0xffff;
	[tilespmem:s21+$0xFFFFFFF0] =	vst v4  }
.Ltmp2:
0x9a: {  	v5 =	vsel vm0, $0x1FF, v0;
	v8 =	vsel vm2, $0x1FF, v0;
	v4 =	vsel vm1, $0x1FF, v0;
	[tilespmem:s21+$0x0] =	vst v3;
	(pc) =	sbr.rel @p0 .LBB2_6-.Ltmp2, $4  }
0x9b: {  	v14 =	vsel vm4, $0x1FF, v0;
	v16 =	vsel vm5, $0x1FF, v0;
	v3 =	vsel vm3, $0x1FF, v0;
	[tilespmem:s21+$0x10] =	vst v6  }
0x9c: {  	v5 =	vadd.s32 v23, v5;
	v7 =	vadd.s32 v9, v4;
	v9 =	vsel vm6, $0x1FF, v0;
	[tilespmem:s21+$0x20] =	vst v2  }
0x9d: {  	v8 =	vadd.s32 v15, v8;
	v4 =	vadd.s32 v10, v3;
	v3 =	vadd.s32 v11, v14  }
0x9e: {  	s23 =	sadd.s32 $0x80, s23;
	vm0 =	vgt.s32 v7, $0x0;
	v6 =	vadd.s32 v12, v16;
	v2 =	vadd.s32 v13, v9;
	s21 =	sadd.s32 $0x80, s21  }
0x9f: {  	vm1 =	vgt.s32 v5, $0x0;
	v7 =	vnsel vm0, $0x0, v7  }
0xa0: {  	vm11 =	vgt.s32 v8, $0x0;
	v5 =	vnsel vm1, $0x0, v5;
	v7 =	vmin.u32 v7, $0x3FF  }
0xa1: {  	vm12 =	vgt.s32 v4, $0x0;
	v8 =	vnsel vm11, $0x0, v8;
	v5 =	vmin.u32 v5, $0x3FF  }
0xa2: {  	vm13 =	vgt.s32 v3, $0x0;
	v4 =	vnsel vm12, $0x0, v4;
	v8 =	vmin.u32 v8, $0x3FF  }
0xa3: {  	vm14 =	vgt.s32 v6, $0x0;
	v3 =	vnsel vm13, $0x0, v3;
	v4 =	vmin.u32 v4, $0x3FF  }
0xa4: {  	vm15 =	vgt.s32 v2, $0x0;
	v6 =	vnsel vm14, $0x0, v6;
	v3 =	vmin.u32 v3, $0x3FF  }
0xa5: {  	v2 =	vnsel vm15, $0x0, v2;
	v6 =	vmin.u32 v6, $0x3FF;
	v7 =	vld.idx.msk [tilespmem:v7+s3+$0x0], $0xffff  }
0xa6: {  	v2 =	vmin.u32 v2, $0x3FF;
	v5 =	vld.idx.msk [tilespmem:v5+s3+$0x0], $0xffff  }
0xa7: {  	v8 =	vld.idx.msk [tilespmem:v8+s3+$0x0], $0xffff  }
0xa8: {  	v4 =	vld.idx.msk [tilespmem:v4+s3+$0x0], $0xffff  }
0xa9: {  	[tilespmem:s21+$0x30] =	vst v1;
	v1 =	vld.idx.msk [tilespmem:v3+s3+$0x0], $0xffff  }
0xaa: {  	v3 =	vld.idx.msk [tilespmem:v6+s3+$0x0], $0xffff;
	[tilespmem:s21+$0xFFFFFFC0] =	vst v7  }
0xab: {  	v2 =	vld.idx.msk [tilespmem:v2+s3+$0x0], $0xffff;
	[tilespmem:s21+$0xFFFFFFD0] =	vst v5  }
0xac: {  	[tilespmem:s21+$0xFFFFFFE0] =	vst v8  }
0xad: {  	[tilespmem:s21+$0xFFFFFFF0] =	vst v4  }
0xae: {  	[tilespmem:s21+$0x0] =	vst v1  }
0xaf: {  	[tilespmem:s21+$0x10] =	vst v3  }
0xb0: {  	s22 =	simm.s32 $0x2870;
	[tilespmem:s21+$0x20] =	vst v2  }
.LBB2_8:
0xb1: {  	v1 =	vld [tilespmem:s19+$0x0];
	_ =	sdelay $0x4  }
0xb2: {  	v1 =	vmul.f32 $2.560000000e+02, v1;
	_ =	sdelay $0x1  }
0xb3: {  	v2 =	vtrunc.f32 v1  }
0xb4: {  	v3 =	vcvt.f32.s32 v2;
	vm0 =	vlt.f32 v1, v2  }
0xb5: {  	v1 =	vsel vm0, $0x1FF, v0  }
0xb6: {  	v1 =	vadd.s32 v3, v1  }
0xb7: {  	vm15 =	vgt.s32 v1, $0x0  }
0xb8: {  	v1 =	vnsel vm15, $0x0, v1  }
0xb9: {  	v1 =	vmin.u32 v1, $0x3FF;
	_ =	sdelay $0x3  }
0xba: {  	s22 =	sadd.s32 $0x10, s22  }
0xbb: {  	p0 =	slt.u32 s22, $0x28A0;
	v1 =	vld.idx.msk [tilespmem:v1+s3+$0x0], $0xffff  }
.Ltmp3:
0xbc: {  	_ = 	snop;
	(pc) =	sbr.rel @p0 .LBB2_8-.Ltmp3, $2  }
0xbd: {  	_ =	sdelay $0x2  }
0xbe: {  	s19 =	sadd.s32 $0x10, s19;
	[tilespmem:s20+$0x0] =	vst v1;
	s20 =	sadd.s32 $0x10, s20  }
0xbf: {  	[hbm4b:s7+s3] =	stream.linear.scatter [tilespmem:s15], [sflag:$0x4], $0x28B0, $0x38;
	[tilespmem:$0xA6C0] =	vst v63  }
0xc0: {  	s18 =	sadd.s32 $0x1, s18  }
0xc1: {  	_ =	swait.ge [sflag:s16], $0x28B0;
	p0 =	sne.s32 s18, s8  }
.Ltmp4:
0xc2: {  	[sflag:s16] =	ssyncset.done $0x0;
	(pc) =	sbr.rel @p0 .LBB2_1-.Ltmp4, $4  }
0xc3: {  	[sflag:s16] =	ssyncadd.s32 $0xFFFFD750  }
0xc4: {  	_ =	swait.ge [sflag:s17], $0x28B0  }
0xc5: {  	[sflag:s17] =	ssyncset.done $0x0  }
0xc6: {  	[sflag:s17] =	ssyncadd.s32 $0xFFFFD750  }
0xc7: {  	_ =	sfence.sel $0x180000  }
0xc8: {  	[bflag:$0x0] =	sbarrier.arrive $0xFFFF  }
0xc9: {  	p0 =	sne.s32 s0, $0x0;
	_ =	strace $0x9000004D  }
0xca: {  	s0 =	sadd.s32 @!p0 $0x100000, s1;
	[bflag:$0x2] =	sbarrier.arrive $0xFFFF  }
0xcb: {  	[sflag:s0] =	ssyncadd.tile.s32 @!p0 $0x1;
	_ =	shalt  }
.Lfunc_end2:
_tile_overlayer_lowered:
.L_overlay_start_2:
0xcc: {  	(tag) =	ssettag $0x2  }
0xcd: {  	s0 =	rddreg [dreg:$0x0];
	s2 =	stileid.u32  }
0xce: {  	s1 =	rddreg [dreg:$0x1];
	p0 =	sne.s32 s2, $0x0  }
0xcf: {  	s3 =	rddreg [dreg:$0x2];
	[bflag:$0x3] =	sbarrier.arrive $0xFFFF;
	s2 =	simm.s32 @!p0 $0x1C05  }
0xd0: {  	[timem:s3], [sflag:s2] =	dma.local @!p0 [hbm:s0], s1  }
0xd1: {  	s0 =	simm.s32 @!p0 $0x5  }
0xd2: {  	_ =	swait.ge @!p0 [sflag:s0], s1  }
0xd3: {  	s1 =	ssub.s32 @!p0 $0x0, s1;
	[sflag:s0] =	ssyncset.done @!p0 $0x0  }
0xd4: {  	[sflag:s0] =	ssyncadd.s32 @!p0 s1  }
0xd5: {  	[bflag:$0x3] =	sbarrier.arrive $0xFFFF  }
0xd6: {  	_ =	shalt  }

// kernel: pcn_piece3.3.cloned.1.call-start
scs
__scs_entry_jumppad:
0x0: {  	(pc) =	sbr.rel $0x88, $3  }
0x1: {  	(tag) =	ssettag $0x0;
	lr =	simm.s32 $0x1  }
0x2: {  	[smem:$0x3F9F] =	sst lr;
	_ =	strace $0xD0000000  }
0x3: {  	_ = 	snop  }
0x4: {  	_ = 	snop  }
0x5: {  	_ = 	snop  }
0x6: {  	_ = 	snop  }
0x7: {  	_ = 	snop  }
__scs_overlays_trampoline_lowered:
0x8: {  	[smem:$0x3FAE] =	sst s0  }
0x9: {  	[smem:$0x3FAF] =	sst s1  }
0xa: {  	[smem:$0x3FB0] =	sst s2  }
0xb: {  	[smem:$0x3FB1] =	sst s3  }
0xc: {  	[smem:$0x3FB2] =	sst s4  }
0xd: {  	[smem:$0x3FB3] =	sst s5  }
0xe: {  	[smem:$0x3FB4] =	sst s6  }
0xf: {  	[smem:$0x3FB5] =	sst s7  }
0x10: {  	[smem:$0x3FB6] =	sst s8  }
0x11: {  	[smem:$0x3FB7] =	sst s9;
	s0 =	simm.s32 @!p0 $0x0  }
0x12: {  	s1 =	sld [smem:$0x3F9D];
	s0 =	simm.s32 @p0 $0x1  }
0x13: {  	[smem:$0x3FB8] =	sst s0;
	s0 =	simm.s32 @!p1 $0x0  }
0x14: {  	s2 =	sld [smem:$0x3F9C];
	s0 =	simm.s32 @p1 $0x1  }
0x15: {  	[smem:$0x3FB9] =	sst s0;
	s0 =	simm.s32 @!p2 $0x0  }
0x16: {  	s3 =	sld [smem:$0x3FDB];
	s0 =	simm.s32 @p2 $0x1  }
0x17: {  	s4 =	simm.s32 $0x1BF5;
	[smem:$0x3FBB] =	sst s0  }
0x18: {  	s0 =	sld [smem:$0x3F9E];
	_ =	swait.ge [sflag:s4], $0x0  }
0x19: {  	s7 =	sld [smem:$0x3F9F]  }
0x1a: {  	s8 =	sadd.s32 $0xFFFFE003, lr  }
0x1b: {  	s9 =	sadd.s32 $0xFFFFFEF7, lr;
	s5 =	simm.s32 $0xFFFFFFFF;
	p2 =	slt.u32 s8, $0xFFFFF086  }
0x1c: {  	p1 =	slt.u32 s9, $0xF7A;
	s5 =	simm.s32 @!p2 $0x0  }
0x1d: {  	s5 =	simm.s32 @p1 $0x1;
	p0 =	seq.s32 s7, s2  }
0x1e: {  	s7 =	smul.u32 @!p0 $0xF7A, s2;
	p2 =	seq.s32 @!p0 s5, $0x0  }
0x1f: {  	s9 =	smul.u32 $0xF7A, s1;
	s8 =	simm.s32 @!p0 $0x1BF5;
	p2 =	por !p2, p0  }
0x20: {  	[sflag:s8] =	ssyncset.s32 @!p0 $0xFFFFF086;
	s6 =	sadd.s32 @!p0 s3, s7;
	s7 =	simm.s32 @!p0 $0x108  }
0x21: {  	s3 =	sadd.s32 s3, s9;
	s6 =	sadd.s32 @!p0 $0x88, s6;
	s7 =	simm.s32 @p2 $0x1082  }
0x22: {  	[simem:s7], [sflag:s8] =	dma.local @!p0 [hbm:s6], $0xF7A  }
0x23: {  	s9 =	sor.u32 $0xD0000000, s2;
	s6 =	simm.s32 $0x108;
	_ =	swait.ge @!p0 [sflag:s8], $0x0  }
0x24: {  	s3 =	sadd.s32 $0x88, s3;
	s6 =	simm.s32 @!p1 $0x1082;
	[sflag:s4] =	ssyncset.s32 $0xFFFFF086  }
0x25: {  	[simem:s6], [sflag:s4] =	dma.local [hbm:s3], $0xF7A  }
0x26: {  	[smem:$0x3F9F] =	sst s1;
	(tag) =	ssettag s2;
	_ =	strace s9  }
0x27: {  	s1 =	sld [smem:$0x3FAF]  }
0x28: {  	s2 =	sld [smem:$0x3FB0]  }
0x29: {  	s4 =	sld [smem:$0x3FB2]  }
0x2a: {  	p0 =	seq.s32 s5, $0x0;
	s5 =	sld [smem:$0x3FB3]  }
0x2b: {  	s6 =	sld [smem:$0x3FB4]  }
0x2c: {  	s7 =	sld [smem:$0x3FB5]  }
0x2d: {  	s3 =	simm.s32 $0x108;
	s8 =	sld [smem:$0x3FB6]  }
0x2e: {  	s3 =	simm.s32 @!p0 $0x1082;
	s9 =	sld [smem:$0x3FB7]  }
0x2f: {  	lr =	sadd.s32 s0, s3;
	s0 =	sld [smem:$0x3FAE]  }
0x30: {  	s3 =	sld [smem:$0x3FB1]  }
0x31: {  	[smem:$0x3FBA] =	sst s10  }
0x32: {  	s10 =	sld [smem:$0x3FB8];
	_ =	sdelay $0x3  }
0x33: {  	p0 =	seq.s32 s10, $0x1;
	s10 =	sld [smem:$0x3FBA];
	_ =	sdelay $0x3  }
0x34: {  	[smem:$0x3FBA] =	sst s10  }
0x35: {  	s10 =	sld [smem:$0x3FB9];
	_ =	sdelay $0x3  }
0x36: {  	p1 =	seq.s32 s10, $0x1;
	s10 =	sld [smem:$0x3FBA];
	_ =	sdelay $0x3  }
0x37: {  	[smem:$0x3FBA] =	sst s10  }
0x38: {  	s10 =	sld [smem:$0x3FBB]  }
0x39: {  	_ = 	snop;
	(pc) =	sbr.ind lr, $3  }
0x3a: {  	_ = 	snop  }
0x3b: {  	_ = 	snop  }
0x3c: {  	p2 =	seq.s32 s10, $0x1;
	s10 =	sld [smem:$0x3FBA]  }
0x3d: {  	_ =	shalt  }
0x3e: {  	_ =	shalt  }
0x3f: {  	_ =	shalt  }
0x40: {  	_ =	shalt  }
0x41: {  	_ =	shalt  }
0x42: {  	_ =	shalt  }
0x43: {  	_ =	shalt  }
0x44: {  	_ =	shalt  }
0x45: {  	_ =	shalt  }
0x46: {  	_ =	shalt  }
0x47: {  	_ =	shalt  }
0x48: {  	_ =	shalt  }
0x49: {  	_ =	shalt  }
0x4a: {  	_ =	shalt  }
0x4b: {  	_ =	shalt  }
0x4c: {  	_ =	shalt  }
0x4d: {  	_ =	shalt  }
0x4e: {  	_ =	shalt  }
0x4f: {  	_ =	shalt  }
0x50: {  	_ =	shalt  }
0x51: {  	_ =	shalt  }
0x52: {  	_ =	shalt  }
0x53: {  	_ =	shalt  }
0x54: {  	_ =	shalt  }
0x55: {  	_ =	shalt  }
0x56: {  	_ =	shalt  }
0x57: {  	_ =	shalt  }
0x58: {  	_ =	shalt  }
0x59: {  	_ =	shalt  }
0x5a: {  	_ =	shalt  }
0x5b: {  	_ =	shalt  }
0x5c: {  	_ =	shalt  }
0x5d: {  	_ =	shalt  }
0x5e: {  	_ =	shalt  }
0x5f: {  	_ =	shalt  }
0x60: {  	_ =	shalt  }
0x61: {  	_ =	shalt  }
0x62: {  	_ =	shalt  }
0x63: {  	_ =	shalt  }
0x64: {  	_ =	shalt  }
0x65: {  	_ =	shalt  }
0x66: {  	_ =	shalt  }
0x67: {  	_ =	shalt  }
0x68: {  	_ =	shalt  }
0x69: {  	_ =	shalt  }
0x6a: {  	_ =	shalt  }
0x6b: {  	_ =	shalt  }
0x6c: {  	_ =	shalt  }
0x6d: {  	_ =	shalt  }
0x6e: {  	_ =	shalt  }
0x6f: {  	_ =	shalt  }
0x70: {  	_ =	shalt  }
0x71: {  	_ =	shalt  }
0x72: {  	_ =	shalt  }
0x73: {  	_ =	shalt  }
0x74: {  	_ =	shalt  }
0x75: {  	_ =	shalt  }
0x76: {  	_ =	shalt  }
0x77: {  	_ =	shalt  }
0x78: {  	_ =	shalt  }
0x79: {  	_ =	shalt  }
0x7a: {  	_ =	shalt  }
0x7b: {  	_ =	shalt  }
0x7c: {  	_ =	shalt  }
0x7d: {  	_ =	shalt  }
0x7e: {  	_ =	shalt  }
0x7f: {  	_ =	shalt  }
0x80: {  	_ =	shalt  }
0x81: {  	_ =	shalt  }
0x82: {  	_ =	shalt  }
0x83: {  	_ =	shalt  }
0x84: {  	_ =	shalt  }
0x85: {  	_ =	shalt  }
0x86: {  	_ =	shalt  }
0x87: {  	_ =	shalt  }
.Lfunc_end0:
.L_simem_size_0:
called_computation.3_lowered:
.L_overlay_start_0:
0x88: {  	s2 =	sld [smem:$0x3FD9]  }
0x89: {  	s3 =	sld [smem:$0x3FFE];
	_ =	sdelay $0x1  }
0x8a: {  	s1 =	srdreg.scid  }
0x8b: {  	s0 =	sand.u32 $0x1, s1  }
0x8c: {  	s17 =	sshll.u32 s0, $0xA;
	s2 =	sadd.s32 s3, s2  }
0x8d: {  	s2 =	sadd.s32 s2, s17  }
0x8e: {  	[smem:$0x3FC6] =	sst s2  }
0x8f: {  	_ = 	snop  }
0x90: {  	s18 =	sld [smem:$0x3FC8]  }
0x91: {  	s4 =	sld [smem:$0x3FD0];
	(tm) =	ssettm $0x1  }
0x92: {  	s19 =	sld [smem:$0x3FFB];
	_ =	sdelay $0x3  }
0x93: {  	_ =	strace s19  }
0x94: {  	s2 =	sld [smem:$0x3FFC];
	_ =	sdelay $0x3  }
0x95: {  	_ =	strace s2  }
0x96: {  	s2 =	sld [smem:$0x3FFD];
	_ =	sdelay $0x3  }
0x97: {  	_ =	strace s2  }
0x98: {  	_ =	strace $0x8FFFFFFF  }
0x99: {  	s20 =	sld [smem:$0x3FDB];
	_ =	sdelay $0x1  }
0x9a: {  	s5 =	simm.s32 $_scs_section_size  }
0x9b: {  	s6 =	simm.s32 $_size__tile_overlayer_lowered;
	s7 =	simm.s32 $_tile_overlayer_lowered  }
0x9c: {  	s8 =	simm.s32 $0x1BFF;
	s21 =	sshll.u32 s7, $0x1;
	s5 =	sadd.s32 s5, s20  }
0x9d: {  	s22 =	simm.s32 $0x0;
	s6 =	sshll.u32 s6, $0x1;
	s7 =	sadd.s32 s21, s5  }
0x9e: {  	[timem:s22], [sflag:s8] =	dma.local [hbm:s7], s6  }
0x9f: {  	_ =	swait.ge [sflag:s8], s6  }
0xa0: {  	s6 =	ssub.s32 $0x0, s6;
	[sflag:s8] =	ssyncset.done $0x0  }
0xa1: {  	[sflag:s8] =	ssyncadd.s32 s6;
	_ =	sdelay $0x1  }
0xa2: {  	s23 =	simm.s32 $0x1B8B  }
0xa3: {  	_ =	swait.ge [sflag:s23], $0x1  }
0xa4: {  	[sflag:s23] =	ssyncset.done $0x0  }
0xa5: {  	[sflag:s23] =	ssyncadd.s32 $0xFFFFFFFF  }
0xa6: {  	s6 =	sld [smem:$0x0]  }
0xa7: {  	s7 =	sand.u32 $0xFFFFFFFE, s1  }
0xa8: {  	p0 =	sne.s32 s1, s7  }
0xa9: {  	s7 =	sshll.u32 @p0 s7, $0xE  }
0xaa: {  	s7 =	sadd.s32 @p0 $0x11B8D, s7;
	s8 =	sshll.u32 @p0 s6, $0x11  }
0xab: {  	s7 =	sor.u32 @p0 s8, s7  }
0xac: {  	[sflag:s7] =	ssyncadd.remote.s32 @p0 $0x1;
	_ =	sdelay $0x1  }
0xad: {  	s7 =	simm.s32 @p0 $0x1B8D  }
0xae: {  	_ =	swait.eq @p0 [sflag:s7], $0x1  }
0xaf: {  	[sflag:s7] =	ssyncadd.s32 @p0 $0xFFFFFFFF  }
0xb0: {  	s8 =	sshll.u32 @!p0 s1, $0xE  }
0xb1: {  	s8 =	sor.u32 @!p0 $0x4000, s8;
	s7 =	simm.s32 @!p0 $0x1B8D  }
0xb2: {  	s6 =	sshll.u32 @!p0 s6, $0x11;
	s8 =	sadd.s32 @!p0 $0x11B8D, s8;
	_ =	swait.eq @!p0 [sflag:s7], $0x1  }
0xb3: {  	s6 =	sor.u32 @!p0 s6, s8;
	[sflag:s7] =	ssyncadd.s32 @!p0 $0xFFFFFFFF  }
0xb4: {  	s25 =	simm.s32 $0x1B8E;
	s24 =	sld [smem:$0x3FFE];
	[sflag:s6] =	ssyncadd.remote.s32 @!p0 $0x1  }
0xb5: {  	s26 =	simm.s32 $execute0_lowered;
	[smem:$0x3FD2] =	sst s25  }
0xb6: {  	s7 =	sshll.u32 s26, $0x1;
	_ =	strace $0x8000004F;
	[dreg:$0x1] =	wrdreg $0xFFFFFFFF  }
0xb7: {  	s28 =	simm.s32 $_size_execute0_lowered;
	s5 =	sadd.s32 s5, s7;
	[dreg:$0x0] =	wrdreg $0x0  }
0xb8: {  	s7 =	sshll.u32 s28, $0x1;
	[dreg:$0x2] =	wrdreg s5  }
0xb9: {  	[dreg:$0x3] =	wrdreg s7  }
0xba: {  	[dreg:$0x4] =	wrdreg $0xC0  }
0xbb: {  	_ =	task [dreg:s22], $0x5FFFF  }
0xbc: {  	[dreg:$0x1] =	wrdreg $0xFFFFFFFF  }
0xbd: {  	[dreg:$0x0] =	wrdreg $0x60  }
0xbe: {  	[dreg:$0x2] =	wrdreg s4  }
0xbf: {  	[dreg:$0x3] =	wrdreg s18  }
0xc0: {  	[dreg:$0x4] =	wrdreg s24  }
0xc1: {  	[dreg:$0x5] =	wrdreg $0xC  }
0xc2: {  	_ =	task.clear_ibuf [dreg:s22], $0x6FFFF;
	_ =	strace $0x9000004F  }
0xc3: {  	s29 =	simm.s32 $0xC;
	_ =	strace $0x80000051  }
0xc4: {  	_ =	swait.ge [sflag:s29], $0x1  }
0xc5: {  	[sflag:s29] =	ssyncadd.s32 $0xFFFFFFFF  }
0xc6: {  	_ =	strace $0x90000051  }
0xc7: {  	_ =	sfence  }
0xc8: {  	s30 =	sld [smem:$0x0];
	_ =	sdelay $0x2  }
0xc9: {  	s31 =	sshll.u32 s1, $0xD;
	s1 =	sshrl.u32 s1, $0x2  }
0xca: {  	s4 =	sand.u32 $0x4000, s31;
	s1 =	sadd.s32 s1, s30  }
0xcb: {  	s0 =	sor.u32 s4, s0;
	s1 =	sshll.u32 s1, $0x11  }
0xcc: {  	s0 =	sor.u32 s1, s0  }
0xcd: {  	s0 =	sadd.s32 $0x8F2B, s0  }
0xce: {  	[sflag:s0] =	ssyncadd.remote.s32 $0x1  }
0xcf: {  	_ =	sfence.sel $0xFFFF  }
0xd0: {  	[dreg:$0x0] =	wrdreg $0xFFFFFFFF;
	(pc) =	sbr.abs _section_cstart, $3  }
0xd1: {  	[dreg:$0x1] =	wrdreg $0xFFFFFFFF  }
0xd2: {  	_ =	task.clear_ibuf [dreg:s22], $0x2FFFF;
	_ =	strace $0x9FFFFFFF  }
0xd3: {  	(tm) =	ssettm $0x7FFFFFFF  }
tec
execute0_lowered:
.L_overlay_start_1:
0x0: {  	(tag) =	ssettag $0x1  }
0x1: {  	s4 =	rddreg [dreg:$0x0];
	s1 =	srdreg.scid  }
0x2: {  	s0 =	stileid.u32;
	s2 =	rddreg [dreg:$0x1]  }
0x3: {  	s6 =	rddreg [dreg:$0x2];
	s3 =	simm.s32 $0x0;
	s10 =	simm.s32 $0x400  }
0x4: {  	s11 =	simm.s32 $0x2CB0;
	s12 =	simm.s32 $0x1;
	s13 =	simm.s32 $0x5560  }
0x5: {  	s14 =	simm.s32 $0x2;
	s5 =	sand.u32 $0x1, s1;
	s30 =	sshll.u32 s0, $0x1  }
0x6: {  	s15 =	simm.s32 $0x7E10;
	s16 =	simm.s32 $0x3;
	s7 =	sor.u32 s5, s30  }
0x7: {  	s17 =	simm.s32 $0x4;
	s5 =	ssub.s32 $0x2, s5;
	s7 =	smul.u32 $0x5160, s7  }
0x8: {  	s18 =	simm.s32 $0x0;
	s1 =	rddreg [dreg:$0x3];
	s8 =	sshrl.u32 s5, $0x1  }
0x9: {  	[smem:$0x7FF] =	sst s3;
	s8 =	ssub.s32 s5, s8;
	s7 =	sshrl.u32 s7, $0x3  }
0xa: {  	_ =	strace $0x80000050;
	s8 =	smax.u32 s8, $0x1;
	s31 =	sadd.s32 s4, s7  }
0xb: {  	s9 =	sadd.s32 s7, s6;
	s4 =	sadd.s32 $0x3D080, s31;
	s5 =	sadd.s32 $0x3D596, s31  }
0xc: {  	v0 =	vimm.s32 $0x200;
	s6 =	sadd.s32 $0x3F000, s9;
	s7 =	sadd.s32 $0x3F516, s9;
	s9 =	simm.s32 $0x5  }
.LBB2_1:
0xd: {  	[tilespmem:s3], [sflag:$0x5] =	stream.linear.gather [hbm4b:s2+s3], $0x400, $0x38;
	[tilespmem:$0xA6C0] =	vst v63  }
0xe: {  	_ =	swait.ge [sflag:s9], $0x400  }
0xf: {  	[sflag:s9] =	ssyncset.done $0x0  }
0x10: {  	[sflag:s9] =	ssyncadd.s32 $0xFFFFFC00  }
0x11: {  	[tilespmem:s10], [sflag:$0x1] =	stream.linear.gather [hbm4b:s4+s3], $0x28B0, $0x38;
	[tilespmem:$0xA6C0] =	vst v63  }
0x12: {  	_ = 	snop  }
0x13: {  	[tilespmem:s11], [sflag:$0x2] =	stream.linear.gather [hbm4b:s5+s3], $0x28B0, $0x38;
	[tilespmem:$0xA6C0] =	vst v63  }
0x14: {  	_ =	swait.ge [sflag:s12], $0x28B0  }
0x15: {  	[sflag:s12] =	ssyncset.done $0x0  }
0x16: {  	s19 =	simm.s32 $0x440;
	[sflag:s12] =	ssyncadd.s32 $0xFFFFD750  }
0x17: {  	v1 =	vld [tilespmem:s19+$0x30]  }
0x18: {  	v2 =	vld [tilespmem:s19+$0xFFFFFFD0]  }
0x19: {  	v3 =	vld [tilespmem:s19+$0xFFFFFFE0]  }
0x1a: {  	v4 =	vld [tilespmem:s19+$0xFFFFFFF0]  }
0x1b: {  	v5 =	vld [tilespmem:s19+$0x0]  }
0x1c: {  	v6 =	vld [tilespmem:s19+$0x10]  }
0x1d: {  	v7 =	vld [tilespmem:s19+$0x20]  }
0x1e: {  	v8 =	vld [tilespmem:s19+$0xFFFFFFC0];
	v1 =	vmul.f32 $2.560000000e+02, v1  }
0x1f: {  	v2 =	vmul.f32 $2.560000000e+02, v2;
	v3 =	vmul.f32 $2.560000000e+02, v3  }
0x20: {  	v4 =	vmul.f32 $2.560000000e+02, v4;
	v5 =	vmul.f32 $2.560000000e+02, v5  }
0x21: {  	v6 =	vmul.f32 $2.560000000e+02, v6;
	v9 =	vtrunc.f32 v1  }
0x22: {  	v7 =	vmul.f32 $2.560000000e+02, v7;
	v10 =	vcvt.f32.s32 v9;
	vm0 =	vlt.f32 v1, v9  }
0x23: {  	v8 =	vmul.f32 $2.560000000e+02, v8;
	v11 =	vtrunc.f32 v3;
	v9 =	vsel vm0, $0x1FF, v0  }
0x24: {  	v12 =	vtrunc.f32 v5;
	v13 =	vtrunc.f32 v6;
	v9 =	vadd.s32 v10, v9  }
0x25: {  	v14 =	vtrunc.f32 v7;
	v15 =	vtrunc.f32 v8;
	vm0 =	vgt.s32 v9, $0x0  }
0x26: {  	v1 =	vtrunc.f32 v2;
	vm1 =	vlt.f32 v8, v15;
	v9 =	vnsel vm0, $0x0, v9  }
0x27: {  	vm2 =	vlt.f32 v3, v11;
	vm4 =	vlt.f32 v5, v12;
	v9 =	vmin.u32 v9, $0x3FF  }
0x28: {  	vm5 =	vlt.f32 v6, v13;
	v59 =	vcvt.f32.s32 v14;
	vm6 =	vlt.f32 v7, v14  }
0x29: {  	v16 =	vcvt.f32.s32 v1;
	v6 =	vsel vm2, $0x1FF, v0;
	v61 =	vsel vm4, $0x1FF, v0  }
0x2a: {  	v10 =	vtrunc.f32 v4;
	vm0 =	vlt.f32 v2, v1;
	v1 =	vcvt.f32.s32 v15  }
0x2b: {  	v62 =	vsel vm5, $0x1FF, v0;
	vm3 =	vlt.f32 v4, v10;
	v4 =	vsel vm1, $0x1FF, v0  }
0x2c: {  	v63 =	vsel vm6, $0x1FF, v0;
	v3 =	vcvt.f32.s32 v10;
	v7 =	vadd.s32 v1, v4;
	v1 =	vld.idx.msk [tilespmem:v9+s3+$0x0], $0xffff  }
0x2d: {  	v10 =	vcvt.f32.s32 v12;
	v2 =	vcvt.f32.s32 v11;
	v5 =	vsel vm0, $0x1FF, v0  }
0x2e: {  	v11 =	vcvt.f32.s32 v13;
	v60 =	vsel vm3, $0x1FF, v0;
	v5 =	vadd.s32 v16, v5  }
0x2f: {  	s22 =	simm.s32 $0x55A0;
	v8 =	vadd.s32 v2, v6;
	v4 =	vadd.s32 v3, v60;
	v3 =	vadd.s32 v10, v61  }
0x30: {  	s23 =	simm.s32 $0x0;
	s24 =	simm.s32 $0x4C0;
	s19 =	simm.s32 $0x2C80;
	v6 =	vadd.s32 v11, v62;
	v2 =	vadd.s32 v59, v63;
	vm0 =	vgt.s32 v7, $0x0  }
.LBB2_2:
0x31: {  	v9 =	vld [tilespmem:s24+$0x30];
	s23 =	sadd.s32 $0x80, s23;
	vm1 =	vgt.s32 v5, $0x0;
	vm2 =	vgt.s32 v8, $0x0;
	vm3 =	vgt.s32 v4, $0x0;
	[tilespmem:s22+$0x30] =	vst v1;
	s20 =	simm.s32 $0x2870;
	s21 =	simm.s32 $0x7DE0  }
0x32: {  	vm4 =	vgt.s32 v3, $0x0;
	vm5 =	vgt.s32 v6, $0x0;
	vm6 =	vgt.s32 v2, $0x0;
	v1 =	vld [tilespmem:s24+$0xFFFFFFD0];
	p0 =	slt.u32 s23, $0x2800  }
0x33: {  	v7 =	vnsel vm0, $0x0, v7;
	v5 =	vnsel vm1, $0x0, v5;
	v8 =	vnsel vm2, $0x0, v8;
	v10 =	vld [tilespmem:s24+$0xFFFFFFE0]  }
0x34: {  	v4 =	vnsel vm3, $0x0, v4;
	v3 =	vnsel vm4, $0x0, v3;
	v6 =	vnsel vm5, $0x0, v6;
	v11 =	vld [tilespmem:s24+$0xFFFFFFF0]  }
0x35: {  	v7 =	vmin.u32 v7, $0x3FF;
	v2 =	vnsel vm6, $0x0, v2;
	v5 =	vmin.u32 v5, $0x3FF;
	v12 =	vld [tilespmem:s24+$0x0]  }
0x36: {  	v8 =	vmin.u32 v8, $0x3FF;
	v4 =	vmin.u32 v4, $0x3FF;
	v13 =	vld [tilespmem:s24+$0x10];
	v9 =	vmul.f32 $2.560000000e+02, v9  }
0x37: {  	v3 =	vmin.u32 v3, $0x3FF;
	v6 =	vmin.u32 v6, $0x3FF;
	v1 =	vmul.f32 $2.560000000e+02, v1;
	v14 =	vld [tilespmem:s24+$0x20]  }
0x38: {  	v2 =	vmin.u32 v2, $0x3FF;
	v15 =	vld [tilespmem:s24+$0xFFFFFFC0];
	v10 =	vmul.f32 $2.560000000e+02, v10;
	v16 =	vtrunc.f32 v9  }
0x39: {  	v11 =	vmul.f32 $2.560000000e+02, v11;
	v17 =	vcvt.f32.s32 v16;
	vm0 =	vlt.f32 v9, v16  }
0x3a: {  	v9 =	vtrunc.f32 v1;
	v12 =	vmul.f32 $2.560000000e+02, v12;
	v16 =	vsel vm0, $0x1FF, v0;
	v7 =	vld.idx.msk [tilespmem:v7+s3+$0x0], $0xffff  }
0x3b: {  	v18 =	vtrunc.f32 v10;
	v13 =	vmul.f32 $2.560000000e+02, v13;
	v16 =	vadd.s32 v17, v16;
	v5 =	vld.idx.msk [tilespmem:v5+s3+$0x0], $0xffff  }
0x3c: {  	v17 =	vtrunc.f32 v11;
	v14 =	vmul.f32 $2.560000000e+02, v14;
	vm0 =	vgt.s32 v16, $0x0;
	v8 =	vld.idx.msk [tilespmem:v8+s3+$0x0], $0xffff  }
0x3d: {  	v19 =	vtrunc.f32 v12;
	v15 =	vmul.f32 $2.560000000e+02, v15;
	v16 =	vnsel vm0, $0x0, v16;
	v4 =	vld.idx.msk [tilespmem:v4+s3+$0x0], $0xffff  }
0x3e: {  	v20 =	vtrunc.f32 v13;
	v21 =	vtrunc.f32 v14;
	v16 =	vmin.u32 v16, $0x3FF;
	v3 =	vld.idx.msk [tilespmem:v3+s3+$0x0], $0xffff  }
0x3f: {  	v23 =	vcvt.f32.s32 v9;
	vm0 =	vlt.f32 v1, v9;
	v22 =	vtrunc.f32 v15;
	v6 =	vld.idx.msk [tilespmem:v6+s3+$0x0], $0xffff  }
0x40: {  	v9 =	vcvt.f32.s32 v22;
	vm1 =	vlt.f32 v15, v22;
	v15 =	vcvt.f32.s32 v18;
	[tilespmem:s22+$0xFFFFFFC0] =	vst v7;
	v2 =	vld.idx.msk [tilespmem:v2+s3+$0x0], $0xffff  }
0x41: {  	vm2 =	vlt.f32 v10, v18;
	v10 =	vcvt.f32.s32 v17;
	vm3 =	vlt.f32 v11, v17;
	[tilespmem:s22+$0xFFFFFFD0] =	vst v5  }
0x42: {  	v11 =	vcvt.f32.s32 v19;
	vm4 =	vlt.f32 v12, v19;
	v12 =	vcvt.f32.s32 v20;
	[tilespmem:s22+$0xFFFFFFE0] =	vst v8  }
0x43: {  	vm5 =	vlt.f32 v13, v20;
	v13 =	vcvt.f32.s32 v21;
	vm6 =	vlt.f32 v14, v21;
	v1 =	vld.idx.msk [tilespmem:v16+s3+$0x0], $0xffff;
	[tilespmem:s22+$0xFFFFFFF0] =	vst v4  }
.Ltmp0:
0x44: {  	v5 =	vsel vm0, $0x1FF, v0;
	v8 =	vsel vm2, $0x1FF, v0;
	v4 =	vsel vm1, $0x1FF, v0;
	[tilespmem:s22+$0x0] =	vst v3;
	(pc) =	sbr.rel @p0 .LBB2_2-.Ltmp0, $4  }
0x45: {  	v14 =	vsel vm4, $0x1FF, v0;
	v16 =	vsel vm5, $0x1FF, v0;
	v3 =	vsel vm3, $0x1FF, v0;
	[tilespmem:s22+$0x10] =	vst v6  }
0x46: {  	v5 =	vadd.s32 v23, v5;
	v7 =	vadd.s32 v9, v4;
	v9 =	vsel vm6, $0x1FF, v0;
	[tilespmem:s22+$0x20] =	vst v2  }
0x47: {  	v8 =	vadd.s32 v15, v8;
	v4 =	vadd.s32 v10, v3;
	v3 =	vadd.s32 v11, v14  }
0x48: {  	s24 =	sadd.s32 $0x80, s24;
	vm0 =	vgt.s32 v7, $0x0;
	v6 =	vadd.s32 v12, v16;
	v2 =	vadd.s32 v13, v9;
	s22 =	sadd.s32 $0x80, s22  }
0x49: {  	vm1 =	vgt.s32 v5, $0x0;
	v7 =	vnsel vm0, $0x0, v7  }
0x4a: {  	vm11 =	vgt.s32 v8, $0x0;
	v5 =	vnsel vm1, $0x0, v5;
	v7 =	vmin.u32 v7, $0x3FF  }
0x4b: {  	vm12 =	vgt.s32 v4, $0x0;
	v8 =	vnsel vm11, $0x0, v8;
	v5 =	vmin.u32 v5, $0x3FF  }
0x4c: {  	vm13 =	vgt.s32 v3, $0x0;
	v4 =	vnsel vm12, $0x0, v4;
	v8 =	vmin.u32 v8, $0x3FF  }
0x4d: {  	vm14 =	vgt.s32 v6, $0x0;
	v3 =	vnsel vm13, $0x0, v3;
	v4 =	vmin.u32 v4, $0x3FF  }
0x4e: {  	vm15 =	vgt.s32 v2, $0x0;
	v6 =	vnsel vm14, $0x0, v6;
	v3 =	vmin.u32 v3, $0x3FF  }
0x4f: {  	v2 =	vnsel vm15, $0x0, v2;
	v6 =	vmin.u32 v6, $0x3FF;
	v7 =	vld.idx.msk [tilespmem:v7+s3+$0x0], $0xffff  }
0x50: {  	v2 =	vmin.u32 v2, $0x3FF;
	v5 =	vld.idx.msk [tilespmem:v5+s3+$0x0], $0xffff  }
0x51: {  	v8 =	vld.idx.msk [tilespmem:v8+s3+$0x0], $0xffff  }
0x52: {  	v4 =	vld.idx.msk [tilespmem:v4+s3+$0x0], $0xffff  }
0x53: {  	[tilespmem:s22+$0x30] =	vst v1;
	v1 =	vld.idx.msk [tilespmem:v3+s3+$0x0], $0xffff  }
0x54: {  	v3 =	vld.idx.msk [tilespmem:v6+s3+$0x0], $0xffff;
	[tilespmem:s22+$0xFFFFFFC0] =	vst v7  }
0x55: {  	v2 =	vld.idx.msk [tilespmem:v2+s3+$0x0], $0xffff;
	[tilespmem:s22+$0xFFFFFFD0] =	vst v5  }
0x56: {  	[tilespmem:s22+$0xFFFFFFE0] =	vst v8  }
0x57: {  	[tilespmem:s22+$0xFFFFFFF0] =	vst v4  }
0x58: {  	[tilespmem:s22+$0x0] =	vst v1  }
0x59: {  	[tilespmem:s22+$0x10] =	vst v3  }
0x5a: {  	[tilespmem:s22+$0x20] =	vst v2  }
.LBB2_4:
0x5b: {  	v1 =	vld [tilespmem:s19+$0x0];
	_ =	sdelay $0x4  }
0x5c: {  	v1 =	vmul.f32 $2.560000000e+02, v1;
	_ =	sdelay $0x1  }
0x5d: {  	v2 =	vtrunc.f32 v1  }
0x5e: {  	v3 =	vcvt.f32.s32 v2;
	vm0 =	vlt.f32 v1, v2  }
0x5f: {  	v1 =	vsel vm0, $0x1FF, v0  }
0x60: {  	v1 =	vadd.s32 v3, v1  }
0x61: {  	vm15 =	vgt.s32 v1, $0x0  }
0x62: {  	v1 =	vnsel vm15, $0x0, v1  }
0x63: {  	v1 =	vmin.u32 v1, $0x3FF;
	_ =	sdelay $0x3  }
0x64: {  	s20 =	sadd.s32 $0x10, s20  }
0x65: {  	p0 =	slt.u32 s20, $0x28A0;
	v1 =	vld.idx.msk [tilespmem:v1+s3+$0x0], $0xffff  }
.Ltmp1:
0x66: {  	_ = 	snop;
	(pc) =	sbr.rel @p0 .LBB2_4-.Ltmp1, $2  }
0x67: {  	_ =	sdelay $0x2  }
0x68: {  	s19 =	sadd.s32 $0x10, s19;
	[tilespmem:s21+$0x0] =	vst v1;
	s21 =	sadd.s32 $0x10, s21  }
0x69: {  	[hbm4b:s6+s3] =	stream.linear.scatter [tilespmem:s13], [sflag:$0x3], $0x28B0, $0x38;
	[tilespmem:$0xA6C0] =	vst v63  }
0x6a: {  	_ =	swait.ge [sflag:s14], $0x28B0  }
0x6b: {  	[sflag:s14] =	ssyncset.done $0x0  }
0x6c: {  	s19 =	simm.s32 $0x2CF0;
	[sflag:s14] =	ssyncadd.s32 $0xFFFFD750  }
0x6d: {  	v1 =	vld [tilespmem:s19+$0x30]  }
0x6e: {  	v2 =	vld [tilespmem:s19+$0xFFFFFFD0]  }
0x6f: {  	v3 =	vld [tilespmem:s19+$0xFFFFFFE0]  }
0x70: {  	v4 =	vld [tilespmem:s19+$0xFFFFFFF0]  }
0x71: {  	v5 =	vld [tilespmem:s19+$0x0]  }
0x72: {  	v6 =	vld [tilespmem:s19+$0x10]  }
0x73: {  	v7 =	vld [tilespmem:s19+$0x20]  }
0x74: {  	v8 =	vld [tilespmem:s19+$0xFFFFFFC0];
	v1 =	vmul.f32 $2.560000000e+02, v1  }
0x75: {  	v2 =	vmul.f32 $2.560000000e+02, v2;
	v3 =	vmul.f32 $2.560000000e+02, v3  }
0x76: {  	v4 =	vmul.f32 $2.560000000e+02, v4;
	v5 =	vmul.f32 $2.560000000e+02, v5  }
0x77: {  	v6 =	vmul.f32 $2.560000000e+02, v6;
	v9 =	vtrunc.f32 v1  }
0x78: {  	v7 =	vmul.f32 $2.560000000e+02, v7;
	v10 =	vcvt.f32.s32 v9;
	vm0 =	vlt.f32 v1, v9  }
0x79: {  	v8 =	vmul.f32 $2.560000000e+02, v8;
	v11 =	vtrunc.f32 v3;
	v9 =	vsel vm0, $0x1FF, v0  }
0x7a: {  	v12 =	vtrunc.f32 v5;
	v13 =	vtrunc.f32 v6;
	v9 =	vadd.s32 v10, v9  }
0x7b: {  	v14 =	vtrunc.f32 v7;
	v15 =	vtrunc.f32 v8;
	vm0 =	vgt.s32 v9, $0x0  }
0x7c: {  	v1 =	vtrunc.f32 v2;
	vm1 =	vlt.f32 v8, v15;
	v9 =	vnsel vm0, $0x0, v9  }
0x7d: {  	vm2 =	vlt.f32 v3, v11;
	vm4 =	vlt.f32 v5, v12;
	v9 =	vmin.u32 v9, $0x3FF  }
0x7e: {  	vm5 =	vlt.f32 v6, v13;
	v59 =	vcvt.f32.s32 v14;
	vm6 =	vlt.f32 v7, v14  }
0x7f: {  	v16 =	vcvt.f32.s32 v1;
	v6 =	vsel vm2, $0x1FF, v0;
	v61 =	vsel vm4, $0x1FF, v0  }
0x80: {  	v10 =	vtrunc.f32 v4;
	vm0 =	vlt.f32 v2, v1;
	v1 =	vcvt.f32.s32 v15  }
0x81: {  	v62 =	vsel vm5, $0x1FF, v0;
	vm3 =	vlt.f32 v4, v10;
	v4 =	vsel vm1, $0x1FF, v0  }
0x82: {  	v63 =	vsel vm6, $0x1FF, v0;
	v3 =	vcvt.f32.s32 v10;
	v7 =	vadd.s32 v1, v4;
	v1 =	vld.idx.msk [tilespmem:v9+s3+$0x0], $0xffff  }
0x83: {  	v10 =	vcvt.f32.s32 v12;
	v2 =	vcvt.f32.s32 v11;
	v5 =	vsel vm0, $0x1FF, v0  }
0x84: {  	v11 =	vcvt.f32.s32 v13;
	v60 =	vsel vm3, $0x1FF, v0;
	v5 =	vadd.s32 v16, v5  }
0x85: {  	s21 =	simm.s32 $0x7E50;
	v8 =	vadd.s32 v2, v6;
	v4 =	vadd.s32 v3, v60;
	v3 =	vadd.s32 v10, v61  }
0x86: {  	s22 =	simm.s32 $0x0;
	s23 =	simm.s32 $0x2D70;
	s19 =	simm.s32 $0x5530;
	v6 =	vadd.s32 v11, v62;
	v2 =	vadd.s32 v59, v63;
	vm0 =	vgt.s32 v7, $0x0  }
.LBB2_6:
0x87: {  	v9 =	vld [tilespmem:s23+$0x30];
	s22 =	sadd.s32 $0x80, s22;
	vm1 =	vgt.s32 v5, $0x0;
	vm2 =	vgt.s32 v8, $0x0;
	vm3 =	vgt.s32 v4, $0x0;
	[tilespmem:s21+$0x30] =	vst v1;
	s20 =	simm.s32 $0xA690  }
0x88: {  	vm4 =	vgt.s32 v3, $0x0;
	vm5 =	vgt.s32 v6, $0x0;
	vm6 =	vgt.s32 v2, $0x0;
	v1 =	vld [tilespmem:s23+$0xFFFFFFD0];
	p0 =	slt.u32 s22, $0x2800  }
0x89: {  	v7 =	vnsel vm0, $0x0, v7;
	v5 =	vnsel vm1, $0x0, v5;
	v8 =	vnsel vm2, $0x0, v8;
	v10 =	vld [tilespmem:s23+$0xFFFFFFE0]  }
0x8a: {  	v4 =	vnsel vm3, $0x0, v4;
	v3 =	vnsel vm4, $0x0, v3;
	v6 =	vnsel vm5, $0x0, v6;
	v11 =	vld [tilespmem:s23+$0xFFFFFFF0]  }
0x8b: {  	v7 =	vmin.u32 v7, $0x3FF;
	v2 =	vnsel vm6, $0x0, v2;
	v5 =	vmin.u32 v5, $0x3FF;
	v12 =	vld [tilespmem:s23+$0x0]  }
0x8c: {  	v8 =	vmin.u32 v8, $0x3FF;
	v4 =	vmin.u32 v4, $0x3FF;
	v13 =	vld [tilespmem:s23+$0x10];
	v9 =	vmul.f32 $2.560000000e+02, v9  }
0x8d: {  	v3 =	vmin.u32 v3, $0x3FF;
	v6 =	vmin.u32 v6, $0x3FF;
	v1 =	vmul.f32 $2.560000000e+02, v1;
	v14 =	vld [tilespmem:s23+$0x20]  }
0x8e: {  	v2 =	vmin.u32 v2, $0x3FF;
	v15 =	vld [tilespmem:s23+$0xFFFFFFC0];
	v10 =	vmul.f32 $2.560000000e+02, v10;
	v16 =	vtrunc.f32 v9  }
0x8f: {  	v11 =	vmul.f32 $2.560000000e+02, v11;
	v17 =	vcvt.f32.s32 v16;
	vm0 =	vlt.f32 v9, v16  }
0x90: {  	v9 =	vtrunc.f32 v1;
	v12 =	vmul.f32 $2.560000000e+02, v12;
	v16 =	vsel vm0, $0x1FF, v0;
	v7 =	vld.idx.msk [tilespmem:v7+s3+$0x0], $0xffff  }
0x91: {  	v18 =	vtrunc.f32 v10;
	v13 =	vmul.f32 $2.560000000e+02, v13;
	v16 =	vadd.s32 v17, v16;
	v5 =	vld.idx.msk [tilespmem:v5+s3+$0x0], $0xffff  }
0x92: {  	v17 =	vtrunc.f32 v11;
	v14 =	vmul.f32 $2.560000000e+02, v14;
	vm0 =	vgt.s32 v16, $0x0;
	v8 =	vld.idx.msk [tilespmem:v8+s3+$0x0], $0xffff  }
0x93: {  	v19 =	vtrunc.f32 v12;
	v15 =	vmul.f32 $2.560000000e+02, v15;
	v16 =	vnsel vm0, $0x0, v16;
	v4 =	vld.idx.msk [tilespmem:v4+s3+$0x0], $0xffff  }
0x94: {  	v20 =	vtrunc.f32 v13;
	v21 =	vtrunc.f32 v14;
	v16 =	vmin.u32 v16, $0x3FF;
	v3 =	vld.idx.msk [tilespmem:v3+s3+$0x0], $0xffff  }
0x95: {  	v23 =	vcvt.f32.s32 v9;
	vm0 =	vlt.f32 v1, v9;
	v22 =	vtrunc.f32 v15;
	v6 =	vld.idx.msk [tilespmem:v6+s3+$0x0], $0xffff  }
0x96: {  	v9 =	vcvt.f32.s32 v22;
	vm1 =	vlt.f32 v15, v22;
	v15 =	vcvt.f32.s32 v18;
	[tilespmem:s21+$0xFFFFFFC0] =	vst v7;
	v2 =	vld.idx.msk [tilespmem:v2+s3+$0x0], $0xffff  }
0x97: {  	vm2 =	vlt.f32 v10, v18;
	v10 =	vcvt.f32.s32 v17;
	vm3 =	vlt.f32 v11, v17;
	[tilespmem:s21+$0xFFFFFFD0] =	vst v5  }
0x98: {  	v11 =	vcvt.f32.s32 v19;
	vm4 =	vlt.f32 v12, v19;
	v12 =	vcvt.f32.s32 v20;
	[tilespmem:s21+$0xFFFFFFE0] =	vst v8  }
0x99: {  	vm5 =	vlt.f32 v13, v20;
	v13 =	vcvt.f32.s32 v21;
	vm6 =	vlt.f32 v14, v21;
	v1 =	vld.idx.msk [tilespmem:v16+s3+$0x0], $0xffff;
	[tilespmem:s21+$0xFFFFFFF0] =	vst v4  }
.Ltmp2:
0x9a: {  	v5 =	vsel vm0, $0x1FF, v0;
	v8 =	vsel vm2, $0x1FF, v0;
	v4 =	vsel vm1, $0x1FF, v0;
	[tilespmem:s21+$0x0] =	vst v3;
	(pc) =	sbr.rel @p0 .LBB2_6-.Ltmp2, $4  }
0x9b: {  	v14 =	vsel vm4, $0x1FF, v0;
	v16 =	vsel vm5, $0x1FF, v0;
	v3 =	vsel vm3, $0x1FF, v0;
	[tilespmem:s21+$0x10] =	vst v6  }
0x9c: {  	v5 =	vadd.s32 v23, v5;
	v7 =	vadd.s32 v9, v4;
	v9 =	vsel vm6, $0x1FF, v0;
	[tilespmem:s21+$0x20] =	vst v2  }
0x9d: {  	v8 =	vadd.s32 v15, v8;
	v4 =	vadd.s32 v10, v3;
	v3 =	vadd.s32 v11, v14  }
0x9e: {  	s23 =	sadd.s32 $0x80, s23;
	vm0 =	vgt.s32 v7, $0x0;
	v6 =	vadd.s32 v12, v16;
	v2 =	vadd.s32 v13, v9;
	s21 =	sadd.s32 $0x80, s21  }
0x9f: {  	vm1 =	vgt.s32 v5, $0x0;
	v7 =	vnsel vm0, $0x0, v7  }
0xa0: {  	vm11 =	vgt.s32 v8, $0x0;
	v5 =	vnsel vm1, $0x0, v5;
	v7 =	vmin.u32 v7, $0x3FF  }
0xa1: {  	vm12 =	vgt.s32 v4, $0x0;
	v8 =	vnsel vm11, $0x0, v8;
	v5 =	vmin.u32 v5, $0x3FF  }
0xa2: {  	vm13 =	vgt.s32 v3, $0x0;
	v4 =	vnsel vm12, $0x0, v4;
	v8 =	vmin.u32 v8, $0x3FF  }
0xa3: {  	vm14 =	vgt.s32 v6, $0x0;
	v3 =	vnsel vm13, $0x0, v3;
	v4 =	vmin.u32 v4, $0x3FF  }
0xa4: {  	vm15 =	vgt.s32 v2, $0x0;
	v6 =	vnsel vm14, $0x0, v6;
	v3 =	vmin.u32 v3, $0x3FF  }
0xa5: {  	v2 =	vnsel vm15, $0x0, v2;
	v6 =	vmin.u32 v6, $0x3FF;
	v7 =	vld.idx.msk [tilespmem:v7+s3+$0x0], $0xffff  }
0xa6: {  	v2 =	vmin.u32 v2, $0x3FF;
	v5 =	vld.idx.msk [tilespmem:v5+s3+$0x0], $0xffff  }
0xa7: {  	v8 =	vld.idx.msk [tilespmem:v8+s3+$0x0], $0xffff  }
0xa8: {  	v4 =	vld.idx.msk [tilespmem:v4+s3+$0x0], $0xffff  }
0xa9: {  	[tilespmem:s21+$0x30] =	vst v1;
	v1 =	vld.idx.msk [tilespmem:v3+s3+$0x0], $0xffff  }
0xaa: {  	v3 =	vld.idx.msk [tilespmem:v6+s3+$0x0], $0xffff;
	[tilespmem:s21+$0xFFFFFFC0] =	vst v7  }
0xab: {  	v2 =	vld.idx.msk [tilespmem:v2+s3+$0x0], $0xffff;
	[tilespmem:s21+$0xFFFFFFD0] =	vst v5  }
0xac: {  	[tilespmem:s21+$0xFFFFFFE0] =	vst v8  }
0xad: {  	[tilespmem:s21+$0xFFFFFFF0] =	vst v4  }
0xae: {  	[tilespmem:s21+$0x0] =	vst v1  }
0xaf: {  	[tilespmem:s21+$0x10] =	vst v3  }
0xb0: {  	s22 =	simm.s32 $0x2870;
	[tilespmem:s21+$0x20] =	vst v2  }
.LBB2_8:
0xb1: {  	v1 =	vld [tilespmem:s19+$0x0];
	_ =	sdelay $0x4  }
0xb2: {  	v1 =	vmul.f32 $2.560000000e+02, v1;
	_ =	sdelay $0x1  }
0xb3: {  	v2 =	vtrunc.f32 v1  }
0xb4: {  	v3 =	vcvt.f32.s32 v2;
	vm0 =	vlt.f32 v1, v2  }
0xb5: {  	v1 =	vsel vm0, $0x1FF, v0  }
0xb6: {  	v1 =	vadd.s32 v3, v1  }
0xb7: {  	vm15 =	vgt.s32 v1, $0x0  }
0xb8: {  	v1 =	vnsel vm15, $0x0, v1  }
0xb9: {  	v1 =	vmin.u32 v1, $0x3FF;
	_ =	sdelay $0x3  }
0xba: {  	s22 =	sadd.s32 $0x10, s22  }
0xbb: {  	p0 =	slt.u32 s22, $0x28A0;
	v1 =	vld.idx.msk [tilespmem:v1+s3+$0x0], $0xffff  }
.Ltmp3:
0xbc: {  	_ = 	snop;
	(pc) =	sbr.rel @p0 .LBB2_8-.Ltmp3, $2  }
0xbd: {  	_ =	sdelay $0x2  }
0xbe: {  	s19 =	sadd.s32 $0x10, s19;
	[tilespmem:s20+$0x0] =	vst v1;
	s20 =	sadd.s32 $0x10, s20  }
0xbf: {  	[hbm4b:s7+s3] =	stream.linear.scatter [tilespmem:s15], [sflag:$0x4], $0x28B0, $0x38;
	[tilespmem:$0xA6C0] =	vst v63  }
0xc0: {  	s18 =	sadd.s32 $0x1, s18  }
0xc1: {  	_ =	swait.ge [sflag:s16], $0x28B0;
	p0 =	sne.s32 s18, s8  }
.Ltmp4:
0xc2: {  	[sflag:s16] =	ssyncset.done $0x0;
	(pc) =	sbr.rel @p0 .LBB2_1-.Ltmp4, $4  }
0xc3: {  	[sflag:s16] =	ssyncadd.s32 $0xFFFFD750  }
0xc4: {  	_ =	swait.ge [sflag:s17], $0x28B0  }
0xc5: {  	[sflag:s17] =	ssyncset.done $0x0  }
0xc6: {  	[sflag:s17] =	ssyncadd.s32 $0xFFFFD750  }
0xc7: {  	_ =	sfence.sel $0x180000  }
0xc8: {  	[bflag:$0x0] =	sbarrier.arrive $0xFFFF  }
0xc9: {  	p0 =	sne.s32 s0, $0x0;
	_ =	strace $0x90000050  }
0xca: {  	s0 =	sadd.s32 @!p0 $0x100000, s1;
	[bflag:$0x2] =	sbarrier.arrive $0xFFFF  }
0xcb: {  	[sflag:s0] =	ssyncadd.tile.s32 @!p0 $0x1;
	_ =	shalt  }
.Lfunc_end2:
_tile_overlayer_lowered:
.L_overlay_start_2:
0xcc: {  	(tag) =	ssettag $0x2  }
0xcd: {  	s0 =	rddreg [dreg:$0x0];
	s2 =	stileid.u32  }
0xce: {  	s1 =	rddreg [dreg:$0x1];
	p0 =	sne.s32 s2, $0x0  }
0xcf: {  	s3 =	rddreg [dreg:$0x2];
	[bflag:$0x3] =	sbarrier.arrive $0xFFFF;
	s2 =	simm.s32 @!p0 $0x1C05  }
0xd0: {  	[timem:s3], [sflag:s2] =	dma.local @!p0 [hbm:s0], s1  }
0xd1: {  	s0 =	simm.s32 @!p0 $0x5  }
0xd2: {  	_ =	swait.ge @!p0 [sflag:s0], s1  }
0xd3: {  	s1 =	ssub.s32 @!p0 $0x0, s1;
	[sflag:s0] =	ssyncset.done @!p0 $0x0  }
0xd4: {  	[sflag:s0] =	ssyncadd.s32 @!p0 s1  }
0xd5: {  	[bflag:$0x3] =	sbarrier.arrive $0xFFFF  }
0xd6: {  	_ =	shalt  }

// kernel: pcn_piece4.3.cloned.1.call-start
scs
__scs_entry_jumppad:
0x0: {  	(pc) =	sbr.rel $0x88, $3  }
0x1: {  	(tag) =	ssettag $0x0;
	lr =	simm.s32 $0x1  }
0x2: {  	[smem:$0x3F9F] =	sst lr;
	_ =	strace $0xD0000000  }
0x3: {  	_ = 	snop  }
0x4: {  	_ = 	snop  }
0x5: {  	_ = 	snop  }
0x6: {  	_ = 	snop  }
0x7: {  	_ = 	snop  }
__scs_overlays_trampoline_lowered:
0x8: {  	[smem:$0x3FAE] =	sst s0  }
0x9: {  	[smem:$0x3FAF] =	sst s1  }
0xa: {  	[smem:$0x3FB0] =	sst s2  }
0xb: {  	[smem:$0x3FB1] =	sst s3  }
0xc: {  	[smem:$0x3FB2] =	sst s4  }
0xd: {  	[smem:$0x3FB3] =	sst s5  }
0xe: {  	[smem:$0x3FB4] =	sst s6  }
0xf: {  	[smem:$0x3FB5] =	sst s7  }
0x10: {  	[smem:$0x3FB6] =	sst s8  }
0x11: {  	[smem:$0x3FB7] =	sst s9;
	s0 =	simm.s32 @!p0 $0x0  }
0x12: {  	s1 =	sld [smem:$0x3F9D];
	s0 =	simm.s32 @p0 $0x1  }
0x13: {  	[smem:$0x3FB8] =	sst s0;
	s0 =	simm.s32 @!p1 $0x0  }
0x14: {  	s2 =	sld [smem:$0x3F9C];
	s0 =	simm.s32 @p1 $0x1  }
0x15: {  	[smem:$0x3FB9] =	sst s0;
	s0 =	simm.s32 @!p2 $0x0  }
0x16: {  	s3 =	sld [smem:$0x3FDB];
	s0 =	simm.s32 @p2 $0x1  }
0x17: {  	s4 =	simm.s32 $0x1BF5;
	[smem:$0x3FBB] =	sst s0  }
0x18: {  	s0 =	sld [smem:$0x3F9E];
	_ =	swait.ge [sflag:s4], $0x0  }
0x19: {  	s7 =	sld [smem:$0x3F9F]  }
0x1a: {  	s8 =	sadd.s32 $0xFFFFE003, lr  }
0x1b: {  	s9 =	sadd.s32 $0xFFFFFEF7, lr;
	s5 =	simm.s32 $0xFFFFFFFF;
	p2 =	slt.u32 s8, $0xFFFFF086  }
0x1c: {  	p1 =	slt.u32 s9, $0xF7A;
	s5 =	simm.s32 @!p2 $0x0  }
0x1d: {  	s5 =	simm.s32 @p1 $0x1;
	p0 =	seq.s32 s7, s2  }
0x1e: {  	s7 =	smul.u32 @!p0 $0xF7A, s2;
	p2 =	seq.s32 @!p0 s5, $0x0  }
0x1f: {  	s9 =	smul.u32 $0xF7A, s1;
	s8 =	simm.s32 @!p0 $0x1BF5;
	p2 =	por !p2, p0  }
0x20: {  	[sflag:s8] =	ssyncset.s32 @!p0 $0xFFFFF086;
	s6 =	sadd.s32 @!p0 s3, s7;
	s7 =	simm.s32 @!p0 $0x108  }
0x21: {  	s3 =	sadd.s32 s3, s9;
	s6 =	sadd.s32 @!p0 $0x88, s6;
	s7 =	simm.s32 @p2 $0x1082  }
0x22: {  	[simem:s7], [sflag:s8] =	dma.local @!p0 [hbm:s6], $0xF7A  }
0x23: {  	s9 =	sor.u32 $0xD0000000, s2;
	s6 =	simm.s32 $0x108;
	_ =	swait.ge @!p0 [sflag:s8], $0x0  }
0x24: {  	s3 =	sadd.s32 $0x88, s3;
	s6 =	simm.s32 @!p1 $0x1082;
	[sflag:s4] =	ssyncset.s32 $0xFFFFF086  }
0x25: {  	[simem:s6], [sflag:s4] =	dma.local [hbm:s3], $0xF7A  }
0x26: {  	[smem:$0x3F9F] =	sst s1;
	(tag) =	ssettag s2;
	_ =	strace s9  }
0x27: {  	s1 =	sld [smem:$0x3FAF]  }
0x28: {  	s2 =	sld [smem:$0x3FB0]  }
0x29: {  	s4 =	sld [smem:$0x3FB2]  }
0x2a: {  	p0 =	seq.s32 s5, $0x0;
	s5 =	sld [smem:$0x3FB3]  }
0x2b: {  	s6 =	sld [smem:$0x3FB4]  }
0x2c: {  	s7 =	sld [smem:$0x3FB5]  }
0x2d: {  	s3 =	simm.s32 $0x108;
	s8 =	sld [smem:$0x3FB6]  }
0x2e: {  	s3 =	simm.s32 @!p0 $0x1082;
	s9 =	sld [smem:$0x3FB7]  }
0x2f: {  	lr =	sadd.s32 s0, s3;
	s0 =	sld [smem:$0x3FAE]  }
0x30: {  	s3 =	sld [smem:$0x3FB1]  }
0x31: {  	[smem:$0x3FBA] =	sst s10  }
0x32: {  	s10 =	sld [smem:$0x3FB8];
	_ =	sdelay $0x3  }
0x33: {  	p0 =	seq.s32 s10, $0x1;
	s10 =	sld [smem:$0x3FBA];
	_ =	sdelay $0x3  }
0x34: {  	[smem:$0x3FBA] =	sst s10  }
0x35: {  	s10 =	sld [smem:$0x3FB9];
	_ =	sdelay $0x3  }
0x36: {  	p1 =	seq.s32 s10, $0x1;
	s10 =	sld [smem:$0x3FBA];
	_ =	sdelay $0x3  }
0x37: {  	[smem:$0x3FBA] =	sst s10  }
0x38: {  	s10 =	sld [smem:$0x3FBB]  }
0x39: {  	_ = 	snop;
	(pc) =	sbr.ind lr, $3  }
0x3a: {  	_ = 	snop  }
0x3b: {  	_ = 	snop  }
0x3c: {  	p2 =	seq.s32 s10, $0x1;
	s10 =	sld [smem:$0x3FBA]  }
0x3d: {  	_ =	shalt  }
0x3e: {  	_ =	shalt  }
0x3f: {  	_ =	shalt  }
0x40: {  	_ =	shalt  }
0x41: {  	_ =	shalt  }
0x42: {  	_ =	shalt  }
0x43: {  	_ =	shalt  }
0x44: {  	_ =	shalt  }
0x45: {  	_ =	shalt  }
0x46: {  	_ =	shalt  }
0x47: {  	_ =	shalt  }
0x48: {  	_ =	shalt  }
0x49: {  	_ =	shalt  }
0x4a: {  	_ =	shalt  }
0x4b: {  	_ =	shalt  }
0x4c: {  	_ =	shalt  }
0x4d: {  	_ =	shalt  }
0x4e: {  	_ =	shalt  }
0x4f: {  	_ =	shalt  }
0x50: {  	_ =	shalt  }
0x51: {  	_ =	shalt  }
0x52: {  	_ =	shalt  }
0x53: {  	_ =	shalt  }
0x54: {  	_ =	shalt  }
0x55: {  	_ =	shalt  }
0x56: {  	_ =	shalt  }
0x57: {  	_ =	shalt  }
0x58: {  	_ =	shalt  }
0x59: {  	_ =	shalt  }
0x5a: {  	_ =	shalt  }
0x5b: {  	_ =	shalt  }
0x5c: {  	_ =	shalt  }
0x5d: {  	_ =	shalt  }
0x5e: {  	_ =	shalt  }
0x5f: {  	_ =	shalt  }
0x60: {  	_ =	shalt  }
0x61: {  	_ =	shalt  }
0x62: {  	_ =	shalt  }
0x63: {  	_ =	shalt  }
0x64: {  	_ =	shalt  }
0x65: {  	_ =	shalt  }
0x66: {  	_ =	shalt  }
0x67: {  	_ =	shalt  }
0x68: {  	_ =	shalt  }
0x69: {  	_ =	shalt  }
0x6a: {  	_ =	shalt  }
0x6b: {  	_ =	shalt  }
0x6c: {  	_ =	shalt  }
0x6d: {  	_ =	shalt  }
0x6e: {  	_ =	shalt  }
0x6f: {  	_ =	shalt  }
0x70: {  	_ =	shalt  }
0x71: {  	_ =	shalt  }
0x72: {  	_ =	shalt  }
0x73: {  	_ =	shalt  }
0x74: {  	_ =	shalt  }
0x75: {  	_ =	shalt  }
0x76: {  	_ =	shalt  }
0x77: {  	_ =	shalt  }
0x78: {  	_ =	shalt  }
0x79: {  	_ =	shalt  }
0x7a: {  	_ =	shalt  }
0x7b: {  	_ =	shalt  }
0x7c: {  	_ =	shalt  }
0x7d: {  	_ =	shalt  }
0x7e: {  	_ =	shalt  }
0x7f: {  	_ =	shalt  }
0x80: {  	_ =	shalt  }
0x81: {  	_ =	shalt  }
0x82: {  	_ =	shalt  }
0x83: {  	_ =	shalt  }
0x84: {  	_ =	shalt  }
0x85: {  	_ =	shalt  }
0x86: {  	_ =	shalt  }
0x87: {  	_ =	shalt  }
.Lfunc_end0:
.L_simem_size_0:
called_computation.4_lowered:
.L_overlay_start_0:
0x88: {  	s2 =	sld [smem:$0x3FD9]  }
0x89: {  	s3 =	sld [smem:$0x3FFE];
	_ =	sdelay $0x1  }
0x8a: {  	s1 =	srdreg.scid  }
0x8b: {  	s0 =	sand.u32 $0x1, s1  }
0x8c: {  	s17 =	sshll.u32 s0, $0xA;
	s2 =	sadd.s32 s3, s2  }
0x8d: {  	s2 =	sadd.s32 s2, s17  }
0x8e: {  	[smem:$0x3FC6] =	sst s2  }
0x8f: {  	_ = 	snop  }
0x90: {  	s18 =	sld [smem:$0x3FC8]  }
0x91: {  	s4 =	sld [smem:$0x3FD0];
	(tm) =	ssettm $0x1  }
0x92: {  	s19 =	sld [smem:$0x3FFB];
	_ =	sdelay $0x3  }
0x93: {  	_ =	strace s19  }
0x94: {  	s2 =	sld [smem:$0x3FFC];
	_ =	sdelay $0x3  }
0x95: {  	_ =	strace s2  }
0x96: {  	s2 =	sld [smem:$0x3FFD];
	_ =	sdelay $0x3  }
0x97: {  	_ =	strace s2  }
0x98: {  	_ =	strace $0x8FFFFFFF  }
0x99: {  	s20 =	sld [smem:$0x3FDB];
	_ =	sdelay $0x1  }
0x9a: {  	s5 =	simm.s32 $_scs_section_size  }
0x9b: {  	s6 =	simm.s32 $_size__tile_overlayer_lowered;
	s7 =	simm.s32 $_tile_overlayer_lowered  }
0x9c: {  	s8 =	simm.s32 $0x1BFF;
	s21 =	sshll.u32 s7, $0x1;
	s5 =	sadd.s32 s5, s20  }
0x9d: {  	s22 =	simm.s32 $0x0;
	s6 =	sshll.u32 s6, $0x1;
	s7 =	sadd.s32 s21, s5  }
0x9e: {  	[timem:s22], [sflag:s8] =	dma.local [hbm:s7], s6  }
0x9f: {  	_ =	swait.ge [sflag:s8], s6  }
0xa0: {  	s6 =	ssub.s32 $0x0, s6;
	[sflag:s8] =	ssyncset.done $0x0  }
0xa1: {  	[sflag:s8] =	ssyncadd.s32 s6;
	_ =	sdelay $0x1  }
0xa2: {  	s23 =	simm.s32 $0x1B8B  }
0xa3: {  	_ =	swait.ge [sflag:s23], $0x1  }
0xa4: {  	[sflag:s23] =	ssyncset.done $0x0  }
0xa5: {  	[sflag:s23] =	ssyncadd.s32 $0xFFFFFFFF  }
0xa6: {  	s6 =	sld [smem:$0x0]  }
0xa7: {  	s7 =	sand.u32 $0xFFFFFFFE, s1  }
0xa8: {  	p0 =	sne.s32 s1, s7  }
0xa9: {  	s7 =	sshll.u32 @p0 s7, $0xE  }
0xaa: {  	s7 =	sadd.s32 @p0 $0x11B8D, s7;
	s8 =	sshll.u32 @p0 s6, $0x11  }
0xab: {  	s7 =	sor.u32 @p0 s8, s7  }
0xac: {  	[sflag:s7] =	ssyncadd.remote.s32 @p0 $0x1;
	_ =	sdelay $0x1  }
0xad: {  	s7 =	simm.s32 @p0 $0x1B8D  }
0xae: {  	_ =	swait.eq @p0 [sflag:s7], $0x1  }
0xaf: {  	[sflag:s7] =	ssyncadd.s32 @p0 $0xFFFFFFFF  }
0xb0: {  	s8 =	sshll.u32 @!p0 s1, $0xE  }
0xb1: {  	s8 =	sor.u32 @!p0 $0x4000, s8;
	s7 =	simm.s32 @!p0 $0x1B8D  }
0xb2: {  	s6 =	sshll.u32 @!p0 s6, $0x11;
	s8 =	sadd.s32 @!p0 $0x11B8D, s8;
	_ =	swait.eq @!p0 [sflag:s7], $0x1  }
0xb3: {  	s6 =	sor.u32 @!p0 s6, s8;
	[sflag:s7] =	ssyncadd.s32 @!p0 $0xFFFFFFFF  }
0xb4: {  	s25 =	simm.s32 $0x1B8E;
	s24 =	sld [smem:$0x3FFE];
	[sflag:s6] =	ssyncadd.remote.s32 @!p0 $0x1  }
0xb5: {  	s26 =	simm.s32 $execute0_lowered;
	[smem:$0x3FD2] =	sst s25  }
0xb6: {  	s7 =	sshll.u32 s26, $0x1;
	_ =	strace $0x80000052;
	[dreg:$0x1] =	wrdreg $0xFFFFFFFF  }
0xb7: {  	s28 =	simm.s32 $_size_execute0_lowered;
	s5 =	sadd.s32 s5, s7;
	[dreg:$0x0] =	wrdreg $0x0  }
0xb8: {  	s7 =	sshll.u32 s28, $0x1;
	[dreg:$0x2] =	wrdreg s5  }
0xb9: {  	[dreg:$0x3] =	wrdreg s7  }
0xba: {  	[dreg:$0x4] =	wrdreg $0xC0  }
0xbb: {  	_ =	task [dreg:s22], $0x5FFFF  }
0xbc: {  	[dreg:$0x1] =	wrdreg $0xFFFFFFFF  }
0xbd: {  	[dreg:$0x0] =	wrdreg $0x60  }
0xbe: {  	[dreg:$0x2] =	wrdreg s4  }
0xbf: {  	[dreg:$0x3] =	wrdreg s18  }
0xc0: {  	[dreg:$0x4] =	wrdreg s24  }
0xc1: {  	[dreg:$0x5] =	wrdreg $0xD  }
0xc2: {  	_ =	task.clear_ibuf [dreg:s22], $0x6FFFF;
	_ =	strace $0x90000052  }
0xc3: {  	s29 =	simm.s32 $0xD;
	_ =	strace $0x80000054  }
0xc4: {  	_ =	swait.ge [sflag:s29], $0x1  }
0xc5: {  	[sflag:s29] =	ssyncadd.s32 $0xFFFFFFFF  }
0xc6: {  	_ =	strace $0x90000054  }
0xc7: {  	_ =	sfence  }
0xc8: {  	s30 =	sld [smem:$0x0];
	_ =	sdelay $0x2  }
0xc9: {  	s31 =	sshll.u32 s1, $0xD;
	s1 =	sshrl.u32 s1, $0x2  }
0xca: {  	s4 =	sand.u32 $0x4000, s31;
	s1 =	sadd.s32 s1, s30  }
0xcb: {  	s0 =	sor.u32 s4, s0;
	s1 =	sshll.u32 s1, $0x11  }
0xcc: {  	s0 =	sor.u32 s1, s0  }
0xcd: {  	s0 =	sadd.s32 $0x8F2B, s0  }
0xce: {  	[sflag:s0] =	ssyncadd.remote.s32 $0x1  }
0xcf: {  	_ =	sfence.sel $0xFFFF  }
0xd0: {  	[dreg:$0x0] =	wrdreg $0xFFFFFFFF;
	(pc) =	sbr.abs _section_cstart, $3  }
0xd1: {  	[dreg:$0x1] =	wrdreg $0xFFFFFFFF  }
0xd2: {  	_ =	task.clear_ibuf [dreg:s22], $0x2FFFF;
	_ =	strace $0x9FFFFFFF  }
0xd3: {  	(tm) =	ssettm $0x7FFFFFFF  }
tec
execute0_lowered:
.L_overlay_start_1:
0x0: {  	(tag) =	ssettag $0x1  }
0x1: {  	s4 =	rddreg [dreg:$0x0];
	s1 =	srdreg.scid  }
0x2: {  	s0 =	stileid.u32;
	s2 =	rddreg [dreg:$0x1]  }
0x3: {  	s6 =	rddreg [dreg:$0x2];
	s3 =	simm.s32 $0x0;
	s10 =	simm.s32 $0x400  }
0x4: {  	s11 =	simm.s32 $0x2CB0;
	s12 =	simm.s32 $0x1;
	s13 =	simm.s32 $0x5560  }
0x5: {  	s14 =	simm.s32 $0x2;
	s5 =	sand.u32 $0x1, s1;
	s30 =	sshll.u32 s0, $0x1  }
0x6: {  	s15 =	simm.s32 $0x7E10;
	s16 =	simm.s32 $0x3;
	s7 =	sor.u32 s5, s30  }
0x7: {  	s17 =	simm.s32 $0x4;
	s5 =	ssub.s32 $0x2, s5;
	s7 =	smul.u32 $0x5160, s7  }
0x8: {  	s18 =	simm.s32 $0x0;
	s1 =	rddreg [dreg:$0x3];
	s8 =	sshrl.u32 s5, $0x1  }
0x9: {  	[smem:$0x7FF] =	sst s3;
	s8 =	ssub.s32 s5, s8;
	s7 =	sshrl.u32 s7, $0x3  }
0xa: {  	_ =	strace $0x80000053;
	s8 =	smax.u32 s8, $0x1;
	s31 =	sadd.s32 s4, s7  }
0xb: {  	s9 =	sadd.s32 s7, s6;
	s4 =	sadd.s32 $0x51600, s31;
	s5 =	sadd.s32 $0x51B16, s31  }
0xc: {  	v0 =	vimm.s32 $0x200;
	s6 =	sadd.s32 $0x53600, s9;
	s7 =	sadd.s32 $0x53B16, s9;
	s9 =	simm.s32 $0x5  }
.LBB2_1:
0xd: {  	[tilespmem:s3], [sflag:$0x5] =	stream.linear.gather [hbm4b:s2+s3], $0x400, $0x38;
	[tilespmem:$0xA6C0] =	vst v63  }
0xe: {  	_ =	swait.ge [sflag:s9], $0x400  }
0xf: {  	[sflag:s9] =	ssyncset.done $0x0  }
0x10: {  	[sflag:s9] =	ssyncadd.s32 $0xFFFFFC00  }
0x11: {  	[tilespmem:s10], [sflag:$0x1] =	stream.linear.gather [hbm4b:s4+s3], $0x28B0, $0x38;
	[tilespmem:$0xA6C0] =	vst v63  }
0x12: {  	_ = 	snop  }
0x13: {  	[tilespmem:s11], [sflag:$0x2] =	stream.linear.gather [hbm4b:s5+s3], $0x28B0, $0x38;
	[tilespmem:$0xA6C0] =	vst v63  }
0x14: {  	_ =	swait.ge [sflag:s12], $0x28B0  }
0x15: {  	[sflag:s12] =	ssyncset.done $0x0  }
0x16: {  	s19 =	simm.s32 $0x440;
	[sflag:s12] =	ssyncadd.s32 $0xFFFFD750  }
0x17: {  	v1 =	vld [tilespmem:s19+$0x30]  }
0x18: {  	v2 =	vld [tilespmem:s19+$0xFFFFFFD0]  }
0x19: {  	v3 =	vld [tilespmem:s19+$0xFFFFFFE0]  }
0x1a: {  	v4 =	vld [tilespmem:s19+$0xFFFFFFF0]  }
0x1b: {  	v5 =	vld [tilespmem:s19+$0x0]  }
0x1c: {  	v6 =	vld [tilespmem:s19+$0x10]  }
0x1d: {  	v7 =	vld [tilespmem:s19+$0x20]  }
0x1e: {  	v8 =	vld [tilespmem:s19+$0xFFFFFFC0];
	v1 =	vmul.f32 $2.560000000e+02, v1  }
0x1f: {  	v2 =	vmul.f32 $2.560000000e+02, v2;
	v3 =	vmul.f32 $2.560000000e+02, v3  }
0x20: {  	v4 =	vmul.f32 $2.560000000e+02, v4;
	v5 =	vmul.f32 $2.560000000e+02, v5  }
0x21: {  	v6 =	vmul.f32 $2.560000000e+02, v6;
	v9 =	vtrunc.f32 v1  }
0x22: {  	v7 =	vmul.f32 $2.560000000e+02, v7;
	v10 =	vcvt.f32.s32 v9;
	vm0 =	vlt.f32 v1, v9  }
0x23: {  	v8 =	vmul.f32 $2.560000000e+02, v8;
	v11 =	vtrunc.f32 v3;
	v9 =	vsel vm0, $0x1FF, v0  }
0x24: {  	v12 =	vtrunc.f32 v5;
	v13 =	vtrunc.f32 v6;
	v9 =	vadd.s32 v10, v9  }
0x25: {  	v14 =	vtrunc.f32 v7;
	v15 =	vtrunc.f32 v8;
	vm0 =	vgt.s32 v9, $0x0  }
0x26: {  	v1 =	vtrunc.f32 v2;
	vm1 =	vlt.f32 v8, v15;
	v9 =	vnsel vm0, $0x0, v9  }
0x27: {  	vm2 =	vlt.f32 v3, v11;
	vm4 =	vlt.f32 v5, v12;
	v9 =	vmin.u32 v9, $0x3FF  }
0x28: {  	vm5 =	vlt.f32 v6, v13;
	v59 =	vcvt.f32.s32 v14;
	vm6 =	vlt.f32 v7, v14  }
0x29: {  	v16 =	vcvt.f32.s32 v1;
	v6 =	vsel vm2, $0x1FF, v0;
	v61 =	vsel vm4, $0x1FF, v0  }
0x2a: {  	v10 =	vtrunc.f32 v4;
	vm0 =	vlt.f32 v2, v1;
	v1 =	vcvt.f32.s32 v15  }
0x2b: {  	v62 =	vsel vm5, $0x1FF, v0;
	vm3 =	vlt.f32 v4, v10;
	v4 =	vsel vm1, $0x1FF, v0  }
0x2c: {  	v63 =	vsel vm6, $0x1FF, v0;
	v3 =	vcvt.f32.s32 v10;
	v7 =	vadd.s32 v1, v4;
	v1 =	vld.idx.msk [tilespmem:v9+s3+$0x0], $0xffff  }
0x2d: {  	v10 =	vcvt.f32.s32 v12;
	v2 =	vcvt.f32.s32 v11;
	v5 =	vsel vm0, $0x1FF, v0  }
0x2e: {  	v11 =	vcvt.f32.s32 v13;
	v60 =	vsel vm3, $0x1FF, v0;
	v5 =	vadd.s32 v16, v5  }
0x2f: {  	s22 =	simm.s32 $0x55A0;
	v8 =	vadd.s32 v2, v6;
	v4 =	vadd.s32 v3, v60;
	v3 =	vadd.s32 v10, v61  }
0x30: {  	s23 =	simm.s32 $0x0;
	s24 =	simm.s32 $0x4C0;
	s19 =	simm.s32 $0x2C80;
	v6 =	vadd.s32 v11, v62;
	v2 =	vadd.s32 v59, v63;
	vm0 =	vgt.s32 v7, $0x0  }
.LBB2_2:
0x31: {  	v9 =	vld [tilespmem:s24+$0x30];
	s23 =	sadd.s32 $0x80, s23;
	vm1 =	vgt.s32 v5, $0x0;
	vm2 =	vgt.s32 v8, $0x0;
	vm3 =	vgt.s32 v4, $0x0;
	[tilespmem:s22+$0x30] =	vst v1;
	s20 =	simm.s32 $0x2870;
	s21 =	simm.s32 $0x7DE0  }
0x32: {  	vm4 =	vgt.s32 v3, $0x0;
	vm5 =	vgt.s32 v6, $0x0;
	vm6 =	vgt.s32 v2, $0x0;
	v1 =	vld [tilespmem:s24+$0xFFFFFFD0];
	p0 =	slt.u32 s23, $0x2800  }
0x33: {  	v7 =	vnsel vm0, $0x0, v7;
	v5 =	vnsel vm1, $0x0, v5;
	v8 =	vnsel vm2, $0x0, v8;
	v10 =	vld [tilespmem:s24+$0xFFFFFFE0]  }
0x34: {  	v4 =	vnsel vm3, $0x0, v4;
	v3 =	vnsel vm4, $0x0, v3;
	v6 =	vnsel vm5, $0x0, v6;
	v11 =	vld [tilespmem:s24+$0xFFFFFFF0]  }
0x35: {  	v7 =	vmin.u32 v7, $0x3FF;
	v2 =	vnsel vm6, $0x0, v2;
	v5 =	vmin.u32 v5, $0x3FF;
	v12 =	vld [tilespmem:s24+$0x0]  }
0x36: {  	v8 =	vmin.u32 v8, $0x3FF;
	v4 =	vmin.u32 v4, $0x3FF;
	v13 =	vld [tilespmem:s24+$0x10];
	v9 =	vmul.f32 $2.560000000e+02, v9  }
0x37: {  	v3 =	vmin.u32 v3, $0x3FF;
	v6 =	vmin.u32 v6, $0x3FF;
	v1 =	vmul.f32 $2.560000000e+02, v1;
	v14 =	vld [tilespmem:s24+$0x20]  }
0x38: {  	v2 =	vmin.u32 v2, $0x3FF;
	v15 =	vld [tilespmem:s24+$0xFFFFFFC0];
	v10 =	vmul.f32 $2.560000000e+02, v10;
	v16 =	vtrunc.f32 v9  }
0x39: {  	v11 =	vmul.f32 $2.560000000e+02, v11;
	v17 =	vcvt.f32.s32 v16;
	vm0 =	vlt.f32 v9, v16  }
0x3a: {  	v9 =	vtrunc.f32 v1;
	v12 =	vmul.f32 $2.560000000e+02, v12;
	v16 =	vsel vm0, $0x1FF, v0;
	v7 =	vld.idx.msk [tilespmem:v7+s3+$0x0], $0xffff  }
0x3b: {  	v18 =	vtrunc.f32 v10;
	v13 =	vmul.f32 $2.560000000e+02, v13;
	v16 =	vadd.s32 v17, v16;
	v5 =	vld.idx.msk [tilespmem:v5+s3+$0x0], $0xffff  }
0x3c: {  	v17 =	vtrunc.f32 v11;
	v14 =	vmul.f32 $2.560000000e+02, v14;
	vm0 =	vgt.s32 v16, $0x0;
	v8 =	vld.idx.msk [tilespmem:v8+s3+$0x0], $0xffff  }
0x3d: {  	v19 =	vtrunc.f32 v12;
	v15 =	vmul.f32 $2.560000000e+02, v15;
	v16 =	vnsel vm0, $0x0, v16;
	v4 =	vld.idx.msk [tilespmem:v4+s3+$0x0], $0xffff  }
0x3e: {  	v20 =	vtrunc.f32 v13;
	v21 =	vtrunc.f32 v14;
	v16 =	vmin.u32 v16, $0x3FF;
	v3 =	vld.idx.msk [tilespmem:v3+s3+$0x0], $0xffff  }
0x3f: {  	v23 =	vcvt.f32.s32 v9;
	vm0 =	vlt.f32 v1, v9;
	v22 =	vtrunc.f32 v15;
	v6 =	vld.idx.msk [tilespmem:v6+s3+$0x0], $0xffff  }
0x40: {  	v9 =	vcvt.f32.s32 v22;
	vm1 =	vlt.f32 v15, v22;
	v15 =	vcvt.f32.s32 v18;
	[tilespmem:s22+$0xFFFFFFC0] =	vst v7;
	v2 =	vld.idx.msk [tilespmem:v2+s3+$0x0], $0xffff  }
0x41: {  	vm2 =	vlt.f32 v10, v18;
	v10 =	vcvt.f32.s32 v17;
	vm3 =	vlt.f32 v11, v17;
	[tilespmem:s22+$0xFFFFFFD0] =	vst v5  }
0x42: {  	v11 =	vcvt.f32.s32 v19;
	vm4 =	vlt.f32 v12, v19;
	v12 =	vcvt.f32.s32 v20;
	[tilespmem:s22+$0xFFFFFFE0] =	vst v8  }
0x43: {  	vm5 =	vlt.f32 v13, v20;
	v13 =	vcvt.f32.s32 v21;
	vm6 =	vlt.f32 v14, v21;
	v1 =	vld.idx.msk [tilespmem:v16+s3+$0x0], $0xffff;
	[tilespmem:s22+$0xFFFFFFF0] =	vst v4  }
.Ltmp0:
0x44: {  	v5 =	vsel vm0, $0x1FF, v0;
	v8 =	vsel vm2, $0x1FF, v0;
	v4 =	vsel vm1, $0x1FF, v0;
	[tilespmem:s22+$0x0] =	vst v3;
	(pc) =	sbr.rel @p0 .LBB2_2-.Ltmp0, $4  }
0x45: {  	v14 =	vsel vm4, $0x1FF, v0;
	v16 =	vsel vm5, $0x1FF, v0;
	v3 =	vsel vm3, $0x1FF, v0;
	[tilespmem:s22+$0x10] =	vst v6  }
0x46: {  	v5 =	vadd.s32 v23, v5;
	v7 =	vadd.s32 v9, v4;
	v9 =	vsel vm6, $0x1FF, v0;
	[tilespmem:s22+$0x20] =	vst v2  }
0x47: {  	v8 =	vadd.s32 v15, v8;
	v4 =	vadd.s32 v10, v3;
	v3 =	vadd.s32 v11, v14  }
0x48: {  	s24 =	sadd.s32 $0x80, s24;
	vm0 =	vgt.s32 v7, $0x0;
	v6 =	vadd.s32 v12, v16;
	v2 =	vadd.s32 v13, v9;
	s22 =	sadd.s32 $0x80, s22  }
0x49: {  	vm1 =	vgt.s32 v5, $0x0;
	v7 =	vnsel vm0, $0x0, v7  }
0x4a: {  	vm11 =	vgt.s32 v8, $0x0;
	v5 =	vnsel vm1, $0x0, v5;
	v7 =	vmin.u32 v7, $0x3FF  }
0x4b: {  	vm12 =	vgt.s32 v4, $0x0;
	v8 =	vnsel vm11, $0x0, v8;
	v5 =	vmin.u32 v5, $0x3FF  }
0x4c: {  	vm13 =	vgt.s32 v3, $0x0;
	v4 =	vnsel vm12, $0x0, v4;
	v8 =	vmin.u32 v8, $0x3FF  }
0x4d: {  	vm14 =	vgt.s32 v6, $0x0;
	v3 =	vnsel vm13, $0x0, v3;
	v4 =	vmin.u32 v4, $0x3FF  }
0x4e: {  	vm15 =	vgt.s32 v2, $0x0;
	v6 =	vnsel vm14, $0x0, v6;
	v3 =	vmin.u32 v3, $0x3FF  }
0x4f: {  	v2 =	vnsel vm15, $0x0, v2;
	v6 =	vmin.u32 v6, $0x3FF;
	v7 =	vld.idx.msk [tilespmem:v7+s3+$0x0], $0xffff  }
0x50: {  	v2 =	vmin.u32 v2, $0x3FF;
	v5 =	vld.idx.msk [tilespmem:v5+s3+$0x0], $0xffff  }
0x51: {  	v8 =	vld.idx.msk [tilespmem:v8+s3+$0x0], $0xffff  }
0x52: {  	v4 =	vld.idx.msk [tilespmem:v4+s3+$0x0], $0xffff  }
0x53: {  	[tilespmem:s22+$0x30] =	vst v1;
	v1 =	vld.idx.msk [tilespmem:v3+s3+$0x0], $0xffff  }
0x54: {  	v3 =	vld.idx.msk [tilespmem:v6+s3+$0x0], $0xffff;
	[tilespmem:s22+$0xFFFFFFC0] =	vst v7  }
0x55: {  	v2 =	vld.idx.msk [tilespmem:v2+s3+$0x0], $0xffff;
	[tilespmem:s22+$0xFFFFFFD0] =	vst v5  }
0x56: {  	[tilespmem:s22+$0xFFFFFFE0] =	vst v8  }
0x57: {  	[tilespmem:s22+$0xFFFFFFF0] =	vst v4  }
0x58: {  	[tilespmem:s22+$0x0] =	vst v1  }
0x59: {  	[tilespmem:s22+$0x10] =	vst v3  }
0x5a: {  	[tilespmem:s22+$0x20] =	vst v2  }
.LBB2_4:
0x5b: {  	v1 =	vld [tilespmem:s19+$0x0];
	_ =	sdelay $0x4  }
0x5c: {  	v1 =	vmul.f32 $2.560000000e+02, v1;
	_ =	sdelay $0x1  }
0x5d: {  	v2 =	vtrunc.f32 v1  }
0x5e: {  	v3 =	vcvt.f32.s32 v2;
	vm0 =	vlt.f32 v1, v2  }
0x5f: {  	v1 =	vsel vm0, $0x1FF, v0  }
0x60: {  	v1 =	vadd.s32 v3, v1  }
0x61: {  	vm15 =	vgt.s32 v1, $0x0  }
0x62: {  	v1 =	vnsel vm15, $0x0, v1  }
0x63: {  	v1 =	vmin.u32 v1, $0x3FF;
	_ =	sdelay $0x3  }
0x64: {  	s20 =	sadd.s32 $0x10, s20  }
0x65: {  	p0 =	slt.u32 s20, $0x28A0;
	v1 =	vld.idx.msk [tilespmem:v1+s3+$0x0], $0xffff  }
.Ltmp1:
0x66: {  	_ = 	snop;
	(pc) =	sbr.rel @p0 .LBB2_4-.Ltmp1, $2  }
0x67: {  	_ =	sdelay $0x2  }
0x68: {  	s19 =	sadd.s32 $0x10, s19;
	[tilespmem:s21+$0x0] =	vst v1;
	s21 =	sadd.s32 $0x10, s21  }
0x69: {  	[hbm4b:s6+s3] =	stream.linear.scatter [tilespmem:s13], [sflag:$0x3], $0x28B0, $0x38;
	[tilespmem:$0xA6C0] =	vst v63  }
0x6a: {  	_ =	swait.ge [sflag:s14], $0x28B0  }
0x6b: {  	[sflag:s14] =	ssyncset.done $0x0  }
0x6c: {  	s19 =	simm.s32 $0x2CF0;
	[sflag:s14] =	ssyncadd.s32 $0xFFFFD750  }
0x6d: {  	v1 =	vld [tilespmem:s19+$0x30]  }
0x6e: {  	v2 =	vld [tilespmem:s19+$0xFFFFFFD0]  }
0x6f: {  	v3 =	vld [tilespmem:s19+$0xFFFFFFE0]  }
0x70: {  	v4 =	vld [tilespmem:s19+$0xFFFFFFF0]  }
0x71: {  	v5 =	vld [tilespmem:s19+$0x0]  }
0x72: {  	v6 =	vld [tilespmem:s19+$0x10]  }
0x73: {  	v7 =	vld [tilespmem:s19+$0x20]  }
0x74: {  	v8 =	vld [tilespmem:s19+$0xFFFFFFC0];
	v1 =	vmul.f32 $2.560000000e+02, v1  }
0x75: {  	v2 =	vmul.f32 $2.560000000e+02, v2;
	v3 =	vmul.f32 $2.560000000e+02, v3  }
0x76: {  	v4 =	vmul.f32 $2.560000000e+02, v4;
	v5 =	vmul.f32 $2.560000000e+02, v5  }
0x77: {  	v6 =	vmul.f32 $2.560000000e+02, v6;
	v9 =	vtrunc.f32 v1  }
0x78: {  	v7 =	vmul.f32 $2.560000000e+02, v7;
	v10 =	vcvt.f32.s32 v9;
	vm0 =	vlt.f32 v1, v9  }
0x79: {  	v8 =	vmul.f32 $2.560000000e+02, v8;
	v11 =	vtrunc.f32 v3;
	v9 =	vsel vm0, $0x1FF, v0  }
0x7a: {  	v12 =	vtrunc.f32 v5;
	v13 =	vtrunc.f32 v6;
	v9 =	vadd.s32 v10, v9  }
0x7b: {  	v14 =	vtrunc.f32 v7;
	v15 =	vtrunc.f32 v8;
	vm0 =	vgt.s32 v9, $0x0  }
0x7c: {  	v1 =	vtrunc.f32 v2;
	vm1 =	vlt.f32 v8, v15;
	v9 =	vnsel vm0, $0x0, v9  }
0x7d: {  	vm2 =	vlt.f32 v3, v11;
	vm4 =	vlt.f32 v5, v12;
	v9 =	vmin.u32 v9, $0x3FF  }
0x7e: {  	vm5 =	vlt.f32 v6, v13;
	v59 =	vcvt.f32.s32 v14;
	vm6 =	vlt.f32 v7, v14  }
0x7f: {  	v16 =	vcvt.f32.s32 v1;
	v6 =	vsel vm2, $0x1FF, v0;
	v61 =	vsel vm4, $0x1FF, v0  }
0x80: {  	v10 =	vtrunc.f32 v4;
	vm0 =	vlt.f32 v2, v1;
	v1 =	vcvt.f32.s32 v15  }
0x81: {  	v62 =	vsel vm5, $0x1FF, v0;
	vm3 =	vlt.f32 v4, v10;
	v4 =	vsel vm1, $0x1FF, v0  }
0x82: {  	v63 =	vsel vm6, $0x1FF, v0;
	v3 =	vcvt.f32.s32 v10;
	v7 =	vadd.s32 v1, v4;
	v1 =	vld.idx.msk [tilespmem:v9+s3+$0x0], $0xffff  }
0x83: {  	v10 =	vcvt.f32.s32 v12;
	v2 =	vcvt.f32.s32 v11;
	v5 =	vsel vm0, $0x1FF, v0  }
0x84: {  	v11 =	vcvt.f32.s32 v13;
	v60 =	vsel vm3, $0x1FF, v0;
	v5 =	vadd.s32 v16, v5  }
0x85: {  	s21 =	simm.s32 $0x7E50;
	v8 =	vadd.s32 v2, v6;
	v4 =	vadd.s32 v3, v60;
	v3 =	vadd.s32 v10, v61  }
0x86: {  	s22 =	simm.s32 $0x0;
	s23 =	simm.s32 $0x2D70;
	s19 =	simm.s32 $0x5530;
	v6 =	vadd.s32 v11, v62;
	v2 =	vadd.s32 v59, v63;
	vm0 =	vgt.s32 v7, $0x0  }
.LBB2_6:
0x87: {  	v9 =	vld [tilespmem:s23+$0x30];
	s22 =	sadd.s32 $0x80, s22;
	vm1 =	vgt.s32 v5, $0x0;
	vm2 =	vgt.s32 v8, $0x0;
	vm3 =	vgt.s32 v4, $0x0;
	[tilespmem:s21+$0x30] =	vst v1;
	s20 =	simm.s32 $0xA690  }
0x88: {  	vm4 =	vgt.s32 v3, $0x0;
	vm5 =	vgt.s32 v6, $0x0;
	vm6 =	vgt.s32 v2, $0x0;
	v1 =	vld [tilespmem:s23+$0xFFFFFFD0];
	p0 =	slt.u32 s22, $0x2800  }
0x89: {  	v7 =	vnsel vm0, $0x0, v7;
	v5 =	vnsel vm1, $0x0, v5;
	v8 =	vnsel vm2, $0x0, v8;
	v10 =	vld [tilespmem:s23+$0xFFFFFFE0]  }
0x8a: {  	v4 =	vnsel vm3, $0x0, v4;
	v3 =	vnsel vm4, $0x0, v3;
	v6 =	vnsel vm5, $0x0, v6;
	v11 =	vld [tilespmem:s23+$0xFFFFFFF0]  }
0x8b: {  	v7 =	vmin.u32 v7, $0x3FF;
	v2 =	vnsel vm6, $0x0, v2;
	v5 =	vmin.u32 v5, $0x3FF;
	v12 =	vld [tilespmem:s23+$0x0]  }
0x8c: {  	v8 =	vmin.u32 v8, $0x3FF;
	v4 =	vmin.u32 v4, $0x3FF;
	v13 =	vld [tilespmem:s23+$0x10];
	v9 =	vmul.f32 $2.560000000e+02, v9  }
0x8d: {  	v3 =	vmin.u32 v3, $0x3FF;
	v6 =	vmin.u32 v6, $0x3FF;
	v1 =	vmul.f32 $2.560000000e+02, v1;
	v14 =	vld [tilespmem:s23+$0x20]  }
0x8e: {  	v2 =	vmin.u32 v2, $0x3FF;
	v15 =	vld [tilespmem:s23+$0xFFFFFFC0];
	v10 =	vmul.f32 $2.560000000e+02, v10;
	v16 =	vtrunc.f32 v9  }
0x8f: {  	v11 =	vmul.f32 $2.560000000e+02, v11;
	v17 =	vcvt.f32.s32 v16;
	vm0 =	vlt.f32 v9, v16  }
0x90: {  	v9 =	vtrunc.f32 v1;
	v12 =	vmul.f32 $2.560000000e+02, v12;
	v16 =	vsel vm0, $0x1FF, v0;
	v7 =	vld.idx.msk [tilespmem:v7+s3+$0x0], $0xffff  }
0x91: {  	v18 =	vtrunc.f32 v10;
	v13 =	vmul.f32 $2.560000000e+02, v13;
	v16 =	vadd.s32 v17, v16;
	v5 =	vld.idx.msk [tilespmem:v5+s3+$0x0], $0xffff  }
0x92: {  	v17 =	vtrunc.f32 v11;
	v14 =	vmul.f32 $2.560000000e+02, v14;
	vm0 =	vgt.s32 v16, $0x0;
	v8 =	vld.idx.msk [tilespmem:v8+s3+$0x0], $0xffff  }
0x93: {  	v19 =	vtrunc.f32 v12;
	v15 =	vmul.f32 $2.560000000e+02, v15;
	v16 =	vnsel vm0, $0x0, v16;
	v4 =	vld.idx.msk [tilespmem:v4+s3+$0x0], $0xffff  }
0x94: {  	v20 =	vtrunc.f32 v13;
	v21 =	vtrunc.f32 v14;
	v16 =	vmin.u32 v16, $0x3FF;
	v3 =	vld.idx.msk [tilespmem:v3+s3+$0x0], $0xffff  }
0x95: {  	v23 =	vcvt.f32.s32 v9;
	vm0 =	vlt.f32 v1, v9;
	v22 =	vtrunc.f32 v15;
	v6 =	vld.idx.msk [tilespmem:v6+s3+$0x0], $0xffff  }
0x96: {  	v9 =	vcvt.f32.s32 v22;
	vm1 =	vlt.f32 v15, v22;
	v15 =	vcvt.f32.s32 v18;
	[tilespmem:s21+$0xFFFFFFC0] =	vst v7;
	v2 =	vld.idx.msk [tilespmem:v2+s3+$0x0], $0xffff  }
0x97: {  	vm2 =	vlt.f32 v10, v18;
	v10 =	vcvt.f32.s32 v17;
	vm3 =	vlt.f32 v11, v17;
	[tilespmem:s21+$0xFFFFFFD0] =	vst v5  }
0x98: {  	v11 =	vcvt.f32.s32 v19;
	vm4 =	vlt.f32 v12, v19;
	v12 =	vcvt.f32.s32 v20;
	[tilespmem:s21+$0xFFFFFFE0] =	vst v8  }
0x99: {  	vm5 =	vlt.f32 v13, v20;
	v13 =	vcvt.f32.s32 v21;
	vm6 =	vlt.f32 v14, v21;
	v1 =	vld.idx.msk [tilespmem:v16+s3+$0x0], $0xffff;
	[tilespmem:s21+$0xFFFFFFF0] =	vst v4  }
.Ltmp2:
0x9a: {  	v5 =	vsel vm0, $0x1FF, v0;
	v8 =	vsel vm2, $0x1FF, v0;
	v4 =	vsel vm1, $0x1FF, v0;
	[tilespmem:s21+$0x0] =	vst v3;
	(pc) =	sbr.rel @p0 .LBB2_6-.Ltmp2, $4  }
0x9b: {  	v14 =	vsel vm4, $0x1FF, v0;
	v16 =	vsel vm5, $0x1FF, v0;
	v3 =	vsel vm3, $0x1FF, v0;
	[tilespmem:s21+$0x10] =	vst v6  }
0x9c: {  	v5 =	vadd.s32 v23, v5;
	v7 =	vadd.s32 v9, v4;
	v9 =	vsel vm6, $0x1FF, v0;
	[tilespmem:s21+$0x20] =	vst v2  }
0x9d: {  	v8 =	vadd.s32 v15, v8;
	v4 =	vadd.s32 v10, v3;
	v3 =	vadd.s32 v11, v14  }
0x9e: {  	s23 =	sadd.s32 $0x80, s23;
	vm0 =	vgt.s32 v7, $0x0;
	v6 =	vadd.s32 v12, v16;
	v2 =	vadd.s32 v13, v9;
	s21 =	sadd.s32 $0x80, s21  }
0x9f: {  	vm1 =	vgt.s32 v5, $0x0;
	v7 =	vnsel vm0, $0x0, v7  }
0xa0: {  	vm11 =	vgt.s32 v8, $0x0;
	v5 =	vnsel vm1, $0x0, v5;
	v7 =	vmin.u32 v7, $0x3FF  }
0xa1: {  	vm12 =	vgt.s32 v4, $0x0;
	v8 =	vnsel vm11, $0x0, v8;
	v5 =	vmin.u32 v5, $0x3FF  }
0xa2: {  	vm13 =	vgt.s32 v3, $0x0;
	v4 =	vnsel vm12, $0x0, v4;
	v8 =	vmin.u32 v8, $0x3FF  }
0xa3: {  	vm14 =	vgt.s32 v6, $0x0;
	v3 =	vnsel vm13, $0x0, v3;
	v4 =	vmin.u32 v4, $0x3FF  }
0xa4: {  	vm15 =	vgt.s32 v2, $0x0;
	v6 =	vnsel vm14, $0x0, v6;
	v3 =	vmin.u32 v3, $0x3FF  }
0xa5: {  	v2 =	vnsel vm15, $0x0, v2;
	v6 =	vmin.u32 v6, $0x3FF;
	v7 =	vld.idx.msk [tilespmem:v7+s3+$0x0], $0xffff  }
0xa6: {  	v2 =	vmin.u32 v2, $0x3FF;
	v5 =	vld.idx.msk [tilespmem:v5+s3+$0x0], $0xffff  }
0xa7: {  	v8 =	vld.idx.msk [tilespmem:v8+s3+$0x0], $0xffff  }
0xa8: {  	v4 =	vld.idx.msk [tilespmem:v4+s3+$0x0], $0xffff  }
0xa9: {  	[tilespmem:s21+$0x30] =	vst v1;
	v1 =	vld.idx.msk [tilespmem:v3+s3+$0x0], $0xffff  }
0xaa: {  	v3 =	vld.idx.msk [tilespmem:v6+s3+$0x0], $0xffff;
	[tilespmem:s21+$0xFFFFFFC0] =	vst v7  }
0xab: {  	v2 =	vld.idx.msk [tilespmem:v2+s3+$0x0], $0xffff;
	[tilespmem:s21+$0xFFFFFFD0] =	vst v5  }
0xac: {  	[tilespmem:s21+$0xFFFFFFE0] =	vst v8  }
0xad: {  	[tilespmem:s21+$0xFFFFFFF0] =	vst v4  }
0xae: {  	[tilespmem:s21+$0x0] =	vst v1  }
0xaf: {  	[tilespmem:s21+$0x10] =	vst v3  }
0xb0: {  	s22 =	simm.s32 $0x2870;
	[tilespmem:s21+$0x20] =	vst v2  }
.LBB2_8:
0xb1: {  	v1 =	vld [tilespmem:s19+$0x0];
	_ =	sdelay $0x4  }
0xb2: {  	v1 =	vmul.f32 $2.560000000e+02, v1;
	_ =	sdelay $0x1  }
0xb3: {  	v2 =	vtrunc.f32 v1  }
0xb4: {  	v3 =	vcvt.f32.s32 v2;
	vm0 =	vlt.f32 v1, v2  }
0xb5: {  	v1 =	vsel vm0, $0x1FF, v0  }
0xb6: {  	v1 =	vadd.s32 v3, v1  }
0xb7: {  	vm15 =	vgt.s32 v1, $0x0  }
0xb8: {  	v1 =	vnsel vm15, $0x0, v1  }
0xb9: {  	v1 =	vmin.u32 v1, $0x3FF;
	_ =	sdelay $0x3  }
0xba: {  	s22 =	sadd.s32 $0x10, s22  }
0xbb: {  	p0 =	slt.u32 s22, $0x28A0;
	v1 =	vld.idx.msk [tilespmem:v1+s3+$0x0], $0xffff  }
.Ltmp3:
0xbc: {  	_ = 	snop;
	(pc) =	sbr.rel @p0 .LBB2_8-.Ltmp3, $2  }
0xbd: {  	_ =	sdelay $0x2  }
0xbe: {  	s19 =	sadd.s32 $0x10, s19;
	[tilespmem:s20+$0x0] =	vst v1;
	s20 =	sadd.s32 $0x10, s20  }
0xbf: {  	[hbm4b:s7+s3] =	stream.linear.scatter [tilespmem:s15], [sflag:$0x4], $0x28B0, $0x38;
	[tilespmem:$0xA6C0] =	vst v63  }
0xc0: {  	s18 =	sadd.s32 $0x1, s18  }
0xc1: {  	_ =	swait.ge [sflag:s16], $0x28B0;
	p0 =	sne.s32 s18, s8  }
.Ltmp4:
0xc2: {  	[sflag:s16] =	ssyncset.done $0x0;
	(pc) =	sbr.rel @p0 .LBB2_1-.Ltmp4, $4  }
0xc3: {  	[sflag:s16] =	ssyncadd.s32 $0xFFFFD750  }
0xc4: {  	_ =	swait.ge [sflag:s17], $0x28B0  }
0xc5: {  	[sflag:s17] =	ssyncset.done $0x0  }
0xc6: {  	[sflag:s17] =	ssyncadd.s32 $0xFFFFD750  }
0xc7: {  	_ =	sfence.sel $0x180000  }
0xc8: {  	[bflag:$0x0] =	sbarrier.arrive $0xFFFF  }
0xc9: {  	p0 =	sne.s32 s0, $0x0;
	_ =	strace $0x90000053  }
0xca: {  	s0 =	sadd.s32 @!p0 $0x100000, s1;
	[bflag:$0x2] =	sbarrier.arrive $0xFFFF  }
0xcb: {  	[sflag:s0] =	ssyncadd.tile.s32 @!p0 $0x1;
	_ =	shalt  }
.Lfunc_end2:
_tile_overlayer_lowered:
.L_overlay_start_2:
0xcc: {  	(tag) =	ssettag $0x2  }
0xcd: {  	s0 =	rddreg [dreg:$0x0];
	s2 =	stileid.u32  }
0xce: {  	s1 =	rddreg [dreg:$0x1];
	p0 =	sne.s32 s2, $0x0  }
0xcf: {  	s3 =	rddreg [dreg:$0x2];
	[bflag:$0x3] =	sbarrier.arrive $0xFFFF;
	s2 =	simm.s32 @!p0 $0x1C05  }
0xd0: {  	[timem:s3], [sflag:s2] =	dma.local @!p0 [hbm:s0], s1  }
0xd1: {  	s0 =	simm.s32 @!p0 $0x5  }
0xd2: {  	_ =	swait.ge @!p0 [sflag:s0], s1  }
0xd3: {  	s1 =	ssub.s32 @!p0 $0x0, s1;
	[sflag:s0] =	ssyncset.done @!p0 $0x0  }
0xd4: {  	[sflag:s0] =	ssyncadd.s32 @!p0 s1  }
0xd5: {  	[bflag:$0x3] =	sbarrier.arrive $0xFFFF  }
0xd6: {  	_ =	shalt  }

</sc_bundles>
